<compile_context>
chip_gen: v7x
topology: tpu7x:2x2x1
jax: 0.10.2.dev20260603
libtpu: 0.0.44.dev20260713+nightly
codegen_flags: <defaults>
</compile_context>

<pallas_src>
import jax
import jax.numpy as jnp
from jax import lax
from jax.experimental import pallas as pl
from jax.experimental.pallas import tpu as pltpu
from jax.experimental.pallas import tpu_sc as plsc

B = 16384
L_SEQ = 200
VOCAB = 20
EMB = 4
NUM_OUT = 2

NUM_CORES = 2
NUM_SUBCORES = 16
LANES = 16
NUM_TILES = NUM_CORES * NUM_SUBCORES
ROWS_PER_TILE = B // NUM_TILES
CHUNK_ROWS = 128
CHUNKS = ROWS_PER_TILE // CHUNK_ROWS
GROUPS = CHUNK_ROWS // LANES
ROW_SHIFT = 7


def _tc_body(ids_hbm, tab_hbm, w_hbm, b_hbm, out_hbm, ids_v0, ids_v1,
             tab_v, w_v, b_v, counts, out_v, sem0, sem1):
  wid = lax.axis_index("s") * NUM_CORES + lax.axis_index("c")
  base = wid * ROWS_PER_TILE

  pltpu.sync_copy(tab_hbm, tab_v)
  pltpu.sync_copy(w_hbm, w_v)
  pltpu.sync_copy(b_hbm, b_v)

  wvec = w_v[:]
  w = [wvec[i] for i in range(NUM_OUT * EMB)]
  tvecs = [tab_v[pl.ds(j * LANES, LANES)] for j in range(VOCAB * EMB // LANES)]
  t_all = [tvecs[i // LANES][i % LANES] for i in range(VOCAB * EMB)]
  v0 = []
  v1 = []
  for k in range(VOCAB):
    t = t_all[k * EMB:(k + 1) * EMB]
    v0.append(t[0] * w[0] + t[1] * w[1] + t[2] * w[2] + t[3] * w[3])
    v1.append(t[0] * w[4] + t[1] * w[5] + t[2] * w[6] + t[3] * w[7])
  inv_l = 1.0 / L_SEQ
  bvec = b_v[:]
  b0 = bvec[0]
  b1 = bvec[1]

  lane = lax.iota(jnp.int32, LANES)
  ones_f = jnp.ones((LANES,), jnp.float32)
  zeros_f = jnp.zeros((LANES,), jnp.float32)
  row16s = [g * LANES + lane for g in range(GROUPS)]

  bufs = [ids_v0, ids_v1]
  sems = [sem0, sem1]
  handles = [None] * CHUNKS
  handles[0] = pltpu.async_copy(
      ids_hbm.at[pl.ds(base, CHUNK_ROWS)], bufs[0], sems[0])
  for ch in range(CHUNKS):
    if ch + 1 < CHUNKS:
      handles[ch + 1] = pltpu.async_copy(
          ids_hbm.at[pl.ds(base + (ch + 1) * CHUNK_ROWS, CHUNK_ROWS)],
          bufs[(ch + 1) % 2], sems[(ch + 1) % 2])
    handles[ch].wait()
    ids_v = bufs[ch % 2]

    @pl.loop(0, VOCAB * CHUNK_ROWS // LANES)
    def _zero(i):
      counts[pl.ds(i * LANES, LANES)] = zeros_f

    @plsc.parallel_loop(0, L_SEQ, unroll=1)
    def _tok(l):
      col = l + lane
      col = jnp.where(col >= L_SEQ, col - L_SEQ, col)
      for g in range(GROUPS):
        ids16 = plsc.load_gather(ids_v, [row16s[g], col])
        plsc.addupdate_scatter(counts, [(ids16 << ROW_SHIFT) | row16s[g]],
                               ones_f)

    @pl.loop(0, GROUPS)
    def _group(g):
      acc0 = jnp.zeros((LANES,), jnp.float32)
      acc1 = jnp.zeros((LANES,), jnp.float32)
      for k in range(VOCAB):
        cnt = counts[pl.ds(k * CHUNK_ROWS + g * LANES, LANES)]
        acc0 = acc0 + cnt * v0[k]
        acc1 = acc1 + cnt * v1[k]
      out_v[0, pl.ds(g * LANES, LANES)] = acc0 * inv_l + b0
      out_v[1, pl.ds(g * LANES, LANES)] = acc1 * inv_l + b1

    pltpu.sync_copy(out_v,
                    out_hbm.at[:, pl.ds(base + ch * CHUNK_ROWS, CHUNK_ROWS)])


@jax.jit
def _run(input_ids, table, W, b):
  ids = input_ids
  if ids.dtype != jnp.int32:
    ids = ids.astype(jnp.int32)
  tab_flat = table.reshape(-1).astype(jnp.float32)
  w_flat = jnp.pad(W.reshape(-1).astype(jnp.float32), (0, LANES - W.size))
  b_flat = jnp.pad(b.astype(jnp.float32), (0, LANES - b.size))
  mesh = plsc.VectorSubcoreMesh(
      core_axis_name="c", subcore_axis_name="s",
      num_cores=NUM_CORES, num_subcores=NUM_SUBCORES)
  fn = pl.kernel(
      _tc_body,
      out_type=jax.ShapeDtypeStruct((NUM_OUT, B), jnp.float32),
      mesh=mesh,
      compiler_params=pltpu.CompilerParams(
          use_tc_tiling_on_sc=True, needs_layout_passes=False),
      scratch_types=[
          pltpu.VMEM((CHUNK_ROWS, L_SEQ), jnp.int32),
          pltpu.VMEM((CHUNK_ROWS, L_SEQ), jnp.int32),
          pltpu.VMEM((VOCAB * EMB,), jnp.float32),
          pltpu.VMEM((LANES,), jnp.float32),
          pltpu.VMEM((LANES,), jnp.float32),
          pltpu.VMEM((VOCAB * CHUNK_ROWS,), jnp.float32),
          pltpu.VMEM((NUM_OUT, CHUNK_ROWS), jnp.float32),
          pltpu.SemaphoreType.DMA,
          pltpu.SemaphoreType.DMA,
      ],
  )
  return fn(ids, tab_flat, w_flat, b_flat).T


def kernel(input_ids, attention_mask, table, W, b):
  del attention_mask
  return _run(input_ids, table, W, b)

# --- scband reference (transcript-rebuilt; emitter-appended) ---
"""Pipeline reference for scband-tiny-classifier-1271310319938 (READ-ONLY COPY).

The authoritative reference and input builder live on the scoring server;
editing this copy changes nothing except your own understanding.
"""

import jax, jax.numpy as jnp
import numpy as np

NUM_LABELS = 2
VOCAB = 20
EMB_DIM = 4

def setup_inputs(seed: int = 0) -> dict:
    key = jax.random.key(seed)
    k1, k2, k3, k4 = jax.random.split(key, 4)
    input_ids = jax.random.randint(k1, (16384, 200), 0, VOCAB, dtype=jnp.int64 if jax.config.read('jax_enable_x64') else jnp.int32)
    attention_mask = jnp.ones((16384, 200), dtype=input_ids.dtype)
    table = jax.random.normal(k2, (VOCAB, EMB_DIM), dtype=jnp.float32)
    W = jax.random.normal(k3, (NUM_LABELS, EMB_DIM), dtype=jnp.float32) * (1.0 / np.sqrt(EMB_DIM))
    b = jax.random.normal(k4, (NUM_LABELS,), dtype=jnp.float32) * 0.01
    return {"input_ids": input_ids, "attention_mask": attention_mask, "table": table, "W": W, "b": b}

def reference(input_ids, attention_mask, table, W, b):
    # embedding lookup: gather rows of table by input_ids -> [B, L, D]
    emb = jnp.take(table, input_ids, axis=0)
    # mean-pool over sequence dim (attention_mask unused, matching torch module)
    pooled = emb.mean(axis=1)
    # linear head: pooled @ W^T + b
    logits = pooled @ W.T + b
    return logits

if __name__ == "__main__":
    import jax
    _d = setup_inputs()
    print(jax.jit(kernel)(*tuple(_d.values())))

</pallas_src>

<mosaic_0001>
#map = affine_map<(d0, d1) -> (0, 0)>
#map1 = affine_map<(d0, d1) -> (0)>
module attributes {stable_mosaic.version = 14 : i64} {
  func.func @_tc_body(%arg0: i32, %arg1: i32, %arg2: memref<16384x200xi32, #tpu.memory_space<hbm>>, %arg3: memref<80xf32, #tpu.memory_space<hbm>>, %arg4: memref<16xf32, #tpu.memory_space<hbm>>, %arg5: memref<16xf32, #tpu.memory_space<hbm>>, %arg6: memref<2x16384xf32, #tpu.memory_space<hbm>>, %arg7: memref<128x200xi32, #tpu.memory_space<vmem>>, %arg8: memref<128x200xi32, #tpu.memory_space<vmem>>, %arg9: memref<80xf32, #tpu.memory_space<vmem>>, %arg10: memref<16xf32, #tpu.memory_space<vmem>>, %arg11: memref<16xf32, #tpu.memory_space<vmem>>, %arg12: memref<2560xf32, #tpu.memory_space<vmem>>, %arg13: memref<2x128xf32, #tpu.memory_space<vmem>>, %arg14: memref<!tpu.dma_semaphore, #tpu.memory_space<semaphore_mem>>, %arg15: memref<!tpu.dma_semaphore, #tpu.memory_space<semaphore_mem>>) attributes {dimension_semantics = [#tpu.dimension_semantics<core_parallel>, #tpu.dimension_semantics<subcore_parallel>], iteration_bounds = array<i64: 2, 16>, scalar_prefetch = 0 : i64, scratch_operands = 9 : i64, tpu.core_type = #tpu.core_type<sc_vector_subcore>, window_params = [{transform_indices = #map}, {transform_indices = #map1}, {transform_indices = #map1}, {transform_indices = #map1}, {transform_indices = #map}]} {
    %mul3A = arith.constant 2 : i32
    %mul3A_0 = arith.muli %arg1, %mul3A : i32
    %add3A = arith.addi %mul3A_0, %arg0 : i32
    %mul3A_1 = arith.constant 512 : i32
    %mul3A_2 = arith.muli %add3A, %mul3A_1 : i32
    "tpu.region"() ({
      %run_scoped3A = tpu.sem_alloc : memref<!tpu.dma_semaphore, #tpu.memory_space<semaphore_mem>>
      tpu.enqueue_dma source(%arg3 : memref<80xf32, #tpu.memory_space<hbm>>) target(%arg9 : memref<80xf32, #tpu.memory_space<vmem>>) target_semaphore(%run_scoped3A : memref<!tpu.dma_semaphore, #tpu.memory_space<semaphore_mem>>)
      tpu.wait_dma2 semaphore(%run_scoped3A : memref<!tpu.dma_semaphore, #tpu.memory_space<semaphore_mem>>) src(%arg3 : memref<80xf32, #tpu.memory_space<hbm>>) dst(%arg9 : memref<80xf32, #tpu.memory_space<vmem>>)
      tpu.yield
    }) : () -> ()
    "tpu.region"() ({
      %run_scoped3A = tpu.sem_alloc : memref<!tpu.dma_semaphore, #tpu.memory_space<semaphore_mem>>
      tpu.enqueue_dma source(%arg4 : memref<16xf32, #tpu.memory_space<hbm>>) target(%arg10 : memref<16xf32, #tpu.memory_space<vmem>>) target_semaphore(%run_scoped3A : memref<!tpu.dma_semaphore, #tpu.memory_space<semaphore_mem>>)
      tpu.wait_dma2 semaphore(%run_scoped3A : memref<!tpu.dma_semaphore, #tpu.memory_space<semaphore_mem>>) src(%arg4 : memref<16xf32, #tpu.memory_space<hbm>>) dst(%arg10 : memref<16xf32, #tpu.memory_space<vmem>>)
      tpu.yield
    }) : () -> ()
    "tpu.region"() ({
      %run_scoped3A = tpu.sem_alloc : memref<!tpu.dma_semaphore, #tpu.memory_space<semaphore_mem>>
      tpu.enqueue_dma source(%arg5 : memref<16xf32, #tpu.memory_space<hbm>>) target(%arg11 : memref<16xf32, #tpu.memory_space<vmem>>) target_semaphore(%run_scoped3A : memref<!tpu.dma_semaphore, #tpu.memory_space<semaphore_mem>>)
      tpu.wait_dma2 semaphore(%run_scoped3A : memref<!tpu.dma_semaphore, #tpu.memory_space<semaphore_mem>>) src(%arg5 : memref<16xf32, #tpu.memory_space<hbm>>) dst(%arg11 : memref<16xf32, #tpu.memory_space<vmem>>)
      tpu.yield
    }) : () -> ()
    %get3A = arith.constant 0 : index
    %get3A_3 = tpu.vector_load %arg10[%get3A] {strides = array<i32>} : memref<16xf32, #tpu.memory_space<vmem>>, vector<16xf32>,
    %slice3A = vector.extract_strided_slice %get3A_3 {offsets = [0], sizes = [1], strides = [1]} : vector<16xf32> to vector<1xf32>
    %squeeze3A = vector.extract %slice3A[0] : f32 from vector<1xf32>
    %slice3A_4 = vector.extract_strided_slice %get3A_3 {offsets = [1], sizes = [1], strides = [1]} : vector<16xf32> to vector<1xf32>
    %squeeze3A_5 = vector.extract %slice3A_4[0] : f32 from vector<1xf32>
    %slice3A_6 = vector.extract_strided_slice %get3A_3 {offsets = [2], sizes = [1], strides = [1]} : vector<16xf32> to vector<1xf32>
    %squeeze3A_7 = vector.extract %slice3A_6[0] : f32 from vector<1xf32>
    %slice3A_8 = vector.extract_strided_slice %get3A_3 {offsets = [3], sizes = [1], strides = [1]} : vector<16xf32> to vector<1xf32>
    %squeeze3A_9 = vector.extract %slice3A_8[0] : f32 from vector<1xf32>
    %slice3A_10 = vector.extract_strided_slice %get3A_3 {offsets = [4], sizes = [1], strides = [1]} : vector<16xf32> to vector<1xf32>
    %squeeze3A_11 = vector.extract %slice3A_10[0] : f32 from vector<1xf32>
    %slice3A_12 = vector.extract_strided_slice %get3A_3 {offsets = [5], sizes = [1], strides = [1]} : vector<16xf32> to vector<1xf32>
    %squeeze3A_13 = vector.extract %slice3A_12[0] : f32 from vector<1xf32>
    %slice3A_14 = vector.extract_strided_slice %get3A_3 {offsets = [6], sizes = [1], strides = [1]} : vector<16xf32> to vector<1xf32>
    %squeeze3A_15 = vector.extract %slice3A_14[0] : f32 from vector<1xf32>
    %slice3A_16 = vector.extract_strided_slice %get3A_3 {offsets = [7], sizes = [1], strides = [1]} : vector<16xf32> to vector<1xf32>
    %squeeze3A_17 = vector.extract %slice3A_16[0] : f32 from vector<1xf32>
    %get3A_18 = arith.constant 0 : index
    %get3A_19 = tpu.vector_load %arg9[%get3A_18] {strides = array<i32>} : memref<80xf32, #tpu.memory_space<vmem>>, vector<16xf32>,
    %get3A_20 = arith.constant 16 : index
    %get3A_21 = tpu.vector_load %arg9[%get3A_20] {strides = array<i32>} : memref<80xf32, #tpu.memory_space<vmem>>, vector<16xf32>,
    %get3A_22 = arith.constant 32 : index
    %get3A_23 = tpu.vector_load %arg9[%get3A_22] {strides = array<i32>} : memref<80xf32, #tpu.memory_space<vmem>>, vector<16xf32>,
    %get3A_24 = arith.constant 48 : index
    %get3A_25 = tpu.vector_load %arg9[%get3A_24] {strides = array<i32>} : memref<80xf32, #tpu.memory_space<vmem>>, vector<16xf32>,
    %get3A_26 = arith.constant 64 : index
    %get3A_27 = tpu.vector_load %arg9[%get3A_26] {strides = array<i32>} : memref<80xf32, #tpu.memory_space<vmem>>, vector<16xf32>,
    %slice3A_28 = vector.extract_strided_slice %get3A_19 {offsets = [0], sizes = [1], strides = [1]} : vector<16xf32> to vector<1xf32>
    %squeeze3A_29 = vector.extract %slice3A_28[0] : f32 from vector<1xf32>
    %slice3A_30 = vector.extract_strided_slice %get3A_19 {offsets = [1], sizes = [1], strides = [1]} : vector<16xf32> to vector<1xf32>
    %squeeze3A_31 = vector.extract %slice3A_30[0] : f32 from vector<1xf32>
    %slice3A_32 = vector.extract_strided_slice %get3A_19 {offsets = [2], sizes = [1], strides = [1]} : vector<16xf32> to vector<1xf32>
    %squeeze3A_33 = vector.extract %slice3A_32[0] : f32 from vector<1xf32>
    %slice3A_34 = vector.extract_strided_slice %get3A_19 {offsets = [3], sizes = [1], strides = [1]} : vector<16xf32> to vector<1xf32>
    %squeeze3A_35 = vector.extract %slice3A_34[0] : f32 from vector<1xf32>
    %slice3A_36 = vector.extract_strided_slice %get3A_19 {offsets = [4], sizes = [1], strides = [1]} : vector<16xf32> to vector<1xf32>
    %squeeze3A_37 = vector.extract %slice3A_36[0] : f32 from vector<1xf32>
    %slice3A_38 = vector.extract_strided_slice %get3A_19 {offsets = [5], sizes = [1], strides = [1]} : vector<16xf32> to vector<1xf32>
    %squeeze3A_39 = vector.extract %slice3A_38[0] : f32 from vector<1xf32>
    %slice3A_40 = vector.extract_strided_slice %get3A_19 {offsets = [6], sizes = [1], strides = [1]} : vector<16xf32> to vector<1xf32>
    %squeeze3A_41 = vector.extract %slice3A_40[0] : f32 from vector<1xf32>
    %slice3A_42 = vector.extract_strided_slice %get3A_19 {offsets = [7], sizes = [1], strides = [1]} : vector<16xf32> to vector<1xf32>
    %squeeze3A_43 = vector.extract %slice3A_42[0] : f32 from vector<1xf32>
    %slice3A_44 = vector.extract_strided_slice %get3A_19 {offsets = [8], sizes = [1], strides = [1]} : vector<16xf32> to vector<1xf32>
    %squeeze3A_45 = vector.extract %slice3A_44[0] : f32 from vector<1xf32>
    %slice3A_46 = vector.extract_strided_slice %get3A_19 {offsets = [9], sizes = [1], strides = [1]} : vector<16xf32> to vector<1xf32>
    %squeeze3A_47 = vector.extract %slice3A_46[0] : f32 from vector<1xf32>
    %slice3A_48 = vector.extract_strided_slice %get3A_19 {offsets = [10], sizes = [1], strides = [1]} : vector<16xf32> to vector<1xf32>
    %squeeze3A_49 = vector.extract %slice3A_48[0] : f32 from vector<1xf32>
    %slice3A_50 = vector.extract_strided_slice %get3A_19 {offsets = [11], sizes = [1], strides = [1]} : vector<16xf32> to vector<1xf32>
    %squeeze3A_51 = vector.extract %slice3A_50[0] : f32 from vector<1xf32>
    %slice3A_52 = vector.extract_strided_slice %get3A_19 {offsets = [12], sizes = [1], strides = [1]} : vector<16xf32> to vector<1xf32>
    %squeeze3A_53 = vector.extract %slice3A_52[0] : f32 from vector<1xf32>
    %slice3A_54 = vector.extract_strided_slice %get3A_19 {offsets = [13], sizes = [1], strides = [1]} : vector<16xf32> to vector<1xf32>
    %squeeze3A_55 = vector.extract %slice3A_54[0] : f32 from vector<1xf32>
    %slice3A_56 = vector.extract_strided_slice %get3A_19 {offsets = [14], sizes = [1], strides = [1]} : vector<16xf32> to vector<1xf32>
    %squeeze3A_57 = vector.extract %slice3A_56[0] : f32 from vector<1xf32>
    %slice3A_58 = vector.extract_strided_slice %get3A_19 {offsets = [15], sizes = [1], strides = [1]} : vector<16xf32> to vector<1xf32>
    %squeeze3A_59 = vector.extract %slice3A_58[0] : f32 from vector<1xf32>
    %slice3A_60 = vector.extract_strided_slice %get3A_21 {offsets = [0], sizes = [1], strides = [1]} : vector<16xf32> to vector<1xf32>
    %squeeze3A_61 = vector.extract %slice3A_60[0] : f32 from vector<1xf32>
    %slice3A_62 = vector.extract_strided_slice %get3A_21 {offsets = [1], sizes = [1], strides = [1]} : vector<16xf32> to vector<1xf32>
    %squeeze3A_63 = vector.extract %slice3A_62[0] : f32 from vector<1xf32>
    %slice3A_64 = vector.extract_strided_slice %get3A_21 {offsets = [2], sizes = [1], strides = [1]} : vector<16xf32> to vector<1xf32>
    %squeeze3A_65 = vector.extract %slice3A_64[0] : f32 from vector<1xf32>
    %slice3A_66 = vector.extract_strided_slice %get3A_21 {offsets = [3], sizes = [1], strides = [1]} : vector<16xf32> to vector<1xf32>
    %squeeze3A_67 = vector.extract %slice3A_66[0] : f32 from vector<1xf32>
    %slice3A_68 = vector.extract_strided_slice %get3A_21 {offsets = [4], sizes = [1], strides = [1]} : vector<16xf32> to vector<1xf32>
    %squeeze3A_69 = vector.extract %slice3A_68[0] : f32 from vector<1xf32>
    %slice3A_70 = vector.extract_strided_slice %get3A_21 {offsets = [5], sizes = [1], strides = [1]} : vector<16xf32> to vector<1xf32>
    %squeeze3A_71 = vector.extract %slice3A_70[0] : f32 from vector<1xf32>
    %slice3A_72 = vector.extract_strided_slice %get3A_21 {offsets = [6], sizes = [1], strides = [1]} : vector<16xf32> to vector<1xf32>
    %squeeze3A_73 = vector.extract %slice3A_72[0] : f32 from vector<1xf32>
    %slice3A_74 = vector.extract_strided_slice %get3A_21 {offsets = [7], sizes = [1], strides = [1]} : vector<16xf32> to vector<1xf32>
    %squeeze3A_75 = vector.extract %slice3A_74[0] : f32 from vector<1xf32>
    %slice3A_76 = vector.extract_strided_slice %get3A_21 {offsets = [8], sizes = [1], strides = [1]} : vector<16xf32> to vector<1xf32>
    %squeeze3A_77 = vector.extract %slice3A_76[0] : f32 from vector<1xf32>
    %slice3A_78 = vector.extract_strided_slice %get3A_21 {offsets = [9], sizes = [1], strides = [1]} : vector<16xf32> to vector<1xf32>
    %squeeze3A_79 = vector.extract %slice3A_78[0] : f32 from vector<1xf32>
    %slice3A_80 = vector.extract_strided_slice %get3A_21 {offsets = [10], sizes = [1], strides = [1]} : vector<16xf32> to vector<1xf32>
    %squeeze3A_81 = vector.extract %slice3A_80[0] : f32 from vector<1xf32>
    %slice3A_82 = vector.extract_strided_slice %get3A_21 {offsets = [11], sizes = [1], strides = [1]} : vector<16xf32> to vector<1xf32>
    %squeeze3A_83 = vector.extract %slice3A_82[0] : f32 from vector<1xf32>
    %slice3A_84 = vector.extract_strided_slice %get3A_21 {offsets = [12], sizes = [1], strides = [1]} : vector<16xf32> to vector<1xf32>
    %squeeze3A_85 = vector.extract %slice3A_84[0] : f32 from vector<1xf32>
    %slice3A_86 = vector.extract_strided_slice %get3A_21 {offsets = [13], sizes = [1], strides = [1]} : vector<16xf32> to vector<1xf32>
    %squeeze3A_87 = vector.extract %slice3A_86[0] : f32 from vector<1xf32>
    %slice3A_88 = vector.extract_strided_slice %get3A_21 {offsets = [14], sizes = [1], strides = [1]} : vector<16xf32> to vector<1xf32>
    %squeeze3A_89 = vector.extract %slice3A_88[0] : f32 from vector<1xf32>
    %slice3A_90 = vector.extract_strided_slice %get3A_21 {offsets = [15], sizes = [1], strides = [1]} : vector<16xf32> to vector<1xf32>
    %squeeze3A_91 = vector.extract %slice3A_90[0] : f32 from vector<1xf32>
    %slice3A_92 = vector.extract_strided_slice %get3A_23 {offsets = [0], sizes = [1], strides = [1]} : vector<16xf32> to vector<1xf32>
    %squeeze3A_93 = vector.extract %slice3A_92[0] : f32 from vector<1xf32>
    %slice3A_94 = vector.extract_strided_slice %get3A_23 {offsets = [1], sizes = [1], strides = [1]} : vector<16xf32> to vector<1xf32>
    %squeeze3A_95 = vector.extract %slice3A_94[0] : f32 from vector<1xf32>
    %slice3A_96 = vector.extract_strided_slice %get3A_23 {offsets = [2], sizes = [1], strides = [1]} : vector<16xf32> to vector<1xf32>
    %squeeze3A_97 = vector.extract %slice3A_96[0] : f32 from vector<1xf32>
    %slice3A_98 = vector.extract_strided_slice %get3A_23 {offsets = [3], sizes = [1], strides = [1]} : vector<16xf32> to vector<1xf32>
    %squeeze3A_99 = vector.extract %slice3A_98[0] : f32 from vector<1xf32>
    %slice3A_100 = vector.extract_strided_slice %get3A_23 {offsets = [4], sizes = [1], strides = [1]} : vector<16xf32> to vector<1xf32>
    %squeeze3A_101 = vector.extract %slice3A_100[0] : f32 from vector<1xf32>
    %slice3A_102 = vector.extract_strided_slice %get3A_23 {offsets = [5], sizes = [1], strides = [1]} : vector<16xf32> to vector<1xf32>
    %squeeze3A_103 = vector.extract %slice3A_102[0] : f32 from vector<1xf32>
    %slice3A_104 = vector.extract_strided_slice %get3A_23 {offsets = [6], sizes = [1], strides = [1]} : vector<16xf32> to vector<1xf32>
    %squeeze3A_105 = vector.extract %slice3A_104[0] : f32 from vector<1xf32>
    %slice3A_106 = vector.extract_strided_slice %get3A_23 {offsets = [7], sizes = [1], strides = [1]} : vector<16xf32> to vector<1xf32>
    %squeeze3A_107 = vector.extract %slice3A_106[0] : f32 from vector<1xf32>
    %slice3A_108 = vector.extract_strided_slice %get3A_23 {offsets = [8], sizes = [1], strides = [1]} : vector<16xf32> to vector<1xf32>
    %squeeze3A_109 = vector.extract %slice3A_108[0] : f32 from vector<1xf32>
    %slice3A_110 = vector.extract_strided_slice %get3A_23 {offsets = [9], sizes = [1], strides = [1]} : vector<16xf32> to vector<1xf32>
    %squeeze3A_111 = vector.extract %slice3A_110[0] : f32 from vector<1xf32>
    %slice3A_112 = vector.extract_strided_slice %get3A_23 {offsets = [10], sizes = [1], strides = [1]} : vector<16xf32> to vector<1xf32>
    %squeeze3A_113 = vector.extract %slice3A_112[0] : f32 from vector<1xf32>
    %slice3A_114 = vector.extract_strided_slice %get3A_23 {offsets = [11], sizes = [1], strides = [1]} : vector<16xf32> to vector<1xf32>
    %squeeze3A_115 = vector.extract %slice3A_114[0] : f32 from vector<1xf32>
    %slice3A_116 = vector.extract_strided_slice %get3A_23 {offsets = [12], sizes = [1], strides = [1]} : vector<16xf32> to vector<1xf32>
    %squeeze3A_117 = vector.extract %slice3A_116[0] : f32 from vector<1xf32>
    %slice3A_118 = vector.extract_strided_slice %get3A_23 {offsets = [13], sizes = [1], strides = [1]} : vector<16xf32> to vector<1xf32>
    %squeeze3A_119 = vector.extract %slice3A_118[0] : f32 from vector<1xf32>
    %slice3A_120 = vector.extract_strided_slice %get3A_23 {offsets = [14], sizes = [1], strides = [1]} : vector<16xf32> to vector<1xf32>
    %squeeze3A_121 = vector.extract %slice3A_120[0] : f32 from vector<1xf32>
    %slice3A_122 = vector.extract_strided_slice %get3A_23 {offsets = [15], sizes = [1], strides = [1]} : vector<16xf32> to vector<1xf32>
    %squeeze3A_123 = vector.extract %slice3A_122[0] : f32 from vector<1xf32>
    %slice3A_124 = vector.extract_strided_slice %get3A_25 {offsets = [0], sizes = [1], strides = [1]} : vector<16xf32> to vector<1xf32>
    %squeeze3A_125 = vector.extract %slice3A_124[0] : f32 from vector<1xf32>
    %slice3A_126 = vector.extract_strided_slice %get3A_25 {offsets = [1], sizes = [1], strides = [1]} : vector<16xf32> to vector<1xf32>
    %squeeze3A_127 = vector.extract %slice3A_126[0] : f32 from vector<1xf32>
    %slice3A_128 = vector.extract_strided_slice %get3A_25 {offsets = [2], sizes = [1], strides = [1]} : vector<16xf32> to vector<1xf32>
    %squeeze3A_129 = vector.extract %slice3A_128[0] : f32 from vector<1xf32>
    %slice3A_130 = vector.extract_strided_slice %get3A_25 {offsets = [3], sizes = [1], strides = [1]} : vector<16xf32> to vector<1xf32>
    %squeeze3A_131 = vector.extract %slice3A_130[0] : f32 from vector<1xf32>
    %slice3A_132 = vector.extract_strided_slice %get3A_25 {offsets = [4], sizes = [1], strides = [1]} : vector<16xf32> to vector<1xf32>
    %squeeze3A_133 = vector.extract %slice3A_132[0] : f32 from vector<1xf32>
    %slice3A_134 = vector.extract_strided_slice %get3A_25 {offsets = [5], sizes = [1], strides = [1]} : vector<16xf32> to vector<1xf32>
    %squeeze3A_135 = vector.extract %slice3A_134[0] : f32 from vector<1xf32>
    %slice3A_136 = vector.extract_strided_slice %get3A_25 {offsets = [6], sizes = [1], strides = [1]} : vector<16xf32> to vector<1xf32>
    %squeeze3A_137 = vector.extract %slice3A_136[0] : f32 from vector<1xf32>
    %slice3A_138 = vector.extract_strided_slice %get3A_25 {offsets = [7], sizes = [1], strides = [1]} : vector<16xf32> to vector<1xf32>
    %squeeze3A_139 = vector.extract %slice3A_138[0] : f32 from vector<1xf32>
    %slice3A_140 = vector.extract_strided_slice %get3A_25 {offsets = [8], sizes = [1], strides = [1]} : vector<16xf32> to vector<1xf32>
    %squeeze3A_141 = vector.extract %slice3A_140[0] : f32 from vector<1xf32>
    %slice3A_142 = vector.extract_strided_slice %get3A_25 {offsets = [9], sizes = [1], strides = [1]} : vector<16xf32> to vector<1xf32>
    %squeeze3A_143 = vector.extract %slice3A_142[0] : f32 from vector<1xf32>
    %slice3A_144 = vector.extract_strided_slice %get3A_25 {offsets = [10], sizes = [1], strides = [1]} : vector<16xf32> to vector<1xf32>
    %squeeze3A_145 = vector.extract %slice3A_144[0] : f32 from vector<1xf32>
    %slice3A_146 = vector.extract_strided_slice %get3A_25 {offsets = [11], sizes = [1], strides = [1]} : vector<16xf32> to vector<1xf32>
    %squeeze3A_147 = vector.extract %slice3A_146[0] : f32 from vector<1xf32>
    %slice3A_148 = vector.extract_strided_slice %get3A_25 {offsets = [12], sizes = [1], strides = [1]} : vector<16xf32> to vector<1xf32>
    %squeeze3A_149 = vector.extract %slice3A_148[0] : f32 from vector<1xf32>
    %slice3A_150 = vector.extract_strided_slice %get3A_25 {offsets = [13], sizes = [1], strides = [1]} : vector<16xf32> to vector<1xf32>
    %squeeze3A_151 = vector.extract %slice3A_150[0] : f32 from vector<1xf32>
    %slice3A_152 = vector.extract_strided_slice %get3A_25 {offsets = [14], sizes = [1], strides = [1]} : vector<16xf32> to vector<1xf32>
    %squeeze3A_153 = vector.extract %slice3A_152[0] : f32 from vector<1xf32>
    %slice3A_154 = vector.extract_strided_slice %get3A_25 {offsets = [15], sizes = [1], strides = [1]} : vector<16xf32> to vector<1xf32>
    %squeeze3A_155 = vector.extract %slice3A_154[0] : f32 from vector<1xf32>
    %slice3A_156 = vector.extract_strided_slice %get3A_27 {offsets = [0], sizes = [1], strides = [1]} : vector<16xf32> to vector<1xf32>
    %squeeze3A_157 = vector.extract %slice3A_156[0] : f32 from vector<1xf32>
    %slice3A_158 = vector.extract_strided_slice %get3A_27 {offsets = [1], sizes = [1], strides = [1]} : vector<16xf32> to vector<1xf32>
    %squeeze3A_159 = vector.extract %slice3A_158[0] : f32 from vector<1xf32>
    %slice3A_160 = vector.extract_strided_slice %get3A_27 {offsets = [2], sizes = [1], strides = [1]} : vector<16xf32> to vector<1xf32>
    %squeeze3A_161 = vector.extract %slice3A_160[0] : f32 from vector<1xf32>
    %slice3A_162 = vector.extract_strided_slice %get3A_27 {offsets = [3], sizes = [1], strides = [1]} : vector<16xf32> to vector<1xf32>
    %squeeze3A_163 = vector.extract %slice3A_162[0] : f32 from vector<1xf32>
    %slice3A_164 = vector.extract_strided_slice %get3A_27 {offsets = [4], sizes = [1], strides = [1]} : vector<16xf32> to vector<1xf32>
    %squeeze3A_165 = vector.extract %slice3A_164[0] : f32 from vector<1xf32>
    %slice3A_166 = vector.extract_strided_slice %get3A_27 {offsets = [5], sizes = [1], strides = [1]} : vector<16xf32> to vector<1xf32>
    %squeeze3A_167 = vector.extract %slice3A_166[0] : f32 from vector<1xf32>
    %slice3A_168 = vector.extract_strided_slice %get3A_27 {offsets = [6], sizes = [1], strides = [1]} : vector<16xf32> to vector<1xf32>
    %squeeze3A_169 = vector.extract %slice3A_168[0] : f32 from vector<1xf32>
    %slice3A_170 = vector.extract_strided_slice %get3A_27 {offsets = [7], sizes = [1], strides = [1]} : vector<16xf32> to vector<1xf32>
    %squeeze3A_171 = vector.extract %slice3A_170[0] : f32 from vector<1xf32>
    %slice3A_172 = vector.extract_strided_slice %get3A_27 {offsets = [8], sizes = [1], strides = [1]} : vector<16xf32> to vector<1xf32>
    %squeeze3A_173 = vector.extract %slice3A_172[0] : f32 from vector<1xf32>
    %slice3A_174 = vector.extract_strided_slice %get3A_27 {offsets = [9], sizes = [1], strides = [1]} : vector<16xf32> to vector<1xf32>
    %squeeze3A_175 = vector.extract %slice3A_174[0] : f32 from vector<1xf32>
    %slice3A_176 = vector.extract_strided_slice %get3A_27 {offsets = [10], sizes = [1], strides = [1]} : vector<16xf32> to vector<1xf32>
    %squeeze3A_177 = vector.extract %slice3A_176[0] : f32 from vector<1xf32>
    %slice3A_178 = vector.extract_strided_slice %get3A_27 {offsets = [11], sizes = [1], strides = [1]} : vector<16xf32> to vector<1xf32>
    %squeeze3A_179 = vector.extract %slice3A_178[0] : f32 from vector<1xf32>
    %slice3A_180 = vector.extract_strided_slice %get3A_27 {offsets = [12], sizes = [1], strides = [1]} : vector<16xf32> to vector<1xf32>
    %squeeze3A_181 = vector.extract %slice3A_180[0] : f32 from vector<1xf32>
    %slice3A_182 = vector.extract_strided_slice %get3A_27 {offsets = [13], sizes = [1], strides = [1]} : vector<16xf32> to vector<1xf32>
    %squeeze3A_183 = vector.extract %slice3A_182[0] : f32 from vector<1xf32>
    %slice3A_184 = vector.extract_strided_slice %get3A_27 {offsets = [14], sizes = [1], strides = [1]} : vector<16xf32> to vector<1xf32>
    %squeeze3A_185 = vector.extract %slice3A_184[0] : f32 from vector<1xf32>
    %slice3A_186 = vector.extract_strided_slice %get3A_27 {offsets = [15], sizes = [1], strides = [1]} : vector<16xf32> to vector<1xf32>
    %squeeze3A_187 = vector.extract %slice3A_186[0] : f32 from vector<1xf32>
    %mul3A_188 = arith.mulf %squeeze3A_29, %squeeze3A : f32
    %mul3A_189 = arith.mulf %squeeze3A_31, %squeeze3A_5 : f32
    %add3A_190 = arith.addf %mul3A_188, %mul3A_189 : f32
    %mul3A_191 = arith.mulf %squeeze3A_33, %squeeze3A_7 : f32
    %add3A_192 = arith.addf %add3A_190, %mul3A_191 : f32
    %mul3A_193 = arith.mulf %squeeze3A_35, %squeeze3A_9 : f32
    %add3A_194 = arith.addf %add3A_192, %mul3A_193 : f32
    %mul3A_195 = arith.mulf %squeeze3A_29, %squeeze3A_11 : f32
    %mul3A_196 = arith.mulf %squeeze3A_31, %squeeze3A_13 : f32
    %add3A_197 = arith.addf %mul3A_195, %mul3A_196 : f32
    %mul3A_198 = arith.mulf %squeeze3A_33, %squeeze3A_15 : f32
    %add3A_199 = arith.addf %add3A_197, %mul3A_198 : f32
    %mul3A_200 = arith.mulf %squeeze3A_35, %squeeze3A_17 : f32
    %add3A_201 = arith.addf %add3A_199, %mul3A_200 : f32
    %mul3A_202 = arith.mulf %squeeze3A_37, %squeeze3A : f32
    %mul3A_203 = arith.mulf %squeeze3A_39, %squeeze3A_5 : f32
    %add3A_204 = arith.addf %mul3A_202, %mul3A_203 : f32
    %mul3A_205 = arith.mulf %squeeze3A_41, %squeeze3A_7 : f32
    %add3A_206 = arith.addf %add3A_204, %mul3A_205 : f32
    %mul3A_207 = arith.mulf %squeeze3A_43, %squeeze3A_9 : f32
    %add3A_208 = arith.addf %add3A_206, %mul3A_207 : f32
    %mul3A_209 = arith.mulf %squeeze3A_37, %squeeze3A_11 : f32
    %mul3A_210 = arith.mulf %squeeze3A_39, %squeeze3A_13 : f32
    %add3A_211 = arith.addf %mul3A_209, %mul3A_210 : f32
    %mul3A_212 = arith.mulf %squeeze3A_41, %squeeze3A_15 : f32
    %add3A_213 = arith.addf %add3A_211, %mul3A_212 : f32
    %mul3A_214 = arith.mulf %squeeze3A_43, %squeeze3A_17 : f32
    %add3A_215 = arith.addf %add3A_213, %mul3A_214 : f32
    %mul3A_216 = arith.mulf %squeeze3A_45, %squeeze3A : f32
    %mul3A_217 = arith.mulf %squeeze3A_47, %squeeze3A_5 : f32
    %add3A_218 = arith.addf %mul3A_216, %mul3A_217 : f32
    %mul3A_219 = arith.mulf %squeeze3A_49, %squeeze3A_7 : f32
    %add3A_220 = arith.addf %add3A_218, %mul3A_219 : f32
    %mul3A_221 = arith.mulf %squeeze3A_51, %squeeze3A_9 : f32
    %add3A_222 = arith.addf %add3A_220, %mul3A_221 : f32
    %mul3A_223 = arith.mulf %squeeze3A_45, %squeeze3A_11 : f32
    %mul3A_224 = arith.mulf %squeeze3A_47, %squeeze3A_13 : f32
    %add3A_225 = arith.addf %mul3A_223, %mul3A_224 : f32
    %mul3A_226 = arith.mulf %squeeze3A_49, %squeeze3A_15 : f32
    %add3A_227 = arith.addf %add3A_225, %mul3A_226 : f32
    %mul3A_228 = arith.mulf %squeeze3A_51, %squeeze3A_17 : f32
    %add3A_229 = arith.addf %add3A_227, %mul3A_228 : f32
    %mul3A_230 = arith.mulf %squeeze3A_53, %squeeze3A : f32
    %mul3A_231 = arith.mulf %squeeze3A_55, %squeeze3A_5 : f32
    %add3A_232 = arith.addf %mul3A_230, %mul3A_231 : f32
    %mul3A_233 = arith.mulf %squeeze3A_57, %squeeze3A_7 : f32
    %add3A_234 = arith.addf %add3A_232, %mul3A_233 : f32
    %mul3A_235 = arith.mulf %squeeze3A_59, %squeeze3A_9 : f32
    %add3A_236 = arith.addf %add3A_234, %mul3A_235 : f32
    %mul3A_237 = arith.mulf %squeeze3A_53, %squeeze3A_11 : f32
    %mul3A_238 = arith.mulf %squeeze3A_55, %squeeze3A_13 : f32
    %add3A_239 = arith.addf %mul3A_237, %mul3A_238 : f32
    %mul3A_240 = arith.mulf %squeeze3A_57, %squeeze3A_15 : f32
    %add3A_241 = arith.addf %add3A_239, %mul3A_240 : f32
    %mul3A_242 = arith.mulf %squeeze3A_59, %squeeze3A_17 : f32
    %add3A_243 = arith.addf %add3A_241, %mul3A_242 : f32
    %mul3A_244 = arith.mulf %squeeze3A_61, %squeeze3A : f32
    %mul3A_245 = arith.mulf %squeeze3A_63, %squeeze3A_5 : f32
    %add3A_246 = arith.addf %mul3A_244, %mul3A_245 : f32
    %mul3A_247 = arith.mulf %squeeze3A_65, %squeeze3A_7 : f32
    %add3A_248 = arith.addf %add3A_246, %mul3A_247 : f32
    %mul3A_249 = arith.mulf %squeeze3A_67, %squeeze3A_9 : f32
    %add3A_250 = arith.addf %add3A_248, %mul3A_249 : f32
    %mul3A_251 = arith.mulf %squeeze3A_61, %squeeze3A_11 : f32
    %mul3A_252 = arith.mulf %squeeze3A_63, %squeeze3A_13 : f32
    %add3A_253 = arith.addf %mul3A_251, %mul3A_252 : f32
    %mul3A_254 = arith.mulf %squeeze3A_65, %squeeze3A_15 : f32
    %add3A_255 = arith.addf %add3A_253, %mul3A_254 : f32
    %mul3A_256 = arith.mulf %squeeze3A_67, %squeeze3A_17 : f32
    %add3A_257 = arith.addf %add3A_255, %mul3A_256 : f32
    %mul3A_258 = arith.mulf %squeeze3A_69, %squeeze3A : f32
    %mul3A_259 = arith.mulf %squeeze3A_71, %squeeze3A_5 : f32
    %add3A_260 = arith.addf %mul3A_258, %mul3A_259 : f32
    %mul3A_261 = arith.mulf %squeeze3A_73, %squeeze3A_7 : f32
    %add3A_262 = arith.addf %add3A_260, %mul3A_261 : f32
    %mul3A_263 = arith.mulf %squeeze3A_75, %squeeze3A_9 : f32
    %add3A_264 = arith.addf %add3A_262, %mul3A_263 : f32
    %mul3A_265 = arith.mulf %squeeze3A_69, %squeeze3A_11 : f32
    %mul3A_266 = arith.mulf %squeeze3A_71, %squeeze3A_13 : f32
    %add3A_267 = arith.addf %mul3A_265, %mul3A_266 : f32
    %mul3A_268 = arith.mulf %squeeze3A_73, %squeeze3A_15 : f32
    %add3A_269 = arith.addf %add3A_267, %mul3A_268 : f32
    %mul3A_270 = arith.mulf %squeeze3A_75, %squeeze3A_17 : f32
    %add3A_271 = arith.addf %add3A_269, %mul3A_270 : f32
    %mul3A_272 = arith.mulf %squeeze3A_77, %squeeze3A : f32
    %mul3A_273 = arith.mulf %squeeze3A_79, %squeeze3A_5 : f32
    %add3A_274 = arith.addf %mul3A_272, %mul3A_273 : f32
    %mul3A_275 = arith.mulf %squeeze3A_81, %squeeze3A_7 : f32
    %add3A_276 = arith.addf %add3A_274, %mul3A_275 : f32
    %mul3A_277 = arith.mulf %squeeze3A_83, %squeeze3A_9 : f32
    %add3A_278 = arith.addf %add3A_276, %mul3A_277 : f32
    %mul3A_279 = arith.mulf %squeeze3A_77, %squeeze3A_11 : f32
    %mul3A_280 = arith.mulf %squeeze3A_79, %squeeze3A_13 : f32
    %add3A_281 = arith.addf %mul3A_279, %mul3A_280 : f32
    %mul3A_282 = arith.mulf %squeeze3A_81, %squeeze3A_15 : f32
    %add3A_283 = arith.addf %add3A_281, %mul3A_282 : f32
    %mul3A_284 = arith.mulf %squeeze3A_83, %squeeze3A_17 : f32
    %add3A_285 = arith.addf %add3A_283, %mul3A_284 : f32
    %mul3A_286 = arith.mulf %squeeze3A_85, %squeeze3A : f32
    %mul3A_287 = arith.mulf %squeeze3A_87, %squeeze3A_5 : f32
    %add3A_288 = arith.addf %mul3A_286, %mul3A_287 : f32
    %mul3A_289 = arith.mulf %squeeze3A_89, %squeeze3A_7 : f32
    %add3A_290 = arith.addf %add3A_288, %mul3A_289 : f32
    %mul3A_291 = arith.mulf %squeeze3A_91, %squeeze3A_9 : f32
    %add3A_292 = arith.addf %add3A_290, %mul3A_291 : f32
    %mul3A_293 = arith.mulf %squeeze3A_85, %squeeze3A_11 : f32
    %mul3A_294 = arith.mulf %squeeze3A_87, %squeeze3A_13 : f32
    %add3A_295 = arith.addf %mul3A_293, %mul3A_294 : f32
    %mul3A_296 = arith.mulf %squeeze3A_89, %squeeze3A_15 : f32
    %add3A_297 = arith.addf %add3A_295, %mul3A_296 : f32
    %mul3A_298 = arith.mulf %squeeze3A_91, %squeeze3A_17 : f32
    %add3A_299 = arith.addf %add3A_297, %mul3A_298 : f32
    %mul3A_300 = arith.mulf %squeeze3A_93, %squeeze3A : f32
    %mul3A_301 = arith.mulf %squeeze3A_95, %squeeze3A_5 : f32
    %add3A_302 = arith.addf %mul3A_300, %mul3A_301 : f32
    %mul3A_303 = arith.mulf %squeeze3A_97, %squeeze3A_7 : f32
    %add3A_304 = arith.addf %add3A_302, %mul3A_303 : f32
    %mul3A_305 = arith.mulf %squeeze3A_99, %squeeze3A_9 : f32
    %add3A_306 = arith.addf %add3A_304, %mul3A_305 : f32
    %mul3A_307 = arith.mulf %squeeze3A_93, %squeeze3A_11 : f32
    %mul3A_308 = arith.mulf %squeeze3A_95, %squeeze3A_13 : f32
    %add3A_309 = arith.addf %mul3A_307, %mul3A_308 : f32
    %mul3A_310 = arith.mulf %squeeze3A_97, %squeeze3A_15 : f32
    %add3A_311 = arith.addf %add3A_309, %mul3A_310 : f32
    %mul3A_312 = arith.mulf %squeeze3A_99, %squeeze3A_17 : f32
    %add3A_313 = arith.addf %add3A_311, %mul3A_312 : f32
    %mul3A_314 = arith.mulf %squeeze3A_101, %squeeze3A : f32
    %mul3A_315 = arith.mulf %squeeze3A_103, %squeeze3A_5 : f32
    %add3A_316 = arith.addf %mul3A_314, %mul3A_315 : f32
    %mul3A_317 = arith.mulf %squeeze3A_105, %squeeze3A_7 : f32
    %add3A_318 = arith.addf %add3A_316, %mul3A_317 : f32
    %mul3A_319 = arith.mulf %squeeze3A_107, %squeeze3A_9 : f32
    %add3A_320 = arith.addf %add3A_318, %mul3A_319 : f32
    %mul3A_321 = arith.mulf %squeeze3A_101, %squeeze3A_11 : f32
    %mul3A_322 = arith.mulf %squeeze3A_103, %squeeze3A_13 : f32
    %add3A_323 = arith.addf %mul3A_321, %mul3A_322 : f32
    %mul3A_324 = arith.mulf %squeeze3A_105, %squeeze3A_15 : f32
    %add3A_325 = arith.addf %add3A_323, %mul3A_324 : f32
    %mul3A_326 = arith.mulf %squeeze3A_107, %squeeze3A_17 : f32
    %add3A_327 = arith.addf %add3A_325, %mul3A_326 : f32
    %mul3A_328 = arith.mulf %squeeze3A_109, %squeeze3A : f32
    %mul3A_329 = arith.mulf %squeeze3A_111, %squeeze3A_5 : f32
    %add3A_330 = arith.addf %mul3A_328, %mul3A_329 : f32
    %mul3A_331 = arith.mulf %squeeze3A_113, %squeeze3A_7 : f32
    %add3A_332 = arith.addf %add3A_330, %mul3A_331 : f32
    %mul3A_333 = arith.mulf %squeeze3A_115, %squeeze3A_9 : f32
    %add3A_334 = arith.addf %add3A_332, %mul3A_333 : f32
    %mul3A_335 = arith.mulf %squeeze3A_109, %squeeze3A_11 : f32
    %mul3A_336 = arith.mulf %squeeze3A_111, %squeeze3A_13 : f32
    %add3A_337 = arith.addf %mul3A_335, %mul3A_336 : f32
    %mul3A_338 = arith.mulf %squeeze3A_113, %squeeze3A_15 : f32
    %add3A_339 = arith.addf %add3A_337, %mul3A_338 : f32
    %mul3A_340 = arith.mulf %squeeze3A_115, %squeeze3A_17 : f32
    %add3A_341 = arith.addf %add3A_339, %mul3A_340 : f32
    %mul3A_342 = arith.mulf %squeeze3A_117, %squeeze3A : f32
    %mul3A_343 = arith.mulf %squeeze3A_119, %squeeze3A_5 : f32
    %add3A_344 = arith.addf %mul3A_342, %mul3A_343 : f32
    %mul3A_345 = arith.mulf %squeeze3A_121, %squeeze3A_7 : f32
    %add3A_346 = arith.addf %add3A_344, %mul3A_345 : f32
    %mul3A_347 = arith.mulf %squeeze3A_123, %squeeze3A_9 : f32
    %add3A_348 = arith.addf %add3A_346, %mul3A_347 : f32
    %mul3A_349 = arith.mulf %squeeze3A_117, %squeeze3A_11 : f32
    %mul3A_350 = arith.mulf %squeeze3A_119, %squeeze3A_13 : f32
    %add3A_351 = arith.addf %mul3A_349, %mul3A_350 : f32
    %mul3A_352 = arith.mulf %squeeze3A_121, %squeeze3A_15 : f32
    %add3A_353 = arith.addf %add3A_351, %mul3A_352 : f32
    %mul3A_354 = arith.mulf %squeeze3A_123, %squeeze3A_17 : f32
    %add3A_355 = arith.addf %add3A_353, %mul3A_354 : f32
    %mul3A_356 = arith.mulf %squeeze3A_125, %squeeze3A : f32
    %mul3A_357 = arith.mulf %squeeze3A_127, %squeeze3A_5 : f32
    %add3A_358 = arith.addf %mul3A_356, %mul3A_357 : f32
    %mul3A_359 = arith.mulf %squeeze3A_129, %squeeze3A_7 : f32
    %add3A_360 = arith.addf %add3A_358, %mul3A_359 : f32
    %mul3A_361 = arith.mulf %squeeze3A_131, %squeeze3A_9 : f32
    %add3A_362 = arith.addf %add3A_360, %mul3A_361 : f32
    %mul3A_363 = arith.mulf %squeeze3A_125, %squeeze3A_11 : f32
    %mul3A_364 = arith.mulf %squeeze3A_127, %squeeze3A_13 : f32
    %add3A_365 = arith.addf %mul3A_363, %mul3A_364 : f32
    %mul3A_366 = arith.mulf %squeeze3A_129, %squeeze3A_15 : f32
    %add3A_367 = arith.addf %add3A_365, %mul3A_366 : f32
    %mul3A_368 = arith.mulf %squeeze3A_131, %squeeze3A_17 : f32
    %add3A_369 = arith.addf %add3A_367, %mul3A_368 : f32
    %mul3A_370 = arith.mulf %squeeze3A_133, %squeeze3A : f32
    %mul3A_371 = arith.mulf %squeeze3A_135, %squeeze3A_5 : f32
    %add3A_372 = arith.addf %mul3A_370, %mul3A_371 : f32
    %mul3A_373 = arith.mulf %squeeze3A_137, %squeeze3A_7 : f32
    %add3A_374 = arith.addf %add3A_372, %mul3A_373 : f32
    %mul3A_375 = arith.mulf %squeeze3A_139, %squeeze3A_9 : f32
    %add3A_376 = arith.addf %add3A_374, %mul3A_375 : f32
    %mul3A_377 = arith.mulf %squeeze3A_133, %squeeze3A_11 : f32
    %mul3A_378 = arith.mulf %squeeze3A_135, %squeeze3A_13 : f32
    %add3A_379 = arith.addf %mul3A_377, %mul3A_378 : f32
    %mul3A_380 = arith.mulf %squeeze3A_137, %squeeze3A_15 : f32
    %add3A_381 = arith.addf %add3A_379, %mul3A_380 : f32
    %mul3A_382 = arith.mulf %squeeze3A_139, %squeeze3A_17 : f32
    %add3A_383 = arith.addf %add3A_381, %mul3A_382 : f32
    %mul3A_384 = arith.mulf %squeeze3A_141, %squeeze3A : f32
    %mul3A_385 = arith.mulf %squeeze3A_143, %squeeze3A_5 : f32
    %add3A_386 = arith.addf %mul3A_384, %mul3A_385 : f32
    %mul3A_387 = arith.mulf %squeeze3A_145, %squeeze3A_7 : f32
    %add3A_388 = arith.addf %add3A_386, %mul3A_387 : f32
    %mul3A_389 = arith.mulf %squeeze3A_147, %squeeze3A_9 : f32
    %add3A_390 = arith.addf %add3A_388, %mul3A_389 : f32
    %mul3A_391 = arith.mulf %squeeze3A_141, %squeeze3A_11 : f32
    %mul3A_392 = arith.mulf %squeeze3A_143, %squeeze3A_13 : f32
    %add3A_393 = arith.addf %mul3A_391, %mul3A_392 : f32
    %mul3A_394 = arith.mulf %squeeze3A_145, %squeeze3A_15 : f32
    %add3A_395 = arith.addf %add3A_393, %mul3A_394 : f32
    %mul3A_396 = arith.mulf %squeeze3A_147, %squeeze3A_17 : f32
    %add3A_397 = arith.addf %add3A_395, %mul3A_396 : f32
    %mul3A_398 = arith.mulf %squeeze3A_149, %squeeze3A : f32
    %mul3A_399 = arith.mulf %squeeze3A_151, %squeeze3A_5 : f32
    %add3A_400 = arith.addf %mul3A_398, %mul3A_399 : f32
    %mul3A_401 = arith.mulf %squeeze3A_153, %squeeze3A_7 : f32
    %add3A_402 = arith.addf %add3A_400, %mul3A_401 : f32
    %mul3A_403 = arith.mulf %squeeze3A_155, %squeeze3A_9 : f32
    %add3A_404 = arith.addf %add3A_402, %mul3A_403 : f32
    %mul3A_405 = arith.mulf %squeeze3A_149, %squeeze3A_11 : f32
    %mul3A_406 = arith.mulf %squeeze3A_151, %squeeze3A_13 : f32
    %add3A_407 = arith.addf %mul3A_405, %mul3A_406 : f32
    %mul3A_408 = arith.mulf %squeeze3A_153, %squeeze3A_15 : f32
    %add3A_409 = arith.addf %add3A_407, %mul3A_408 : f32
    %mul3A_410 = arith.mulf %squeeze3A_155, %squeeze3A_17 : f32
    %add3A_411 = arith.addf %add3A_409, %mul3A_410 : f32
    %mul3A_412 = arith.mulf %squeeze3A_157, %squeeze3A : f32
    %mul3A_413 = arith.mulf %squeeze3A_159, %squeeze3A_5 : f32
    %add3A_414 = arith.addf %mul3A_412, %mul3A_413 : f32
    %mul3A_415 = arith.mulf %squeeze3A_161, %squeeze3A_7 : f32
    %add3A_416 = arith.addf %add3A_414, %mul3A_415 : f32
    %mul3A_417 = arith.mulf %squeeze3A_163, %squeeze3A_9 : f32
    %add3A_418 = arith.addf %add3A_416, %mul3A_417 : f32
    %mul3A_419 = arith.mulf %squeeze3A_157, %squeeze3A_11 : f32
    %mul3A_420 = arith.mulf %squeeze3A_159, %squeeze3A_13 : f32
    %add3A_421 = arith.addf %mul3A_419, %mul3A_420 : f32
    %mul3A_422 = arith.mulf %squeeze3A_161, %squeeze3A_15 : f32
    %add3A_423 = arith.addf %add3A_421, %mul3A_422 : f32
    %mul3A_424 = arith.mulf %squeeze3A_163, %squeeze3A_17 : f32
    %add3A_425 = arith.addf %add3A_423, %mul3A_424 : f32
    %mul3A_426 = arith.mulf %squeeze3A_165, %squeeze3A : f32
    %mul3A_427 = arith.mulf %squeeze3A_167, %squeeze3A_5 : f32
    %add3A_428 = arith.addf %mul3A_426, %mul3A_427 : f32
    %mul3A_429 = arith.mulf %squeeze3A_169, %squeeze3A_7 : f32
    %add3A_430 = arith.addf %add3A_428, %mul3A_429 : f32
    %mul3A_431 = arith.mulf %squeeze3A_171, %squeeze3A_9 : f32
    %add3A_432 = arith.addf %add3A_430, %mul3A_431 : f32
    %mul3A_433 = arith.mulf %squeeze3A_165, %squeeze3A_11 : f32
    %mul3A_434 = arith.mulf %squeeze3A_167, %squeeze3A_13 : f32
    %add3A_435 = arith.addf %mul3A_433, %mul3A_434 : f32
    %mul3A_436 = arith.mulf %squeeze3A_169, %squeeze3A_15 : f32
    %add3A_437 = arith.addf %add3A_435, %mul3A_436 : f32
    %mul3A_438 = arith.mulf %squeeze3A_171, %squeeze3A_17 : f32
    %add3A_439 = arith.addf %add3A_437, %mul3A_438 : f32
    %mul3A_440 = arith.mulf %squeeze3A_173, %squeeze3A : f32
    %mul3A_441 = arith.mulf %squeeze3A_175, %squeeze3A_5 : f32
    %add3A_442 = arith.addf %mul3A_440, %mul3A_441 : f32
    %mul3A_443 = arith.mulf %squeeze3A_177, %squeeze3A_7 : f32
    %add3A_444 = arith.addf %add3A_442, %mul3A_443 : f32
    %mul3A_445 = arith.mulf %squeeze3A_179, %squeeze3A_9 : f32
    %add3A_446 = arith.addf %add3A_444, %mul3A_445 : f32
    %mul3A_447 = arith.mulf %squeeze3A_173, %squeeze3A_11 : f32
    %mul3A_448 = arith.mulf %squeeze3A_175, %squeeze3A_13 : f32
    %add3A_449 = arith.addf %mul3A_447, %mul3A_448 : f32
    %mul3A_450 = arith.mulf %squeeze3A_177, %squeeze3A_15 : f32
    %add3A_451 = arith.addf %add3A_449, %mul3A_450 : f32
    %mul3A_452 = arith.mulf %squeeze3A_179, %squeeze3A_17 : f32
    %add3A_453 = arith.addf %add3A_451, %mul3A_452 : f32
    %mul3A_454 = arith.mulf %squeeze3A_181, %squeeze3A : f32
    %mul3A_455 = arith.mulf %squeeze3A_183, %squeeze3A_5 : f32
    %add3A_456 = arith.addf %mul3A_454, %mul3A_455 : f32
    %mul3A_457 = arith.mulf %squeeze3A_185, %squeeze3A_7 : f32
    %add3A_458 = arith.addf %add3A_456, %mul3A_457 : f32
    %mul3A_459 = arith.mulf %squeeze3A_187, %squeeze3A_9 : f32
    %add3A_460 = arith.addf %add3A_458, %mul3A_459 : f32
    %mul3A_461 = arith.mulf %squeeze3A_181, %squeeze3A_11 : f32
    %mul3A_462 = arith.mulf %squeeze3A_183, %squeeze3A_13 : f32
    %add3A_463 = arith.addf %mul3A_461, %mul3A_462 : f32
    %mul3A_464 = arith.mulf %squeeze3A_185, %squeeze3A_15 : f32
    %add3A_465 = arith.addf %add3A_463, %mul3A_464 : f32
    %mul3A_466 = arith.mulf %squeeze3A_187, %squeeze3A_17 : f32
    %add3A_467 = arith.addf %add3A_465, %mul3A_466 : f32
    %get3A_468 = arith.constant 0 : index
    %get3A_469 = tpu.vector_load %arg11[%get3A_468] {strides = array<i32>} : memref<16xf32, #tpu.memory_space<vmem>>, vector<16xf32>,
    %slice3A_470 = vector.extract_strided_slice %get3A_469 {offsets = [0], sizes = [1], strides = [1]} : vector<16xf32> to vector<1xf32>
    %squeeze3A_471 = vector.extract %slice3A_470[0] : f32 from vector<1xf32>
    %slice3A_472 = vector.extract_strided_slice %get3A_469 {offsets = [1], sizes = [1], strides = [1]} : vector<16xf32> to vector<1xf32>
    %squeeze3A_473 = vector.extract %slice3A_472[0] : f32 from vector<1xf32>
    %iota3A = tpu.iota {dimensions = array<i32: 0>} : vector<16xi32>
    %broadcast_in_dim3A = arith.constant 1.000000e+00 : f32
    %broadcast_in_dim3A_474 = vector.broadcast %broadcast_in_dim3A : f32 to vector<16xf32>
    %broadcast_in_dim3A_475 = arith.constant 0.000000e+00 : f32
    %broadcast_in_dim3A_476 = vector.broadcast %broadcast_in_dim3A_475 : f32 to vector<16xf32>
    %add3A_477 = arith.constant 0 : i32
    %add3A_478 = vector.broadcast %add3A_477 : i32 to vector<16xi32>
    %add3A_479 = arith.addi %add3A_478, %iota3A : vector<16xi32>
    %add3A_480 = arith.constant 16 : i32
    %add3A_481 = vector.broadcast %add3A_480 : i32 to vector<16xi32>
    %add3A_482 = arith.addi %add3A_481, %iota3A : vector<16xi32>
    %add3A_483 = arith.constant 32 : i32
    %add3A_484 = vector.broadcast %add3A_483 : i32 to vector<16xi32>
    %add3A_485 = arith.addi %add3A_484, %iota3A : vector<16xi32>
    %add3A_486 = arith.constant 48 : i32
    %add3A_487 = vector.broadcast %add3A_486 : i32 to vector<16xi32>
    %add3A_488 = arith.addi %add3A_487, %iota3A : vector<16xi32>
    %add3A_489 = arith.constant 64 : i32
    %add3A_490 = vector.broadcast %add3A_489 : i32 to vector<16xi32>
    %add3A_491 = arith.addi %add3A_490, %iota3A : vector<16xi32>
    %add3A_492 = arith.constant 80 : i32
    %add3A_493 = vector.broadcast %add3A_492 : i32 to vector<16xi32>
    %add3A_494 = arith.addi %add3A_493, %iota3A : vector<16xi32>
    %add3A_495 = arith.constant 96 : i32
    %add3A_496 = vector.broadcast %add3A_495 : i32 to vector<16xi32>
    %add3A_497 = arith.addi %add3A_496, %iota3A : vector<16xi32>
    %add3A_498 = arith.constant 112 : i32
    %add3A_499 = vector.broadcast %add3A_498 : i32 to vector<16xi32>
    %add3A_500 = arith.addi %add3A_499, %iota3A : vector<16xi32>
    %dma_start3A = arith.constant 0 : i32
    %dma_start3A_501 = tpu.memref_slice %arg2[%mul3A_2, %dma_start3A] : memref<16384x200xi32, #tpu.memory_space<hbm>> -> memref<128x200xi32, #tpu.memory_space<hbm>>
    %dma_start3A_502 = arith.constant 0 : i32
    %dma_start3A_503 = tpu.memref_slice %arg2[%mul3A_2, %dma_start3A_502] : memref<16384x200xi32, #tpu.memory_space<hbm>> -> memref<128x200xi32, #tpu.memory_space<hbm>>
    tpu.enqueue_dma source(%dma_start3A_503 : memref<128x200xi32, #tpu.memory_space<hbm>>) target(%arg7 : memref<128x200xi32, #tpu.memory_space<vmem>>) target_semaphore(%arg14 : memref<!tpu.dma_semaphore, #tpu.memory_space<semaphore_mem>>)
    %add3A_504 = arith.constant 128 : i32
    %add3A_505 = arith.addi %mul3A_2, %add3A_504 : i32
    %dma_start3A_506 = arith.constant 0 : i32
    %dma_start3A_507 = tpu.memref_slice %arg2[%add3A_505, %dma_start3A_506] : memref<16384x200xi32, #tpu.memory_space<hbm>> -> memref<128x200xi32, #tpu.memory_space<hbm>>
    %dma_start3A_508 = arith.constant 0 : i32
    %dma_start3A_509 = tpu.memref_slice %arg2[%add3A_505, %dma_start3A_508] : memref<16384x200xi32, #tpu.memory_space<hbm>> -> memref<128x200xi32, #tpu.memory_space<hbm>>
    tpu.enqueue_dma source(%dma_start3A_509 : memref<128x200xi32, #tpu.memory_space<hbm>>) target(%arg8 : memref<128x200xi32, #tpu.memory_space<vmem>>) target_semaphore(%arg15 : memref<!tpu.dma_semaphore, #tpu.memory_space<semaphore_mem>>)
    %dma_wait3A = arith.constant 0 : i32
    %dma_wait3A_510 = tpu.memref_slice %arg2[%mul3A_2, %dma_wait3A] : memref<16384x200xi32, #tpu.memory_space<hbm>> -> memref<128x200xi32, #tpu.memory_space<hbm>>
    %dma_wait3A_511 = arith.constant 0 : i32
    %dma_wait3A_512 = tpu.memref_slice %arg2[%mul3A_2, %dma_wait3A_511] : memref<16384x200xi32, #tpu.memory_space<hbm>> -> memref<128x200xi32, #tpu.memory_space<hbm>>
    tpu.wait_dma2 semaphore(%arg14 : memref<!tpu.dma_semaphore, #tpu.memory_space<semaphore_mem>>) src(%dma_wait3A_512 : memref<128x200xi32, #tpu.memory_space<hbm>>) dst(%arg7 : memref<128x200xi32, #tpu.memory_space<vmem>>)
    %scan3A = arith.constant 0 : i32
    %scan3A_513 = arith.constant 160 : i32
    %scan3A_514 = arith.addi %scan3A, %scan3A_513 : i32
    %scan3A_515 = arith.constant 1 : i32
    scf.for %scan3A_595 = %scan3A to %scan3A_514 step %scan3A_515  : i32 {
      %mul3A_596 = arith.constant 1 : i32
      %mul3A_597 = arith.muli %scan3A_595, %mul3A_596 : i32
      %add3A_598 = arith.constant 0 : i32
      %add3A_599 = arith.addi %add3A_598, %mul3A_597 : i32
      %mul3A_600 = arith.constant 16 : i32
      %mul3A_601 = arith.muli %add3A_599, %mul3A_600 : i32
      %swap3A = arith.index_cast %mul3A_601 : i32 to index
      %swap3A_602 = tpu.vector_load %arg12[%swap3A] {strides = array<i32>} : memref<2560xf32, #tpu.memory_space<vmem>>, vector<16xf32>,
      tpu.vector_store %arg12[%swap3A], %broadcast_in_dim3A_476 {strides = array<i32>} : memref<2560xf32, #tpu.memory_space<vmem>>, vector<16xf32>,
    }
    %scan3A_516 = arith.constant 160 : i32
    %parallel_loop3A = arith.constant 0 : i32
    %parallel_loop3A_517 = arith.constant 200 : i32
    %parallel_loop3A_518 = arith.constant 1 : i32
    scf.for %parallel_loop3A_595 = %parallel_loop3A to %parallel_loop3A_517 step %parallel_loop3A_518  : i32 {
      %parallel_loop3A_596 = vector.broadcast %parallel_loop3A_595 : i32 to vector<16xi32>
      %parallel_loop3A_597 = arith.addi %parallel_loop3A_596, %iota3A : vector<16xi32>
      %parallel_loop3A_598 = arith.constant 200 : i32
      %parallel_loop3A_599 = vector.broadcast %parallel_loop3A_598 : i32 to vector<16xi32>
      %parallel_loop3A_600 = arith.cmpi sge, %parallel_loop3A_597, %parallel_loop3A_599 : vector<16xi32>
      %parallel_loop3A_601 = arith.constant 200 : i32
      %parallel_loop3A_602 = vector.broadcast %parallel_loop3A_601 : i32 to vector<16xi32>
      %parallel_loop3A_603 = arith.subi %parallel_loop3A_597, %parallel_loop3A_602 : vector<16xi32>
      %parallel_loop3A_604 = arith.select %parallel_loop3A_600, %parallel_loop3A_603, %parallel_loop3A_597 : vector<16xi1>, vector<16xi32>
      %parallel_loop3A_605 = tpu.vector_load_idx %arg7[%add3A_479, %parallel_loop3A_604] : memref<128x200xi32, #tpu.memory_space<vmem>>[vector<16xi32>, vector<16xi32>], vector<16xi32>,
      %parallel_loop3A_606 = arith.constant 7 : i32
      %parallel_loop3A_607 = vector.broadcast %parallel_loop3A_606 : i32 to vector<16xi32>
      %parallel_loop3A_608 = arith.shli %parallel_loop3A_605, %parallel_loop3A_607 : vector<16xi32>
      %parallel_loop3A_609 = arith.ori %parallel_loop3A_608, %add3A_479 : vector<16xi32>
      tpu.vector_store_idx %arg12[%parallel_loop3A_609], %broadcast_in_dim3A_474 {add = true} : memref<2560xf32, #tpu.memory_space<vmem>>[vector<16xi32>], vector<16xf32>,
      %parallel_loop3A_610 = tpu.vector_load_idx %arg7[%add3A_482, %parallel_loop3A_604] : memref<128x200xi32, #tpu.memory_space<vmem>>[vector<16xi32>, vector<16xi32>], vector<16xi32>,
      %parallel_loop3A_611 = arith.constant 7 : i32
      %parallel_loop3A_612 = vector.broadcast %parallel_loop3A_611 : i32 to vector<16xi32>
      %parallel_loop3A_613 = arith.shli %parallel_loop3A_610, %parallel_loop3A_612 : vector<16xi32>
      %parallel_loop3A_614 = arith.ori %parallel_loop3A_613, %add3A_482 : vector<16xi32>
      tpu.vector_store_idx %arg12[%parallel_loop3A_614], %broadcast_in_dim3A_474 {add = true} : memref<2560xf32, #tpu.memory_space<vmem>>[vector<16xi32>], vector<16xf32>,
      %parallel_loop3A_615 = tpu.vector_load_idx %arg7[%add3A_485, %parallel_loop3A_604] : memref<128x200xi32, #tpu.memory_space<vmem>>[vector<16xi32>, vector<16xi32>], vector<16xi32>,
      %parallel_loop3A_616 = arith.constant 7 : i32
      %parallel_loop3A_617 = vector.broadcast %parallel_loop3A_616 : i32 to vector<16xi32>
      %parallel_loop3A_618 = arith.shli %parallel_loop3A_615, %parallel_loop3A_617 : vector<16xi32>
      %parallel_loop3A_619 = arith.ori %parallel_loop3A_618, %add3A_485 : vector<16xi32>
      tpu.vector_store_idx %arg12[%parallel_loop3A_619], %broadcast_in_dim3A_474 {add = true} : memref<2560xf32, #tpu.memory_space<vmem>>[vector<16xi32>], vector<16xf32>,
      %parallel_loop3A_620 = tpu.vector_load_idx %arg7[%add3A_488, %parallel_loop3A_604] : memref<128x200xi32, #tpu.memory_space<vmem>>[vector<16xi32>, vector<16xi32>], vector<16xi32>,
      %parallel_loop3A_621 = arith.constant 7 : i32
      %parallel_loop3A_622 = vector.broadcast %parallel_loop3A_621 : i32 to vector<16xi32>
      %parallel_loop3A_623 = arith.shli %parallel_loop3A_620, %parallel_loop3A_622 : vector<16xi32>
      %parallel_loop3A_624 = arith.ori %parallel_loop3A_623, %add3A_488 : vector<16xi32>
      tpu.vector_store_idx %arg12[%parallel_loop3A_624], %broadcast_in_dim3A_474 {add = true} : memref<2560xf32, #tpu.memory_space<vmem>>[vector<16xi32>], vector<16xf32>,
      %parallel_loop3A_625 = tpu.vector_load_idx %arg7[%add3A_491, %parallel_loop3A_604] : memref<128x200xi32, #tpu.memory_space<vmem>>[vector<16xi32>, vector<16xi32>], vector<16xi32>,
      %parallel_loop3A_626 = arith.constant 7 : i32
      %parallel_loop3A_627 = vector.broadcast %parallel_loop3A_626 : i32 to vector<16xi32>
      %parallel_loop3A_628 = arith.shli %parallel_loop3A_625, %parallel_loop3A_627 : vector<16xi32>
      %parallel_loop3A_629 = arith.ori %parallel_loop3A_628, %add3A_491 : vector<16xi32>
      tpu.vector_store_idx %arg12[%parallel_loop3A_629], %broadcast_in_dim3A_474 {add = true} : memref<2560xf32, #tpu.memory_space<vmem>>[vector<16xi32>], vector<16xf32>,
      %parallel_loop3A_630 = tpu.vector_load_idx %arg7[%add3A_494, %parallel_loop3A_604] : memref<128x200xi32, #tpu.memory_space<vmem>>[vector<16xi32>, vector<16xi32>], vector<16xi32>,
      %parallel_loop3A_631 = arith.constant 7 : i32
      %parallel_loop3A_632 = vector.broadcast %parallel_loop3A_631 : i32 to vector<16xi32>
      %parallel_loop3A_633 = arith.shli %parallel_loop3A_630, %parallel_loop3A_632 : vector<16xi32>
      %parallel_loop3A_634 = arith.ori %parallel_loop3A_633, %add3A_494 : vector<16xi32>
      tpu.vector_store_idx %arg12[%parallel_loop3A_634], %broadcast_in_dim3A_474 {add = true} : memref<2560xf32, #tpu.memory_space<vmem>>[vector<16xi32>], vector<16xf32>,
      %parallel_loop3A_635 = tpu.vector_load_idx %arg7[%add3A_497, %parallel_loop3A_604] : memref<128x200xi32, #tpu.memory_space<vmem>>[vector<16xi32>, vector<16xi32>], vector<16xi32>,
      %parallel_loop3A_636 = arith.constant 7 : i32
      %parallel_loop3A_637 = vector.broadcast %parallel_loop3A_636 : i32 to vector<16xi32>
      %parallel_loop3A_638 = arith.shli %parallel_loop3A_635, %parallel_loop3A_637 : vector<16xi32>
      %parallel_loop3A_639 = arith.ori %parallel_loop3A_638, %add3A_497 : vector<16xi32>
      tpu.vector_store_idx %arg12[%parallel_loop3A_639], %broadcast_in_dim3A_474 {add = true} : memref<2560xf32, #tpu.memory_space<vmem>>[vector<16xi32>], vector<16xf32>,
      %parallel_loop3A_640 = tpu.vector_load_idx %arg7[%add3A_500, %parallel_loop3A_604] : memref<128x200xi32, #tpu.memory_space<vmem>>[vector<16xi32>, vector<16xi32>], vector<16xi32>,
      %parallel_loop3A_641 = arith.constant 7 : i32
      %parallel_loop3A_642 = vector.broadcast %parallel_loop3A_641 : i32 to vector<16xi32>
      %parallel_loop3A_643 = arith.shli %parallel_loop3A_640, %parallel_loop3A_642 : vector<16xi32>
      %parallel_loop3A_644 = arith.ori %parallel_loop3A_643, %add3A_500 : vector<16xi32>
      tpu.vector_store_idx %arg12[%parallel_loop3A_644], %broadcast_in_dim3A_474 {add = true} : memref<2560xf32, #tpu.memory_space<vmem>>[vector<16xi32>], vector<16xf32>,
    } {sc.loop_unroll_factor = 1 : i64, sc.parallel_access}
    %scan3A_519 = arith.constant 0 : i32
    %scan3A_520 = arith.constant 8 : i32
    %scan3A_521 = arith.addi %scan3A_519, %scan3A_520 : i32
    %scan3A_522 = arith.constant 1 : i32
    scf.for %scan3A_595 = %scan3A_519 to %scan3A_521 step %scan3A_522  : i32 {
      %mul3A_596 = arith.constant 1 : i32
      %mul3A_597 = arith.muli %scan3A_595, %mul3A_596 : i32
      %add3A_598 = arith.constant 0 : i32
      %add3A_599 = arith.addi %add3A_598, %mul3A_597 : i32
      %broadcast_in_dim3A_600 = arith.constant 0.000000e+00 : f32
      %broadcast_in_dim3A_601 = vector.broadcast %broadcast_in_dim3A_600 : f32 to vector<16xf32>
      %broadcast_in_dim3A_602 = arith.constant 0.000000e+00 : f32
      %broadcast_in_dim3A_603 = vector.broadcast %broadcast_in_dim3A_602 : f32 to vector<16xf32>
      %mul3A_604 = arith.constant 16 : i32
      %mul3A_605 = arith.muli %add3A_599, %mul3A_604 : i32
      %add3A_606 = arith.constant 0 : i32
      %add3A_607 = arith.addi %add3A_606, %mul3A_605 : i32
      %get3A_608 = arith.index_cast %add3A_607 : i32 to index
      %get3A_609 = tpu.vector_load %arg12[%get3A_608] {strides = array<i32>} : memref<2560xf32, #tpu.memory_space<vmem>>, vector<16xf32>,
      %mul3A_610 = vector.broadcast %add3A_194 : f32 to vector<16xf32>
      %mul3A_611 = arith.mulf %get3A_609, %mul3A_610 : vector<16xf32>
      %add3A_612 = arith.addf %broadcast_in_dim3A_601, %mul3A_611 : vector<16xf32>
      %mul3A_613 = vector.broadcast %add3A_201 : f32 to vector<16xf32>
      %mul3A_614 = arith.mulf %get3A_609, %mul3A_613 : vector<16xf32>
      %add3A_615 = arith.addf %broadcast_in_dim3A_603, %mul3A_614 : vector<16xf32>
      %mul3A_616 = arith.constant 16 : i32
      %mul3A_617 = arith.muli %add3A_599, %mul3A_616 : i32
      %add3A_618 = arith.constant 128 : i32
      %add3A_619 = arith.addi %add3A_618, %mul3A_617 : i32
      %get3A_620 = arith.index_cast %add3A_619 : i32 to index
      %get3A_621 = tpu.vector_load %arg12[%get3A_620] {strides = array<i32>} : memref<2560xf32, #tpu.memory_space<vmem>>, vector<16xf32>,
      %mul3A_622 = vector.broadcast %add3A_208 : f32 to vector<16xf32>
      %mul3A_623 = arith.mulf %get3A_621, %mul3A_622 : vector<16xf32>
      %add3A_624 = arith.addf %add3A_612, %mul3A_623 : vector<16xf32>
      %mul3A_625 = vector.broadcast %add3A_215 : f32 to vector<16xf32>
      %mul3A_626 = arith.mulf %get3A_621, %mul3A_625 : vector<16xf32>
      %add3A_627 = arith.addf %add3A_615, %mul3A_626 : vector<16xf32>
      %mul3A_628 = arith.constant 16 : i32
      %mul3A_629 = arith.muli %add3A_599, %mul3A_628 : i32
      %add3A_630 = arith.constant 256 : i32
      %add3A_631 = arith.addi %add3A_630, %mul3A_629 : i32
      %get3A_632 = arith.index_cast %add3A_631 : i32 to index
      %get3A_633 = tpu.vector_load %arg12[%get3A_632] {strides = array<i32>} : memref<2560xf32, #tpu.memory_space<vmem>>, vector<16xf32>,
      %mul3A_634 = vector.broadcast %add3A_222 : f32 to vector<16xf32>
      %mul3A_635 = arith.mulf %get3A_633, %mul3A_634 : vector<16xf32>
      %add3A_636 = arith.addf %add3A_624, %mul3A_635 : vector<16xf32>
      %mul3A_637 = vector.broadcast %add3A_229 : f32 to vector<16xf32>
      %mul3A_638 = arith.mulf %get3A_633, %mul3A_637 : vector<16xf32>
      %add3A_639 = arith.addf %add3A_627, %mul3A_638 : vector<16xf32>
      %mul3A_640 = arith.constant 16 : i32
      %mul3A_641 = arith.muli %add3A_599, %mul3A_640 : i32
      %add3A_642 = arith.constant 384 : i32
      %add3A_643 = arith.addi %add3A_642, %mul3A_641 : i32
      %get3A_644 = arith.index_cast %add3A_643 : i32 to index
      %get3A_645 = tpu.vector_load %arg12[%get3A_644] {strides = array<i32>} : memref<2560xf32, #tpu.memory_space<vmem>>, vector<16xf32>,
      %mul3A_646 = vector.broadcast %add3A_236 : f32 to vector<16xf32>
      %mul3A_647 = arith.mulf %get3A_645, %mul3A_646 : vector<16xf32>
      %add3A_648 = arith.addf %add3A_636, %mul3A_647 : vector<16xf32>
      %mul3A_649 = vector.broadcast %add3A_243 : f32 to vector<16xf32>
      %mul3A_650 = arith.mulf %get3A_645, %mul3A_649 : vector<16xf32>
      %add3A_651 = arith.addf %add3A_639, %mul3A_650 : vector<16xf32>
      %mul3A_652 = arith.constant 16 : i32
      %mul3A_653 = arith.muli %add3A_599, %mul3A_652 : i32
      %add3A_654 = arith.constant 512 : i32
      %add3A_655 = arith.addi %add3A_654, %mul3A_653 : i32
      %get3A_656 = arith.index_cast %add3A_655 : i32 to index
      %get3A_657 = tpu.vector_load %arg12[%get3A_656] {strides = array<i32>} : memref<2560xf32, #tpu.memory_space<vmem>>, vector<16xf32>,
      %mul3A_658 = vector.broadcast %add3A_250 : f32 to vector<16xf32>
      %mul3A_659 = arith.mulf %get3A_657, %mul3A_658 : vector<16xf32>
      %add3A_660 = arith.addf %add3A_648, %mul3A_659 : vector<16xf32>
      %mul3A_661 = vector.broadcast %add3A_257 : f32 to vector<16xf32>
      %mul3A_662 = arith.mulf %get3A_657, %mul3A_661 : vector<16xf32>
      %add3A_663 = arith.addf %add3A_651, %mul3A_662 : vector<16xf32>
      %mul3A_664 = arith.constant 16 : i32
      %mul3A_665 = arith.muli %add3A_599, %mul3A_664 : i32
      %add3A_666 = arith.constant 640 : i32
      %add3A_667 = arith.addi %add3A_666, %mul3A_665 : i32
      %get3A_668 = arith.index_cast %add3A_667 : i32 to index
      %get3A_669 = tpu.vector_load %arg12[%get3A_668] {strides = array<i32>} : memref<2560xf32, #tpu.memory_space<vmem>>, vector<16xf32>,
      %mul3A_670 = vector.broadcast %add3A_264 : f32 to vector<16xf32>
      %mul3A_671 = arith.mulf %get3A_669, %mul3A_670 : vector<16xf32>
      %add3A_672 = arith.addf %add3A_660, %mul3A_671 : vector<16xf32>
      %mul3A_673 = vector.broadcast %add3A_271 : f32 to vector<16xf32>
      %mul3A_674 = arith.mulf %get3A_669, %mul3A_673 : vector<16xf32>
      %add3A_675 = arith.addf %add3A_663, %mul3A_674 : vector<16xf32>
      %mul3A_676 = arith.constant 16 : i32
      %mul3A_677 = arith.muli %add3A_599, %mul3A_676 : i32
      %add3A_678 = arith.constant 768 : i32
      %add3A_679 = arith.addi %add3A_678, %mul3A_677 : i32
      %get3A_680 = arith.index_cast %add3A_679 : i32 to index
      %get3A_681 = tpu.vector_load %arg12[%get3A_680] {strides = array<i32>} : memref<2560xf32, #tpu.memory_space<vmem>>, vector<16xf32>,
      %mul3A_682 = vector.broadcast %add3A_278 : f32 to vector<16xf32>
      %mul3A_683 = arith.mulf %get3A_681, %mul3A_682 : vector<16xf32>
      %add3A_684 = arith.addf %add3A_672, %mul3A_683 : vector<16xf32>
      %mul3A_685 = vector.broadcast %add3A_285 : f32 to vector<16xf32>
      %mul3A_686 = arith.mulf %get3A_681, %mul3A_685 : vector<16xf32>
      %add3A_687 = arith.addf %add3A_675, %mul3A_686 : vector<16xf32>
      %mul3A_688 = arith.constant 16 : i32
      %mul3A_689 = arith.muli %add3A_599, %mul3A_688 : i32
      %add3A_690 = arith.constant 896 : i32
      %add3A_691 = arith.addi %add3A_690, %mul3A_689 : i32
      %get3A_692 = arith.index_cast %add3A_691 : i32 to index
      %get3A_693 = tpu.vector_load %arg12[%get3A_692] {strides = array<i32>} : memref<2560xf32, #tpu.memory_space<vmem>>, vector<16xf32>,
      %mul3A_694 = vector.broadcast %add3A_292 : f32 to vector<16xf32>
      %mul3A_695 = arith.mulf %get3A_693, %mul3A_694 : vector<16xf32>
      %add3A_696 = arith.addf %add3A_684, %mul3A_695 : vector<16xf32>
      %mul3A_697 = vector.broadcast %add3A_299 : f32 to vector<16xf32>
      %mul3A_698 = arith.mulf %get3A_693, %mul3A_697 : vector<16xf32>
      %add3A_699 = arith.addf %add3A_687, %mul3A_698 : vector<16xf32>
      %mul3A_700 = arith.constant 16 : i32
      %mul3A_701 = arith.muli %add3A_599, %mul3A_700 : i32
      %add3A_702 = arith.constant 1024 : i32
      %add3A_703 = arith.addi %add3A_702, %mul3A_701 : i32
      %get3A_704 = arith.index_cast %add3A_703 : i32 to index
      %get3A_705 = tpu.vector_load %arg12[%get3A_704] {strides = array<i32>} : memref<2560xf32, #tpu.memory_space<vmem>>, vector<16xf32>,
      %mul3A_706 = vector.broadcast %add3A_306 : f32 to vector<16xf32>
      %mul3A_707 = arith.mulf %get3A_705, %mul3A_706 : vector<16xf32>
      %add3A_708 = arith.addf %add3A_696, %mul3A_707 : vector<16xf32>
      %mul3A_709 = vector.broadcast %add3A_313 : f32 to vector<16xf32>
      %mul3A_710 = arith.mulf %get3A_705, %mul3A_709 : vector<16xf32>
      %add3A_711 = arith.addf %add3A_699, %mul3A_710 : vector<16xf32>
      %mul3A_712 = arith.constant 16 : i32
      %mul3A_713 = arith.muli %add3A_599, %mul3A_712 : i32
      %add3A_714 = arith.constant 1152 : i32
      %add3A_715 = arith.addi %add3A_714, %mul3A_713 : i32
      %get3A_716 = arith.index_cast %add3A_715 : i32 to index
      %get3A_717 = tpu.vector_load %arg12[%get3A_716] {strides = array<i32>} : memref<2560xf32, #tpu.memory_space<vmem>>, vector<16xf32>,
      %mul3A_718 = vector.broadcast %add3A_320 : f32 to vector<16xf32>
      %mul3A_719 = arith.mulf %get3A_717, %mul3A_718 : vector<16xf32>
      %add3A_720 = arith.addf %add3A_708, %mul3A_719 : vector<16xf32>
      %mul3A_721 = vector.broadcast %add3A_327 : f32 to vector<16xf32>
      %mul3A_722 = arith.mulf %get3A_717, %mul3A_721 : vector<16xf32>
      %add3A_723 = arith.addf %add3A_711, %mul3A_722 : vector<16xf32>
      %mul3A_724 = arith.constant 16 : i32
      %mul3A_725 = arith.muli %add3A_599, %mul3A_724 : i32
      %add3A_726 = arith.constant 1280 : i32
      %add3A_727 = arith.addi %add3A_726, %mul3A_725 : i32
      %get3A_728 = arith.index_cast %add3A_727 : i32 to index
      %get3A_729 = tpu.vector_load %arg12[%get3A_728] {strides = array<i32>} : memref<2560xf32, #tpu.memory_space<vmem>>, vector<16xf32>,
      %mul3A_730 = vector.broadcast %add3A_334 : f32 to vector<16xf32>
      %mul3A_731 = arith.mulf %get3A_729, %mul3A_730 : vector<16xf32>
      %add3A_732 = arith.addf %add3A_720, %mul3A_731 : vector<16xf32>
      %mul3A_733 = vector.broadcast %add3A_341 : f32 to vector<16xf32>
      %mul3A_734 = arith.mulf %get3A_729, %mul3A_733 : vector<16xf32>
      %add3A_735 = arith.addf %add3A_723, %mul3A_734 : vector<16xf32>
      %mul3A_736 = arith.constant 16 : i32
      %mul3A_737 = arith.muli %add3A_599, %mul3A_736 : i32
      %add3A_738 = arith.constant 1408 : i32
      %add3A_739 = arith.addi %add3A_738, %mul3A_737 : i32
      %get3A_740 = arith.index_cast %add3A_739 : i32 to index
      %get3A_741 = tpu.vector_load %arg12[%get3A_740] {strides = array<i32>} : memref<2560xf32, #tpu.memory_space<vmem>>, vector<16xf32>,
      %mul3A_742 = vector.broadcast %add3A_348 : f32 to vector<16xf32>
      %mul3A_743 = arith.mulf %get3A_741, %mul3A_742 : vector<16xf32>
      %add3A_744 = arith.addf %add3A_732, %mul3A_743 : vector<16xf32>
      %mul3A_745 = vector.broadcast %add3A_355 : f32 to vector<16xf32>
      %mul3A_746 = arith.mulf %get3A_741, %mul3A_745 : vector<16xf32>
      %add3A_747 = arith.addf %add3A_735, %mul3A_746 : vector<16xf32>
      %mul3A_748 = arith.constant 16 : i32
      %mul3A_749 = arith.muli %add3A_599, %mul3A_748 : i32
      %add3A_750 = arith.constant 1536 : i32
      %add3A_751 = arith.addi %add3A_750, %mul3A_749 : i32
      %get3A_752 = arith.index_cast %add3A_751 : i32 to index
      %get3A_753 = tpu.vector_load %arg12[%get3A_752] {strides = array<i32>} : memref<2560xf32, #tpu.memory_space<vmem>>, vector<16xf32>,
      %mul3A_754 = vector.broadcast %add3A_362 : f32 to vector<16xf32>
      %mul3A_755 = arith.mulf %get3A_753, %mul3A_754 : vector<16xf32>
      %add3A_756 = arith.addf %add3A_744, %mul3A_755 : vector<16xf32>
      %mul3A_757 = vector.broadcast %add3A_369 : f32 to vector<16xf32>
      %mul3A_758 = arith.mulf %get3A_753, %mul3A_757 : vector<16xf32>
      %add3A_759 = arith.addf %add3A_747, %mul3A_758 : vector<16xf32>
      %mul3A_760 = arith.constant 16 : i32
      %mul3A_761 = arith.muli %add3A_599, %mul3A_760 : i32
      %add3A_762 = arith.constant 1664 : i32
      %add3A_763 = arith.addi %add3A_762, %mul3A_761 : i32
      %get3A_764 = arith.index_cast %add3A_763 : i32 to index
      %get3A_765 = tpu.vector_load %arg12[%get3A_764] {strides = array<i32>} : memref<2560xf32, #tpu.memory_space<vmem>>, vector<16xf32>,
      %mul3A_766 = vector.broadcast %add3A_376 : f32 to vector<16xf32>
      %mul3A_767 = arith.mulf %get3A_765, %mul3A_766 : vector<16xf32>
      %add3A_768 = arith.addf %add3A_756, %mul3A_767 : vector<16xf32>
      %mul3A_769 = vector.broadcast %add3A_383 : f32 to vector<16xf32>
      %mul3A_770 = arith.mulf %get3A_765, %mul3A_769 : vector<16xf32>
      %add3A_771 = arith.addf %add3A_759, %mul3A_770 : vector<16xf32>
      %mul3A_772 = arith.constant 16 : i32
      %mul3A_773 = arith.muli %add3A_599, %mul3A_772 : i32
      %add3A_774 = arith.constant 1792 : i32
      %add3A_775 = arith.addi %add3A_774, %mul3A_773 : i32
      %get3A_776 = arith.index_cast %add3A_775 : i32 to index
      %get3A_777 = tpu.vector_load %arg12[%get3A_776] {strides = array<i32>} : memref<2560xf32, #tpu.memory_space<vmem>>, vector<16xf32>,
      %mul3A_778 = vector.broadcast %add3A_390 : f32 to vector<16xf32>
      %mul3A_779 = arith.mulf %get3A_777, %mul3A_778 : vector<16xf32>
      %add3A_780 = arith.addf %add3A_768, %mul3A_779 : vector<16xf32>
      %mul3A_781 = vector.broadcast %add3A_397 : f32 to vector<16xf32>
      %mul3A_782 = arith.mulf %get3A_777, %mul3A_781 : vector<16xf32>
      %add3A_783 = arith.addf %add3A_771, %mul3A_782 : vector<16xf32>
      %mul3A_784 = arith.constant 16 : i32
      %mul3A_785 = arith.muli %add3A_599, %mul3A_784 : i32
      %add3A_786 = arith.constant 1920 : i32
      %add3A_787 = arith.addi %add3A_786, %mul3A_785 : i32
      %get3A_788 = arith.index_cast %add3A_787 : i32 to index
      %get3A_789 = tpu.vector_load %arg12[%get3A_788] {strides = array<i32>} : memref<2560xf32, #tpu.memory_space<vmem>>, vector<16xf32>,
      %mul3A_790 = vector.broadcast %add3A_404 : f32 to vector<16xf32>
      %mul3A_791 = arith.mulf %get3A_789, %mul3A_790 : vector<16xf32>
      %add3A_792 = arith.addf %add3A_780, %mul3A_791 : vector<16xf32>
      %mul3A_793 = vector.broadcast %add3A_411 : f32 to vector<16xf32>
      %mul3A_794 = arith.mulf %get3A_789, %mul3A_793 : vector<16xf32>
      %add3A_795 = arith.addf %add3A_783, %mul3A_794 : vector<16xf32>
      %mul3A_796 = arith.constant 16 : i32
      %mul3A_797 = arith.muli %add3A_599, %mul3A_796 : i32
      %add3A_798 = arith.constant 2048 : i32
      %add3A_799 = arith.addi %add3A_798, %mul3A_797 : i32
      %get3A_800 = arith.index_cast %add3A_799 : i32 to index
      %get3A_801 = tpu.vector_load %arg12[%get3A_800] {strides = array<i32>} : memref<2560xf32, #tpu.memory_space<vmem>>, vector<16xf32>,
      %mul3A_802 = vector.broadcast %add3A_418 : f32 to vector<16xf32>
      %mul3A_803 = arith.mulf %get3A_801, %mul3A_802 : vector<16xf32>
      %add3A_804 = arith.addf %add3A_792, %mul3A_803 : vector<16xf32>
      %mul3A_805 = vector.broadcast %add3A_425 : f32 to vector<16xf32>
      %mul3A_806 = arith.mulf %get3A_801, %mul3A_805 : vector<16xf32>
      %add3A_807 = arith.addf %add3A_795, %mul3A_806 : vector<16xf32>
      %mul3A_808 = arith.constant 16 : i32
      %mul3A_809 = arith.muli %add3A_599, %mul3A_808 : i32
      %add3A_810 = arith.constant 2176 : i32
      %add3A_811 = arith.addi %add3A_810, %mul3A_809 : i32
      %get3A_812 = arith.index_cast %add3A_811 : i32 to index
      %get3A_813 = tpu.vector_load %arg12[%get3A_812] {strides = array<i32>} : memref<2560xf32, #tpu.memory_space<vmem>>, vector<16xf32>,
      %mul3A_814 = vector.broadcast %add3A_432 : f32 to vector<16xf32>
      %mul3A_815 = arith.mulf %get3A_813, %mul3A_814 : vector<16xf32>
      %add3A_816 = arith.addf %add3A_804, %mul3A_815 : vector<16xf32>
      %mul3A_817 = vector.broadcast %add3A_439 : f32 to vector<16xf32>
      %mul3A_818 = arith.mulf %get3A_813, %mul3A_817 : vector<16xf32>
      %add3A_819 = arith.addf %add3A_807, %mul3A_818 : vector<16xf32>
      %mul3A_820 = arith.constant 16 : i32
      %mul3A_821 = arith.muli %add3A_599, %mul3A_820 : i32
      %add3A_822 = arith.constant 2304 : i32
      %add3A_823 = arith.addi %add3A_822, %mul3A_821 : i32
      %get3A_824 = arith.index_cast %add3A_823 : i32 to index
      %get3A_825 = tpu.vector_load %arg12[%get3A_824] {strides = array<i32>} : memref<2560xf32, #tpu.memory_space<vmem>>, vector<16xf32>,
      %mul3A_826 = vector.broadcast %add3A_446 : f32 to vector<16xf32>
      %mul3A_827 = arith.mulf %get3A_825, %mul3A_826 : vector<16xf32>
      %add3A_828 = arith.addf %add3A_816, %mul3A_827 : vector<16xf32>
      %mul3A_829 = vector.broadcast %add3A_453 : f32 to vector<16xf32>
      %mul3A_830 = arith.mulf %get3A_825, %mul3A_829 : vector<16xf32>
      %add3A_831 = arith.addf %add3A_819, %mul3A_830 : vector<16xf32>
      %mul3A_832 = arith.constant 16 : i32
      %mul3A_833 = arith.muli %add3A_599, %mul3A_832 : i32
      %add3A_834 = arith.constant 2432 : i32
      %add3A_835 = arith.addi %add3A_834, %mul3A_833 : i32
      %get3A_836 = arith.index_cast %add3A_835 : i32 to index
      %get3A_837 = tpu.vector_load %arg12[%get3A_836] {strides = array<i32>} : memref<2560xf32, #tpu.memory_space<vmem>>, vector<16xf32>,
      %mul3A_838 = vector.broadcast %add3A_460 : f32 to vector<16xf32>
      %mul3A_839 = arith.mulf %get3A_837, %mul3A_838 : vector<16xf32>
      %add3A_840 = arith.addf %add3A_828, %mul3A_839 : vector<16xf32>
      %mul3A_841 = vector.broadcast %add3A_467 : f32 to vector<16xf32>
      %mul3A_842 = arith.mulf %get3A_837, %mul3A_841 : vector<16xf32>
      %add3A_843 = arith.addf %add3A_831, %mul3A_842 : vector<16xf32>
      %mul3A_844 = arith.constant 5.000000e-03 : f32
      %mul3A_845 = vector.broadcast %mul3A_844 : f32 to vector<16xf32>
      %mul3A_846 = arith.mulf %add3A_840, %mul3A_845 : vector<16xf32>
      %add3A_847 = vector.broadcast %squeeze3A_471 : f32 to vector<16xf32>
      %add3A_848 = arith.addf %mul3A_846, %add3A_847 : vector<16xf32>
      %mul3A_849 = arith.constant 16 : i32
      %mul3A_850 = arith.muli %add3A_599, %mul3A_849 : i32
      %swap3A = arith.constant 0 : i32
      %swap3A_851 = arith.index_cast %swap3A : i32 to index
      %swap3A_852 = arith.index_cast %mul3A_850 : i32 to index
      %swap3A_853 = tpu.vector_load %arg13[%swap3A_851, %swap3A_852] {strides = array<i32>} : memref<2x128xf32, #tpu.memory_space<vmem>>, vector<16xf32>,
      tpu.vector_store %arg13[%swap3A_851, %swap3A_852], %add3A_848 {strides = array<i32>} : memref<2x128xf32, #tpu.memory_space<vmem>>, vector<16xf32>,
      %mul3A_854 = arith.constant 5.000000e-03 : f32
      %mul3A_855 = vector.broadcast %mul3A_854 : f32 to vector<16xf32>
      %mul3A_856 = arith.mulf %add3A_843, %mul3A_855 : vector<16xf32>
      %add3A_857 = vector.broadcast %squeeze3A_473 : f32 to vector<16xf32>
      %add3A_858 = arith.addf %mul3A_856, %add3A_857 : vector<16xf32>
      %mul3A_859 = arith.constant 16 : i32
      %mul3A_860 = arith.muli %add3A_599, %mul3A_859 : i32
      %swap3A_861 = arith.constant 1 : i32
      %swap3A_862 = arith.index_cast %swap3A_861 : i32 to index
      %swap3A_863 = arith.index_cast %mul3A_860 : i32 to index
      %swap3A_864 = tpu.vector_load %arg13[%swap3A_862, %swap3A_863] {strides = array<i32>} : memref<2x128xf32, #tpu.memory_space<vmem>>, vector<16xf32>,
      tpu.vector_store %arg13[%swap3A_862, %swap3A_863], %add3A_858 {strides = array<i32>} : memref<2x128xf32, #tpu.memory_space<vmem>>, vector<16xf32>,
    }
    %scan3A_523 = arith.constant 8 : i32
    %add3A_524 = arith.constant 0 : i32
    %add3A_525 = arith.addi %mul3A_2, %add3A_524 : i32
    "tpu.region"() ({
      %run_scoped3A = tpu.sem_alloc : memref<!tpu.dma_semaphore, #tpu.memory_space<semaphore_mem>>
      %dma_start3A_595 = arith.constant 0 : i32
      %dma_start3A_596 = tpu.memref_slice %arg6[%dma_start3A_595, %add3A_525] : memref<2x16384xf32, #tpu.memory_space<hbm>> -> memref<2x128xf32, #tpu.memory_space<hbm>>
      %dma_start3A_597 = arith.constant 0 : i32
      %dma_start3A_598 = tpu.memref_slice %arg6[%dma_start3A_597, %add3A_525] : memref<2x16384xf32, #tpu.memory_space<hbm>> -> memref<2x128xf32, #tpu.memory_space<hbm>>
      tpu.enqueue_dma source(%arg13 : memref<2x128xf32, #tpu.memory_space<vmem>>) target(%dma_start3A_598 : memref<2x128xf32, #tpu.memory_space<hbm>>) target_semaphore(%run_scoped3A : memref<!tpu.dma_semaphore, #tpu.memory_space<semaphore_mem>>)
      %dma_wait3A_599 = arith.constant 0 : i32
      %dma_wait3A_600 = tpu.memref_slice %arg6[%dma_wait3A_599, %add3A_525] : memref<2x16384xf32, #tpu.memory_space<hbm>> -> memref<2x128xf32, #tpu.memory_space<hbm>>
      %dma_wait3A_601 = arith.constant 0 : i32
      %dma_wait3A_602 = tpu.memref_slice %arg6[%dma_wait3A_601, %add3A_525] : memref<2x16384xf32, #tpu.memory_space<hbm>> -> memref<2x128xf32, #tpu.memory_space<hbm>>
      tpu.wait_dma2 semaphore(%run_scoped3A : memref<!tpu.dma_semaphore, #tpu.memory_space<semaphore_mem>>) src(%arg13 : memref<2x128xf32, #tpu.memory_space<vmem>>) dst(%dma_wait3A_602 : memref<2x128xf32, #tpu.memory_space<hbm>>)
      tpu.yield
    }) : () -> ()
    %add3A_526 = arith.constant 256 : i32
    %add3A_527 = arith.addi %mul3A_2, %add3A_526 : i32
    %dma_start3A_528 = arith.constant 0 : i32
    %dma_start3A_529 = tpu.memref_slice %arg2[%add3A_527, %dma_start3A_528] : memref<16384x200xi32, #tpu.memory_space<hbm>> -> memref<128x200xi32, #tpu.memory_space<hbm>>
    %dma_start3A_530 = arith.constant 0 : i32
    %dma_start3A_531 = tpu.memref_slice %arg2[%add3A_527, %dma_start3A_530] : memref<16384x200xi32, #tpu.memory_space<hbm>> -> memref<128x200xi32, #tpu.memory_space<hbm>>
    tpu.enqueue_dma source(%dma_start3A_531 : memref<128x200xi32, #tpu.memory_space<hbm>>) target(%arg7 : memref<128x200xi32, #tpu.memory_space<vmem>>) target_semaphore(%arg14 : memref<!tpu.dma_semaphore, #tpu.memory_space<semaphore_mem>>)
    %dma_wait3A_532 = arith.constant 0 : i32
    %dma_wait3A_533 = tpu.memref_slice %arg2[%add3A_505, %dma_wait3A_532] : memref<16384x200xi32, #tpu.memory_space<hbm>> -> memref<128x200xi32, #tpu.memory_space<hbm>>
    %dma_wait3A_534 = arith.constant 0 : i32
    %dma_wait3A_535 = tpu.memref_slice %arg2[%add3A_505, %dma_wait3A_534] : memref<16384x200xi32, #tpu.memory_space<hbm>> -> memref<128x200xi32, #tpu.memory_space<hbm>>
    tpu.wait_dma2 semaphore(%arg15 : memref<!tpu.dma_semaphore, #tpu.memory_space<semaphore_mem>>) src(%dma_wait3A_535 : memref<128x200xi32, #tpu.memory_space<hbm>>) dst(%arg8 : memref<128x200xi32, #tpu.memory_space<vmem>>)
    %scan3A_536 = arith.constant 0 : i32
    %scan3A_537 = arith.constant 160 : i32
    %scan3A_538 = arith.addi %scan3A_536, %scan3A_537 : i32
    %scan3A_539 = arith.constant 1 : i32
    scf.for %scan3A_595 = %scan3A_536 to %scan3A_538 step %scan3A_539  : i32 {
      %mul3A_596 = arith.constant 1 : i32
      %mul3A_597 = arith.muli %scan3A_595, %mul3A_596 : i32
      %add3A_598 = arith.constant 0 : i32
      %add3A_599 = arith.addi %add3A_598, %mul3A_597 : i32
      %mul3A_600 = arith.constant 16 : i32
      %mul3A_601 = arith.muli %add3A_599, %mul3A_600 : i32
      %swap3A = arith.index_cast %mul3A_601 : i32 to index
      %swap3A_602 = tpu.vector_load %arg12[%swap3A] {strides = array<i32>} : memref<2560xf32, #tpu.memory_space<vmem>>, vector<16xf32>,
      tpu.vector_store %arg12[%swap3A], %broadcast_in_dim3A_476 {strides = array<i32>} : memref<2560xf32, #tpu.memory_space<vmem>>, vector<16xf32>,
    }
    %scan3A_540 = arith.constant 160 : i32
    %parallel_loop3A_541 = arith.constant 0 : i32
    %parallel_loop3A_542 = arith.constant 200 : i32
    %parallel_loop3A_543 = arith.constant 1 : i32
    scf.for %parallel_loop3A_595 = %parallel_loop3A_541 to %parallel_loop3A_542 step %parallel_loop3A_543  : i32 {
      %parallel_loop3A_596 = vector.broadcast %parallel_loop3A_595 : i32 to vector<16xi32>
      %parallel_loop3A_597 = arith.addi %parallel_loop3A_596, %iota3A : vector<16xi32>
      %parallel_loop3A_598 = arith.constant 200 : i32
      %parallel_loop3A_599 = vector.broadcast %parallel_loop3A_598 : i32 to vector<16xi32>
      %parallel_loop3A_600 = arith.cmpi sge, %parallel_loop3A_597, %parallel_loop3A_599 : vector<16xi32>
      %parallel_loop3A_601 = arith.constant 200 : i32
      %parallel_loop3A_602 = vector.broadcast %parallel_loop3A_601 : i32 to vector<16xi32>
      %parallel_loop3A_603 = arith.subi %parallel_loop3A_597, %parallel_loop3A_602 : vector<16xi32>
      %parallel_loop3A_604 = arith.select %parallel_loop3A_600, %parallel_loop3A_603, %parallel_loop3A_597 : vector<16xi1>, vector<16xi32>
      %parallel_loop3A_605 = tpu.vector_load_idx %arg8[%add3A_479, %parallel_loop3A_604] : memref<128x200xi32, #tpu.memory_space<vmem>>[vector<16xi32>, vector<16xi32>], vector<16xi32>,
      %parallel_loop3A_606 = arith.constant 7 : i32
      %parallel_loop3A_607 = vector.broadcast %parallel_loop3A_606 : i32 to vector<16xi32>
      %parallel_loop3A_608 = arith.shli %parallel_loop3A_605, %parallel_loop3A_607 : vector<16xi32>
      %parallel_loop3A_609 = arith.ori %parallel_loop3A_608, %add3A_479 : vector<16xi32>
      tpu.vector_store_idx %arg12[%parallel_loop3A_609], %broadcast_in_dim3A_474 {add = true} : memref<2560xf32, #tpu.memory_space<vmem>>[vector<16xi32>], vector<16xf32>,
      %parallel_loop3A_610 = tpu.vector_load_idx %arg8[%add3A_482, %parallel_loop3A_604] : memref<128x200xi32, #tpu.memory_space<vmem>>[vector<16xi32>, vector<16xi32>], vector<16xi32>,
      %parallel_loop3A_611 = arith.constant 7 : i32
      %parallel_loop3A_612 = vector.broadcast %parallel_loop3A_611 : i32 to vector<16xi32>
      %parallel_loop3A_613 = arith.shli %parallel_loop3A_610, %parallel_loop3A_612 : vector<16xi32>
      %parallel_loop3A_614 = arith.ori %parallel_loop3A_613, %add3A_482 : vector<16xi32>
      tpu.vector_store_idx %arg12[%parallel_loop3A_614], %broadcast_in_dim3A_474 {add = true} : memref<2560xf32, #tpu.memory_space<vmem>>[vector<16xi32>], vector<16xf32>,
      %parallel_loop3A_615 = tpu.vector_load_idx %arg8[%add3A_485, %parallel_loop3A_604] : memref<128x200xi32, #tpu.memory_space<vmem>>[vector<16xi32>, vector<16xi32>], vector<16xi32>,
      %parallel_loop3A_616 = arith.constant 7 : i32
      %parallel_loop3A_617 = vector.broadcast %parallel_loop3A_616 : i32 to vector<16xi32>
      %parallel_loop3A_618 = arith.shli %parallel_loop3A_615, %parallel_loop3A_617 : vector<16xi32>
      %parallel_loop3A_619 = arith.ori %parallel_loop3A_618, %add3A_485 : vector<16xi32>
      tpu.vector_store_idx %arg12[%parallel_loop3A_619], %broadcast_in_dim3A_474 {add = true} : memref<2560xf32, #tpu.memory_space<vmem>>[vector<16xi32>], vector<16xf32>,
      %parallel_loop3A_620 = tpu.vector_load_idx %arg8[%add3A_488, %parallel_loop3A_604] : memref<128x200xi32, #tpu.memory_space<vmem>>[vector<16xi32>, vector<16xi32>], vector<16xi32>,
      %parallel_loop3A_621 = arith.constant 7 : i32
      %parallel_loop3A_622 = vector.broadcast %parallel_loop3A_621 : i32 to vector<16xi32>
      %parallel_loop3A_623 = arith.shli %parallel_loop3A_620, %parallel_loop3A_622 : vector<16xi32>
      %parallel_loop3A_624 = arith.ori %parallel_loop3A_623, %add3A_488 : vector<16xi32>
      tpu.vector_store_idx %arg12[%parallel_loop3A_624], %broadcast_in_dim3A_474 {add = true} : memref<2560xf32, #tpu.memory_space<vmem>>[vector<16xi32>], vector<16xf32>,
      %parallel_loop3A_625 = tpu.vector_load_idx %arg8[%add3A_491, %parallel_loop3A_604] : memref<128x200xi32, #tpu.memory_space<vmem>>[vector<16xi32>, vector<16xi32>], vector<16xi32>,
      %parallel_loop3A_626 = arith.constant 7 : i32
      %parallel_loop3A_627 = vector.broadcast %parallel_loop3A_626 : i32 to vector<16xi32>
      %parallel_loop3A_628 = arith.shli %parallel_loop3A_625, %parallel_loop3A_627 : vector<16xi32>
      %parallel_loop3A_629 = arith.ori %parallel_loop3A_628, %add3A_491 : vector<16xi32>
      tpu.vector_store_idx %arg12[%parallel_loop3A_629], %broadcast_in_dim3A_474 {add = true} : memref<2560xf32, #tpu.memory_space<vmem>>[vector<16xi32>], vector<16xf32>,
      %parallel_loop3A_630 = tpu.vector_load_idx %arg8[%add3A_494, %parallel_loop3A_604] : memref<128x200xi32, #tpu.memory_space<vmem>>[vector<16xi32>, vector<16xi32>], vector<16xi32>,
      %parallel_loop3A_631 = arith.constant 7 : i32
      %parallel_loop3A_632 = vector.broadcast %parallel_loop3A_631 : i32 to vector<16xi32>
      %parallel_loop3A_633 = arith.shli %parallel_loop3A_630, %parallel_loop3A_632 : vector<16xi32>
      %parallel_loop3A_634 = arith.ori %parallel_loop3A_633, %add3A_494 : vector<16xi32>
      tpu.vector_store_idx %arg12[%parallel_loop3A_634], %broadcast_in_dim3A_474 {add = true} : memref<2560xf32, #tpu.memory_space<vmem>>[vector<16xi32>], vector<16xf32>,
      %parallel_loop3A_635 = tpu.vector_load_idx %arg8[%add3A_497, %parallel_loop3A_604] : memref<128x200xi32, #tpu.memory_space<vmem>>[vector<16xi32>, vector<16xi32>], vector<16xi32>,
      %parallel_loop3A_636 = arith.constant 7 : i32
      %parallel_loop3A_637 = vector.broadcast %parallel_loop3A_636 : i32 to vector<16xi32>
      %parallel_loop3A_638 = arith.shli %parallel_loop3A_635, %parallel_loop3A_637 : vector<16xi32>
      %parallel_loop3A_639 = arith.ori %parallel_loop3A_638, %add3A_497 : vector<16xi32>
      tpu.vector_store_idx %arg12[%parallel_loop3A_639], %broadcast_in_dim3A_474 {add = true} : memref<2560xf32, #tpu.memory_space<vmem>>[vector<16xi32>], vector<16xf32>,
      %parallel_loop3A_640 = tpu.vector_load_idx %arg8[%add3A_500, %parallel_loop3A_604] : memref<128x200xi32, #tpu.memory_space<vmem>>[vector<16xi32>, vector<16xi32>], vector<16xi32>,
      %parallel_loop3A_641 = arith.constant 7 : i32
      %parallel_loop3A_642 = vector.broadcast %parallel_loop3A_641 : i32 to vector<16xi32>
      %parallel_loop3A_643 = arith.shli %parallel_loop3A_640, %parallel_loop3A_642 : vector<16xi32>
      %parallel_loop3A_644 = arith.ori %parallel_loop3A_643, %add3A_500 : vector<16xi32>
      tpu.vector_store_idx %arg12[%parallel_loop3A_644], %broadcast_in_dim3A_474 {add = true} : memref<2560xf32, #tpu.memory_space<vmem>>[vector<16xi32>], vector<16xf32>,
    } {sc.loop_unroll_factor = 1 : i64, sc.parallel_access}
    %scan3A_544 = arith.constant 0 : i32
    %scan3A_545 = arith.constant 8 : i32
    %scan3A_546 = arith.addi %scan3A_544, %scan3A_545 : i32
    %scan3A_547 = arith.constant 1 : i32
    scf.for %scan3A_595 = %scan3A_544 to %scan3A_546 step %scan3A_547  : i32 {
      %mul3A_596 = arith.constant 1 : i32
      %mul3A_597 = arith.muli %scan3A_595, %mul3A_596 : i32
      %add3A_598 = arith.constant 0 : i32
      %add3A_599 = arith.addi %add3A_598, %mul3A_597 : i32
      %broadcast_in_dim3A_600 = arith.constant 0.000000e+00 : f32
      %broadcast_in_dim3A_601 = vector.broadcast %broadcast_in_dim3A_600 : f32 to vector<16xf32>
      %broadcast_in_dim3A_602 = arith.constant 0.000000e+00 : f32
      %broadcast_in_dim3A_603 = vector.broadcast %broadcast_in_dim3A_602 : f32 to vector<16xf32>
      %mul3A_604 = arith.constant 16 : i32
      %mul3A_605 = arith.muli %add3A_599, %mul3A_604 : i32
      %add3A_606 = arith.constant 0 : i32
      %add3A_607 = arith.addi %add3A_606, %mul3A_605 : i32
      %get3A_608 = arith.index_cast %add3A_607 : i32 to index
      %get3A_609 = tpu.vector_load %arg12[%get3A_608] {strides = array<i32>} : memref<2560xf32, #tpu.memory_space<vmem>>, vector<16xf32>,
      %mul3A_610 = vector.broadcast %add3A_194 : f32 to vector<16xf32>
      %mul3A_611 = arith.mulf %get3A_609, %mul3A_610 : vector<16xf32>
      %add3A_612 = arith.addf %broadcast_in_dim3A_601, %mul3A_611 : vector<16xf32>
      %mul3A_613 = vector.broadcast %add3A_201 : f32 to vector<16xf32>
      %mul3A_614 = arith.mulf %get3A_609, %mul3A_613 : vector<16xf32>
      %add3A_615 = arith.addf %broadcast_in_dim3A_603, %mul3A_614 : vector<16xf32>
      %mul3A_616 = arith.constant 16 : i32
      %mul3A_617 = arith.muli %add3A_599, %mul3A_616 : i32
      %add3A_618 = arith.constant 128 : i32
      %add3A_619 = arith.addi %add3A_618, %mul3A_617 : i32
      %get3A_620 = arith.index_cast %add3A_619 : i32 to index
      %get3A_621 = tpu.vector_load %arg12[%get3A_620] {strides = array<i32>} : memref<2560xf32, #tpu.memory_space<vmem>>, vector<16xf32>,
      %mul3A_622 = vector.broadcast %add3A_208 : f32 to vector<16xf32>
      %mul3A_623 = arith.mulf %get3A_621, %mul3A_622 : vector<16xf32>
      %add3A_624 = arith.addf %add3A_612, %mul3A_623 : vector<16xf32>
      %mul3A_625 = vector.broadcast %add3A_215 : f32 to vector<16xf32>
      %mul3A_626 = arith.mulf %get3A_621, %mul3A_625 : vector<16xf32>
      %add3A_627 = arith.addf %add3A_615, %mul3A_626 : vector<16xf32>
      %mul3A_628 = arith.constant 16 : i32
      %mul3A_629 = arith.muli %add3A_599, %mul3A_628 : i32
      %add3A_630 = arith.constant 256 : i32
      %add3A_631 = arith.addi %add3A_630, %mul3A_629 : i32
      %get3A_632 = arith.index_cast %add3A_631 : i32 to index
      %get3A_633 = tpu.vector_load %arg12[%get3A_632] {strides = array<i32>} : memref<2560xf32, #tpu.memory_space<vmem>>, vector<16xf32>,
      %mul3A_634 = vector.broadcast %add3A_222 : f32 to vector<16xf32>
      %mul3A_635 = arith.mulf %get3A_633, %mul3A_634 : vector<16xf32>
      %add3A_636 = arith.addf %add3A_624, %mul3A_635 : vector<16xf32>
      %mul3A_637 = vector.broadcast %add3A_229 : f32 to vector<16xf32>
      %mul3A_638 = arith.mulf %get3A_633, %mul3A_637 : vector<16xf32>
      %add3A_639 = arith.addf %add3A_627, %mul3A_638 : vector<16xf32>
      %mul3A_640 = arith.constant 16 : i32
      %mul3A_641 = arith.muli %add3A_599, %mul3A_640 : i32
      %add3A_642 = arith.constant 384 : i32
      %add3A_643 = arith.addi %add3A_642, %mul3A_641 : i32
      %get3A_644 = arith.index_cast %add3A_643 : i32 to index
      %get3A_645 = tpu.vector_load %arg12[%get3A_644] {strides = array<i32>} : memref<2560xf32, #tpu.memory_space<vmem>>, vector<16xf32>,
      %mul3A_646 = vector.broadcast %add3A_236 : f32 to vector<16xf32>
      %mul3A_647 = arith.mulf %get3A_645, %mul3A_646 : vector<16xf32>
      %add3A_648 = arith.addf %add3A_636, %mul3A_647 : vector<16xf32>
      %mul3A_649 = vector.broadcast %add3A_243 : f32 to vector<16xf32>
      %mul3A_650 = arith.mulf %get3A_645, %mul3A_649 : vector<16xf32>
      %add3A_651 = arith.addf %add3A_639, %mul3A_650 : vector<16xf32>
      %mul3A_652 = arith.constant 16 : i32
      %mul3A_653 = arith.muli %add3A_599, %mul3A_652 : i32
      %add3A_654 = arith.constant 512 : i32
      %add3A_655 = arith.addi %add3A_654, %mul3A_653 : i32
      %get3A_656 = arith.index_cast %add3A_655 : i32 to index
      %get3A_657 = tpu.vector_load %arg12[%get3A_656] {strides = array<i32>} : memref<2560xf32, #tpu.memory_space<vmem>>, vector<16xf32>,
      %mul3A_658 = vector.broadcast %add3A_250 : f32 to vector<16xf32>
      %mul3A_659 = arith.mulf %get3A_657, %mul3A_658 : vector<16xf32>
      %add3A_660 = arith.addf %add3A_648, %mul3A_659 : vector<16xf32>
      %mul3A_661 = vector.broadcast %add3A_257 : f32 to vector<16xf32>
      %mul3A_662 = arith.mulf %get3A_657, %mul3A_661 : vector<16xf32>
      %add3A_663 = arith.addf %add3A_651, %mul3A_662 : vector<16xf32>
      %mul3A_664 = arith.constant 16 : i32
      %mul3A_665 = arith.muli %add3A_599, %mul3A_664 : i32
      %add3A_666 = arith.constant 640 : i32
      %add3A_667 = arith.addi %add3A_666, %mul3A_665 : i32
      %get3A_668 = arith.index_cast %add3A_667 : i32 to index
      %get3A_669 = tpu.vector_load %arg12[%get3A_668] {strides = array<i32>} : memref<2560xf32, #tpu.memory_space<vmem>>, vector<16xf32>,
      %mul3A_670 = vector.broadcast %add3A_264 : f32 to vector<16xf32>
      %mul3A_671 = arith.mulf %get3A_669, %mul3A_670 : vector<16xf32>
      %add3A_672 = arith.addf %add3A_660, %mul3A_671 : vector<16xf32>
      %mul3A_673 = vector.broadcast %add3A_271 : f32 to vector<16xf32>
      %mul3A_674 = arith.mulf %get3A_669, %mul3A_673 : vector<16xf32>
      %add3A_675 = arith.addf %add3A_663, %mul3A_674 : vector<16xf32>
      %mul3A_676 = arith.constant 16 : i32
      %mul3A_677 = arith.muli %add3A_599, %mul3A_676 : i32
      %add3A_678 = arith.constant 768 : i32
      %add3A_679 = arith.addi %add3A_678, %mul3A_677 : i32
      %get3A_680 = arith.index_cast %add3A_679 : i32 to index
      %get3A_681 = tpu.vector_load %arg12[%get3A_680] {strides = array<i32>} : memref<2560xf32, #tpu.memory_space<vmem>>, vector<16xf32>,
      %mul3A_682 = vector.broadcast %add3A_278 : f32 to vector<16xf32>
      %mul3A_683 = arith.mulf %get3A_681, %mul3A_682 : vector<16xf32>
      %add3A_684 = arith.addf %add3A_672, %mul3A_683 : vector<16xf32>
      %mul3A_685 = vector.broadcast %add3A_285 : f32 to vector<16xf32>
      %mul3A_686 = arith.mulf %get3A_681, %mul3A_685 : vector<16xf32>
      %add3A_687 = arith.addf %add3A_675, %mul3A_686 : vector<16xf32>
      %mul3A_688 = arith.constant 16 : i32
      %mul3A_689 = arith.muli %add3A_599, %mul3A_688 : i32
      %add3A_690 = arith.constant 896 : i32
      %add3A_691 = arith.addi %add3A_690, %mul3A_689 : i32
      %get3A_692 = arith.index_cast %add3A_691 : i32 to index
      %get3A_693 = tpu.vector_load %arg12[%get3A_692] {strides = array<i32>} : memref<2560xf32, #tpu.memory_space<vmem>>, vector<16xf32>,
      %mul3A_694 = vector.broadcast %add3A_292 : f32 to vector<16xf32>
      %mul3A_695 = arith.mulf %get3A_693, %mul3A_694 : vector<16xf32>
      %add3A_696 = arith.addf %add3A_684, %mul3A_695 : vector<16xf32>
      %mul3A_697 = vector.broadcast %add3A_299 : f32 to vector<16xf32>
      %mul3A_698 = arith.mulf %get3A_693, %mul3A_697 : vector<16xf32>
      %add3A_699 = arith.addf %add3A_687, %mul3A_698 : vector<16xf32>
      %mul3A_700 = arith.constant 16 : i32
      %mul3A_701 = arith.muli %add3A_599, %mul3A_700 : i32
      %add3A_702 = arith.constant 1024 : i32
      %add3A_703 = arith.addi %add3A_702, %mul3A_701 : i32
      %get3A_704 = arith.index_cast %add3A_703 : i32 to index
      %get3A_705 = tpu.vector_load %arg12[%get3A_704] {strides = array<i32>} : memref<2560xf32, #tpu.memory_space<vmem>>, vector<16xf32>,
      %mul3A_706 = vector.broadcast %add3A_306 : f32 to vector<16xf32>
      %mul3A_707 = arith.mulf %get3A_705, %mul3A_706 : vector<16xf32>
      %add3A_708 = arith.addf %add3A_696, %mul3A_707 : vector<16xf32>
      %mul3A_709 = vector.broadcast %add3A_313 : f32 to vector<16xf32>
      %mul3A_710 = arith.mulf %get3A_705, %mul3A_709 : vector<16xf32>
      %add3A_711 = arith.addf %add3A_699, %mul3A_710 : vector<16xf32>
      %mul3A_712 = arith.constant 16 : i32
      %mul3A_713 = arith.muli %add3A_599, %mul3A_712 : i32
      %add3A_714 = arith.constant 1152 : i32
      %add3A_715 = arith.addi %add3A_714, %mul3A_713 : i32
      %get3A_716 = arith.index_cast %add3A_715 : i32 to index
      %get3A_717 = tpu.vector_load %arg12[%get3A_716] {strides = array<i32>} : memref<2560xf32, #tpu.memory_space<vmem>>, vector<16xf32>,
      %mul3A_718 = vector.broadcast %add3A_320 : f32 to vector<16xf32>
      %mul3A_719 = arith.mulf %get3A_717, %mul3A_718 : vector<16xf32>
      %add3A_720 = arith.addf %add3A_708, %mul3A_719 : vector<16xf32>
      %mul3A_721 = vector.broadcast %add3A_327 : f32 to vector<16xf32>
      %mul3A_722 = arith.mulf %get3A_717, %mul3A_721 : vector<16xf32>
      %add3A_723 = arith.addf %add3A_711, %mul3A_722 : vector<16xf32>
      %mul3A_724 = arith.constant 16 : i32
      %mul3A_725 = arith.muli %add3A_599, %mul3A_724 : i32
      %add3A_726 = arith.constant 1280 : i32
      %add3A_727 = arith.addi %add3A_726, %mul3A_725 : i32
      %get3A_728 = arith.index_cast %add3A_727 : i32 to index
      %get3A_729 = tpu.vector_load %arg12[%get3A_728] {strides = array<i32>} : memref<2560xf32, #tpu.memory_space<vmem>>, vector<16xf32>,
      %mul3A_730 = vector.broadcast %add3A_334 : f32 to vector<16xf32>
      %mul3A_731 = arith.mulf %get3A_729, %mul3A_730 : vector<16xf32>
      %add3A_732 = arith.addf %add3A_720, %mul3A_731 : vector<16xf32>
      %mul3A_733 = vector.broadcast %add3A_341 : f32 to vector<16xf32>
      %mul3A_734 = arith.mulf %get3A_729, %mul3A_733 : vector<16xf32>
      %add3A_735 = arith.addf %add3A_723, %mul3A_734 : vector<16xf32>
      %mul3A_736 = arith.constant 16 : i32
      %mul3A_737 = arith.muli %add3A_599, %mul3A_736 : i32
      %add3A_738 = arith.constant 1408 : i32
      %add3A_739 = arith.addi %add3A_738, %mul3A_737 : i32
      %get3A_740 = arith.index_cast %add3A_739 : i32 to index
      %get3A_741 = tpu.vector_load %arg12[%get3A_740] {strides = array<i32>} : memref<2560xf32, #tpu.memory_space<vmem>>, vector<16xf32>,
      %mul3A_742 = vector.broadcast %add3A_348 : f32 to vector<16xf32>
      %mul3A_743 = arith.mulf %get3A_741, %mul3A_742 : vector<16xf32>
      %add3A_744 = arith.addf %add3A_732, %mul3A_743 : vector<16xf32>
      %mul3A_745 = vector.broadcast %add3A_355 : f32 to vector<16xf32>
      %mul3A_746 = arith.mulf %get3A_741, %mul3A_745 : vector<16xf32>
      %add3A_747 = arith.addf %add3A_735, %mul3A_746 : vector<16xf32>
      %mul3A_748 = arith.constant 16 : i32
      %mul3A_749 = arith.muli %add3A_599, %mul3A_748 : i32
      %add3A_750 = arith.constant 1536 : i32
      %add3A_751 = arith.addi %add3A_750, %mul3A_749 : i32
      %get3A_752 = arith.index_cast %add3A_751 : i32 to index
      %get3A_753 = tpu.vector_load %arg12[%get3A_752] {strides = array<i32>} : memref<2560xf32, #tpu.memory_space<vmem>>, vector<16xf32>,
      %mul3A_754 = vector.broadcast %add3A_362 : f32 to vector<16xf32>
      %mul3A_755 = arith.mulf %get3A_753, %mul3A_754 : vector<16xf32>
      %add3A_756 = arith.addf %add3A_744, %mul3A_755 : vector<16xf32>
      %mul3A_757 = vector.broadcast %add3A_369 : f32 to vector<16xf32>
      %mul3A_758 = arith.mulf %get3A_753, %mul3A_757 : vector<16xf32>
      %add3A_759 = arith.addf %add3A_747, %mul3A_758 : vector<16xf32>
      %mul3A_760 = arith.constant 16 : i32
      %mul3A_761 = arith.muli %add3A_599, %mul3A_760 : i32
      %add3A_762 = arith.constant 1664 : i32
      %add3A_763 = arith.addi %add3A_762, %mul3A_761 : i32
      %get3A_764 = arith.index_cast %add3A_763 : i32 to index
      %get3A_765 = tpu.vector_load %arg12[%get3A_764] {strides = array<i32>} : memref<2560xf32, #tpu.memory_space<vmem>>, vector<16xf32>,
      %mul3A_766 = vector.broadcast %add3A_376 : f32 to vector<16xf32>
      %mul3A_767 = arith.mulf %get3A_765, %mul3A_766 : vector<16xf32>
      %add3A_768 = arith.addf %add3A_756, %mul3A_767 : vector<16xf32>
      %mul3A_769 = vector.broadcast %add3A_383 : f32 to vector<16xf32>
      %mul3A_770 = arith.mulf %get3A_765, %mul3A_769 : vector<16xf32>
      %add3A_771 = arith.addf %add3A_759, %mul3A_770 : vector<16xf32>
      %mul3A_772 = arith.constant 16 : i32
      %mul3A_773 = arith.muli %add3A_599, %mul3A_772 : i32
      %add3A_774 = arith.constant 1792 : i32
      %add3A_775 = arith.addi %add3A_774, %mul3A_773 : i32
      %get3A_776 = arith.index_cast %add3A_775 : i32 to index
      %get3A_777 = tpu.vector_load %arg12[%get3A_776] {strides = array<i32>} : memref<2560xf32, #tpu.memory_space<vmem>>, vector<16xf32>,
      %mul3A_778 = vector.broadcast %add3A_390 : f32 to vector<16xf32>
      %mul3A_779 = arith.mulf %get3A_777, %mul3A_778 : vector<16xf32>
      %add3A_780 = arith.addf %add3A_768, %mul3A_779 : vector<16xf32>
      %mul3A_781 = vector.broadcast %add3A_397 : f32 to vector<16xf32>
      %mul3A_782 = arith.mulf %get3A_777, %mul3A_781 : vector<16xf32>
      %add3A_783 = arith.addf %add3A_771, %mul3A_782 : vector<16xf32>
      %mul3A_784 = arith.constant 16 : i32
      %mul3A_785 = arith.muli %add3A_599, %mul3A_784 : i32
      %add3A_786 = arith.constant 1920 : i32
      %add3A_787 = arith.addi %add3A_786, %mul3A_785 : i32
      %get3A_788 = arith.index_cast %add3A_787 : i32 to index
      %get3A_789 = tpu.vector_load %arg12[%get3A_788] {strides = array<i32>} : memref<2560xf32, #tpu.memory_space<vmem>>, vector<16xf32>,
      %mul3A_790 = vector.broadcast %add3A_404 : f32 to vector<16xf32>
      %mul3A_791 = arith.mulf %get3A_789, %mul3A_790 : vector<16xf32>
      %add3A_792 = arith.addf %add3A_780, %mul3A_791 : vector<16xf32>
      %mul3A_793 = vector.broadcast %add3A_411 : f32 to vector<16xf32>
      %mul3A_794 = arith.mulf %get3A_789, %mul3A_793 : vector<16xf32>
      %add3A_795 = arith.addf %add3A_783, %mul3A_794 : vector<16xf32>
      %mul3A_796 = arith.constant 16 : i32
      %mul3A_797 = arith.muli %add3A_599, %mul3A_796 : i32
      %add3A_798 = arith.constant 2048 : i32
      %add3A_799 = arith.addi %add3A_798, %mul3A_797 : i32
      %get3A_800 = arith.index_cast %add3A_799 : i32 to index
      %get3A_801 = tpu.vector_load %arg12[%get3A_800] {strides = array<i32>} : memref<2560xf32, #tpu.memory_space<vmem>>, vector<16xf32>,
      %mul3A_802 = vector.broadcast %add3A_418 : f32 to vector<16xf32>
      %mul3A_803 = arith.mulf %get3A_801, %mul3A_802 : vector<16xf32>
      %add3A_804 = arith.addf %add3A_792, %mul3A_803 : vector<16xf32>
      %mul3A_805 = vector.broadcast %add3A_425 : f32 to vector<16xf32>
      %mul3A_806 = arith.mulf %get3A_801, %mul3A_805 : vector<16xf32>
      %add3A_807 = arith.addf %add3A_795, %mul3A_806 : vector<16xf32>
      %mul3A_808 = arith.constant 16 : i32
      %mul3A_809 = arith.muli %add3A_599, %mul3A_808 : i32
      %add3A_810 = arith.constant 2176 : i32
      %add3A_811 = arith.addi %add3A_810, %mul3A_809 : i32
      %get3A_812 = arith.index_cast %add3A_811 : i32 to index
      %get3A_813 = tpu.vector_load %arg12[%get3A_812] {strides = array<i32>} : memref<2560xf32, #tpu.memory_space<vmem>>, vector<16xf32>,
      %mul3A_814 = vector.broadcast %add3A_432 : f32 to vector<16xf32>
      %mul3A_815 = arith.mulf %get3A_813, %mul3A_814 : vector<16xf32>
      %add3A_816 = arith.addf %add3A_804, %mul3A_815 : vector<16xf32>
      %mul3A_817 = vector.broadcast %add3A_439 : f32 to vector<16xf32>
      %mul3A_818 = arith.mulf %get3A_813, %mul3A_817 : vector<16xf32>
      %add3A_819 = arith.addf %add3A_807, %mul3A_818 : vector<16xf32>
      %mul3A_820 = arith.constant 16 : i32
      %mul3A_821 = arith.muli %add3A_599, %mul3A_820 : i32
      %add3A_822 = arith.constant 2304 : i32
      %add3A_823 = arith.addi %add3A_822, %mul3A_821 : i32
      %get3A_824 = arith.index_cast %add3A_823 : i32 to index
      %get3A_825 = tpu.vector_load %arg12[%get3A_824] {strides = array<i32>} : memref<2560xf32, #tpu.memory_space<vmem>>, vector<16xf32>,
      %mul3A_826 = vector.broadcast %add3A_446 : f32 to vector<16xf32>
      %mul3A_827 = arith.mulf %get3A_825, %mul3A_826 : vector<16xf32>
      %add3A_828 = arith.addf %add3A_816, %mul3A_827 : vector<16xf32>
      %mul3A_829 = vector.broadcast %add3A_453 : f32 to vector<16xf32>
      %mul3A_830 = arith.mulf %get3A_825, %mul3A_829 : vector<16xf32>
      %add3A_831 = arith.addf %add3A_819, %mul3A_830 : vector<16xf32>
      %mul3A_832 = arith.constant 16 : i32
      %mul3A_833 = arith.muli %add3A_599, %mul3A_832 : i32
      %add3A_834 = arith.constant 2432 : i32
      %add3A_835 = arith.addi %add3A_834, %mul3A_833 : i32
      %get3A_836 = arith.index_cast %add3A_835 : i32 to index
      %get3A_837 = tpu.vector_load %arg12[%get3A_836] {strides = array<i32>} : memref<2560xf32, #tpu.memory_space<vmem>>, vector<16xf32>,
      %mul3A_838 = vector.broadcast %add3A_460 : f32 to vector<16xf32>
      %mul3A_839 = arith.mulf %get3A_837, %mul3A_838 : vector<16xf32>
      %add3A_840 = arith.addf %add3A_828, %mul3A_839 : vector<16xf32>
      %mul3A_841 = vector.broadcast %add3A_467 : f32 to vector<16xf32>
      %mul3A_842 = arith.mulf %get3A_837, %mul3A_841 : vector<16xf32>
      %add3A_843 = arith.addf %add3A_831, %mul3A_842 : vector<16xf32>
      %mul3A_844 = arith.constant 5.000000e-03 : f32
      %mul3A_845 = vector.broadcast %mul3A_844 : f32 to vector<16xf32>
      %mul3A_846 = arith.mulf %add3A_840, %mul3A_845 : vector<16xf32>
      %add3A_847 = vector.broadcast %squeeze3A_471 : f32 to vector<16xf32>
      %add3A_848 = arith.addf %mul3A_846, %add3A_847 : vector<16xf32>
      %mul3A_849 = arith.constant 16 : i32
      %mul3A_850 = arith.muli %add3A_599, %mul3A_849 : i32
      %swap3A = arith.constant 0 : i32
      %swap3A_851 = arith.index_cast %swap3A : i32 to index
      %swap3A_852 = arith.index_cast %mul3A_850 : i32 to index
      %swap3A_853 = tpu.vector_load %arg13[%swap3A_851, %swap3A_852] {strides = array<i32>} : memref<2x128xf32, #tpu.memory_space<vmem>>, vector<16xf32>,
      tpu.vector_store %arg13[%swap3A_851, %swap3A_852], %add3A_848 {strides = array<i32>} : memref<2x128xf32, #tpu.memory_space<vmem>>, vector<16xf32>,
      %mul3A_854 = arith.constant 5.000000e-03 : f32
      %mul3A_855 = vector.broadcast %mul3A_854 : f32 to vector<16xf32>
      %mul3A_856 = arith.mulf %add3A_843, %mul3A_855 : vector<16xf32>
      %add3A_857 = vector.broadcast %squeeze3A_473 : f32 to vector<16xf32>
      %add3A_858 = arith.addf %mul3A_856, %add3A_857 : vector<16xf32>
      %mul3A_859 = arith.constant 16 : i32
      %mul3A_860 = arith.muli %add3A_599, %mul3A_859 : i32
      %swap3A_861 = arith.constant 1 : i32
      %swap3A_862 = arith.index_cast %swap3A_861 : i32 to index
      %swap3A_863 = arith.index_cast %mul3A_860 : i32 to index
      %swap3A_864 = tpu.vector_load %arg13[%swap3A_862, %swap3A_863] {strides = array<i32>} : memref<2x128xf32, #tpu.memory_space<vmem>>, vector<16xf32>,
      tpu.vector_store %arg13[%swap3A_862, %swap3A_863], %add3A_858 {strides = array<i32>} : memref<2x128xf32, #tpu.memory_space<vmem>>, vector<16xf32>,
    }
    %scan3A_548 = arith.constant 8 : i32
    %add3A_549 = arith.constant 128 : i32
    %add3A_550 = arith.addi %mul3A_2, %add3A_549 : i32
    "tpu.region"() ({
      %run_scoped3A = tpu.sem_alloc : memref<!tpu.dma_semaphore, #tpu.memory_space<semaphore_mem>>
      %dma_start3A_595 = arith.constant 0 : i32
      %dma_start3A_596 = tpu.memref_slice %arg6[%dma_start3A_595, %add3A_550] : memref<2x16384xf32, #tpu.memory_space<hbm>> -> memref<2x128xf32, #tpu.memory_space<hbm>>
      %dma_start3A_597 = arith.constant 0 : i32
      %dma_start3A_598 = tpu.memref_slice %arg6[%dma_start3A_597, %add3A_550] : memref<2x16384xf32, #tpu.memory_space<hbm>> -> memref<2x128xf32, #tpu.memory_space<hbm>>
      tpu.enqueue_dma source(%arg13 : memref<2x128xf32, #tpu.memory_space<vmem>>) target(%dma_start3A_598 : memref<2x128xf32, #tpu.memory_space<hbm>>) target_semaphore(%run_scoped3A : memref<!tpu.dma_semaphore, #tpu.memory_space<semaphore_mem>>)
      %dma_wait3A_599 = arith.constant 0 : i32
      %dma_wait3A_600 = tpu.memref_slice %arg6[%dma_wait3A_599, %add3A_550] : memref<2x16384xf32, #tpu.memory_space<hbm>> -> memref<2x128xf32, #tpu.memory_space<hbm>>
      %dma_wait3A_601 = arith.constant 0 : i32
      %dma_wait3A_602 = tpu.memref_slice %arg6[%dma_wait3A_601, %add3A_550] : memref<2x16384xf32, #tpu.memory_space<hbm>> -> memref<2x128xf32, #tpu.memory_space<hbm>>
      tpu.wait_dma2 semaphore(%run_scoped3A : memref<!tpu.dma_semaphore, #tpu.memory_space<semaphore_mem>>) src(%arg13 : memref<2x128xf32, #tpu.memory_space<vmem>>) dst(%dma_wait3A_602 : memref<2x128xf32, #tpu.memory_space<hbm>>)
      tpu.yield
    }) : () -> ()
    %add3A_551 = arith.constant 384 : i32
    %add3A_552 = arith.addi %mul3A_2, %add3A_551 : i32
    %dma_start3A_553 = arith.constant 0 : i32
    %dma_start3A_554 = tpu.memref_slice %arg2[%add3A_552, %dma_start3A_553] : memref<16384x200xi32, #tpu.memory_space<hbm>> -> memref<128x200xi32, #tpu.memory_space<hbm>>
    %dma_start3A_555 = arith.constant 0 : i32
    %dma_start3A_556 = tpu.memref_slice %arg2[%add3A_552, %dma_start3A_555] : memref<16384x200xi32, #tpu.memory_space<hbm>> -> memref<128x200xi32, #tpu.memory_space<hbm>>
    tpu.enqueue_dma source(%dma_start3A_556 : memref<128x200xi32, #tpu.memory_space<hbm>>) target(%arg8 : memref<128x200xi32, #tpu.memory_space<vmem>>) target_semaphore(%arg15 : memref<!tpu.dma_semaphore, #tpu.memory_space<semaphore_mem>>)
    %dma_wait3A_557 = arith.constant 0 : i32
    %dma_wait3A_558 = tpu.memref_slice %arg2[%add3A_527, %dma_wait3A_557] : memref<16384x200xi32, #tpu.memory_space<hbm>> -> memref<128x200xi32, #tpu.memory_space<hbm>>
    %dma_wait3A_559 = arith.constant 0 : i32
    %dma_wait3A_560 = tpu.memref_slice %arg2[%add3A_527, %dma_wait3A_559] : memref<16384x200xi32, #tpu.memory_space<hbm>> -> memref<128x200xi32, #tpu.memory_space<hbm>>
    tpu.wait_dma2 semaphore(%arg14 : memref<!tpu.dma_semaphore, #tpu.memory_space<semaphore_mem>>) src(%dma_wait3A_560 : memref<128x200xi32, #tpu.memory_space<hbm>>) dst(%arg7 : memref<128x200xi32, #tpu.memory_space<vmem>>)
    %scan3A_561 = arith.constant 0 : i32
    %scan3A_562 = arith.constant 160 : i32
    %scan3A_563 = arith.addi %scan3A_561, %scan3A_562 : i32
    %scan3A_564 = arith.constant 1 : i32
    scf.for %scan3A_595 = %scan3A_561 to %scan3A_563 step %scan3A_564  : i32 {
      %mul3A_596 = arith.constant 1 : i32
      %mul3A_597 = arith.muli %scan3A_595, %mul3A_596 : i32
      %add3A_598 = arith.constant 0 : i32
      %add3A_599 = arith.addi %add3A_598, %mul3A_597 : i32
      %mul3A_600 = arith.constant 16 : i32
      %mul3A_601 = arith.muli %add3A_599, %mul3A_600 : i32
      %swap3A = arith.index_cast %mul3A_601 : i32 to index
      %swap3A_602 = tpu.vector_load %arg12[%swap3A] {strides = array<i32>} : memref<2560xf32, #tpu.memory_space<vmem>>, vector<16xf32>,
      tpu.vector_store %arg12[%swap3A], %broadcast_in_dim3A_476 {strides = array<i32>} : memref<2560xf32, #tpu.memory_space<vmem>>, vector<16xf32>,
    }
    %scan3A_565 = arith.constant 160 : i32
    %parallel_loop3A_566 = arith.constant 0 : i32
    %parallel_loop3A_567 = arith.constant 200 : i32
    %parallel_loop3A_568 = arith.constant 1 : i32
    scf.for %parallel_loop3A_595 = %parallel_loop3A_566 to %parallel_loop3A_567 step %parallel_loop3A_568  : i32 {
      %parallel_loop3A_596 = vector.broadcast %parallel_loop3A_595 : i32 to vector<16xi32>
      %parallel_loop3A_597 = arith.addi %parallel_loop3A_596, %iota3A : vector<16xi32>
      %parallel_loop3A_598 = arith.constant 200 : i32
      %parallel_loop3A_599 = vector.broadcast %parallel_loop3A_598 : i32 to vector<16xi32>
      %parallel_loop3A_600 = arith.cmpi sge, %parallel_loop3A_597, %parallel_loop3A_599 : vector<16xi32>
      %parallel_loop3A_601 = arith.constant 200 : i32
      %parallel_loop3A_602 = vector.broadcast %parallel_loop3A_601 : i32 to vector<16xi32>
      %parallel_loop3A_603 = arith.subi %parallel_loop3A_597, %parallel_loop3A_602 : vector<16xi32>
      %parallel_loop3A_604 = arith.select %parallel_loop3A_600, %parallel_loop3A_603, %parallel_loop3A_597 : vector<16xi1>, vector<16xi32>
      %parallel_loop3A_605 = tpu.vector_load_idx %arg7[%add3A_479, %parallel_loop3A_604] : memref<128x200xi32, #tpu.memory_space<vmem>>[vector<16xi32>, vector<16xi32>], vector<16xi32>,
      %parallel_loop3A_606 = arith.constant 7 : i32
      %parallel_loop3A_607 = vector.broadcast %parallel_loop3A_606 : i32 to vector<16xi32>
      %parallel_loop3A_608 = arith.shli %parallel_loop3A_605, %parallel_loop3A_607 : vector<16xi32>
      %parallel_loop3A_609 = arith.ori %parallel_loop3A_608, %add3A_479 : vector<16xi32>
      tpu.vector_store_idx %arg12[%parallel_loop3A_609], %broadcast_in_dim3A_474 {add = true} : memref<2560xf32, #tpu.memory_space<vmem>>[vector<16xi32>], vector<16xf32>,
      %parallel_loop3A_610 = tpu.vector_load_idx %arg7[%add3A_482, %parallel_loop3A_604] : memref<128x200xi32, #tpu.memory_space<vmem>>[vector<16xi32>, vector<16xi32>], vector<16xi32>,
      %parallel_loop3A_611 = arith.constant 7 : i32
      %parallel_loop3A_612 = vector.broadcast %parallel_loop3A_611 : i32 to vector<16xi32>
      %parallel_loop3A_613 = arith.shli %parallel_loop3A_610, %parallel_loop3A_612 : vector<16xi32>
      %parallel_loop3A_614 = arith.ori %parallel_loop3A_613, %add3A_482 : vector<16xi32>
      tpu.vector_store_idx %arg12[%parallel_loop3A_614], %broadcast_in_dim3A_474 {add = true} : memref<2560xf32, #tpu.memory_space<vmem>>[vector<16xi32>], vector<16xf32>,
      %parallel_loop3A_615 = tpu.vector_load_idx %arg7[%add3A_485, %parallel_loop3A_604] : memref<128x200xi32, #tpu.memory_space<vmem>>[vector<16xi32>, vector<16xi32>], vector<16xi32>,
      %parallel_loop3A_616 = arith.constant 7 : i32
      %parallel_loop3A_617 = vector.broadcast %parallel_loop3A_616 : i32 to vector<16xi32>
      %parallel_loop3A_618 = arith.shli %parallel_loop3A_615, %parallel_loop3A_617 : vector<16xi32>
      %parallel_loop3A_619 = arith.ori %parallel_loop3A_618, %add3A_485 : vector<16xi32>
      tpu.vector_store_idx %arg12[%parallel_loop3A_619], %broadcast_in_dim3A_474 {add = true} : memref<2560xf32, #tpu.memory_space<vmem>>[vector<16xi32>], vector<16xf32>,
      %parallel_loop3A_620 = tpu.vector_load_idx %arg7[%add3A_488, %parallel_loop3A_604] : memref<128x200xi32, #tpu.memory_space<vmem>>[vector<16xi32>, vector<16xi32>], vector<16xi32>,
      %parallel_loop3A_621 = arith.constant 7 : i32
      %parallel_loop3A_622 = vector.broadcast %parallel_loop3A_621 : i32 to vector<16xi32>
      %parallel_loop3A_623 = arith.shli %parallel_loop3A_620, %parallel_loop3A_622 : vector<16xi32>
      %parallel_loop3A_624 = arith.ori %parallel_loop3A_623, %add3A_488 : vector<16xi32>
      tpu.vector_store_idx %arg12[%parallel_loop3A_624], %broadcast_in_dim3A_474 {add = true} : memref<2560xf32, #tpu.memory_space<vmem>>[vector<16xi32>], vector<16xf32>,
      %parallel_loop3A_625 = tpu.vector_load_idx %arg7[%add3A_491, %parallel_loop3A_604] : memref<128x200xi32, #tpu.memory_space<vmem>>[vector<16xi32>, vector<16xi32>], vector<16xi32>,
      %parallel_loop3A_626 = arith.constant 7 : i32
      %parallel_loop3A_627 = vector.broadcast %parallel_loop3A_626 : i32 to vector<16xi32>
      %parallel_loop3A_628 = arith.shli %parallel_loop3A_625, %parallel_loop3A_627 : vector<16xi32>
      %parallel_loop3A_629 = arith.ori %parallel_loop3A_628, %add3A_491 : vector<16xi32>
      tpu.vector_store_idx %arg12[%parallel_loop3A_629], %broadcast_in_dim3A_474 {add = true} : memref<2560xf32, #tpu.memory_space<vmem>>[vector<16xi32>], vector<16xf32>,
      %parallel_loop3A_630 = tpu.vector_load_idx %arg7[%add3A_494, %parallel_loop3A_604] : memref<128x200xi32, #tpu.memory_space<vmem>>[vector<16xi32>, vector<16xi32>], vector<16xi32>,
      %parallel_loop3A_631 = arith.constant 7 : i32
      %parallel_loop3A_632 = vector.broadcast %parallel_loop3A_631 : i32 to vector<16xi32>
      %parallel_loop3A_633 = arith.shli %parallel_loop3A_630, %parallel_loop3A_632 : vector<16xi32>
      %parallel_loop3A_634 = arith.ori %parallel_loop3A_633, %add3A_494 : vector<16xi32>
      tpu.vector_store_idx %arg12[%parallel_loop3A_634], %broadcast_in_dim3A_474 {add = true} : memref<2560xf32, #tpu.memory_space<vmem>>[vector<16xi32>], vector<16xf32>,
      %parallel_loop3A_635 = tpu.vector_load_idx %arg7[%add3A_497, %parallel_loop3A_604] : memref<128x200xi32, #tpu.memory_space<vmem>>[vector<16xi32>, vector<16xi32>], vector<16xi32>,
      %parallel_loop3A_636 = arith.constant 7 : i32
      %parallel_loop3A_637 = vector.broadcast %parallel_loop3A_636 : i32 to vector<16xi32>
      %parallel_loop3A_638 = arith.shli %parallel_loop3A_635, %parallel_loop3A_637 : vector<16xi32>
      %parallel_loop3A_639 = arith.ori %parallel_loop3A_638, %add3A_497 : vector<16xi32>
      tpu.vector_store_idx %arg12[%parallel_loop3A_639], %broadcast_in_dim3A_474 {add = true} : memref<2560xf32, #tpu.memory_space<vmem>>[vector<16xi32>], vector<16xf32>,
      %parallel_loop3A_640 = tpu.vector_load_idx %arg7[%add3A_500, %parallel_loop3A_604] : memref<128x200xi32, #tpu.memory_space<vmem>>[vector<16xi32>, vector<16xi32>], vector<16xi32>,
      %parallel_loop3A_641 = arith.constant 7 : i32
      %parallel_loop3A_642 = vector.broadcast %parallel_loop3A_641 : i32 to vector<16xi32>
      %parallel_loop3A_643 = arith.shli %parallel_loop3A_640, %parallel_loop3A_642 : vector<16xi32>
      %parallel_loop3A_644 = arith.ori %parallel_loop3A_643, %add3A_500 : vector<16xi32>
      tpu.vector_store_idx %arg12[%parallel_loop3A_644], %broadcast_in_dim3A_474 {add = true} : memref<2560xf32, #tpu.memory_space<vmem>>[vector<16xi32>], vector<16xf32>,
    } {sc.loop_unroll_factor = 1 : i64, sc.parallel_access}
    %scan3A_569 = arith.constant 0 : i32
    %scan3A_570 = arith.constant 8 : i32
    %scan3A_571 = arith.addi %scan3A_569, %scan3A_570 : i32
    %scan3A_572 = arith.constant 1 : i32
    scf.for %scan3A_595 = %scan3A_569 to %scan3A_571 step %scan3A_572  : i32 {
      %mul3A_596 = arith.constant 1 : i32
      %mul3A_597 = arith.muli %scan3A_595, %mul3A_596 : i32
      %add3A_598 = arith.constant 0 : i32
      %add3A_599 = arith.addi %add3A_598, %mul3A_597 : i32
      %broadcast_in_dim3A_600 = arith.constant 0.000000e+00 : f32
      %broadcast_in_dim3A_601 = vector.broadcast %broadcast_in_dim3A_600 : f32 to vector<16xf32>
      %broadcast_in_dim3A_602 = arith.constant 0.000000e+00 : f32
      %broadcast_in_dim3A_603 = vector.broadcast %broadcast_in_dim3A_602 : f32 to vector<16xf32>
      %mul3A_604 = arith.constant 16 : i32
      %mul3A_605 = arith.muli %add3A_599, %mul3A_604 : i32
      %add3A_606 = arith.constant 0 : i32
      %add3A_607 = arith.addi %add3A_606, %mul3A_605 : i32
      %get3A_608 = arith.index_cast %add3A_607 : i32 to index
      %get3A_609 = tpu.vector_load %arg12[%get3A_608] {strides = array<i32>} : memref<2560xf32, #tpu.memory_space<vmem>>, vector<16xf32>,
      %mul3A_610 = vector.broadcast %add3A_194 : f32 to vector<16xf32>
      %mul3A_611 = arith.mulf %get3A_609, %mul3A_610 : vector<16xf32>
      %add3A_612 = arith.addf %broadcast_in_dim3A_601, %mul3A_611 : vector<16xf32>
      %mul3A_613 = vector.broadcast %add3A_201 : f32 to vector<16xf32>
      %mul3A_614 = arith.mulf %get3A_609, %mul3A_613 : vector<16xf32>
      %add3A_615 = arith.addf %broadcast_in_dim3A_603, %mul3A_614 : vector<16xf32>
      %mul3A_616 = arith.constant 16 : i32
      %mul3A_617 = arith.muli %add3A_599, %mul3A_616 : i32
      %add3A_618 = arith.constant 128 : i32
      %add3A_619 = arith.addi %add3A_618, %mul3A_617 : i32
      %get3A_620 = arith.index_cast %add3A_619 : i32 to index
      %get3A_621 = tpu.vector_load %arg12[%get3A_620] {strides = array<i32>} : memref<2560xf32, #tpu.memory_space<vmem>>, vector<16xf32>,
      %mul3A_622 = vector.broadcast %add3A_208 : f32 to vector<16xf32>
      %mul3A_623 = arith.mulf %get3A_621, %mul3A_622 : vector<16xf32>
      %add3A_624 = arith.addf %add3A_612, %mul3A_623 : vector<16xf32>
      %mul3A_625 = vector.broadcast %add3A_215 : f32 to vector<16xf32>
      %mul3A_626 = arith.mulf %get3A_621, %mul3A_625 : vector<16xf32>
      %add3A_627 = arith.addf %add3A_615, %mul3A_626 : vector<16xf32>
      %mul3A_628 = arith.constant 16 : i32
      %mul3A_629 = arith.muli %add3A_599, %mul3A_628 : i32
      %add3A_630 = arith.constant 256 : i32
      %add3A_631 = arith.addi %add3A_630, %mul3A_629 : i32
      %get3A_632 = arith.index_cast %add3A_631 : i32 to index
      %get3A_633 = tpu.vector_load %arg12[%get3A_632] {strides = array<i32>} : memref<2560xf32, #tpu.memory_space<vmem>>, vector<16xf32>,
      %mul3A_634 = vector.broadcast %add3A_222 : f32 to vector<16xf32>
      %mul3A_635 = arith.mulf %get3A_633, %mul3A_634 : vector<16xf32>
      %add3A_636 = arith.addf %add3A_624, %mul3A_635 : vector<16xf32>
      %mul3A_637 = vector.broadcast %add3A_229 : f32 to vector<16xf32>
      %mul3A_638 = arith.mulf %get3A_633, %mul3A_637 : vector<16xf32>
      %add3A_639 = arith.addf %add3A_627, %mul3A_638 : vector<16xf32>
      %mul3A_640 = arith.constant 16 : i32
      %mul3A_641 = arith.muli %add3A_599, %mul3A_640 : i32
      %add3A_642 = arith.constant 384 : i32
      %add3A_643 = arith.addi %add3A_642, %mul3A_641 : i32
      %get3A_644 = arith.index_cast %add3A_643 : i32 to index
      %get3A_645 = tpu.vector_load %arg12[%get3A_644] {strides = array<i32>} : memref<2560xf32, #tpu.memory_space<vmem>>, vector<16xf32>,
      %mul3A_646 = vector.broadcast %add3A_236 : f32 to vector<16xf32>
      %mul3A_647 = arith.mulf %get3A_645, %mul3A_646 : vector<16xf32>
      %add3A_648 = arith.addf %add3A_636, %mul3A_647 : vector<16xf32>
      %mul3A_649 = vector.broadcast %add3A_243 : f32 to vector<16xf32>
      %mul3A_650 = arith.mulf %get3A_645, %mul3A_649 : vector<16xf32>
      %add3A_651 = arith.addf %add3A_639, %mul3A_650 : vector<16xf32>
      %mul3A_652 = arith.constant 16 : i32
      %mul3A_653 = arith.muli %add3A_599, %mul3A_652 : i32
      %add3A_654 = arith.constant 512 : i32
      %add3A_655 = arith.addi %add3A_654, %mul3A_653 : i32
      %get3A_656 = arith.index_cast %add3A_655 : i32 to index
      %get3A_657 = tpu.vector_load %arg12[%get3A_656] {strides = array<i32>} : memref<2560xf32, #tpu.memory_space<vmem>>, vector<16xf32>,
      %mul3A_658 = vector.broadcast %add3A_250 : f32 to vector<16xf32>
      %mul3A_659 = arith.mulf %get3A_657, %mul3A_658 : vector<16xf32>
      %add3A_660 = arith.addf %add3A_648, %mul3A_659 : vector<16xf32>
      %mul3A_661 = vector.broadcast %add3A_257 : f32 to vector<16xf32>
      %mul3A_662 = arith.mulf %get3A_657, %mul3A_661 : vector<16xf32>
      %add3A_663 = arith.addf %add3A_651, %mul3A_662 : vector<16xf32>
      %mul3A_664 = arith.constant 16 : i32
      %mul3A_665 = arith.muli %add3A_599, %mul3A_664 : i32
      %add3A_666 = arith.constant 640 : i32
      %add3A_667 = arith.addi %add3A_666, %mul3A_665 : i32
      %get3A_668 = arith.index_cast %add3A_667 : i32 to index
      %get3A_669 = tpu.vector_load %arg12[%get3A_668] {strides = array<i32>} : memref<2560xf32, #tpu.memory_space<vmem>>, vector<16xf32>,
      %mul3A_670 = vector.broadcast %add3A_264 : f32 to vector<16xf32>
      %mul3A_671 = arith.mulf %get3A_669, %mul3A_670 : vector<16xf32>
      %add3A_672 = arith.addf %add3A_660, %mul3A_671 : vector<16xf32>
      %mul3A_673 = vector.broadcast %add3A_271 : f32 to vector<16xf32>
      %mul3A_674 = arith.mulf %get3A_669, %mul3A_673 : vector<16xf32>
      %add3A_675 = arith.addf %add3A_663, %mul3A_674 : vector<16xf32>
      %mul3A_676 = arith.constant 16 : i32
      %mul3A_677 = arith.muli %add3A_599, %mul3A_676 : i32
      %add3A_678 = arith.constant 768 : i32
      %add3A_679 = arith.addi %add3A_678, %mul3A_677 : i32
      %get3A_680 = arith.index_cast %add3A_679 : i32 to index
      %get3A_681 = tpu.vector_load %arg12[%get3A_680] {strides = array<i32>} : memref<2560xf32, #tpu.memory_space<vmem>>, vector<16xf32>,
      %mul3A_682 = vector.broadcast %add3A_278 : f32 to vector<16xf32>
      %mul3A_683 = arith.mulf %get3A_681, %mul3A_682 : vector<16xf32>
      %add3A_684 = arith.addf %add3A_672, %mul3A_683 : vector<16xf32>
      %mul3A_685 = vector.broadcast %add3A_285 : f32 to vector<16xf32>
      %mul3A_686 = arith.mulf %get3A_681, %mul3A_685 : vector<16xf32>
      %add3A_687 = arith.addf %add3A_675, %mul3A_686 : vector<16xf32>
      %mul3A_688 = arith.constant 16 : i32
      %mul3A_689 = arith.muli %add3A_599, %mul3A_688 : i32
      %add3A_690 = arith.constant 896 : i32
      %add3A_691 = arith.addi %add3A_690, %mul3A_689 : i32
      %get3A_692 = arith.index_cast %add3A_691 : i32 to index
      %get3A_693 = tpu.vector_load %arg12[%get3A_692] {strides = array<i32>} : memref<2560xf32, #tpu.memory_space<vmem>>, vector<16xf32>,
      %mul3A_694 = vector.broadcast %add3A_292 : f32 to vector<16xf32>
      %mul3A_695 = arith.mulf %get3A_693, %mul3A_694 : vector<16xf32>
      %add3A_696 = arith.addf %add3A_684, %mul3A_695 : vector<16xf32>
      %mul3A_697 = vector.broadcast %add3A_299 : f32 to vector<16xf32>
      %mul3A_698 = arith.mulf %get3A_693, %mul3A_697 : vector<16xf32>
      %add3A_699 = arith.addf %add3A_687, %mul3A_698 : vector<16xf32>
      %mul3A_700 = arith.constant 16 : i32
      %mul3A_701 = arith.muli %add3A_599, %mul3A_700 : i32
      %add3A_702 = arith.constant 1024 : i32
      %add3A_703 = arith.addi %add3A_702, %mul3A_701 : i32
      %get3A_704 = arith.index_cast %add3A_703 : i32 to index
      %get3A_705 = tpu.vector_load %arg12[%get3A_704] {strides = array<i32>} : memref<2560xf32, #tpu.memory_space<vmem>>, vector<16xf32>,
      %mul3A_706 = vector.broadcast %add3A_306 : f32 to vector<16xf32>
      %mul3A_707 = arith.mulf %get3A_705, %mul3A_706 : vector<16xf32>
      %add3A_708 = arith.addf %add3A_696, %mul3A_707 : vector<16xf32>
      %mul3A_709 = vector.broadcast %add3A_313 : f32 to vector<16xf32>
      %mul3A_710 = arith.mulf %get3A_705, %mul3A_709 : vector<16xf32>
      %add3A_711 = arith.addf %add3A_699, %mul3A_710 : vector<16xf32>
      %mul3A_712 = arith.constant 16 : i32
      %mul3A_713 = arith.muli %add3A_599, %mul3A_712 : i32
      %add3A_714 = arith.constant 1152 : i32
      %add3A_715 = arith.addi %add3A_714, %mul3A_713 : i32
      %get3A_716 = arith.index_cast %add3A_715 : i32 to index
      %get3A_717 = tpu.vector_load %arg12[%get3A_716] {strides = array<i32>} : memref<2560xf32, #tpu.memory_space<vmem>>, vector<16xf32>,
      %mul3A_718 = vector.broadcast %add3A_320 : f32 to vector<16xf32>
      %mul3A_719 = arith.mulf %get3A_717, %mul3A_718 : vector<16xf32>
      %add3A_720 = arith.addf %add3A_708, %mul3A_719 : vector<16xf32>
      %mul3A_721 = vector.broadcast %add3A_327 : f32 to vector<16xf32>
      %mul3A_722 = arith.mulf %get3A_717, %mul3A_721 : vector<16xf32>
      %add3A_723 = arith.addf %add3A_711, %mul3A_722 : vector<16xf32>
      %mul3A_724 = arith.constant 16 : i32
      %mul3A_725 = arith.muli %add3A_599, %mul3A_724 : i32
      %add3A_726 = arith.constant 1280 : i32
      %add3A_727 = arith.addi %add3A_726, %mul3A_725 : i32
      %get3A_728 = arith.index_cast %add3A_727 : i32 to index
      %get3A_729 = tpu.vector_load %arg12[%get3A_728] {strides = array<i32>} : memref<2560xf32, #tpu.memory_space<vmem>>, vector<16xf32>,
      %mul3A_730 = vector.broadcast %add3A_334 : f32 to vector<16xf32>
      %mul3A_731 = arith.mulf %get3A_729, %mul3A_730 : vector<16xf32>
      %add3A_732 = arith.addf %add3A_720, %mul3A_731 : vector<16xf32>
      %mul3A_733 = vector.broadcast %add3A_341 : f32 to vector<16xf32>
      %mul3A_734 = arith.mulf %get3A_729, %mul3A_733 : vector<16xf32>
      %add3A_735 = arith.addf %add3A_723, %mul3A_734 : vector<16xf32>
      %mul3A_736 = arith.constant 16 : i32
      %mul3A_737 = arith.muli %add3A_599, %mul3A_736 : i32
      %add3A_738 = arith.constant 1408 : i32
      %add3A_739 = arith.addi %add3A_738, %mul3A_737 : i32
      %get3A_740 = arith.index_cast %add3A_739 : i32 to index
      %get3A_741 = tpu.vector_load %arg12[%get3A_740] {strides = array<i32>} : memref<2560xf32, #tpu.memory_space<vmem>>, vector<16xf32>,
      %mul3A_742 = vector.broadcast %add3A_348 : f32 to vector<16xf32>
      %mul3A_743 = arith.mulf %get3A_741, %mul3A_742 : vector<16xf32>
      %add3A_744 = arith.addf %add3A_732, %mul3A_743 : vector<16xf32>
      %mul3A_745 = vector.broadcast %add3A_355 : f32 to vector<16xf32>
      %mul3A_746 = arith.mulf %get3A_741, %mul3A_745 : vector<16xf32>
      %add3A_747 = arith.addf %add3A_735, %mul3A_746 : vector<16xf32>
      %mul3A_748 = arith.constant 16 : i32
      %mul3A_749 = arith.muli %add3A_599, %mul3A_748 : i32
      %add3A_750 = arith.constant 1536 : i32
      %add3A_751 = arith.addi %add3A_750, %mul3A_749 : i32
      %get3A_752 = arith.index_cast %add3A_751 : i32 to index
      %get3A_753 = tpu.vector_load %arg12[%get3A_752] {strides = array<i32>} : memref<2560xf32, #tpu.memory_space<vmem>>, vector<16xf32>,
      %mul3A_754 = vector.broadcast %add3A_362 : f32 to vector<16xf32>
      %mul3A_755 = arith.mulf %get3A_753, %mul3A_754 : vector<16xf32>
      %add3A_756 = arith.addf %add3A_744, %mul3A_755 : vector<16xf32>
      %mul3A_757 = vector.broadcast %add3A_369 : f32 to vector<16xf32>
      %mul3A_758 = arith.mulf %get3A_753, %mul3A_757 : vector<16xf32>
      %add3A_759 = arith.addf %add3A_747, %mul3A_758 : vector<16xf32>
      %mul3A_760 = arith.constant 16 : i32
      %mul3A_761 = arith.muli %add3A_599, %mul3A_760 : i32
      %add3A_762 = arith.constant 1664 : i32
      %add3A_763 = arith.addi %add3A_762, %mul3A_761 : i32
      %get3A_764 = arith.index_cast %add3A_763 : i32 to index
      %get3A_765 = tpu.vector_load %arg12[%get3A_764] {strides = array<i32>} : memref<2560xf32, #tpu.memory_space<vmem>>, vector<16xf32>,
      %mul3A_766 = vector.broadcast %add3A_376 : f32 to vector<16xf32>
      %mul3A_767 = arith.mulf %get3A_765, %mul3A_766 : vector<16xf32>
      %add3A_768 = arith.addf %add3A_756, %mul3A_767 : vector<16xf32>
      %mul3A_769 = vector.broadcast %add3A_383 : f32 to vector<16xf32>
      %mul3A_770 = arith.mulf %get3A_765, %mul3A_769 : vector<16xf32>
      %add3A_771 = arith.addf %add3A_759, %mul3A_770 : vector<16xf32>
      %mul3A_772 = arith.constant 16 : i32
      %mul3A_773 = arith.muli %add3A_599, %mul3A_772 : i32
      %add3A_774 = arith.constant 1792 : i32
      %add3A_775 = arith.addi %add3A_774, %mul3A_773 : i32
      %get3A_776 = arith.index_cast %add3A_775 : i32 to index
      %get3A_777 = tpu.vector_load %arg12[%get3A_776] {strides = array<i32>} : memref<2560xf32, #tpu.memory_space<vmem>>, vector<16xf32>,
      %mul3A_778 = vector.broadcast %add3A_390 : f32 to vector<16xf32>
      %mul3A_779 = arith.mulf %get3A_777, %mul3A_778 : vector<16xf32>
      %add3A_780 = arith.addf %add3A_768, %mul3A_779 : vector<16xf32>
      %mul3A_781 = vector.broadcast %add3A_397 : f32 to vector<16xf32>
      %mul3A_782 = arith.mulf %get3A_777, %mul3A_781 : vector<16xf32>
      %add3A_783 = arith.addf %add3A_771, %mul3A_782 : vector<16xf32>
      %mul3A_784 = arith.constant 16 : i32
      %mul3A_785 = arith.muli %add3A_599, %mul3A_784 : i32
      %add3A_786 = arith.constant 1920 : i32
      %add3A_787 = arith.addi %add3A_786, %mul3A_785 : i32
      %get3A_788 = arith.index_cast %add3A_787 : i32 to index
      %get3A_789 = tpu.vector_load %arg12[%get3A_788] {strides = array<i32>} : memref<2560xf32, #tpu.memory_space<vmem>>, vector<16xf32>,
      %mul3A_790 = vector.broadcast %add3A_404 : f32 to vector<16xf32>
      %mul3A_791 = arith.mulf %get3A_789, %mul3A_790 : vector<16xf32>
      %add3A_792 = arith.addf %add3A_780, %mul3A_791 : vector<16xf32>
      %mul3A_793 = vector.broadcast %add3A_411 : f32 to vector<16xf32>
      %mul3A_794 = arith.mulf %get3A_789, %mul3A_793 : vector<16xf32>
      %add3A_795 = arith.addf %add3A_783, %mul3A_794 : vector<16xf32>
      %mul3A_796 = arith.constant 16 : i32
      %mul3A_797 = arith.muli %add3A_599, %mul3A_796 : i32
      %add3A_798 = arith.constant 2048 : i32
      %add3A_799 = arith.addi %add3A_798, %mul3A_797 : i32
      %get3A_800 = arith.index_cast %add3A_799 : i32 to index
      %get3A_801 = tpu.vector_load %arg12[%get3A_800] {strides = array<i32>} : memref<2560xf32, #tpu.memory_space<vmem>>, vector<16xf32>,
      %mul3A_802 = vector.broadcast %add3A_418 : f32 to vector<16xf32>
      %mul3A_803 = arith.mulf %get3A_801, %mul3A_802 : vector<16xf32>
      %add3A_804 = arith.addf %add3A_792, %mul3A_803 : vector<16xf32>
      %mul3A_805 = vector.broadcast %add3A_425 : f32 to vector<16xf32>
      %mul3A_806 = arith.mulf %get3A_801, %mul3A_805 : vector<16xf32>
      %add3A_807 = arith.addf %add3A_795, %mul3A_806 : vector<16xf32>
      %mul3A_808 = arith.constant 16 : i32
      %mul3A_809 = arith.muli %add3A_599, %mul3A_808 : i32
      %add3A_810 = arith.constant 2176 : i32
      %add3A_811 = arith.addi %add3A_810, %mul3A_809 : i32
      %get3A_812 = arith.index_cast %add3A_811 : i32 to index
      %get3A_813 = tpu.vector_load %arg12[%get3A_812] {strides = array<i32>} : memref<2560xf32, #tpu.memory_space<vmem>>, vector<16xf32>,
      %mul3A_814 = vector.broadcast %add3A_432 : f32 to vector<16xf32>
      %mul3A_815 = arith.mulf %get3A_813, %mul3A_814 : vector<16xf32>
      %add3A_816 = arith.addf %add3A_804, %mul3A_815 : vector<16xf32>
      %mul3A_817 = vector.broadcast %add3A_439 : f32 to vector<16xf32>
      %mul3A_818 = arith.mulf %get3A_813, %mul3A_817 : vector<16xf32>
      %add3A_819 = arith.addf %add3A_807, %mul3A_818 : vector<16xf32>
      %mul3A_820 = arith.constant 16 : i32
      %mul3A_821 = arith.muli %add3A_599, %mul3A_820 : i32
      %add3A_822 = arith.constant 2304 : i32
      %add3A_823 = arith.addi %add3A_822, %mul3A_821 : i32
      %get3A_824 = arith.index_cast %add3A_823 : i32 to index
      %get3A_825 = tpu.vector_load %arg12[%get3A_824] {strides = array<i32>} : memref<2560xf32, #tpu.memory_space<vmem>>, vector<16xf32>,
      %mul3A_826 = vector.broadcast %add3A_446 : f32 to vector<16xf32>
      %mul3A_827 = arith.mulf %get3A_825, %mul3A_826 : vector<16xf32>
      %add3A_828 = arith.addf %add3A_816, %mul3A_827 : vector<16xf32>
      %mul3A_829 = vector.broadcast %add3A_453 : f32 to vector<16xf32>
      %mul3A_830 = arith.mulf %get3A_825, %mul3A_829 : vector<16xf32>
      %add3A_831 = arith.addf %add3A_819, %mul3A_830 : vector<16xf32>
      %mul3A_832 = arith.constant 16 : i32
      %mul3A_833 = arith.muli %add3A_599, %mul3A_832 : i32
      %add3A_834 = arith.constant 2432 : i32
      %add3A_835 = arith.addi %add3A_834, %mul3A_833 : i32
      %get3A_836 = arith.index_cast %add3A_835 : i32 to index
      %get3A_837 = tpu.vector_load %arg12[%get3A_836] {strides = array<i32>} : memref<2560xf32, #tpu.memory_space<vmem>>, vector<16xf32>,
      %mul3A_838 = vector.broadcast %add3A_460 : f32 to vector<16xf32>
      %mul3A_839 = arith.mulf %get3A_837, %mul3A_838 : vector<16xf32>
      %add3A_840 = arith.addf %add3A_828, %mul3A_839 : vector<16xf32>
      %mul3A_841 = vector.broadcast %add3A_467 : f32 to vector<16xf32>
      %mul3A_842 = arith.mulf %get3A_837, %mul3A_841 : vector<16xf32>
      %add3A_843 = arith.addf %add3A_831, %mul3A_842 : vector<16xf32>
      %mul3A_844 = arith.constant 5.000000e-03 : f32
      %mul3A_845 = vector.broadcast %mul3A_844 : f32 to vector<16xf32>
      %mul3A_846 = arith.mulf %add3A_840, %mul3A_845 : vector<16xf32>
      %add3A_847 = vector.broadcast %squeeze3A_471 : f32 to vector<16xf32>
      %add3A_848 = arith.addf %mul3A_846, %add3A_847 : vector<16xf32>
      %mul3A_849 = arith.constant 16 : i32
      %mul3A_850 = arith.muli %add3A_599, %mul3A_849 : i32
      %swap3A = arith.constant 0 : i32
      %swap3A_851 = arith.index_cast %swap3A : i32 to index
      %swap3A_852 = arith.index_cast %mul3A_850 : i32 to index
      %swap3A_853 = tpu.vector_load %arg13[%swap3A_851, %swap3A_852] {strides = array<i32>} : memref<2x128xf32, #tpu.memory_space<vmem>>, vector<16xf32>,
      tpu.vector_store %arg13[%swap3A_851, %swap3A_852], %add3A_848 {strides = array<i32>} : memref<2x128xf32, #tpu.memory_space<vmem>>, vector<16xf32>,
      %mul3A_854 = arith.constant 5.000000e-03 : f32
      %mul3A_855 = vector.broadcast %mul3A_854 : f32 to vector<16xf32>
      %mul3A_856 = arith.mulf %add3A_843, %mul3A_855 : vector<16xf32>
      %add3A_857 = vector.broadcast %squeeze3A_473 : f32 to vector<16xf32>
      %add3A_858 = arith.addf %mul3A_856, %add3A_857 : vector<16xf32>
      %mul3A_859 = arith.constant 16 : i32
      %mul3A_860 = arith.muli %add3A_599, %mul3A_859 : i32
      %swap3A_861 = arith.constant 1 : i32
      %swap3A_862 = arith.index_cast %swap3A_861 : i32 to index
      %swap3A_863 = arith.index_cast %mul3A_860 : i32 to index
      %swap3A_864 = tpu.vector_load %arg13[%swap3A_862, %swap3A_863] {strides = array<i32>} : memref<2x128xf32, #tpu.memory_space<vmem>>, vector<16xf32>,
      tpu.vector_store %arg13[%swap3A_862, %swap3A_863], %add3A_858 {strides = array<i32>} : memref<2x128xf32, #tpu.memory_space<vmem>>, vector<16xf32>,
    }
    %scan3A_573 = arith.constant 8 : i32
    %add3A_574 = arith.constant 256 : i32
    %add3A_575 = arith.addi %mul3A_2, %add3A_574 : i32
    "tpu.region"() ({
      %run_scoped3A = tpu.sem_alloc : memref<!tpu.dma_semaphore, #tpu.memory_space<semaphore_mem>>
      %dma_start3A_595 = arith.constant 0 : i32
      %dma_start3A_596 = tpu.memref_slice %arg6[%dma_start3A_595, %add3A_575] : memref<2x16384xf32, #tpu.memory_space<hbm>> -> memref<2x128xf32, #tpu.memory_space<hbm>>
      %dma_start3A_597 = arith.constant 0 : i32
      %dma_start3A_598 = tpu.memref_slice %arg6[%dma_start3A_597, %add3A_575] : memref<2x16384xf32, #tpu.memory_space<hbm>> -> memref<2x128xf32, #tpu.memory_space<hbm>>
      tpu.enqueue_dma source(%arg13 : memref<2x128xf32, #tpu.memory_space<vmem>>) target(%dma_start3A_598 : memref<2x128xf32, #tpu.memory_space<hbm>>) target_semaphore(%run_scoped3A : memref<!tpu.dma_semaphore, #tpu.memory_space<semaphore_mem>>)
      %dma_wait3A_599 = arith.constant 0 : i32
      %dma_wait3A_600 = tpu.memref_slice %arg6[%dma_wait3A_599, %add3A_575] : memref<2x16384xf32, #tpu.memory_space<hbm>> -> memref<2x128xf32, #tpu.memory_space<hbm>>
      %dma_wait3A_601 = arith.constant 0 : i32
      %dma_wait3A_602 = tpu.memref_slice %arg6[%dma_wait3A_601, %add3A_575] : memref<2x16384xf32, #tpu.memory_space<hbm>> -> memref<2x128xf32, #tpu.memory_space<hbm>>
      tpu.wait_dma2 semaphore(%run_scoped3A : memref<!tpu.dma_semaphore, #tpu.memory_space<semaphore_mem>>) src(%arg13 : memref<2x128xf32, #tpu.memory_space<vmem>>) dst(%dma_wait3A_602 : memref<2x128xf32, #tpu.memory_space<hbm>>)
      tpu.yield
    }) : () -> ()
    %dma_wait3A_576 = arith.constant 0 : i32
    %dma_wait3A_577 = tpu.memref_slice %arg2[%add3A_552, %dma_wait3A_576] : memref<16384x200xi32, #tpu.memory_space<hbm>> -> memref<128x200xi32, #tpu.memory_space<hbm>>
    %dma_wait3A_578 = arith.constant 0 : i32
    %dma_wait3A_579 = tpu.memref_slice %arg2[%add3A_552, %dma_wait3A_578] : memref<16384x200xi32, #tpu.memory_space<hbm>> -> memref<128x200xi32, #tpu.memory_space<hbm>>
    tpu.wait_dma2 semaphore(%arg15 : memref<!tpu.dma_semaphore, #tpu.memory_space<semaphore_mem>>) src(%dma_wait3A_579 : memref<128x200xi32, #tpu.memory_space<hbm>>) dst(%arg8 : memref<128x200xi32, #tpu.memory_space<vmem>>)
    %scan3A_580 = arith.constant 0 : i32
    %scan3A_581 = arith.constant 160 : i32
    %scan3A_582 = arith.addi %scan3A_580, %scan3A_581 : i32
    %scan3A_583 = arith.constant 1 : i32
    scf.for %scan3A_595 = %scan3A_580 to %scan3A_582 step %scan3A_583  : i32 {
      %mul3A_596 = arith.constant 1 : i32
      %mul3A_597 = arith.muli %scan3A_595, %mul3A_596 : i32
      %add3A_598 = arith.constant 0 : i32
      %add3A_599 = arith.addi %add3A_598, %mul3A_597 : i32
      %mul3A_600 = arith.constant 16 : i32
      %mul3A_601 = arith.muli %add3A_599, %mul3A_600 : i32
      %swap3A = arith.index_cast %mul3A_601 : i32 to index
      %swap3A_602 = tpu.vector_load %arg12[%swap3A] {strides = array<i32>} : memref<2560xf32, #tpu.memory_space<vmem>>, vector<16xf32>,
      tpu.vector_store %arg12[%swap3A], %broadcast_in_dim3A_476 {strides = array<i32>} : memref<2560xf32, #tpu.memory_space<vmem>>, vector<16xf32>,
    }
    %scan3A_584 = arith.constant 160 : i32
    %parallel_loop3A_585 = arith.constant 0 : i32
    %parallel_loop3A_586 = arith.constant 200 : i32
    %parallel_loop3A_587 = arith.constant 1 : i32
    scf.for %parallel_loop3A_595 = %parallel_loop3A_585 to %parallel_loop3A_586 step %parallel_loop3A_587  : i32 {
      %parallel_loop3A_596 = vector.broadcast %parallel_loop3A_595 : i32 to vector<16xi32>
      %parallel_loop3A_597 = arith.addi %parallel_loop3A_596, %iota3A : vector<16xi32>
      %parallel_loop3A_598 = arith.constant 200 : i32
      %parallel_loop3A_599 = vector.broadcast %parallel_loop3A_598 : i32 to vector<16xi32>
      %parallel_loop3A_600 = arith.cmpi sge, %parallel_loop3A_597, %parallel_loop3A_599 : vector<16xi32>
      %parallel_loop3A_601 = arith.constant 200 : i32
      %parallel_loop3A_602 = vector.broadcast %parallel_loop3A_601 : i32 to vector<16xi32>
      %parallel_loop3A_603 = arith.subi %parallel_loop3A_597, %parallel_loop3A_602 : vector<16xi32>
      %parallel_loop3A_604 = arith.select %parallel_loop3A_600, %parallel_loop3A_603, %parallel_loop3A_597 : vector<16xi1>, vector<16xi32>
      %parallel_loop3A_605 = tpu.vector_load_idx %arg8[%add3A_479, %parallel_loop3A_604] : memref<128x200xi32, #tpu.memory_space<vmem>>[vector<16xi32>, vector<16xi32>], vector<16xi32>,
      %parallel_loop3A_606 = arith.constant 7 : i32
      %parallel_loop3A_607 = vector.broadcast %parallel_loop3A_606 : i32 to vector<16xi32>
      %parallel_loop3A_608 = arith.shli %parallel_loop3A_605, %parallel_loop3A_607 : vector<16xi32>
      %parallel_loop3A_609 = arith.ori %parallel_loop3A_608, %add3A_479 : vector<16xi32>
      tpu.vector_store_idx %arg12[%parallel_loop3A_609], %broadcast_in_dim3A_474 {add = true} : memref<2560xf32, #tpu.memory_space<vmem>>[vector<16xi32>], vector<16xf32>,
      %parallel_loop3A_610 = tpu.vector_load_idx %arg8[%add3A_482, %parallel_loop3A_604] : memref<128x200xi32, #tpu.memory_space<vmem>>[vector<16xi32>, vector<16xi32>], vector<16xi32>,
      %parallel_loop3A_611 = arith.constant 7 : i32
      %parallel_loop3A_612 = vector.broadcast %parallel_loop3A_611 : i32 to vector<16xi32>
      %parallel_loop3A_613 = arith.shli %parallel_loop3A_610, %parallel_loop3A_612 : vector<16xi32>
      %parallel_loop3A_614 = arith.ori %parallel_loop3A_613, %add3A_482 : vector<16xi32>
      tpu.vector_store_idx %arg12[%parallel_loop3A_614], %broadcast_in_dim3A_474 {add = true} : memref<2560xf32, #tpu.memory_space<vmem>>[vector<16xi32>], vector<16xf32>,
      %parallel_loop3A_615 = tpu.vector_load_idx %arg8[%add3A_485, %parallel_loop3A_604] : memref<128x200xi32, #tpu.memory_space<vmem>>[vector<16xi32>, vector<16xi32>], vector<16xi32>,
      %parallel_loop3A_616 = arith.constant 7 : i32
      %parallel_loop3A_617 = vector.broadcast %parallel_loop3A_616 : i32 to vector<16xi32>
      %parallel_loop3A_618 = arith.shli %parallel_loop3A_615, %parallel_loop3A_617 : vector<16xi32>
      %parallel_loop3A_619 = arith.ori %parallel_loop3A_618, %add3A_485 : vector<16xi32>
      tpu.vector_store_idx %arg12[%parallel_loop3A_619], %broadcast_in_dim3A_474 {add = true} : memref<2560xf32, #tpu.memory_space<vmem>>[vector<16xi32>], vector<16xf32>,
      %parallel_loop3A_620 = tpu.vector_load_idx %arg8[%add3A_488, %parallel_loop3A_604] : memref<128x200xi32, #tpu.memory_space<vmem>>[vector<16xi32>, vector<16xi32>], vector<16xi32>,
      %parallel_loop3A_621 = arith.constant 7 : i32
      %parallel_loop3A_622 = vector.broadcast %parallel_loop3A_621 : i32 to vector<16xi32>
      %parallel_loop3A_623 = arith.shli %parallel_loop3A_620, %parallel_loop3A_622 : vector<16xi32>
      %parallel_loop3A_624 = arith.ori %parallel_loop3A_623, %add3A_488 : vector<16xi32>
      tpu.vector_store_idx %arg12[%parallel_loop3A_624], %broadcast_in_dim3A_474 {add = true} : memref<2560xf32, #tpu.memory_space<vmem>>[vector<16xi32>], vector<16xf32>,
      %parallel_loop3A_625 = tpu.vector_load_idx %arg8[%add3A_491, %parallel_loop3A_604] : memref<128x200xi32, #tpu.memory_space<vmem>>[vector<16xi32>, vector<16xi32>], vector<16xi32>,
      %parallel_loop3A_626 = arith.constant 7 : i32
      %parallel_loop3A_627 = vector.broadcast %parallel_loop3A_626 : i32 to vector<16xi32>
      %parallel_loop3A_628 = arith.shli %parallel_loop3A_625, %parallel_loop3A_627 : vector<16xi32>
      %parallel_loop3A_629 = arith.ori %parallel_loop3A_628, %add3A_491 : vector<16xi32>
      tpu.vector_store_idx %arg12[%parallel_loop3A_629], %broadcast_in_dim3A_474 {add = true} : memref<2560xf32, #tpu.memory_space<vmem>>[vector<16xi32>], vector<16xf32>,
      %parallel_loop3A_630 = tpu.vector_load_idx %arg8[%add3A_494, %parallel_loop3A_604] : memref<128x200xi32, #tpu.memory_space<vmem>>[vector<16xi32>, vector<16xi32>], vector<16xi32>,
      %parallel_loop3A_631 = arith.constant 7 : i32
      %parallel_loop3A_632 = vector.broadcast %parallel_loop3A_631 : i32 to vector<16xi32>
      %parallel_loop3A_633 = arith.shli %parallel_loop3A_630, %parallel_loop3A_632 : vector<16xi32>
      %parallel_loop3A_634 = arith.ori %parallel_loop3A_633, %add3A_494 : vector<16xi32>
      tpu.vector_store_idx %arg12[%parallel_loop3A_634], %broadcast_in_dim3A_474 {add = true} : memref<2560xf32, #tpu.memory_space<vmem>>[vector<16xi32>], vector<16xf32>,
      %parallel_loop3A_635 = tpu.vector_load_idx %arg8[%add3A_497, %parallel_loop3A_604] : memref<128x200xi32, #tpu.memory_space<vmem>>[vector<16xi32>, vector<16xi32>], vector<16xi32>,
      %parallel_loop3A_636 = arith.constant 7 : i32
      %parallel_loop3A_637 = vector.broadcast %parallel_loop3A_636 : i32 to vector<16xi32>
      %parallel_loop3A_638 = arith.shli %parallel_loop3A_635, %parallel_loop3A_637 : vector<16xi32>
      %parallel_loop3A_639 = arith.ori %parallel_loop3A_638, %add3A_497 : vector<16xi32>
      tpu.vector_store_idx %arg12[%parallel_loop3A_639], %broadcast_in_dim3A_474 {add = true} : memref<2560xf32, #tpu.memory_space<vmem>>[vector<16xi32>], vector<16xf32>,
      %parallel_loop3A_640 = tpu.vector_load_idx %arg8[%add3A_500, %parallel_loop3A_604] : memref<128x200xi32, #tpu.memory_space<vmem>>[vector<16xi32>, vector<16xi32>], vector<16xi32>,
      %parallel_loop3A_641 = arith.constant 7 : i32
      %parallel_loop3A_642 = vector.broadcast %parallel_loop3A_641 : i32 to vector<16xi32>
      %parallel_loop3A_643 = arith.shli %parallel_loop3A_640, %parallel_loop3A_642 : vector<16xi32>
      %parallel_loop3A_644 = arith.ori %parallel_loop3A_643, %add3A_500 : vector<16xi32>
      tpu.vector_store_idx %arg12[%parallel_loop3A_644], %broadcast_in_dim3A_474 {add = true} : memref<2560xf32, #tpu.memory_space<vmem>>[vector<16xi32>], vector<16xf32>,
    } {sc.loop_unroll_factor = 1 : i64, sc.parallel_access}
    %scan3A_588 = arith.constant 0 : i32
    %scan3A_589 = arith.constant 8 : i32
    %scan3A_590 = arith.addi %scan3A_588, %scan3A_589 : i32
    %scan3A_591 = arith.constant 1 : i32
    scf.for %scan3A_595 = %scan3A_588 to %scan3A_590 step %scan3A_591  : i32 {
      %mul3A_596 = arith.constant 1 : i32
      %mul3A_597 = arith.muli %scan3A_595, %mul3A_596 : i32
      %add3A_598 = arith.constant 0 : i32
      %add3A_599 = arith.addi %add3A_598, %mul3A_597 : i32
      %broadcast_in_dim3A_600 = arith.constant 0.000000e+00 : f32
      %broadcast_in_dim3A_601 = vector.broadcast %broadcast_in_dim3A_600 : f32 to vector<16xf32>
      %broadcast_in_dim3A_602 = arith.constant 0.000000e+00 : f32
      %broadcast_in_dim3A_603 = vector.broadcast %broadcast_in_dim3A_602 : f32 to vector<16xf32>
      %mul3A_604 = arith.constant 16 : i32
      %mul3A_605 = arith.muli %add3A_599, %mul3A_604 : i32
      %add3A_606 = arith.constant 0 : i32
      %add3A_607 = arith.addi %add3A_606, %mul3A_605 : i32
      %get3A_608 = arith.index_cast %add3A_607 : i32 to index
      %get3A_609 = tpu.vector_load %arg12[%get3A_608] {strides = array<i32>} : memref<2560xf32, #tpu.memory_space<vmem>>, vector<16xf32>,
      %mul3A_610 = vector.broadcast %add3A_194 : f32 to vector<16xf32>
      %mul3A_611 = arith.mulf %get3A_609, %mul3A_610 : vector<16xf32>
      %add3A_612 = arith.addf %broadcast_in_dim3A_601, %mul3A_611 : vector<16xf32>
      %mul3A_613 = vector.broadcast %add3A_201 : f32 to vector<16xf32>
      %mul3A_614 = arith.mulf %get3A_609, %mul3A_613 : vector<16xf32>
      %add3A_615 = arith.addf %broadcast_in_dim3A_603, %mul3A_614 : vector<16xf32>
      %mul3A_616 = arith.constant 16 : i32
      %mul3A_617 = arith.muli %add3A_599, %mul3A_616 : i32
      %add3A_618 = arith.constant 128 : i32
      %add3A_619 = arith.addi %add3A_618, %mul3A_617 : i32
      %get3A_620 = arith.index_cast %add3A_619 : i32 to index
      %get3A_621 = tpu.vector_load %arg12[%get3A_620] {strides = array<i32>} : memref<2560xf32, #tpu.memory_space<vmem>>, vector<16xf32>,
      %mul3A_622 = vector.broadcast %add3A_208 : f32 to vector<16xf32>
      %mul3A_623 = arith.mulf %get3A_621, %mul3A_622 : vector<16xf32>
      %add3A_624 = arith.addf %add3A_612, %mul3A_623 : vector<16xf32>
      %mul3A_625 = vector.broadcast %add3A_215 : f32 to vector<16xf32>
      %mul3A_626 = arith.mulf %get3A_621, %mul3A_625 : vector<16xf32>
      %add3A_627 = arith.addf %add3A_615, %mul3A_626 : vector<16xf32>
      %mul3A_628 = arith.constant 16 : i32
      %mul3A_629 = arith.muli %add3A_599, %mul3A_628 : i32
      %add3A_630 = arith.constant 256 : i32
      %add3A_631 = arith.addi %add3A_630, %mul3A_629 : i32
      %get3A_632 = arith.index_cast %add3A_631 : i32 to index
      %get3A_633 = tpu.vector_load %arg12[%get3A_632] {strides = array<i32>} : memref<2560xf32, #tpu.memory_space<vmem>>, vector<16xf32>,
      %mul3A_634 = vector.broadcast %add3A_222 : f32 to vector<16xf32>
      %mul3A_635 = arith.mulf %get3A_633, %mul3A_634 : vector<16xf32>
      %add3A_636 = arith.addf %add3A_624, %mul3A_635 : vector<16xf32>
      %mul3A_637 = vector.broadcast %add3A_229 : f32 to vector<16xf32>
      %mul3A_638 = arith.mulf %get3A_633, %mul3A_637 : vector<16xf32>
      %add3A_639 = arith.addf %add3A_627, %mul3A_638 : vector<16xf32>
      %mul3A_640 = arith.constant 16 : i32
      %mul3A_641 = arith.muli %add3A_599, %mul3A_640 : i32
      %add3A_642 = arith.constant 384 : i32
      %add3A_643 = arith.addi %add3A_642, %mul3A_641 : i32
      %get3A_644 = arith.index_cast %add3A_643 : i32 to index
      %get3A_645 = tpu.vector_load %arg12[%get3A_644] {strides = array<i32>} : memref<2560xf32, #tpu.memory_space<vmem>>, vector<16xf32>,
      %mul3A_646 = vector.broadcast %add3A_236 : f32 to vector<16xf32>
      %mul3A_647 = arith.mulf %get3A_645, %mul3A_646 : vector<16xf32>
      %add3A_648 = arith.addf %add3A_636, %mul3A_647 : vector<16xf32>
      %mul3A_649 = vector.broadcast %add3A_243 : f32 to vector<16xf32>
      %mul3A_650 = arith.mulf %get3A_645, %mul3A_649 : vector<16xf32>
      %add3A_651 = arith.addf %add3A_639, %mul3A_650 : vector<16xf32>
      %mul3A_652 = arith.constant 16 : i32
      %mul3A_653 = arith.muli %add3A_599, %mul3A_652 : i32
      %add3A_654 = arith.constant 512 : i32
      %add3A_655 = arith.addi %add3A_654, %mul3A_653 : i32
      %get3A_656 = arith.index_cast %add3A_655 : i32 to index
      %get3A_657 = tpu.vector_load %arg12[%get3A_656] {strides = array<i32>} : memref<2560xf32, #tpu.memory_space<vmem>>, vector<16xf32>,
      %mul3A_658 = vector.broadcast %add3A_250 : f32 to vector<16xf32>
      %mul3A_659 = arith.mulf %get3A_657, %mul3A_658 : vector<16xf32>
      %add3A_660 = arith.addf %add3A_648, %mul3A_659 : vector<16xf32>
      %mul3A_661 = vector.broadcast %add3A_257 : f32 to vector<16xf32>
      %mul3A_662 = arith.mulf %get3A_657, %mul3A_661 : vector<16xf32>
      %add3A_663 = arith.addf %add3A_651, %mul3A_662 : vector<16xf32>
      %mul3A_664 = arith.constant 16 : i32
      %mul3A_665 = arith.muli %add3A_599, %mul3A_664 : i32
      %add3A_666 = arith.constant 640 : i32
      %add3A_667 = arith.addi %add3A_666, %mul3A_665 : i32
      %get3A_668 = arith.index_cast %add3A_667 : i32 to index
      %get3A_669 = tpu.vector_load %arg12[%get3A_668] {strides = array<i32>} : memref<2560xf32, #tpu.memory_space<vmem>>, vector<16xf32>,
      %mul3A_670 = vector.broadcast %add3A_264 : f32 to vector<16xf32>
      %mul3A_671 = arith.mulf %get3A_669, %mul3A_670 : vector<16xf32>
      %add3A_672 = arith.addf %add3A_660, %mul3A_671 : vector<16xf32>
      %mul3A_673 = vector.broadcast %add3A_271 : f32 to vector<16xf32>
      %mul3A_674 = arith.mulf %get3A_669, %mul3A_673 : vector<16xf32>
      %add3A_675 = arith.addf %add3A_663, %mul3A_674 : vector<16xf32>
      %mul3A_676 = arith.constant 16 : i32
      %mul3A_677 = arith.muli %add3A_599, %mul3A_676 : i32
      %add3A_678 = arith.constant 768 : i32
      %add3A_679 = arith.addi %add3A_678, %mul3A_677 : i32
      %get3A_680 = arith.index_cast %add3A_679 : i32 to index
      %get3A_681 = tpu.vector_load %arg12[%get3A_680] {strides = array<i32>} : memref<2560xf32, #tpu.memory_space<vmem>>, vector<16xf32>,
      %mul3A_682 = vector.broadcast %add3A_278 : f32 to vector<16xf32>
      %mul3A_683 = arith.mulf %get3A_681, %mul3A_682 : vector<16xf32>
      %add3A_684 = arith.addf %add3A_672, %mul3A_683 : vector<16xf32>
      %mul3A_685 = vector.broadcast %add3A_285 : f32 to vector<16xf32>
      %mul3A_686 = arith.mulf %get3A_681, %mul3A_685 : vector<16xf32>
      %add3A_687 = arith.addf %add3A_675, %mul3A_686 : vector<16xf32>
      %mul3A_688 = arith.constant 16 : i32
      %mul3A_689 = arith.muli %add3A_599, %mul3A_688 : i32
      %add3A_690 = arith.constant 896 : i32
      %add3A_691 = arith.addi %add3A_690, %mul3A_689 : i32
      %get3A_692 = arith.index_cast %add3A_691 : i32 to index
      %get3A_693 = tpu.vector_load %arg12[%get3A_692] {strides = array<i32>} : memref<2560xf32, #tpu.memory_space<vmem>>, vector<16xf32>,
      %mul3A_694 = vector.broadcast %add3A_292 : f32 to vector<16xf32>
      %mul3A_695 = arith.mulf %get3A_693, %mul3A_694 : vector<16xf32>
      %add3A_696 = arith.addf %add3A_684, %mul3A_695 : vector<16xf32>
      %mul3A_697 = vector.broadcast %add3A_299 : f32 to vector<16xf32>
      %mul3A_698 = arith.mulf %get3A_693, %mul3A_697 : vector<16xf32>
      %add3A_699 = arith.addf %add3A_687, %mul3A_698 : vector<16xf32>
      %mul3A_700 = arith.constant 16 : i32
      %mul3A_701 = arith.muli %add3A_599, %mul3A_700 : i32
      %add3A_702 = arith.constant 1024 : i32
      %add3A_703 = arith.addi %add3A_702, %mul3A_701 : i32
      %get3A_704 = arith.index_cast %add3A_703 : i32 to index
      %get3A_705 = tpu.vector_load %arg12[%get3A_704] {strides = array<i32>} : memref<2560xf32, #tpu.memory_space<vmem>>, vector<16xf32>,
      %mul3A_706 = vector.broadcast %add3A_306 : f32 to vector<16xf32>
      %mul3A_707 = arith.mulf %get3A_705, %mul3A_706 : vector<16xf32>
      %add3A_708 = arith.addf %add3A_696, %mul3A_707 : vector<16xf32>
      %mul3A_709 = vector.broadcast %add3A_313 : f32 to vector<16xf32>
      %mul3A_710 = arith.mulf %get3A_705, %mul3A_709 : vector<16xf32>
      %add3A_711 = arith.addf %add3A_699, %mul3A_710 : vector<16xf32>
      %mul3A_712 = arith.constant 16 : i32
      %mul3A_713 = arith.muli %add3A_599, %mul3A_712 : i32
      %add3A_714 = arith.constant 1152 : i32
      %add3A_715 = arith.addi %add3A_714, %mul3A_713 : i32
      %get3A_716 = arith.index_cast %add3A_715 : i32 to index
      %get3A_717 = tpu.vector_load %arg12[%get3A_716] {strides = array<i32>} : memref<2560xf32, #tpu.memory_space<vmem>>, vector<16xf32>,
      %mul3A_718 = vector.broadcast %add3A_320 : f32 to vector<16xf32>
      %mul3A_719 = arith.mulf %get3A_717, %mul3A_718 : vector<16xf32>
      %add3A_720 = arith.addf %add3A_708, %mul3A_719 : vector<16xf32>
      %mul3A_721 = vector.broadcast %add3A_327 : f32 to vector<16xf32>
      %mul3A_722 = arith.mulf %get3A_717, %mul3A_721 : vector<16xf32>
      %add3A_723 = arith.addf %add3A_711, %mul3A_722 : vector<16xf32>
      %mul3A_724 = arith.constant 16 : i32
      %mul3A_725 = arith.muli %add3A_599, %mul3A_724 : i32
      %add3A_726 = arith.constant 1280 : i32
      %add3A_727 = arith.addi %add3A_726, %mul3A_725 : i32
      %get3A_728 = arith.index_cast %add3A_727 : i32 to index
      %get3A_729 = tpu.vector_load %arg12[%get3A_728] {strides = array<i32>} : memref<2560xf32, #tpu.memory_space<vmem>>, vector<16xf32>,
      %mul3A_730 = vector.broadcast %add3A_334 : f32 to vector<16xf32>
      %mul3A_731 = arith.mulf %get3A_729, %mul3A_730 : vector<16xf32>
      %add3A_732 = arith.addf %add3A_720, %mul3A_731 : vector<16xf32>
      %mul3A_733 = vector.broadcast %add3A_341 : f32 to vector<16xf32>
      %mul3A_734 = arith.mulf %get3A_729, %mul3A_733 : vector<16xf32>
      %add3A_735 = arith.addf %add3A_723, %mul3A_734 : vector<16xf32>
      %mul3A_736 = arith.constant 16 : i32
      %mul3A_737 = arith.muli %add3A_599, %mul3A_736 : i32
      %add3A_738 = arith.constant 1408 : i32
      %add3A_739 = arith.addi %add3A_738, %mul3A_737 : i32
      %get3A_740 = arith.index_cast %add3A_739 : i32 to index
      %get3A_741 = tpu.vector_load %arg12[%get3A_740] {strides = array<i32>} : memref<2560xf32, #tpu.memory_space<vmem>>, vector<16xf32>,
      %mul3A_742 = vector.broadcast %add3A_348 : f32 to vector<16xf32>
      %mul3A_743 = arith.mulf %get3A_741, %mul3A_742 : vector<16xf32>
      %add3A_744 = arith.addf %add3A_732, %mul3A_743 : vector<16xf32>
      %mul3A_745 = vector.broadcast %add3A_355 : f32 to vector<16xf32>
      %mul3A_746 = arith.mulf %get3A_741, %mul3A_745 : vector<16xf32>
      %add3A_747 = arith.addf %add3A_735, %mul3A_746 : vector<16xf32>
      %mul3A_748 = arith.constant 16 : i32
      %mul3A_749 = arith.muli %add3A_599, %mul3A_748 : i32
      %add3A_750 = arith.constant 1536 : i32
      %add3A_751 = arith.addi %add3A_750, %mul3A_749 : i32
      %get3A_752 = arith.index_cast %add3A_751 : i32 to index
      %get3A_753 = tpu.vector_load %arg12[%get3A_752] {strides = array<i32>} : memref<2560xf32, #tpu.memory_space<vmem>>, vector<16xf32>,
      %mul3A_754 = vector.broadcast %add3A_362 : f32 to vector<16xf32>
      %mul3A_755 = arith.mulf %get3A_753, %mul3A_754 : vector<16xf32>
      %add3A_756 = arith.addf %add3A_744, %mul3A_755 : vector<16xf32>
      %mul3A_757 = vector.broadcast %add3A_369 : f32 to vector<16xf32>
      %mul3A_758 = arith.mulf %get3A_753, %mul3A_757 : vector<16xf32>
      %add3A_759 = arith.addf %add3A_747, %mul3A_758 : vector<16xf32>
      %mul3A_760 = arith.constant 16 : i32
      %mul3A_761 = arith.muli %add3A_599, %mul3A_760 : i32
      %add3A_762 = arith.constant 1664 : i32
      %add3A_763 = arith.addi %add3A_762, %mul3A_761 : i32
      %get3A_764 = arith.index_cast %add3A_763 : i32 to index
      %get3A_765 = tpu.vector_load %arg12[%get3A_764] {strides = array<i32>} : memref<2560xf32, #tpu.memory_space<vmem>>, vector<16xf32>,
      %mul3A_766 = vector.broadcast %add3A_376 : f32 to vector<16xf32>
      %mul3A_767 = arith.mulf %get3A_765, %mul3A_766 : vector<16xf32>
      %add3A_768 = arith.addf %add3A_756, %mul3A_767 : vector<16xf32>
      %mul3A_769 = vector.broadcast %add3A_383 : f32 to vector<16xf32>
      %mul3A_770 = arith.mulf %get3A_765, %mul3A_769 : vector<16xf32>
      %add3A_771 = arith.addf %add3A_759, %mul3A_770 : vector<16xf32>
      %mul3A_772 = arith.constant 16 : i32
      %mul3A_773 = arith.muli %add3A_599, %mul3A_772 : i32
      %add3A_774 = arith.constant 1792 : i32
      %add3A_775 = arith.addi %add3A_774, %mul3A_773 : i32
      %get3A_776 = arith.index_cast %add3A_775 : i32 to index
      %get3A_777 = tpu.vector_load %arg12[%get3A_776] {strides = array<i32>} : memref<2560xf32, #tpu.memory_space<vmem>>, vector<16xf32>,
      %mul3A_778 = vector.broadcast %add3A_390 : f32 to vector<16xf32>
      %mul3A_779 = arith.mulf %get3A_777, %mul3A_778 : vector<16xf32>
      %add3A_780 = arith.addf %add3A_768, %mul3A_779 : vector<16xf32>
      %mul3A_781 = vector.broadcast %add3A_397 : f32 to vector<16xf32>
      %mul3A_782 = arith.mulf %get3A_777, %mul3A_781 : vector<16xf32>
      %add3A_783 = arith.addf %add3A_771, %mul3A_782 : vector<16xf32>
      %mul3A_784 = arith.constant 16 : i32
      %mul3A_785 = arith.muli %add3A_599, %mul3A_784 : i32
      %add3A_786 = arith.constant 1920 : i32
      %add3A_787 = arith.addi %add3A_786, %mul3A_785 : i32
      %get3A_788 = arith.index_cast %add3A_787 : i32 to index
      %get3A_789 = tpu.vector_load %arg12[%get3A_788] {strides = array<i32>} : memref<2560xf32, #tpu.memory_space<vmem>>, vector<16xf32>,
      %mul3A_790 = vector.broadcast %add3A_404 : f32 to vector<16xf32>
      %mul3A_791 = arith.mulf %get3A_789, %mul3A_790 : vector<16xf32>
      %add3A_792 = arith.addf %add3A_780, %mul3A_791 : vector<16xf32>
      %mul3A_793 = vector.broadcast %add3A_411 : f32 to vector<16xf32>
      %mul3A_794 = arith.mulf %get3A_789, %mul3A_793 : vector<16xf32>
      %add3A_795 = arith.addf %add3A_783, %mul3A_794 : vector<16xf32>
      %mul3A_796 = arith.constant 16 : i32
      %mul3A_797 = arith.muli %add3A_599, %mul3A_796 : i32
      %add3A_798 = arith.constant 2048 : i32
      %add3A_799 = arith.addi %add3A_798, %mul3A_797 : i32
      %get3A_800 = arith.index_cast %add3A_799 : i32 to index
      %get3A_801 = tpu.vector_load %arg12[%get3A_800] {strides = array<i32>} : memref<2560xf32, #tpu.memory_space<vmem>>, vector<16xf32>,
      %mul3A_802 = vector.broadcast %add3A_418 : f32 to vector<16xf32>
      %mul3A_803 = arith.mulf %get3A_801, %mul3A_802 : vector<16xf32>
      %add3A_804 = arith.addf %add3A_792, %mul3A_803 : vector<16xf32>
      %mul3A_805 = vector.broadcast %add3A_425 : f32 to vector<16xf32>
      %mul3A_806 = arith.mulf %get3A_801, %mul3A_805 : vector<16xf32>
      %add3A_807 = arith.addf %add3A_795, %mul3A_806 : vector<16xf32>
      %mul3A_808 = arith.constant 16 : i32
      %mul3A_809 = arith.muli %add3A_599, %mul3A_808 : i32
      %add3A_810 = arith.constant 2176 : i32
      %add3A_811 = arith.addi %add3A_810, %mul3A_809 : i32
      %get3A_812 = arith.index_cast %add3A_811 : i32 to index
      %get3A_813 = tpu.vector_load %arg12[%get3A_812] {strides = array<i32>} : memref<2560xf32, #tpu.memory_space<vmem>>, vector<16xf32>,
      %mul3A_814 = vector.broadcast %add3A_432 : f32 to vector<16xf32>
      %mul3A_815 = arith.mulf %get3A_813, %mul3A_814 : vector<16xf32>
      %add3A_816 = arith.addf %add3A_804, %mul3A_815 : vector<16xf32>
      %mul3A_817 = vector.broadcast %add3A_439 : f32 to vector<16xf32>
      %mul3A_818 = arith.mulf %get3A_813, %mul3A_817 : vector<16xf32>
      %add3A_819 = arith.addf %add3A_807, %mul3A_818 : vector<16xf32>
      %mul3A_820 = arith.constant 16 : i32
      %mul3A_821 = arith.muli %add3A_599, %mul3A_820 : i32
      %add3A_822 = arith.constant 2304 : i32
      %add3A_823 = arith.addi %add3A_822, %mul3A_821 : i32
      %get3A_824 = arith.index_cast %add3A_823 : i32 to index
      %get3A_825 = tpu.vector_load %arg12[%get3A_824] {strides = array<i32>} : memref<2560xf32, #tpu.memory_space<vmem>>, vector<16xf32>,
      %mul3A_826 = vector.broadcast %add3A_446 : f32 to vector<16xf32>
      %mul3A_827 = arith.mulf %get3A_825, %mul3A_826 : vector<16xf32>
      %add3A_828 = arith.addf %add3A_816, %mul3A_827 : vector<16xf32>
      %mul3A_829 = vector.broadcast %add3A_453 : f32 to vector<16xf32>
      %mul3A_830 = arith.mulf %get3A_825, %mul3A_829 : vector<16xf32>
      %add3A_831 = arith.addf %add3A_819, %mul3A_830 : vector<16xf32>
      %mul3A_832 = arith.constant 16 : i32
      %mul3A_833 = arith.muli %add3A_599, %mul3A_832 : i32
      %add3A_834 = arith.constant 2432 : i32
      %add3A_835 = arith.addi %add3A_834, %mul3A_833 : i32
      %get3A_836 = arith.index_cast %add3A_835 : i32 to index
      %get3A_837 = tpu.vector_load %arg12[%get3A_836] {strides = array<i32>} : memref<2560xf32, #tpu.memory_space<vmem>>, vector<16xf32>,
      %mul3A_838 = vector.broadcast %add3A_460 : f32 to vector<16xf32>
      %mul3A_839 = arith.mulf %get3A_837, %mul3A_838 : vector<16xf32>
      %add3A_840 = arith.addf %add3A_828, %mul3A_839 : vector<16xf32>
      %mul3A_841 = vector.broadcast %add3A_467 : f32 to vector<16xf32>
      %mul3A_842 = arith.mulf %get3A_837, %mul3A_841 : vector<16xf32>
      %add3A_843 = arith.addf %add3A_831, %mul3A_842 : vector<16xf32>
      %mul3A_844 = arith.constant 5.000000e-03 : f32
      %mul3A_845 = vector.broadcast %mul3A_844 : f32 to vector<16xf32>
      %mul3A_846 = arith.mulf %add3A_840, %mul3A_845 : vector<16xf32>
      %add3A_847 = vector.broadcast %squeeze3A_471 : f32 to vector<16xf32>
      %add3A_848 = arith.addf %mul3A_846, %add3A_847 : vector<16xf32>
      %mul3A_849 = arith.constant 16 : i32
      %mul3A_850 = arith.muli %add3A_599, %mul3A_849 : i32
      %swap3A = arith.constant 0 : i32
      %swap3A_851 = arith.index_cast %swap3A : i32 to index
      %swap3A_852 = arith.index_cast %mul3A_850 : i32 to index
      %swap3A_853 = tpu.vector_load %arg13[%swap3A_851, %swap3A_852] {strides = array<i32>} : memref<2x128xf32, #tpu.memory_space<vmem>>, vector<16xf32>,
      tpu.vector_store %arg13[%swap3A_851, %swap3A_852], %add3A_848 {strides = array<i32>} : memref<2x128xf32, #tpu.memory_space<vmem>>, vector<16xf32>,
      %mul3A_854 = arith.constant 5.000000e-03 : f32
      %mul3A_855 = vector.broadcast %mul3A_854 : f32 to vector<16xf32>
      %mul3A_856 = arith.mulf %add3A_843, %mul3A_855 : vector<16xf32>
      %add3A_857 = vector.broadcast %squeeze3A_473 : f32 to vector<16xf32>
      %add3A_858 = arith.addf %mul3A_856, %add3A_857 : vector<16xf32>
      %mul3A_859 = arith.constant 16 : i32
      %mul3A_860 = arith.muli %add3A_599, %mul3A_859 : i32
      %swap3A_861 = arith.constant 1 : i32
      %swap3A_862 = arith.index_cast %swap3A_861 : i32 to index
      %swap3A_863 = arith.index_cast %mul3A_860 : i32 to index
      %swap3A_864 = tpu.vector_load %arg13[%swap3A_862, %swap3A_863] {strides = array<i32>} : memref<2x128xf32, #tpu.memory_space<vmem>>, vector<16xf32>,
      tpu.vector_store %arg13[%swap3A_862, %swap3A_863], %add3A_858 {strides = array<i32>} : memref<2x128xf32, #tpu.memory_space<vmem>>, vector<16xf32>,
    }
    %scan3A_592 = arith.constant 8 : i32
    %add3A_593 = arith.constant 384 : i32
    %add3A_594 = arith.addi %mul3A_2, %add3A_593 : i32
    "tpu.region"() ({
      %run_scoped3A = tpu.sem_alloc : memref<!tpu.dma_semaphore, #tpu.memory_space<semaphore_mem>>
      %dma_start3A_595 = arith.constant 0 : i32
      %dma_start3A_596 = tpu.memref_slice %arg6[%dma_start3A_595, %add3A_594] : memref<2x16384xf32, #tpu.memory_space<hbm>> -> memref<2x128xf32, #tpu.memory_space<hbm>>
      %dma_start3A_597 = arith.constant 0 : i32
      %dma_start3A_598 = tpu.memref_slice %arg6[%dma_start3A_597, %add3A_594] : memref<2x16384xf32, #tpu.memory_space<hbm>> -> memref<2x128xf32, #tpu.memory_space<hbm>>
      tpu.enqueue_dma source(%arg13 : memref<2x128xf32, #tpu.memory_space<vmem>>) target(%dma_start3A_598 : memref<2x128xf32, #tpu.memory_space<hbm>>) target_semaphore(%run_scoped3A : memref<!tpu.dma_semaphore, #tpu.memory_space<semaphore_mem>>)
      %dma_wait3A_599 = arith.constant 0 : i32
      %dma_wait3A_600 = tpu.memref_slice %arg6[%dma_wait3A_599, %add3A_594] : memref<2x16384xf32, #tpu.memory_space<hbm>> -> memref<2x128xf32, #tpu.memory_space<hbm>>
      %dma_wait3A_601 = arith.constant 0 : i32
      %dma_wait3A_602 = tpu.memref_slice %arg6[%dma_wait3A_601, %add3A_594] : memref<2x16384xf32, #tpu.memory_space<hbm>> -> memref<2x128xf32, #tpu.memory_space<hbm>>
      tpu.wait_dma2 semaphore(%run_scoped3A : memref<!tpu.dma_semaphore, #tpu.memory_space<semaphore_mem>>) src(%arg13 : memref<2x128xf32, #tpu.memory_space<vmem>>) dst(%dma_wait3A_602 : memref<2x128xf32, #tpu.memory_space<hbm>>)
      tpu.yield
    }) : () -> ()
    return
  }
}

</mosaic_0001>

<sc_bundles>
// kernel: _run.3.cloned.1.call-start
scs
__scs_entry_jumppad:
0x0: {  	(pc) =	sbr.rel $0x88, $3  }
0x1: {  	(tag) =	ssettag $0x0;
	lr =	simm.s32 $0x1  }
0x2: {  	[smem:$0x3F9D] =	sst lr;
	_ =	strace $0xD0000000  }
0x3: {  	_ = 	snop  }
0x4: {  	_ = 	snop  }
0x5: {  	_ = 	snop  }
0x6: {  	_ = 	snop  }
0x7: {  	_ = 	snop  }
__scs_overlays_trampoline_lowered:
0x8: {  	[smem:$0x3FAC] =	sst s0  }
0x9: {  	[smem:$0x3FAD] =	sst s1  }
0xa: {  	[smem:$0x3FAE] =	sst s2  }
0xb: {  	[smem:$0x3FAF] =	sst s3  }
0xc: {  	[smem:$0x3FB0] =	sst s4  }
0xd: {  	[smem:$0x3FB1] =	sst s5  }
0xe: {  	[smem:$0x3FB2] =	sst s6  }
0xf: {  	[smem:$0x3FB3] =	sst s7  }
0x10: {  	[smem:$0x3FB4] =	sst s8  }
0x11: {  	[smem:$0x3FB5] =	sst s9;
	s0 =	simm.s32 @!p0 $0x0  }
0x12: {  	s1 =	sld [smem:$0x3F9B];
	s0 =	simm.s32 @p0 $0x1  }
0x13: {  	[smem:$0x3FB6] =	sst s0;
	s0 =	simm.s32 @!p1 $0x0  }
0x14: {  	s2 =	sld [smem:$0x3F9A];
	s0 =	simm.s32 @p1 $0x1  }
0x15: {  	[smem:$0x3FB7] =	sst s0;
	s0 =	simm.s32 @!p2 $0x0  }
0x16: {  	s3 =	sld [smem:$0x3FDB];
	s0 =	simm.s32 @p2 $0x1  }
0x17: {  	s4 =	simm.s32 $0x1BF5;
	[smem:$0x3FB9] =	sst s0  }
0x18: {  	s0 =	sld [smem:$0x3F9C];
	_ =	swait.ge [sflag:s4], $0x0  }
0x19: {  	s7 =	sld [smem:$0x3F9D]  }
0x1a: {  	s8 =	sadd.s32 $0xFFFFE003, lr  }
0x1b: {  	s9 =	sadd.s32 $0xFFFFFEF7, lr;
	s5 =	simm.s32 $0xFFFFFFFF;
	p2 =	slt.u32 s8, $0xFFFFF086  }
0x1c: {  	p1 =	slt.u32 s9, $0xF7A;
	s5 =	simm.s32 @!p2 $0x0  }
0x1d: {  	s5 =	simm.s32 @p1 $0x1;
	p0 =	seq.s32 s7, s2  }
0x1e: {  	s7 =	smul.u32 @!p0 $0xF7A, s2;
	p2 =	seq.s32 @!p0 s5, $0x0  }
0x1f: {  	s9 =	smul.u32 $0xF7A, s1;
	s8 =	simm.s32 @!p0 $0x1BF5;
	p2 =	por !p2, p0  }
0x20: {  	[sflag:s8] =	ssyncset.s32 @!p0 $0xFFFFF086;
	s6 =	sadd.s32 @!p0 s3, s7;
	s7 =	simm.s32 @!p0 $0x108  }
0x21: {  	s3 =	sadd.s32 s3, s9;
	s6 =	sadd.s32 @!p0 $0x88, s6;
	s7 =	simm.s32 @p2 $0x1082  }
0x22: {  	[simem:s7], [sflag:s8] =	dma.local @!p0 [hbm:s6], $0xF7A  }
0x23: {  	s9 =	sor.u32 $0xD0000000, s2;
	s6 =	simm.s32 $0x108;
	_ =	swait.ge @!p0 [sflag:s8], $0x0  }
0x24: {  	s3 =	sadd.s32 $0x88, s3;
	s6 =	simm.s32 @!p1 $0x1082;
	[sflag:s4] =	ssyncset.s32 $0xFFFFF086  }
0x25: {  	[simem:s6], [sflag:s4] =	dma.local [hbm:s3], $0xF7A  }
0x26: {  	[smem:$0x3F9D] =	sst s1;
	(tag) =	ssettag s2;
	_ =	strace s9  }
0x27: {  	s1 =	sld [smem:$0x3FAD]  }
0x28: {  	s2 =	sld [smem:$0x3FAE]  }
0x29: {  	s4 =	sld [smem:$0x3FB0]  }
0x2a: {  	p0 =	seq.s32 s5, $0x0;
	s5 =	sld [smem:$0x3FB1]  }
0x2b: {  	s6 =	sld [smem:$0x3FB2]  }
0x2c: {  	s7 =	sld [smem:$0x3FB3]  }
0x2d: {  	s3 =	simm.s32 $0x108;
	s8 =	sld [smem:$0x3FB4]  }
0x2e: {  	s3 =	simm.s32 @!p0 $0x1082;
	s9 =	sld [smem:$0x3FB5]  }
0x2f: {  	lr =	sadd.s32 s0, s3;
	s0 =	sld [smem:$0x3FAC]  }
0x30: {  	s3 =	sld [smem:$0x3FAF]  }
0x31: {  	[smem:$0x3FB8] =	sst s10  }
0x32: {  	s10 =	sld [smem:$0x3FB6];
	_ =	sdelay $0x3  }
0x33: {  	p0 =	seq.s32 s10, $0x1;
	s10 =	sld [smem:$0x3FB8];
	_ =	sdelay $0x3  }
0x34: {  	[smem:$0x3FB8] =	sst s10  }
0x35: {  	s10 =	sld [smem:$0x3FB7];
	_ =	sdelay $0x3  }
0x36: {  	p1 =	seq.s32 s10, $0x1;
	s10 =	sld [smem:$0x3FB8];
	_ =	sdelay $0x3  }
0x37: {  	[smem:$0x3FB8] =	sst s10  }
0x38: {  	s10 =	sld [smem:$0x3FB9]  }
0x39: {  	_ = 	snop;
	(pc) =	sbr.ind lr, $3  }
0x3a: {  	_ = 	snop  }
0x3b: {  	_ = 	snop  }
0x3c: {  	p2 =	seq.s32 s10, $0x1;
	s10 =	sld [smem:$0x3FB8]  }
0x3d: {  	_ =	shalt  }
0x3e: {  	_ =	shalt  }
0x3f: {  	_ =	shalt  }
0x40: {  	_ =	shalt  }
0x41: {  	_ =	shalt  }
0x42: {  	_ =	shalt  }
0x43: {  	_ =	shalt  }
0x44: {  	_ =	shalt  }
0x45: {  	_ =	shalt  }
0x46: {  	_ =	shalt  }
0x47: {  	_ =	shalt  }
0x48: {  	_ =	shalt  }
0x49: {  	_ =	shalt  }
0x4a: {  	_ =	shalt  }
0x4b: {  	_ =	shalt  }
0x4c: {  	_ =	shalt  }
0x4d: {  	_ =	shalt  }
0x4e: {  	_ =	shalt  }
0x4f: {  	_ =	shalt  }
0x50: {  	_ =	shalt  }
0x51: {  	_ =	shalt  }
0x52: {  	_ =	shalt  }
0x53: {  	_ =	shalt  }
0x54: {  	_ =	shalt  }
0x55: {  	_ =	shalt  }
0x56: {  	_ =	shalt  }
0x57: {  	_ =	shalt  }
0x58: {  	_ =	shalt  }
0x59: {  	_ =	shalt  }
0x5a: {  	_ =	shalt  }
0x5b: {  	_ =	shalt  }
0x5c: {  	_ =	shalt  }
0x5d: {  	_ =	shalt  }
0x5e: {  	_ =	shalt  }
0x5f: {  	_ =	shalt  }
0x60: {  	_ =	shalt  }
0x61: {  	_ =	shalt  }
0x62: {  	_ =	shalt  }
0x63: {  	_ =	shalt  }
0x64: {  	_ =	shalt  }
0x65: {  	_ =	shalt  }
0x66: {  	_ =	shalt  }
0x67: {  	_ =	shalt  }
0x68: {  	_ =	shalt  }
0x69: {  	_ =	shalt  }
0x6a: {  	_ =	shalt  }
0x6b: {  	_ =	shalt  }
0x6c: {  	_ =	shalt  }
0x6d: {  	_ =	shalt  }
0x6e: {  	_ =	shalt  }
0x6f: {  	_ =	shalt  }
0x70: {  	_ =	shalt  }
0x71: {  	_ =	shalt  }
0x72: {  	_ =	shalt  }
0x73: {  	_ =	shalt  }
0x74: {  	_ =	shalt  }
0x75: {  	_ =	shalt  }
0x76: {  	_ =	shalt  }
0x77: {  	_ =	shalt  }
0x78: {  	_ =	shalt  }
0x79: {  	_ =	shalt  }
0x7a: {  	_ =	shalt  }
0x7b: {  	_ =	shalt  }
0x7c: {  	_ =	shalt  }
0x7d: {  	_ =	shalt  }
0x7e: {  	_ =	shalt  }
0x7f: {  	_ =	shalt  }
0x80: {  	_ =	shalt  }
0x81: {  	_ =	shalt  }
0x82: {  	_ =	shalt  }
0x83: {  	_ =	shalt  }
0x84: {  	_ =	shalt  }
0x85: {  	_ =	shalt  }
0x86: {  	_ =	shalt  }
0x87: {  	_ =	shalt  }
.Lfunc_end0:
.L_simem_size_0:
called_computation_lowered:
.L_overlay_start_0:
0x88: {  	s2 =	sld [smem:$0x3FD9]  }
0x89: {  	s3 =	sld [smem:$0x3FFE];
	_ =	sdelay $0x1  }
0x8a: {  	s1 =	srdreg.scid  }
0x8b: {  	s0 =	sand.u32 $0x1, s1  }
0x8c: {  	s17 =	sshll.u32 s0, $0xA;
	s2 =	sadd.s32 s3, s2  }
0x8d: {  	s2 =	sadd.s32 s2, s17  }
0x8e: {  	[smem:$0x3FC4] =	sst s2  }
0x8f: {  	_ = 	snop  }
0x90: {  	s2 =	sld [smem:$0x3FD0];
	(tm) =	ssettm $0x1  }
0x91: {  	s18 =	sld [smem:$0x3FFB];
	_ =	sdelay $0x3  }
0x92: {  	_ =	strace s18  }
0x93: {  	s3 =	sld [smem:$0x3FFC];
	_ =	sdelay $0x3  }
0x94: {  	_ =	strace s3  }
0x95: {  	s3 =	sld [smem:$0x3FFD];
	_ =	sdelay $0x3  }
0x96: {  	_ =	strace s3  }
0x97: {  	_ =	strace $0x8FFFFFFF  }
0x98: {  	s19 =	sld [smem:$0x3FDB];
	_ =	sdelay $0x1  }
0x99: {  	s4 =	simm.s32 $_scs_section_size  }
0x9a: {  	s5 =	simm.s32 $_size__tile_overlayer_lowered;
	s6 =	simm.s32 $_tile_overlayer_lowered  }
0x9b: {  	s22 =	simm.s32 $0x1BFF;
	s21 =	sshll.u32 s6, $0x1;
	s3 =	sadd.s32 s4, s19  }
0x9c: {  	s7 =	simm.s32 $0x0;
	s20 =	sshll.u32 s5, $0x1;
	s5 =	sadd.s32 s21, s3  }
0x9d: {  	[timem:s7], [sflag:s22] =	dma.local [hbm:s5], s20  }
0x9e: {  	_ =	swait.ge [sflag:s22], s20  }
0x9f: {  	s4 =	ssub.s32 $0x0, s20;
	[sflag:s22] =	ssyncset.done $0x0  }
0xa0: {  	[sflag:s22] =	ssyncadd.s32 s4;
	_ =	sdelay $0x1  }
0xa1: {  	s23 =	simm.s32 $0x1B8B  }
0xa2: {  	_ =	swait.ge [sflag:s23], $0x1  }
0xa3: {  	[sflag:s23] =	ssyncset.done $0x0  }
0xa4: {  	s25 =	simm.s32 $0x1B8E;
	s24 =	sld [smem:$0x3FFE];
	[sflag:s23] =	ssyncadd.s32 $0xFFFFFFFF  }
0xa5: {  	s26 =	simm.s32 $execute0_lowered;
	[smem:$0x3FD2] =	sst s25  }
0xa6: {  	s5 =	sshll.u32 s26, $0x1;
	_ =	strace $0x80000046;
	[dreg:$0x1] =	wrdreg $0xFFFFFFFF  }
0xa7: {  	s28 =	simm.s32 $_size_execute0_lowered;
	s3 =	sadd.s32 s3, s5;
	[dreg:$0x0] =	wrdreg $0x0  }
0xa8: {  	s5 =	sshll.u32 s28, $0x1;
	[dreg:$0x2] =	wrdreg s3  }
0xa9: {  	[dreg:$0x3] =	wrdreg s5  }
0xaa: {  	[dreg:$0x4] =	wrdreg $0xC0  }
0xab: {  	_ =	task [dreg:s7], $0x5FFFF  }
0xac: {  	[dreg:$0x1] =	wrdreg $0xFFFFFFFF  }
0xad: {  	[dreg:$0x0] =	wrdreg $0x60  }
0xae: {  	[dreg:$0x2] =	wrdreg s24  }
0xaf: {  	[dreg:$0x3] =	wrdreg s2  }
0xb0: {  	[dreg:$0x4] =	wrdreg $0x9  }
0xb1: {  	_ =	task.clear_ibuf [dreg:s7], $0x5FFFF;
	_ =	strace $0x90000046  }
0xb2: {  	s29 =	simm.s32 $0x9;
	_ =	strace $0x80000048  }
0xb3: {  	_ =	swait.ge [sflag:s29], $0x1  }
0xb4: {  	[sflag:s29] =	ssyncadd.s32 $0xFFFFFFFF  }
0xb5: {  	_ =	strace $0x90000048  }
0xb6: {  	_ =	sfence  }
0xb7: {  	s30 =	sld [smem:$0x0];
	_ =	sdelay $0x2  }
0xb8: {  	s31 =	sshll.u32 s1, $0xD;
	s1 =	sshrl.u32 s1, $0x2  }
0xb9: {  	s3 =	sand.u32 $0x4000, s31;
	s1 =	sadd.s32 s1, s30  }
0xba: {  	s0 =	sor.u32 s3, s0;
	s1 =	sshll.u32 s1, $0x11  }
0xbb: {  	s0 =	sor.u32 s1, s0  }
0xbc: {  	s0 =	sadd.s32 $0x8F2B, s0  }
0xbd: {  	[sflag:s0] =	ssyncadd.remote.s32 $0x1  }
0xbe: {  	_ =	sfence.sel $0xFFFF  }
0xbf: {  	[dreg:$0x0] =	wrdreg $0xFFFFFFFF;
	(pc) =	sbr.abs _section_cstart, $3  }
0xc0: {  	[dreg:$0x1] =	wrdreg $0xFFFFFFFF  }
0xc1: {  	_ =	task.clear_ibuf [dreg:s7], $0x2FFFF;
	_ =	strace $0x9FFFFFFF  }
0xc2: {  	(tm) =	ssettm $0x7FFFFFFF  }
0xc3: {  	_ =	shalt  }
tec
execute0_lowered:
.L_overlay_start_1:
0x0: {  	(tag) =	ssettag $0x1  }
0x1: {  	v0 =	vimm.s32 $0xB80;
	vm14 =	vcmask $0x300  }
0x2: {  	vm13 =	vcmask $0x704;
	v1 =	vimm.s32 $0x1B80;
	v0 =	vsel vm14, $0x0, v0  }
0x3: {  	vm12 =	vcmask $0xB08;
	v1 =	vsel vm14, $0x1000, v1;
	v0 =	vsel vm13, $0x80, v0  }
0x4: {  	vm11 =	vcmask $0xF0C;
	v1 =	vsel vm13, $0x1080, v1;
	v0 =	vsel vm12, $0x100, v0  }
0x5: {  	vm10 =	vcmask $0x1310;
	v1 =	vsel vm12, $0x1100, v1;
	v0 =	vsel vm11, $0x180, v0  }
0x6: {  	vm9 =	vcmask $0x1714;
	v1 =	vsel vm11, $0x1180, v1;
	v0 =	vsel vm10, $0x200, v0  }
0x7: {  	vm8 =	vcmask $0x1B18;
	v1 =	vsel vm10, $0x1200, v1;
	v0 =	vsel vm9, $0x280, v0  }
0x8: {  	vm7 =	vcmask $0x1F1C;
	v1 =	vsel vm9, $0x1280, v1;
	v0 =	vsel vm8, $0x300, v0  }
0x9: {  	vm6 =	vcmask $0x2320;
	v1 =	vsel vm8, $0x1300, v1;
	v0 =	vsel vm7, $0x380, v0  }
0xa: {  	vm5 =	vcmask $0x2724;
	v1 =	vsel vm7, $0x1380, v1;
	v0 =	vsel vm6, $0x800, v0  }
0xb: {  	vm4 =	vcmask $0x2B28;
	v1 =	vsel vm6, $0x1800, v1;
	v0 =	vsel vm5, $0x880, v0  }
0xc: {  	vm3 =	vcmask $0x2F2C;
	v1 =	vsel vm5, $0x1880, v1;
	v0 =	vsel vm4, $0x900, v0  }
0xd: {  	vm2 =	vcmask $0x3330;
	v1 =	vsel vm4, $0x1900, v1;
	v0 =	vsel vm3, $0x980, v0  }
0xe: {  	vm0 =	vcmask $0x3734;
	v1 =	vsel vm3, $0x1980, v1;
	v0 =	vsel vm2, $0xA00, v0  }
0xf: {  	vm1 =	vcmask $0x3B38;
	v1 =	vsel vm2, $0x1A00, v1;
	v0 =	vsel vm0, $0xA80, v0  }
0x10: {  	v32 =	vsel vm1, $0xB00, v0;
	v0 =	vsel vm0, $0x1A80, v1  }
0x11: {  	v30 =	vlaneseq.u32;
	v33 =	vsel vm1, $0x1B00, v0;
	v0 =	vimm.s32 $0x2B80  }
0x12: {  	v2 =	vimm.s32 $0x4B80;
	v1 =	vimm.s32 $0x3B80;
	v0 =	vsel vm14, $0x2000, v0  }
0x13: {  	v31 =	vadd.s32 $0xFFFFFF38, v30;
	v1 =	vsel vm14, $0x3000, v1;
	v0 =	vsel vm13, $0x2080, v0  }
0x14: {  	v34 =	vor.u32 $0x10, v30;
	v1 =	vsel vm13, $0x3080, v1;
	v0 =	vsel vm12, $0x2100, v0  }
0x15: {  	v2 =	vsel vm14, $0x4000, v2;
	v1 =	vsel vm12, $0x3100, v1;
	v0 =	vsel vm11, $0x2180, v0  }
0x16: {  	v2 =	vsel vm13, $0x4080, v2;
	v1 =	vsel vm11, $0x3180, v1;
	v0 =	vsel vm10, $0x2200, v0  }
0x17: {  	v2 =	vsel vm12, $0x4100, v2;
	v1 =	vsel vm10, $0x3200, v1;
	v0 =	vsel vm9, $0x2280, v0  }
0x18: {  	v2 =	vsel vm11, $0x4180, v2;
	v1 =	vsel vm9, $0x3280, v1;
	v0 =	vsel vm8, $0x2300, v0  }
0x19: {  	v2 =	vsel vm10, $0x4200, v2;
	v1 =	vsel vm8, $0x3300, v1;
	v0 =	vsel vm7, $0x2380, v0  }
0x1a: {  	v2 =	vsel vm9, $0x4280, v2;
	v1 =	vsel vm7, $0x3380, v1;
	v0 =	vsel vm6, $0x2800, v0  }
0x1b: {  	v2 =	vsel vm8, $0x4300, v2;
	v1 =	vsel vm6, $0x3800, v1;
	v0 =	vsel vm5, $0x2880, v0  }
0x1c: {  	v2 =	vsel vm7, $0x4380, v2;
	v1 =	vsel vm5, $0x3880, v1;
	v0 =	vsel vm4, $0x2900, v0  }
0x1d: {  	v2 =	vsel vm6, $0x4800, v2;
	v1 =	vsel vm4, $0x3900, v1;
	v0 =	vsel vm3, $0x2980, v0  }
0x1e: {  	v2 =	vsel vm5, $0x4880, v2;
	v1 =	vsel vm3, $0x3980, v1;
	v0 =	vsel vm2, $0x2A00, v0  }
0x1f: {  	v2 =	vsel vm4, $0x4900, v2;
	v1 =	vsel vm2, $0x3A00, v1;
	v0 =	vsel vm0, $0x2A80, v0  }
0x20: {  	v2 =	vsel vm3, $0x4980, v2;
	v35 =	vsel vm1, $0x2B00, v0;
	v0 =	vsel vm0, $0x3A80, v1  }
0x21: {  	v38 =	vor.u32 $0x30, v30;
	v1 =	vsel vm2, $0x4A00, v2;
	v0 =	vsel vm1, $0x3B00, v0  }
0x22: {  	v40 =	vor.u32 $0x40, v30;
	v42 =	vor.u32 $0x50, v30;
	[tilespmem:$0x1FF10] =	vst v0;
	v0 =	vsel vm0, $0x4A80, v1  }
0x23: {  	v44 =	vor.u32 $0x60, v30;
	v39 =	vsel vm1, $0x4B00, v0;
	v0 =	vimm.s32 $0x5B80  }
0x24: {  	s2 =	rddreg [dreg:$0x0];
	v2 =	vor.u32 $0x20, v30;
	v1 =	vimm.s32 $0x6B80;
	v0 =	vsel vm14, $0x5000, v0  }
0x25: {  	s0 =	rddreg [dreg:$0x1];
	s1 =	simm.s32 $0x0;
	s3 =	srdreg.scid;
	[tilespmem:$0x1FF00] =	vst v2;
	v2 =	vimm.s32 $0x7B80;
	v1 =	vsel vm14, $0x6000, v1;
	v0 =	vsel vm13, $0x5080, v0  }
0x26: {  	s5 =	stileid.u32;
	s9 =	simm.s32 $0x3;
	[smem:$0x7FF] =	sst s1;
	v2 =	vsel vm14, $0x7000, v2;
	v1 =	vsel vm13, $0x6080, v1;
	v0 =	vsel vm12, $0x5100, v0  }
0x27: {  	s4 =	sadd.s32 $0xA00, s2;
	s3 =	sand.u32 $0x1, s3;
	s6 =	sadd.s32 $0x800, s2;
	v2 =	vsel vm13, $0x7080, v2;
	v1 =	vsel vm12, $0x6100, v1;
	v0 =	vsel vm11, $0x5180, v0  }
0x28: {  	s5 =	sshll.u32 s5, $0xA;
	s7 =	sadd.s32 $0x400, s2;
	s18 =	sshll.u32 s3, $0x9;
	v2 =	vsel vm12, $0x7100, v2;
	v1 =	vsel vm11, $0x6180, v1;
	v0 =	vsel vm10, $0x5200, v0  }
0x29: {  	s10 =	simm.s32 $0x1;
	s3 =	ssub.s32 $0x2, s3;
	_ =	strace $0x80000047;
	[tilespmem:$0x1FF30] =	vst v31;
	v2 =	vsel vm11, $0x7180, v2;
	v1 =	vsel vm10, $0x6200, v1;
	v0 =	vsel vm9, $0x5280, v0  }
0x2a: {  	s2 =	sadd.s32 $0x600, s2;
	s5 =	sor.u32 s18, s5;
	s19 =	sshrl.u32 s3, $0x1;
	[tilespmem:$0x1FF40] =	vst v32;
	v2 =	vsel vm10, $0x7200, v2;
	v1 =	vsel vm9, $0x6280, v1;
	v0 =	vsel vm8, $0x5300, v0  }
0x2b: {  	s21 =	sor.u32 $0x80, s5;
	s23 =	sshrl.u32 s5, $0x2;
	[dreg:$0x3] =	wrdreg s6;
	[tilespmem:$0x1FF50] =	vst v33;
	v2 =	vsel vm9, $0x7280, v2;
	v1 =	vsel vm8, $0x6300, v1;
	v0 =	vsel vm7, $0x5380, v0  }
0x2c: {  	s8 =	sor.u32 $0x100, s5;
	s22 =	sshll.u32 s21, $0x5;
	[dreg:$0x4] =	wrdreg s7;
	[tilespmem:$0x1FF60] =	vst v34;
	v2 =	vsel vm8, $0x7300, v2;
	v1 =	vsel vm7, $0x6380, v1;
	v0 =	vsel vm6, $0x5800, v0  }
0x2d: {  	s24 =	sadd.s32 s0, s23;
	s28 =	sshrl.u32 s8, $0x2;
	[dreg:$0x5] =	wrdreg s2;
	[tilespmem:$0x1FF70] =	vst v35;
	v2 =	vsel vm7, $0x7380, v2;
	v1 =	vsel vm6, $0x6800, v1;
	v0 =	vsel vm5, $0x5880, v0  }
0x2e: {  	s29 =	sadd.s32 s0, s28;
	s6 =	sshll.u32 s5, $0x5;
	[dreg:$0x8] =	wrdreg s24;
	[tilespmem:$0x1FF80] =	vst v38;
	v2 =	vsel vm6, $0x7800, v2;
	v1 =	vsel vm5, $0x6880, v1;
	v0 =	vsel vm4, $0x5900, v0  }
0x2f: {  	s2 =	ssub.s32 s3, s19;
	[dreg:$0xc] =	wrdreg s29;
	[tilespmem:$0x1FFA0] =	vst v40;
	s20 =	sadd.s32 s4, s6;
	v2 =	vsel vm5, $0x7880, v2;
	v1 =	vsel vm4, $0x6900, v1;
	v0 =	vsel vm3, $0x5980, v0  }
0x30: {  	s3 =	sshrl.u32 s21, $0x2;
	[tilespmem:$0x1FFC0] =	vst v42;
	s6 =	sadd.s32 s4, s22;
	[dreg:$0x6] =	wrdreg s20;
	v2 =	vsel vm4, $0x7900, v2;
	v1 =	vsel vm3, $0x6980, v1;
	v0 =	vsel vm2, $0x5A00, v0  }
0x31: {  	s25 =	sshll.u32 s8, $0x5;
	[tilespmem:$0x1FFE0] =	vst v44;
	s3 =	sadd.s32 s0, s3;
	[dreg:$0x7] =	wrdreg s6;
	v2 =	vsel vm3, $0x7980, v2;
	v1 =	vsel vm2, $0x6A00, v1;
	v0 =	vsel vm0, $0x5A80, v0  }
0x32: {  	s5 =	sor.u32 $0x180, s5;
	s31 =	smax.u32 s2, $0x1;
	[tilespmem:$0x1FF90] =	vst v39;
	[dreg:$0xa] =	wrdreg s3;
	v41 =	vsel vm1, $0x5B00, v0;
	v0 =	vsel vm0, $0x6A80, v1;
	v1 =	vsel vm2, $0x7A00, v2  }
0x33: {  	s26 =	sshll.u32 s5, $0x5;
	s6 =	sadd.s32 s4, s25;
	[dreg:$0xe] =	wrdreg s31;
	v43 =	vsel vm1, $0x6B00, v0;
	v0 =	vsel vm0, $0x7A80, v1;
	[tilespmem:$0x1FFB0] =	vst v41  }
0x34: {  	s30 =	sshrl.u32 s5, $0x2;
	s3 =	sadd.s32 s4, s26;
	[dreg:$0x9] =	wrdreg s6;
	v0 =	vsel vm1, $0x7B00, v0;
	[tilespmem:$0x1FFD0] =	vst v43  }
0x35: {  	s19 =	simm.s32 $0x8000;
	s0 =	sadd.s32 s0, s30;
	[dreg:$0xb] =	wrdreg s3;
	[tilespmem:$0x1FF20] =	vst v0;
	v0 =	vor.u32 $0x70, v30  }
0x36: {  	v3 =	vimm.f32 $0.0e+00;
	v4 =	vimm.f32 $1.000000000e+00;
	s21 =	simm.s32 $0x10180;
	s5 =	simm.s32 $0x0;
	[dreg:$0xd] =	wrdreg s0;
	[tilespmem:$0x1FFF0] =	vst v0  }
.LBB2_1:
0x37: {  	s0 =	rddreg [dreg:$0x3];
	s2 =	simm.s32 $0x10000  }
0x38: {  	[tilespmem:s2], [sflag:$0x3] =	stream.linear.gather [hbm4b:s0+s1], $0x80, $0x38;
	[tilespmem:$0x10C80] =	vst v63  }
0x39: {  	_ =	swait.ge [sflag:s9], $0x80  }
0x3a: {  	[sflag:s9] =	ssyncset.done $0x0  }
0x3b: {  	s26 =	simm.s32 $0x10080;
	s25 =	rddreg [dreg:$0x4];
	[sflag:s9] =	ssyncadd.s32 $0xFFFFFF80  }
0x3c: {  	[tilespmem:s26], [sflag:$0x3] =	stream.linear.gather [hbm4b:s25+s1], $0x80, $0x38;
	[tilespmem:$0x10C80] =	vst v63  }
0x3d: {  	_ =	swait.ge [sflag:s9], $0x80  }
0x3e: {  	[sflag:s9] =	ssyncset.done $0x0  }
0x3f: {  	s29 =	simm.s32 $0x10100;
	s28 =	rddreg [dreg:$0x5];
	[sflag:s9] =	ssyncadd.s32 $0xFFFFFF80  }
0x40: {  	[tilespmem:s29], [sflag:$0x3] =	stream.linear.gather [hbm4b:s28+s1], $0x80, $0x38;
	[tilespmem:$0x10C80] =	vst v63  }
0x41: {  	_ =	swait.ge [sflag:s9], $0x80  }
0x42: {  	[sflag:s9] =	ssyncset.done $0x0  }
0x43: {  	[sflag:s9] =	ssyncadd.s32 $0xFFFFFF80  }
0x44: {  	v24 =	vld [tilespmem:$0x10080]  }
0x45: {  	v23 =	vld [tilespmem:$0x10000]  }
0x46: {  	v22 =	vld [tilespmem:$0x10010]  }
0x47: {  	v21 =	vld [tilespmem:$0x10020]  }
0x48: {  	v20 =	vld [tilespmem:$0x10030]  }
0x49: {  	s30 =	rddreg [dreg:$0x6];
	v19 =	vld [tilespmem:$0x10040]  }
0x4a: {  	v25 =	vld [tilespmem:$0x10100];
	[tilespmem:s1], [sflag:$0x1] =	stream.linear.gather [hbm4b:s30+s1], $0x8000, $0x38  }
0x4b: {  	s31 =	rddreg [dreg:$0x7]  }
0x4c: {  	[tilespmem:s19], [sflag:$0x2] =	stream.linear.gather [hbm4b:s31+s1], $0x8000, $0x38;
	[tilespmem:$0x10C80] =	vst v63  }
0x4d: {  	_ =	swait.ge [sflag:s10], $0x8000  }
0x4e: {  	[sflag:s10] =	ssyncset.done $0x0  }
0x4f: {  	s0 =	simm.s32 $0x0;
	[sflag:s10] =	ssyncadd.s32 $0xFFFF8000  }
.LBB2_2:
0x50: {  	p0 =	seq.s32 s0, $0x27C0  }
.Ltmp0:
0x51: {  	_ = 	snop;
	(pc) =	sbr.rel @!p0 .LBB2_2-.Ltmp0, $3  }
0x52: {  	_ =	sdelay $0x1  }
0x53: {  	s2 =	sshra.s32 s0, $0x2  }
0x54: {  	s0 =	sadd.s32 $0x40, s0;
	[tilespmem:s2+$0x10180] =	vst v3  }
0x55: {  	s0 =	simm.s32 $0x0  }
0x56: {  	v0 =	vadd.s32 s0, v30  }
0x57: {  	v1 =	vadd.s32 s0, v31;
	vm0 =	vgt.u32 v0, $0xC7  }
0x58: {  	v0 =	vsel vm0, v1, v0  }
0x59: {  	v1 =	vshll.u32 v0, $0x3  }
0x5a: {  	v0 =	vand.u32 $0x7F, v0;
	v1 =	vand.u32 $0xFFFFFC00, v1  }
0x5b: {  	v5 =	vor.u32 v0, v1  }
0x5c: {  	v0 =	vadd.s32 v32, v5;
	_ =	sdelay $0x2  }
0x5d: {  	s24 =	simm.s32 $0x1  }
0x5e: {  	v1 =	vadd.s32 s24, v30  }
0x5f: {  	v2 =	vadd.s32 s24, v31;
	vm9 =	vgt.u32 v1, $0xC7;
	v0 =	vld.idx.msk [tilespmem:v0+s1+$0x0], $0xffff  }
0x60: {  	v1 =	vsel vm9, v2, v1  }
0x61: {  	v2 =	vshll.u32 v1, $0x3  }
0x62: {  	v1 =	vand.u32 $0x7F, v1;
	v2 =	vand.u32 $0xFFFFFC00, v2  }
0x63: {  	v3 =	vor.u32 v1, v2  }
0x64: {  	v1 =	vadd.s32 v32, v3;
	v0 =	vshll.u32 v0, $0x7  }
0x65: {  	v0 =	vor.u32 v30, v0  }
0x66: {  	v6 =	vadd.s32 v33, v5;
	_ =	sdelay $0x2  }
0x67: {  	v1 =	vld.idx.msk [tilespmem:v1+s1+$0x0], $0xffff  }
0x68: {  	[tilespmem:v0+s21+$0x0] =	vst.idx.add.f32.msk $0xffff, v4  }
0x69: {  	v0 =	vld.idx.msk [tilespmem:v6+s1+$0x0], $0xffff;
	_ =	sdelay $0x3  }
0x6a: {  	v1 =	vshll.u32 v1, $0x7  }
0x6b: {  	v1 =	vor.u32 v30, v1;
	v0 =	vshll.u32 v0, $0x7  }
0x6c: {  	s25 =	simm.s32 $0x2;
	v0 =	vor.u32 v34, v0  }
0x6d: {  	v2 =	vadd.s32 v35, v5;
	v6 =	vadd.s32 s25, v30  }
0x6e: {  	v7 =	vadd.s32 s25, v31;
	vm10 =	vgt.u32 v6, $0xC7  }
0x6f: {  	v6 =	vsel vm10, v7, v6  }
0x70: {  	v8 =	vadd.s32 v33, v3;
	v7 =	vshll.u32 v6, $0x3;
	[tilespmem:v1+s21+$0x0] =	vst.idx.add.f32.msk $0xffff, v4  }
0x71: {  	v6 =	vand.u32 $0x7F, v6;
	v7 =	vand.u32 $0xFFFFFC00, v7;
	[tilespmem:v0+s21+$0x0] =	vst.idx.add.f32.msk $0xffff, v4  }
0x72: {  	v26 =	vor.u32 v6, v7;
	v0 =	vld.idx.msk [tilespmem:v2+s1+$0x0], $0xffff  }
0x73: {  	v2 =	vadd.s32 v32, v26;
	v36 =	vld [tilespmem:$0x1FF00]  }
0x74: {  	v37 =	vld [tilespmem:$0x1FF10]  }
0x75: {  	v1 =	vld.idx.msk [tilespmem:v8+s1+$0x0], $0xffff;
	_ =	sdelay $0x1  }
0x76: {  	v0 =	vshll.u32 v0, $0x7  }
0x77: {  	v2 =	vld.idx.msk [tilespmem:v2+s1+$0x0], $0xffff;
	v0 =	vor.u32 v36, v0  }
0x78: {  	v6 =	vadd.s32 v37, v5  }
0x79: {  	s26 =	simm.s32 $0x3;
	v1 =	vshll.u32 v1, $0x7  }
0x7a: {  	v7 =	vadd.s32 s26, v30;
	v1 =	vor.u32 v34, v1  }
0x7b: {  	v9 =	vadd.s32 s26, v31;
	v8 =	vadd.s32 v35, v3;
	vm11 =	vgt.u32 v7, $0xC7  }
0x7c: {  	v2 =	vshll.u32 v2, $0x7;
	[tilespmem:v0+s21+$0x0] =	vst.idx.add.f32.msk $0xffff, v4;
	v0 =	vsel vm11, v9, v7  }
0x7d: {  	v2 =	vor.u32 v30, v2;
	v6 =	vld.idx.msk [tilespmem:v6+s1+$0x0], $0xffff;
	v7 =	vshll.u32 v0, $0x3  }
0x7e: {  	v9 =	vadd.s32 v33, v26;
	v0 =	vand.u32 $0x7F, v0;
	v7 =	vand.u32 $0xFFFFFC00, v7  }
0x7f: {  	[tilespmem:v1+s21+$0x0] =	vst.idx.add.f32.msk $0xffff, v4;
	v27 =	vor.u32 v0, v7  }
0x80: {  	v0 =	vld.idx.msk [tilespmem:v8+s1+$0x0], $0xffff;
	v1 =	vadd.s32 v32, v27;
	_ =	sdelay $0x1  }
0x81: {  	[tilespmem:v2+s21+$0x0] =	vst.idx.add.f32.msk $0xffff, v4;
	v2 =	vshll.u32 v6, $0x7  }
0x82: {  	v6 =	vld.idx.msk [tilespmem:v9+s1+$0x0], $0xffff;
	v2 =	vor.u32 v38, v2  }
0x83: {  	v7 =	vadd.s32 v39, v5  }
0x84: {  	v0 =	vshll.u32 v0, $0x7;
	v1 =	vld.idx.msk [tilespmem:v1+s1+$0x0], $0xffff  }
0x85: {  	v0 =	vor.u32 v36, v0  }
0x86: {  	s28 =	simm.s32 $0x4;
	v8 =	vadd.s32 v37, v3  }
0x87: {  	v6 =	vshll.u32 v6, $0x7;
	[tilespmem:v2+s21+$0x0] =	vst.idx.add.f32.msk $0xffff, v4;
	v2 =	vadd.s32 s28, v30  }
0x88: {  	v9 =	vadd.s32 s28, v31;
	v6 =	vor.u32 v34, v6;
	v7 =	vld.idx.msk [tilespmem:v7+s1+$0x0], $0xffff;
	vm12 =	vgt.u32 v2, $0xC7  }
0x89: {  	v10 =	vadd.s32 v35, v26;
	v1 =	vshll.u32 v1, $0x7;
	v2 =	vsel vm12, v9, v2  }
0x8a: {  	[tilespmem:v0+s21+$0x0] =	vst.idx.add.f32.msk $0xffff, v4;
	v1 =	vor.u32 v30, v1;
	v0 =	vshll.u32 v2, $0x3  }
0x8b: {  	v9 =	vadd.s32 v33, v27;
	v8 =	vld.idx.msk [tilespmem:v8+s1+$0x0], $0xffff;
	v2 =	vand.u32 $0x7F, v2;
	v0 =	vand.u32 $0xFFFFFC00, v0  }
0x8c: {  	v0 =	vor.u32 v2, v0  }
0x8d: {  	[tilespmem:v6+s21+$0x0] =	vst.idx.add.f32.msk $0xffff, v4;
	v2 =	vadd.s32 v32, v0;
	v6 =	vshll.u32 v7, $0x7  }
0x8e: {  	v7 =	vld.idx.msk [tilespmem:v10+s1+$0x0], $0xffff;
	v6 =	vor.u32 v40, v6  }
0x8f: {  	[tilespmem:v1+s21+$0x0] =	vst.idx.add.f32.msk $0xffff, v4;
	v1 =	vadd.s32 v41, v5  }
0x90: {  	v8 =	vshll.u32 v8, $0x7;
	v9 =	vld.idx.msk [tilespmem:v9+s1+$0x0], $0xffff  }
0x91: {  	v8 =	vor.u32 v38, v8  }
0x92: {  	v10 =	vadd.s32 v39, v3;
	v2 =	vld.idx.msk [tilespmem:v2+s1+$0x0], $0xffff  }
0x93: {  	v7 =	vshll.u32 v7, $0x7;
	[tilespmem:v6+s21+$0x0] =	vst.idx.add.f32.msk $0xffff, v4  }
0x94: {  	v6 =	vor.u32 v36, v7;
	v1 =	vld.idx.msk [tilespmem:v1+s1+$0x0], $0xffff  }
0x95: {  	s29 =	simm.s32 $0x5;
	v7 =	vadd.s32 v37, v26;
	v9 =	vshll.u32 v9, $0x7  }
0x96: {  	v12 =	vadd.s32 s29, v31;
	[tilespmem:v8+s21+$0x0] =	vst.idx.add.f32.msk $0xffff, v4;
	v8 =	vor.u32 v34, v9;
	v9 =	vadd.s32 s29, v30  }
0x97: {  	v11 =	vadd.s32 v35, v27;
	v10 =	vld.idx.msk [tilespmem:v10+s1+$0x0], $0xffff;
	vm13 =	vgt.u32 v9, $0xC7;
	v2 =	vshll.u32 v2, $0x7  }
0x98: {  	v9 =	vsel vm13, v12, v9;
	v2 =	vor.u32 v30, v2  }
0x99: {  	[tilespmem:v6+s21+$0x0] =	vst.idx.add.f32.msk $0xffff, v4;
	v12 =	vadd.s32 v33, v0;
	v6 =	vshll.u32 v9, $0x3;
	v1 =	vshll.u32 v1, $0x7  }
0x9a: {  	v7 =	vld.idx.msk [tilespmem:v7+s1+$0x0], $0xffff;
	v9 =	vand.u32 $0x7F, v9;
	v6 =	vand.u32 $0xFFFFFC00, v6;
	v13 =	vor.u32 v42, v1  }
0x9b: {  	[tilespmem:v8+s21+$0x0] =	vst.idx.add.f32.msk $0xffff, v4;
	v1 =	vor.u32 v9, v6;
	v6 =	vadd.s32 v43, v5  }
0x9c: {  	v10 =	vshll.u32 v10, $0x7;
	v8 =	vld.idx.msk [tilespmem:v11+s1+$0x0], $0xffff;
	v9 =	vadd.s32 v32, v1  }
0x9d: {  	[tilespmem:v2+s21+$0x0] =	vst.idx.add.f32.msk $0xffff, v4;
	v2 =	vor.u32 v40, v10  }
0x9e: {  	v11 =	vadd.s32 v41, v3;
	v10 =	vld.idx.msk [tilespmem:v12+s1+$0x0], $0xffff  }
0x9f: {  	v7 =	vshll.u32 v7, $0x7;
	[tilespmem:v13+s21+$0x0] =	vst.idx.add.f32.msk $0xffff, v4  }
0xa0: {  	v7 =	vor.u32 v38, v7;
	v6 =	vld.idx.msk [tilespmem:v6+s1+$0x0], $0xffff  }
0xa1: {  	v12 =	vadd.s32 v39, v26;
	v9 =	vld.idx.msk [tilespmem:v9+s1+$0x0], $0xffff;
	v8 =	vshll.u32 v8, $0x7  }
0xa2: {  	v8 =	vor.u32 v36, v8;
	[tilespmem:v2+s21+$0x0] =	vst.idx.add.f32.msk $0xffff, v4  }
0xa3: {  	s30 =	simm.s32 $0x6;
	v2 =	vadd.s32 v37, v27;
	v11 =	vld.idx.msk [tilespmem:v11+s1+$0x0], $0xffff;
	v10 =	vshll.u32 v10, $0x7  }
0xa4: {  	v14 =	vadd.s32 s30, v31;
	v10 =	vor.u32 v34, v10  }
0xa5: {  	v13 =	vadd.s32 v35, v0;
	[tilespmem:v7+s21+$0x0] =	vst.idx.add.f32.msk $0xffff, v4;
	v7 =	vadd.s32 s30, v30;
	v6 =	vshll.u32 v6, $0x7  }
0xa6: {  	v12 =	vld.idx.msk [tilespmem:v12+s1+$0x0], $0xffff;
	vm14 =	vgt.u32 v7, $0xC7;
	v9 =	vshll.u32 v9, $0x7;
	v6 =	vor.u32 v44, v6  }
0xa7: {  	v7 =	vsel vm14, v14, v7;
	[tilespmem:v8+s21+$0x0] =	vst.idx.add.f32.msk $0xffff, v4;
	v8 =	vor.u32 v30, v9  }
0xa8: {  	v14 =	vadd.s32 v33, v1;
	v9 =	vld.idx.msk [tilespmem:v2+s1+$0x0], $0xffff;
	v2 =	vshll.u32 v7, $0x3;
	v11 =	vshll.u32 v11, $0x7  }
0xa9: {  	v7 =	vand.u32 $0x7F, v7;
	v2 =	vand.u32 $0xFFFFFC00, v2;
	[tilespmem:v10+s21+$0x0] =	vst.idx.add.f32.msk $0xffff, v4;
	v10 =	vor.u32 v42, v11  }
0xaa: {  	v11 =	vadd.s32 v43, v3;
	v2 =	vor.u32 v7, v2;
	v7 =	vld.idx.msk [tilespmem:v13+s1+$0x0], $0xffff  }
0xab: {  	v12 =	vshll.u32 v12, $0x7;
	v13 =	vadd.s32 v32, v2;
	[tilespmem:v6+s21+$0x0] =	vst.idx.add.f32.msk $0xffff, v4  }
0xac: {  	v6 =	vor.u32 v40, v12;
	[tilespmem:v8+s21+$0x0] =	vst.idx.add.f32.msk $0xffff, v4  }
0xad: {  	v12 =	vadd.s32 v41, v26;
	v8 =	vld.idx.msk [tilespmem:v14+s1+$0x0], $0xffff  }
0xae: {  	v9 =	vshll.u32 v9, $0x7;
	[tilespmem:v10+s21+$0x0] =	vst.idx.add.f32.msk $0xffff, v4  }
0xaf: {  	v9 =	vor.u32 v38, v9;
	v11 =	vld.idx.msk [tilespmem:v11+s1+$0x0], $0xffff  }
0xb0: {  	v10 =	vadd.s32 v39, v27;
	v7 =	vshll.u32 v7, $0x7;
	v13 =	vld.idx.msk [tilespmem:v13+s1+$0x0], $0xffff  }
0xb1: {  	v7 =	vor.u32 v36, v7;
	[tilespmem:v6+s21+$0x0] =	vst.idx.add.f32.msk $0xffff, v4  }
0xb2: {  	v12 =	vld.idx.msk [tilespmem:v12+s1+$0x0], $0xffff  }
0xb3: {  	v45 =	vld [tilespmem:$0x1FF20]  }
0xb4: {  	v6 =	vadd.s32 v37, v0;
	v8 =	vshll.u32 v8, $0x7;
	[tilespmem:v9+s21+$0x0] =	vst.idx.add.f32.msk $0xffff, v4  }
0xb5: {  	v8 =	vor.u32 v34, v8;
	v9 =	vld.idx.msk [tilespmem:v10+s1+$0x0], $0xffff;
	v11 =	vshll.u32 v11, $0x7;
	v13 =	vshll.u32 v13, $0x7  }
0xb6: {  	[tilespmem:v7+s21+$0x0] =	vst.idx.add.f32.msk $0xffff, v4;
	v7 =	vor.u32 v44, v11;
	v11 =	vor.u32 v30, v13  }
0xb7: {  	v14 =	vadd.s32 v35, v1;
	_ =	sdelay $0x1  }
0xb8: {  	v5 =	vadd.s32 v45, v5;
	v6 =	vld.idx.msk [tilespmem:v6+s1+$0x0], $0xffff;
	v12 =	vshll.u32 v12, $0x7  }
0xb9: {  	[tilespmem:v8+s21+$0x0] =	vst.idx.add.f32.msk $0xffff, v4;
	v8 =	vor.u32 v42, v12;
	v9 =	vshll.u32 v9, $0x7  }
0xba: {  	s31 =	simm.s32 $0x7;
	[tilespmem:v11+s21+$0x0] =	vst.idx.add.f32.msk $0xffff, v4;
	v11 =	vor.u32 v40, v9  }
0xbb: {  	v10 =	vadd.s32 s31, v30;
	v12 =	vld.idx.msk [tilespmem:v14+s1+$0x0], $0xffff  }
0xbc: {  	v15 =	vadd.s32 s31, v31;
	vm15 =	vgt.u32 v10, $0xC7;
	[tilespmem:v7+s21+$0x0] =	vst.idx.add.f32.msk $0xffff, v4  }
0xbd: {  	v10 =	vsel vm15, v15, v10;
	v16 =	vld.idx.msk [tilespmem:v5+s1+$0x0], $0xffff  }
0xbe: {  	v15 =	vadd.s32 v33, v2;
	v13 =	vshll.u32 v10, $0x3;
	[tilespmem:v8+s21+$0x0] =	vst.idx.add.f32.msk $0xffff, v4  }
0xbf: {  	v5 =	vand.u32 $0x7F, v10;
	v10 =	vand.u32 $0xFFFFFC00, v13;
	[tilespmem:v11+s21+$0x0] =	vst.idx.add.f32.msk $0xffff, v4  }
0xc0: {  	v5 =	vor.u32 v5, v10;
	v10 =	vadd.s32 v43, v26;
	v46 =	vld [tilespmem:$0x1FFF0]  }
0xc1: {  	v13 =	vadd.s32 v32, v5  }
0xc2: {  	v17 =	vadd.s32 v41, v27;
	v6 =	vshll.u32 v6, $0x7  }
0xc3: {  	v15 =	vld.idx.msk [tilespmem:v15+s1+$0x0], $0xffff;
	v18 =	vor.u32 v38, v6  }
0xc4: {  	v28 =	vadd.s32 v39, v0;
	v6 =	vshll.u32 v16, $0x7  }
0xc5: {  	v11 =	vshll.u32 v12, $0x7;
	v7 =	vld.idx.msk [tilespmem:v10+s1+$0x0], $0xffff;
	v6 =	vor.u32 v46, v6  }
0xc6: {  	v12 =	vor.u32 v36, v11;
	v14 =	vld.idx.msk [tilespmem:v13+s1+$0x0], $0xffff  }
0xc7: {  	v8 =	vld.idx.msk [tilespmem:v17+s1+$0x0], $0xffff;
	v13 =	vadd.s32 v37, v1  }
0xc8: {  	v3 =	vadd.s32 v45, v3;
	v11 =	vshll.u32 v15, $0x7;
	[tilespmem:v18+s21+$0x0] =	vst.idx.add.f32.msk $0xffff, v4  }
0xc9: {  	s0 =	simm.s32 $0x8;
	v9 =	vadd.s32 v35, v2;
	v10 =	vadd.s32 v35, v5;
	v15 =	vor.u32 v34, v11;
	v11 =	vld.idx.msk [tilespmem:v28+s1+$0x0], $0xffff  }
.LBB2_4:
0xca: {  	v16 =	vadd.s32 s0, v30;
	v17 =	vadd.s32 s0, v31;
	p0 =	seq.s32 s0, $0xC7;
	s0 =	sadd.s32 $0x1, s0;
	v7 =	vshll.u32 v7, $0x7;
	[tilespmem:v6+s21+$0x0] =	vst.idx.add.f32.msk $0xffff, v4  }
0xcb: {  	v6 =	vshll.u32 v14, $0x7;
	vm0 =	vgt.u32 v16, $0xC7;
	[tilespmem:v12+s21+$0x0] =	vst.idx.add.f32.msk $0xffff, v4;
	v7 =	vor.u32 v44, v7  }
0xcc: {  	v6 =	vor.u32 v30, v6;
	v12 =	vsel vm0, v17, v16;
	v13 =	vld.idx.msk [tilespmem:v13+s1+$0x0], $0xffff  }
0xcd: {  	v16 =	vadd.s32 v33, v5;
	v8 =	vshll.u32 v8, $0x7;
	v14 =	vshll.u32 v12, $0x3;
	v3 =	vld.idx.msk [tilespmem:v3+s1+$0x0], $0xffff  }
0xce: {  	v12 =	vand.u32 $0x7F, v12;
	v8 =	vor.u32 v42, v8;
	v14 =	vand.u32 $0xFFFFFC00, v14;
	[tilespmem:v15+s21+$0x0] =	vst.idx.add.f32.msk $0xffff, v4  }
0xcf: {  	v17 =	vor.u32 v12, v14;
	v12 =	vld.idx.msk [tilespmem:v9+s1+$0x0], $0xffff;
	v14 =	vadd.s32 v43, v27;
	v9 =	vmov v10  }
0xd0: {  	v11 =	vshll.u32 v11, $0x7;
	v15 =	vadd.s32 v32, v17;
	v10 =	vadd.s32 v35, v17;
	[tilespmem:v7+s21+$0x0] =	vst.idx.add.f32.msk $0xffff, v4  }
0xd1: {  	v11 =	vor.u32 v40, v11;
	[tilespmem:v6+s21+$0x0] =	vst.idx.add.f32.msk $0xffff, v4  }
0xd2: {  	v18 =	vadd.s32 v41, v0;
	v6 =	vshll.u32 v13, $0x7;
	v16 =	vld.idx.msk [tilespmem:v16+s1+$0x0], $0xffff  }
0xd3: {  	v28 =	vor.u32 v38, v6;
	v3 =	vshll.u32 v3, $0x7;
	[tilespmem:v8+s21+$0x0] =	vst.idx.add.f32.msk $0xffff, v4  }
0xd4: {  	v29 =	vadd.s32 v39, v1;
	v7 =	vld.idx.msk [tilespmem:v14+s1+$0x0], $0xffff  }
.Ltmp1:
0xd5: {  	v6 =	vor.u32 v46, v3;
	v8 =	vshll.u32 v12, $0x7;
	v14 =	vld.idx.msk [tilespmem:v15+s1+$0x0], $0xffff;
	(pc) =	sbr.rel @!p0 .LBB2_4-.Ltmp1, $4  }
0xd6: {  	v12 =	vor.u32 v36, v8;
	[tilespmem:v11+s21+$0x0] =	vst.idx.add.f32.msk $0xffff, v4  }
0xd7: {  	v13 =	vadd.s32 v37, v2;
	v8 =	vld.idx.msk [tilespmem:v18+s1+$0x0], $0xffff  }
0xd8: {  	v3 =	vadd.s32 v45, v26;
	v26 =	vmovc v27;
	v27 =	vmov v0;
	v11 =	vshll.u32 v16, $0x7;
	[tilespmem:v28+s21+$0x0] =	vst.idx.add.f32.msk $0xffff, v4  }
0xd9: {  	v0 =	vmovc v1;
	v1 =	vmovc v2;
	v2 =	vmov v5;
	v5 =	vmov v17;
	v15 =	vor.u32 v34, v11;
	v11 =	vld.idx.msk [tilespmem:v29+s1+$0x0], $0xffff  }
0xda: {  	v14 =	vshll.u32 v14, $0x7  }
0xdb: {  	v14 =	vor.u32 v30, v14  }
0xdc: {  	v16 =	vadd.s32 v33, v5;
	_ =	sdelay $0x2  }
0xdd: {  	[dreg:$0xf] =	wrdreg s5  }
0xde: {  	[tilespmem:v14+s21+$0x0] =	vst.idx.add.f32.msk $0xffff, v4  }
0xdf: {  	v14 =	vld.idx.msk [tilespmem:v16+s1+$0x0], $0xffff;
	_ =	sdelay $0x4  }
0xe0: {  	v14 =	vshll.u32 v14, $0x7  }
0xe1: {  	v14 =	vor.u32 v34, v14;
	_ =	sdelay $0x2  }
0xe2: {  	[tilespmem:v15+s21+$0x0] =	vst.idx.add.f32.msk $0xffff, v4  }
0xe3: {  	v9 =	vld.idx.msk [tilespmem:v9+s1+$0x0], $0xffff  }
0xe4: {  	[tilespmem:v14+s21+$0x0] =	vst.idx.add.f32.msk $0xffff, v4  }
0xe5: {  	v10 =	vld.idx.msk [tilespmem:v10+s1+$0x0], $0xffff;
	_ =	sdelay $0x2  }
0xe6: {  	v9 =	vshll.u32 v9, $0x7  }
0xe7: {  	v9 =	vor.u32 v36, v9  }
0xe8: {  	v14 =	vadd.s32 v37, v2;
	v10 =	vshll.u32 v10, $0x7  }
0xe9: {  	v10 =	vor.u32 v36, v10  }
0xea: {  	[tilespmem:v12+s21+$0x0] =	vst.idx.add.f32.msk $0xffff, v4;
	v12 =	vadd.s32 v37, v5  }
0xeb: {  	v13 =	vld.idx.msk [tilespmem:v13+s1+$0x0], $0xffff  }
0xec: {  	[tilespmem:v9+s21+$0x0] =	vst.idx.add.f32.msk $0xffff, v4  }
0xed: {  	v9 =	vld.idx.msk [tilespmem:v14+s1+$0x0], $0xffff  }
0xee: {  	[tilespmem:v10+s21+$0x0] =	vst.idx.add.f32.msk $0xffff, v4  }
0xef: {  	v10 =	vld.idx.msk [tilespmem:v12+s1+$0x0], $0xffff  }
0xf0: {  	v12 =	vshll.u32 v13, $0x7  }
0xf1: {  	v12 =	vor.u32 v38, v12  }
0xf2: {  	v9 =	vshll.u32 v9, $0x7;
	v13 =	vadd.s32 v39, v1  }
0xf3: {  	v9 =	vor.u32 v38, v9  }
0xf4: {  	v14 =	vadd.s32 v39, v2;
	v10 =	vshll.u32 v10, $0x7  }
0xf5: {  	v10 =	vor.u32 v38, v10  }
0xf6: {  	[tilespmem:v12+s21+$0x0] =	vst.idx.add.f32.msk $0xffff, v4;
	v12 =	vadd.s32 v39, v5  }
0xf7: {  	v13 =	vld.idx.msk [tilespmem:v13+s1+$0x0], $0xffff  }
0xf8: {  	[tilespmem:v9+s21+$0x0] =	vst.idx.add.f32.msk $0xffff, v4  }
0xf9: {  	v9 =	vld.idx.msk [tilespmem:v14+s1+$0x0], $0xffff  }
0xfa: {  	v11 =	vshll.u32 v11, $0x7;
	[tilespmem:v10+s21+$0x0] =	vst.idx.add.f32.msk $0xffff, v4  }
0xfb: {  	v10 =	vor.u32 v40, v11;
	v11 =	vld.idx.msk [tilespmem:v12+s1+$0x0], $0xffff  }
0xfc: {  	v12 =	vadd.s32 v41, v0;
	v13 =	vshll.u32 v13, $0x7  }
0xfd: {  	v13 =	vor.u32 v40, v13  }
0xfe: {  	v14 =	vadd.s32 v41, v1;
	v9 =	vshll.u32 v9, $0x7  }
0xff: {  	(v2sf) =	vpush v24, $0x0;
	v9 =	vor.u32 v40, v9  }
0x100: {  	(v2sf) =	vpush v24, $0x1;
	[tilespmem:v10+s21+$0x0] =	vst.idx.add.f32.msk $0xffff, v4;
	v10 =	vadd.s32 v41, v2;
	v11 =	vshll.u32 v11, $0x7  }
0x101: {  	(v2sf) =	vpush v24, $0x2;
	v12 =	vld.idx.msk [tilespmem:v12+s1+$0x0], $0xffff;
	v11 =	vor.u32 v40, v11  }
0x102: {  	(v2sf) =	vpush v24, $0x3;
	[tilespmem:v13+s21+$0x0] =	vst.idx.add.f32.msk $0xffff, v4;
	v13 =	vadd.s32 v41, v5  }
0x103: {  	(v2sf) =	vpush v24, $0x4;
	v14 =	vld.idx.msk [tilespmem:v14+s1+$0x0], $0xffff  }
0x104: {  	v8 =	vshll.u32 v8, $0x7;
	(v2sf) =	vpush v24, $0x5;
	[tilespmem:v9+s21+$0x0] =	vst.idx.add.f32.msk $0xffff, v4  }
0x105: {  	v8 =	vor.u32 v42, v8;
	(v2sf) =	vpush v24, $0x6;
	v9 =	vld.idx.msk [tilespmem:v10+s1+$0x0], $0xffff  }
0x106: {  	(v2sf) =	vpush v24, $0x7;
	v10 =	vadd.s32 v43, v27;
	v12 =	vshll.u32 v12, $0x7;
	[tilespmem:v11+s21+$0x0] =	vst.idx.add.f32.msk $0xffff, v4  }
0x107: {  	(v2sf) =	vpush v23, $0x0;
	v11 =	vor.u32 v42, v12;
	v12 =	vld.idx.msk [tilespmem:v13+s1+$0x0], $0xffff  }
0x108: {  	(v2sf) =	vpush v23, $0x1;
	v13 =	vadd.s32 v43, v0;
	v14 =	vshll.u32 v14, $0x7  }
0x109: {  	v3 =	vld.idx.msk [tilespmem:v3+s1+$0x0], $0xffff;
	(v2sf) =	vpush v23, $0x2;
	v14 =	vor.u32 v42, v14  }
0x10a: {  	[tilespmem:v8+s21+$0x0] =	vst.idx.add.f32.msk $0xffff, v4;
	v8 =	vadd.s32 v43, v1;
	(v2sf) =	vpush v23, $0x3;
	v9 =	vshll.u32 v9, $0x7  }
0x10b: {  	(v2sf) =	vpush v23, $0x4;
	v10 =	vld.idx.msk [tilespmem:v10+s1+$0x0], $0xffff;
	v9 =	vor.u32 v42, v9  }
0x10c: {  	(v2sf) =	vpush v23, $0x5;
	[tilespmem:v11+s21+$0x0] =	vst.idx.add.f32.msk $0xffff, v4;
	v11 =	vadd.s32 v43, v2;
	v12 =	vshll.u32 v12, $0x7  }
0x10d: {  	(v2sf) =	vpush v23, $0x6;
	v13 =	vld.idx.msk [tilespmem:v13+s1+$0x0], $0xffff;
	v12 =	vor.u32 v42, v12  }
0x10e: {  	v7 =	vshll.u32 v7, $0x7;
	s15 =	spop (v2sf);
	(v2sf) =	vpush v23, $0x7;
	[tilespmem:v14+s21+$0x0] =	vst.idx.add.f32.msk $0xffff, v4;
	v14 =	vadd.s32 v43, v5  }
0x10f: {  	v7 =	vor.u32 v44, v7;
	s30 =	spop (v2sf);
	(v2sf) =	vpush v23, $0x8;
	v8 =	vld.idx.msk [tilespmem:v8+s1+$0x0], $0xffff  }
0x110: {  	v15 =	vadd.s32 v45, v26;
	s28 =	spop (v2sf);
	(v2sf) =	vpush v23, $0x9;
	v10 =	vshll.u32 v10, $0x7;
	[tilespmem:v9+s21+$0x0] =	vst.idx.add.f32.msk $0xffff, v4  }
0x111: {  	s25 =	spop (v2sf);
	(v2sf) =	vpush v23, $0xA;
	v9 =	vor.u32 v44, v10;
	v10 =	vld.idx.msk [tilespmem:v11+s1+$0x0], $0xffff  }
0x112: {  	s12 =	spop (v2sf);
	v11 =	vadd.s32 v45, v27;
	v13 =	vshll.u32 v13, $0x7;
	[tilespmem:v12+s21+$0x0] =	vst.idx.add.f32.msk $0xffff, v4  }
0x113: {  	s31 =	spop (v2sf);
	v12 =	vor.u32 v44, v13;
	v13 =	vld.idx.msk [tilespmem:v14+s1+$0x0], $0xffff  }
0x114: {  	[tilespmem:v7+s21+$0x0] =	vst.idx.add.f32.msk $0xffff, v4;
	s29 =	spop (v2sf);
	v0 =	vadd.s32 v45, v0;
	v7 =	vshll.u32 v8, $0x7  }
0x115: {  	(v2sf) =	vpush v23, $0xB;
	s26 =	spop (v2sf);
	v8 =	vld.idx.msk [tilespmem:v15+s1+$0x0], $0xffff;
	v7 =	vor.u32 v44, v7  }
0x116: {  	s4 =	spop (v2sf);
	v1 =	vadd.s32 v45, v1;
	[tilespmem:v9+s21+$0x0] =	vst.idx.add.f32.msk $0xffff, v4;
	v9 =	vshll.u32 v10, $0x7  }
0x117: {  	s23 =	spop (v2sf);
	s17 =	smul.f32 s4, s15;
	v10 =	vld.idx.msk [tilespmem:v11+s1+$0x0], $0xffff;
	v9 =	vor.u32 v44, v9  }
0x118: {  	s4 =	smul.f32 s4, s12;
	s6 =	spop (v2sf);
	v2 =	vadd.s32 v45, v2;
	[tilespmem:v12+s21+$0x0] =	vst.idx.add.f32.msk $0xffff, v4;
	v11 =	vshll.u32 v13, $0x7  }
0x119: {  	(v2sf) =	vpush v23, $0xC;
	s20 =	smul.f32 s23, s30;
	s7 =	spop (v2sf);
	v0 =	vld.idx.msk [tilespmem:v0+s1+$0x0], $0xffff;
	v11 =	vor.u32 v44, v11  }
0x11a: {  	(v2sf) =	vpush v23, $0xD;
	s5 =	smul.f32 s23, s31;
	s8 =	spop (v2sf);
	v5 =	vadd.s32 v45, v5;
	[tilespmem:v7+s21+$0x0] =	vst.idx.add.f32.msk $0xffff, v4  }
0x11b: {  	(v2sf) =	vpush v23, $0xE;
	s22 =	smul.f32 s6, s28;
	s9 =	spop (v2sf);
	v1 =	vld.idx.msk [tilespmem:v1+s1+$0x0], $0xffff  }
0x11c: {  	(v2sf) =	vpush v23, $0xF;
	s6 =	smul.f32 s6, s29;
	s10 =	spop (v2sf);
	[tilespmem:v9+s21+$0x0] =	vst.idx.add.f32.msk $0xffff, v4  }
0x11d: {  	(v2sf) =	vpush v22, $0x0;
	s17 =	sadd.f32 s20, s17;
	s11 =	spop (v2sf);
	v2 =	vld.idx.msk [tilespmem:v2+s1+$0x0], $0xffff  }
0x11e: {  	v3 =	vshll.u32 v3, $0x7;
	s24 =	smul.f32 s7, s25;
	s0 =	spop (v2sf);
	[tilespmem:v11+s21+$0x0] =	vst.idx.add.f32.msk $0xffff, v4  }
0x11f: {  	v3 =	vor.u32 v46, v3;
	s5 =	sadd.f32 s5, s4;
	s13 =	spop (v2sf);
	(v2sf) =	vpush v22, $0x1;
	v7 =	vshll.u32 v8, $0x7;
	v5 =	vld.idx.msk [tilespmem:v5+s1+$0x0], $0xffff  }
0x120: {  	s7 =	smul.f32 s7, s26;
	s14 =	spop (v2sf);
	(v2sf) =	vpush v22, $0x2;
	v7 =	vor.u32 v46, v7;
	v8 =	vshll.u32 v10, $0x7  }
0x121: {  	s23 =	smul.f32 s8, s15;
	s17 =	sadd.f32 s17, s22;
	v8 =	vor.u32 v46, v8;
	v0 =	vshll.u32 v0, $0x7  }
0x122: {  	s5 =	sadd.f32 s5, s6;
	s22 =	smul.f32 s10, s28;
	v0 =	vor.u32 v46, v0;
	v1 =	vshll.u32 v1, $0x7  }
0x123: {  	[tilespmem:v6+s21+$0x0] =	vst.idx.add.f32.msk $0xffff, v4;
	s17 =	sadd.f32 s17, s24;
	s24 =	smul.f32 s9, s30;
	v1 =	vor.u32 v46, v1;
	v2 =	vshll.u32 v2, $0x7  }
0x124: {  	[tilespmem:v3+s21+$0x0] =	vst.idx.add.f32.msk $0xffff, v4;
	s9 =	smul.f32 s9, s31;
	s2 =	spop (v2sf);
	(v2sf) =	vpush v22, $0x3;
	v2 =	vor.u32 v46, v2;
	v3 =	vshll.u32 v5, $0x7  }
0x125: {  	s6 =	sadd.f32 s24, s23;
	s23 =	smul.f32 s8, s12;
	[tilespmem:v7+s21+$0x0] =	vst.idx.add.f32.msk $0xffff, v4;
	v3 =	vor.u32 v46, v3  }
0x126: {  	s24 =	smul.f32 s11, s25;
	[tilespmem:v8+s21+$0x0] =	vst.idx.add.f32.msk $0xffff, v4  }
0x127: {  	s5 =	sadd.f32 s5, s7;
	s11 =	smul.f32 s11, s26;
	[tilespmem:v0+s21+$0x0] =	vst.idx.add.f32.msk $0xffff, v4  }
0x128: {  	s16 =	spop (v2sf);
	s7 =	sadd.f32 s9, s23;
	[tilespmem:v1+s21+$0x0] =	vst.idx.add.f32.msk $0xffff, v4  }
0x129: {  	s23 =	smul.f32 s13, s30;
	s18 =	spop (v2sf);
	[tilespmem:v2+s21+$0x0] =	vst.idx.add.f32.msk $0xffff, v4  }
0x12a: {  	s13 =	smul.f32 s13, s31;
	s3 =	spop (v2sf);
	[tilespmem:v3+s21+$0x0] =	vst.idx.add.f32.msk $0xffff, v4  }
0x12b: {  	s20 =	spop (v2sf);
	[dreg:$0x11] =	wrdreg s5  }
0x12c: {  	s4 =	spop (v2sf);
	s5 =	sadd.f32 s6, s22  }
0x12d: {  	(v2sf) =	vpush v22, $0x4;
	[dreg:$0x10] =	wrdreg s17;
	s17 =	smul.f32 s10, s29  }
0x12e: {  	(v2sf) =	vpush v22, $0x5;
	s8 =	spop (v2sf);
	s5 =	sadd.f32 s5, s24  }
0x12f: {  	(v2sf) =	vpush v22, $0x6;
	s10 =	spop (v2sf);
	s7 =	sadd.f32 s7, s17  }
0x130: {  	s22 =	smul.f32 s0, s15;
	[dreg:$0x12] =	wrdreg s5  }
0x131: {  	s17 =	smul.f32 s2, s25;
	s24 =	sadd.f32 s7, s11  }
0x132: {  	s7 =	smul.f32 s14, s28;
	s5 =	sadd.f32 s23, s22  }
0x133: {  	s9 =	spop (v2sf);
	s11 =	smul.f32 s0, s12  }
0x134: {  	s22 =	smul.f32 s14, s29;
	s5 =	sadd.f32 s5, s7  }
0x135: {  	s23 =	smul.f32 s2, s26;
	s7 =	sadd.f32 s13, s11  }
0x136: {  	s2 =	smul.f32 s18, s31;
	[dreg:$0x13] =	wrdreg s24  }
0x137: {  	s24 =	smul.f32 s16, s15;
	s7 =	sadd.f32 s7, s22  }
0x138: {  	s14 =	sadd.f32 s5, s17;
	s17 =	smul.f32 s18, s30  }
0x139: {  	s22 =	sadd.f32 s7, s23;
	s23 =	smul.f32 s3, s28  }
0x13a: {  	s5 =	sadd.f32 s17, s24;
	s24 =	smul.f32 s16, s12  }
0x13b: {  	(v2sf) =	vpush v22, $0x7;
	[dreg:$0x14] =	wrdreg s14;
	s14 =	smul.f32 s20, s25  }
0x13c: {  	s0 =	spop (v2sf);
	s3 =	smul.f32 s3, s29  }
0x13d: {  	s11 =	spop (v2sf);
	s16 =	smul.f32 s20, s26  }
0x13e: {  	s13 =	spop (v2sf);
	s17 =	smul.f32 s4, s15  }
0x13f: {  	s20 =	smul.f32 s8, s30;
	[dreg:$0x15] =	wrdreg s22  }
0x140: {  	(v2sf) =	vpush v22, $0x8;
	s4 =	smul.f32 s4, s12;
	s7 =	sadd.f32 s2, s24  }
0x141: {  	s5 =	sadd.f32 s5, s23;
	s23 =	smul.f32 s10, s28  }
0x142: {  	s24 =	smul.f32 s8, s31;
	s3 =	sadd.f32 s7, s3  }
0x143: {  	(v2sf) =	vpush v22, $0x9;
	s2 =	smul.f32 s9, s25;
	s18 =	sadd.f32 s5, s14  }
0x144: {  	s10 =	smul.f32 s10, s29;
	s5 =	sadd.f32 s20, s17  }
0x145: {  	(v2sf) =	vpush v22, $0xA;
	s9 =	smul.f32 s9, s26;
	s4 =	sadd.f32 s24, s4  }
0x146: {  	s14 =	smul.f32 s0, s15;
	[dreg:$0x16] =	wrdreg s18  }
0x147: {  	(v2sf) =	vpush v22, $0xB;
	s17 =	smul.f32 s11, s30;
	s22 =	sadd.f32 s3, s16  }
0x148: {  	s20 =	smul.f32 s13, s28;
	s3 =	sadd.f32 s5, s23  }
0x149: {  	s24 =	smul.f32 s11, s31;
	s4 =	sadd.f32 s4, s10  }
0x14a: {  	(v2sf) =	vpush v22, $0xC;
	s6 =	spop (v2sf);
	[dreg:$0x17] =	wrdreg s22  }
0x14b: {  	s16 =	sadd.f32 s3, s2;
	s22 =	smul.f32 s0, s12  }
0x14c: {  	s18 =	sadd.f32 s4, s9;
	s0 =	smul.f32 s6, s25  }
0x14d: {  	s3 =	sadd.f32 s17, s14;
	s2 =	smul.f32 s13, s29  }
0x14e: {  	(v2sf) =	vpush v22, $0xD;
	s6 =	smul.f32 s6, s26;
	[dreg:$0x19] =	wrdreg s16  }
0x14f: {  	s8 =	spop (v2sf);
	[dreg:$0x18] =	wrdreg s18  }
0x150: {  	s3 =	sadd.f32 s3, s20;
	s10 =	smul.f32 s8, s15  }
0x151: {  	(v2sf) =	vpush v22, $0xE;
	s5 =	sadd.f32 s24, s22;
	s8 =	smul.f32 s8, s12  }
0x152: {  	s23 =	spop (v2sf);
	s4 =	sadd.f32 s3, s0  }
0x153: {  	(v2sf) =	vpush v22, $0xF;
	s11 =	sadd.f32 s5, s2;
	s13 =	smul.f32 s23, s30  }
0x154: {  	s14 =	spop (v2sf);
	s22 =	smul.f32 s23, s31  }
0x155: {  	(v2sf) =	vpush v21, $0x0;
	s16 =	smul.f32 s14, s28;
	[dreg:$0x1a] =	wrdreg s4  }
0x156: {  	(v2sf) =	vpush v21, $0x1;
	s17 =	spop (v2sf);
	s3 =	sadd.f32 s13, s10  }
0x157: {  	s0 =	smul.f32 s14, s29;
	s20 =	sadd.f32 s11, s6  }
0x158: {  	s18 =	smul.f32 s17, s25;
	(v2sf) =	vpush v21, $0x2;
	s4 =	sadd.f32 s22, s8  }
0x159: {  	s24 =	spop (v2sf);
	s3 =	sadd.f32 s3, s16  }
0x15a: {  	s13 =	smul.f32 s17, s26;
	[dreg:$0x1c] =	wrdreg s20  }
0x15b: {  	s9 =	smul.f32 s24, s15;
	s4 =	sadd.f32 s4, s0  }
0x15c: {  	(v2sf) =	vpush v21, $0x3;
	s23 =	sadd.f32 s3, s18;
	s3 =	smul.f32 s24, s12  }
0x15d: {  	s20 =	sadd.f32 s4, s13;
	s2 =	spop (v2sf)  }
0x15e: {  	[dreg:$0x1b] =	wrdreg s23;
	s11 =	smul.f32 s2, s30  }
0x15f: {  	[dreg:$0x1d] =	wrdreg s20;
	s22 =	smul.f32 s2, s31  }
0x160: {  	s14 =	spop (v2sf);
	s5 =	sadd.f32 s11, s9  }
0x161: {  	(v2sf) =	vpush v21, $0x4;
	s3 =	sadd.f32 s22, s3;
	s16 =	smul.f32 s14, s28  }
0x162: {  	s24 =	smul.f32 s14, s29;
	s17 =	spop (v2sf)  }
0x163: {  	(v2sf) =	vpush v21, $0x5;
	s5 =	sadd.f32 s5, s16;
	s18 =	smul.f32 s17, s25  }
0x164: {  	s0 =	spop (v2sf);
	s3 =	sadd.f32 s3, s24  }
0x165: {  	(v2sf) =	vpush v21, $0x6;
	s13 =	smul.f32 s17, s26;
	s2 =	spop (v2sf)  }
0x166: {  	s9 =	smul.f32 s0, s15;
	s23 =	sadd.f32 s5, s18  }
0x167: {  	(v2sf) =	vpush v21, $0x7;
	s11 =	smul.f32 s2, s30;
	s14 =	spop (v2sf)  }
0x168: {  	s5 =	smul.f32 s0, s12;
	s20 =	sadd.f32 s3, s13  }
0x169: {  	(v2sf) =	vpush v21, $0x8;
	s22 =	smul.f32 s2, s31;
	[dreg:$0x1e] =	wrdreg s23  }
0x16a: {  	s16 =	smul.f32 s14, s28;
	s4 =	sadd.f32 s11, s9  }
0x16b: {  	s17 =	spop (v2sf);
	[dreg:$0x1f] =	wrdreg s20  }
0x16c: {  	(v2sf) =	vpush v21, $0x9;
	s24 =	smul.f32 s14, s29;
	s3 =	sadd.f32 s22, s5  }
0x16d: {  	s18 =	smul.f32 s17, s25;
	s4 =	sadd.f32 s4, s16  }
0x16e: {  	(v2sf) =	vpush v21, $0xA;
	s13 =	smul.f32 s17, s26;
	s3 =	sadd.f32 s3, s24  }
0x16f: {  	s23 =	sadd.f32 s4, s18  }
0x170: {  	(v2sf) =	vpush v21, $0xB;
	s20 =	sadd.f32 s3, s13;
	s0 =	spop (v2sf)  }
0x171: {  	[smem:$0x7F7] =	sst s23;
	s9 =	smul.f32 s0, s15  }
0x172: {  	s2 =	spop (v2sf);
	s5 =	smul.f32 s0, s12  }
0x173: {  	[smem:$0x7F8] =	sst s20;
	s11 =	smul.f32 s2, s30  }
0x174: {  	(v2sf) =	vpush v21, $0xC;
	s22 =	smul.f32 s2, s31;
	s14 =	spop (v2sf)  }
0x175: {  	s4 =	sadd.f32 s11, s9;
	s16 =	smul.f32 s14, s28  }
0x176: {  	(v2sf) =	vpush v21, $0xD;
	s24 =	smul.f32 s14, s29;
	s17 =	spop (v2sf)  }
0x177: {  	s3 =	sadd.f32 s22, s5;
	s18 =	smul.f32 s17, s25  }
0x178: {  	(v2sf) =	vpush v21, $0xE;
	s0 =	spop (v2sf);
	s13 =	smul.f32 s17, s26  }
0x179: {  	s4 =	sadd.f32 s4, s16;
	s9 =	smul.f32 s0, s15  }
0x17a: {  	s3 =	sadd.f32 s3, s24;
	s5 =	smul.f32 s0, s12  }
0x17b: {  	(v2sf) =	vpush v21, $0xF;
	s23 =	sadd.f32 s4, s18;
	s2 =	spop (v2sf)  }
0x17c: {  	s20 =	sadd.f32 s3, s13;
	s11 =	smul.f32 s2, s30  }
0x17d: {  	(v2sf) =	vpush v20, $0x0;
	s14 =	spop (v2sf);
	s22 =	smul.f32 s2, s31  }
0x17e: {  	[smem:$0x7F9] =	sst s23;
	s16 =	smul.f32 s14, s28  }
0x17f: {  	(v2sf) =	vpush v20, $0x1;
	s17 =	spop (v2sf);
	[smem:$0x7FA] =	sst s20  }
0x180: {  	s24 =	smul.f32 s14, s29;
	s4 =	sadd.f32 s11, s9  }
0x181: {  	(v2sf) =	vpush v20, $0x2;
	s18 =	smul.f32 s17, s25;
	s3 =	sadd.f32 s22, s5  }
0x182: {  	s13 =	smul.f32 s17, s26;
	s4 =	sadd.f32 s4, s16  }
0x183: {  	(v2sf) =	vpush v20, $0x3;
	s3 =	sadd.f32 s3, s24;
	s0 =	spop (v2sf)  }
0x184: {  	s23 =	sadd.f32 s4, s18;
	s9 =	smul.f32 s0, s15  }
0x185: {  	s2 =	spop (v2sf);
	s5 =	smul.f32 s0, s12  }
0x186: {  	s20 =	sadd.f32 s3, s13;
	s11 =	smul.f32 s2, s30  }
0x187: {  	(v2sf) =	vpush v20, $0x4;
	s14 =	spop (v2sf);
	s22 =	smul.f32 s2, s31  }
0x188: {  	[smem:$0x7FB] =	sst s23;
	s16 =	smul.f32 s14, s28  }
0x189: {  	(v2sf) =	vpush v20, $0x5;
	[smem:$0x7FC] =	sst s20;
	s24 =	smul.f32 s14, s29  }
0x18a: {  	s4 =	sadd.f32 s11, s9;
	s17 =	spop (v2sf)  }
0x18b: {  	(v2sf) =	vpush v20, $0x6;
	s3 =	sadd.f32 s22, s5;
	s18 =	smul.f32 s17, s25  }
0x18c: {  	s0 =	spop (v2sf);
	s11 =	smul.f32 s17, s26  }
0x18d: {  	s4 =	sadd.f32 s4, s16;
	s8 =	smul.f32 s0, s15  }
0x18e: {  	(v2sf) =	vpush v20, $0x7;
	s5 =	smul.f32 s0, s12;
	s2 =	spop (v2sf)  }
0x18f: {  	(v2sf) =	vpush v20, $0x8;
	s23 =	sadd.f32 s4, s18;
	s9 =	smul.f32 s2, s30  }
0x190: {  	s13 =	spop (v2sf);
	s18 =	smul.f32 s2, s31  }
0x191: {  	s3 =	sadd.f32 s3, s24;
	s14 =	smul.f32 s13, s28  }
0x192: {  	(v2sf) =	vpush v20, $0x9;
	s16 =	spop (v2sf);
	[smem:$0x7FD] =	sst s23  }
0x193: {  	s20 =	smul.f32 s13, s29;
	s4 =	sadd.f32 s9, s8  }
0x194: {  	(v2sf) =	vpush v20, $0xA;
	s17 =	smul.f32 s16, s25;
	s23 =	sadd.f32 s3, s11  }
0x195: {  	s3 =	sadd.f32 s18, s5;
	s9 =	smul.f32 s16, s26  }
0x196: {  	(v2sf) =	vpush v20, $0xB;
	s4 =	sadd.f32 s4, s14;
	s22 =	spop (v2sf)  }
0x197: {  	s3 =	sadd.f32 s3, s20;
	s2 =	smul.f32 s22, s15  }
0x198: {  	s0 =	spop (v2sf);
	s5 =	smul.f32 s22, s12  }
0x199: {  	s24 =	sadd.f32 s4, s17;
	(v2sf) =	vpush v20, $0xC;
	s8 =	smul.f32 s0, s30  }
0x19a: {  	s10 =	spop (v2sf);
	s16 =	smul.f32 s0, s31  }
0x19b: {  	(v2sf) =	vpush v20, $0xD;
	s22 =	sadd.f32 s3, s9;
	s11 =	smul.f32 s10, s28  }
0x19c: {  	s17 =	smul.f32 s10, s29;
	s4 =	sadd.f32 s8, s2  }
0x19d: {  	(v2sf) =	vpush v20, $0xE;
	s13 =	spop (v2sf);
	s3 =	sadd.f32 s16, s5  }
0x19e: {  	s14 =	smul.f32 s13, s25;
	s18 =	spop (v2sf)  }
0x19f: {  	s4 =	sadd.f32 s4, s11;
	s8 =	smul.f32 s18, s15  }
0x1a0: {  	(v2sf) =	vpush v20, $0xF;
	s3 =	sadd.f32 s3, s17;
	s11 =	smul.f32 s13, s26  }
0x1a1: {  	(v2sf) =	vpush v19, $0x0;
	s5 =	smul.f32 s18, s12;
	s0 =	spop (v2sf)  }
0x1a2: {  	s20 =	sadd.f32 s4, s14;
	s9 =	smul.f32 s0, s30  }
0x1a3: {  	(v2sf) =	vpush v19, $0x1;
	s13 =	spop (v2sf);
	s10 =	smul.f32 s0, s31  }
0x1a4: {  	s18 =	sadd.f32 s3, s11;
	s14 =	smul.f32 s13, s28  }
0x1a5: {  	s16 =	spop (v2sf);
	s4 =	sadd.f32 s9, s8  }
0x1a6: {  	(v2sf) =	vpush v19, $0x2;
	s11 =	smul.f32 s13, s29;
	s3 =	sadd.f32 s10, s5  }
0x1a7: {  	s2 =	smul.f32 s16, s25;
	s4 =	sadd.f32 s4, s14  }
0x1a8: {  	(v2sf) =	vpush v19, $0x3;
	s0 =	smul.f32 s16, s26;
	s13 =	spop (v2sf)  }
0x1a9: {  	s17 =	sadd.f32 s4, s2;
	s2 =	smul.f32 s13, s15  }
0x1aa: {  	s14 =	spop (v2sf);
	s5 =	smul.f32 s13, s12  }
0x1ab: {  	s3 =	sadd.f32 s3, s11;
	s9 =	smul.f32 s14, s30  }
0x1ac: {  	(v2sf) =	vpush v19, $0x4;
	s10 =	spop (v2sf);
	s6 =	smul.f32 s14, s31  }
0x1ad: {  	s16 =	sadd.f32 s3, s0;
	s11 =	smul.f32 s10, s28  }
0x1ae: {  	(v2sf) =	vpush v19, $0x5;
	s8 =	smul.f32 s10, s29;
	s4 =	sadd.f32 s9, s2  }
0x1af: {  	s13 =	spop (v2sf);
	s7 =	sadd.f32 s6, s5  }
0x1b0: {  	(v2sf) =	vpush v19, $0x6;
	s2 =	smul.f32 s13, s25;
	s10 =	spop (v2sf)  }
0x1b1: {  	s13 =	smul.f32 s13, s26;
	s4 =	sadd.f32 s4, s11  }
0x1b2: {  	s6 =	smul.f32 s10, s12;
	s9 =	spop (v2sf)  }
0x1b3: {  	s14 =	sadd.f32 s4, s2;
	s2 =	smul.f32 s10, s15  }
0x1b4: {  	(v2sf) =	vpush v19, $0x7;
	s4 =	sadd.f32 s7, s8;
	s11 =	smul.f32 s9, s30  }
0x1b5: {  	(v2sf) =	vpush v19, $0x8;
	s0 =	spop (v2sf);
	s8 =	smul.f32 s9, s31  }
0x1b6: {  	(v2sf) =	vpush v19, $0x9;
	s3 =	smul.f32 s0, s28  }
0x1b7: {  	s10 =	spop (v2sf);
	s5 =	sadd.f32 s11, s2  }
0x1b8: {  	s7 =	smul.f32 s10, s25;
	s13 =	sadd.f32 s4, s13  }
0x1b9: {  	s9 =	sadd.f32 s8, s6;
	s2 =	smul.f32 s0, s29  }
0x1ba: {  	s0 =	smul.f32 s10, s26;
	s5 =	sadd.f32 s5, s3  }
0x1bb: {  	(v2sf) =	vpush v19, $0xA;
	s2 =	sadd.f32 s9, s2;
	s10 =	spop (v2sf)  }
0x1bc: {  	s11 =	sadd.f32 s5, s7;
	s3 =	smul.f32 s10, s15  }
0x1bd: {  	s4 =	smul.f32 s10, s12;
	s5 =	spop (v2sf)  }
0x1be: {  	s10 =	sadd.f32 s2, s0;
	s7 =	smul.f32 s5, s30  }
0x1bf: {  	s8 =	smul.f32 s5, s31;
	s9 =	spop (v2sf)  }
0x1c0: {  	(v2sf) =	vpush v19, $0xB;
	s5 =	smul.f32 s9, s28;
	s0 =	sadd.f32 s7, s3  }
0x1c1: {  	(v2sf) =	vpush v19, $0xC;
	s6 =	smul.f32 s9, s29;
	s2 =	sadd.f32 s8, s4  }
0x1c2: {  	s7 =	sadd.f32 s0, s5  }
0x1c3: {  	s8 =	spop (v2sf);
	s2 =	sadd.f32 s2, s6  }
0x1c4: {  	s9 =	smul.f32 s8, s25;
	s6 =	spop (v2sf)  }
0x1c5: {  	s3 =	smul.f32 s8, s26;
	s8 =	spop (v2sf)  }
0x1c6: {  	s0 =	smul.f32 s6, s15;
	s9 =	sadd.f32 s7, s9  }
0x1c7: {  	(v2sf) =	vpush v19, $0xD;
	s7 =	sadd.f32 s2, s3;
	s3 =	smul.f32 s6, s12  }
0x1c8: {  	s4 =	smul.f32 s8, s30  }
0x1c9: {  	s5 =	smul.f32 s8, s31  }
0x1ca: {  	s4 =	sadd.f32 s4, s0;
	s0 =	spop (v2sf)  }
0x1cb: {  	s2 =	smul.f32 s0, s28  }
0x1cc: {  	s3 =	sadd.f32 s5, s3;
	s6 =	smul.f32 s0, s29  }
0x1cd: {  	s2 =	sadd.f32 s4, s2  }
0x1ce: {  	s3 =	sadd.f32 s3, s6  }
0x1cf: {  	s8 =	spop (v2sf);
	s6 =	rddreg [dreg:$0x15]  }
0x1d0: {  	s4 =	smul.f32 s8, s25;
	s0 =	spop (v2sf)  }
0x1d1: {  	s5 =	smul.f32 s0, s15;
	s15 =	rddreg [dreg:$0x10]  }
0x1d2: {  	s0 =	smul.f32 s0, s12;
	s12 =	rddreg [dreg:$0x11]  }
0x1d3: {  	s2 =	sadd.f32 s2, s4  }
0x1d4: {  	v50 =	vmov s6;
	s6 =	smul.f32 s8, s26;
	v53 =	vmov s15;
	s15 =	rddreg [dreg:$0x12]  }
0x1d5: {  	v0 =	vmov s12;
	s12 =	rddreg [dreg:$0x13]  }
0x1d6: {  	(v2sf) =	vpush v19, $0xE;
	s8 =	spop (v2sf);
	s3 =	sadd.f32 s3, s6  }
0x1d7: {  	s4 =	smul.f32 s8, s30;
	s30 =	rddreg [dreg:$0x1e]  }
0x1d8: {  	(v2sf) =	vpush v19, $0xF;
	s6 =	smul.f32 s8, s31;
	s31 =	rddreg [dreg:$0x1f]  }
0x1d9: {  	[tilespmem:$0x1FE80] =	vst v0;
	v0 =	vmov s15;
	s15 =	rddreg [dreg:$0x14]  }
0x1da: {  	v58 =	vmov s12;
	s12 =	rddreg [dreg:$0x16]  }
0x1db: {  	v48 =	vmov s30;
	s30 =	sld [smem:$0x7F9]  }
0x1dc: {  	v20 =	vmov s31;
	s31 =	sld [smem:$0x7FA]  }
0x1dd: {  	v54 =	vmov s15;
	s15 =	rddreg [dreg:$0x17]  }
0x1de: {  	v43 =	vmov s12;
	s12 =	rddreg [dreg:$0x19]  }
0x1df: {  	v44 =	vmov s15;
	s15 =	rddreg [dreg:$0x18]  }
0x1e0: {  	v59 =	vmov s12;
	s12 =	rddreg [dreg:$0x1a]  }
0x1e1: {  	v52 =	vmov s15;
	s15 =	rddreg [dreg:$0x1c]  }
0x1e2: {  	v34 =	vmov s12;
	s12 =	rddreg [dreg:$0x1b]  }
0x1e3: {  	v46 =	vmov s12;
	s12 =	sld [smem:$0x7F8]  }
0x1e4: {  	v56 =	vmov s15;
	s15 =	rddreg [dreg:$0x1d]  }
0x1e5: {  	s4 =	sadd.f32 s4, s5;
	v57 =	vmov s15;
	s15 =	spop (v2sf)  }
0x1e6: {  	s0 =	sadd.f32 s6, s0;
	v26 =	vmov s12;
	s12 =	smul.f32 s15, s28  }
0x1e7: {  	s5 =	smul.f32 s15, s29;
	s29 =	spop (v2sf)  }
0x1e8: {  	[tilespmem:$0x1FE90] =	vst v0;
	v0 =	vmov s23;
	v33 =	vmov s30;
	s30 =	smul.f32 s29, s25;
	s4 =	sadd.f32 s4, s12  }
0x1e9: {  	[tilespmem:$0x1FEA0] =	vst v0;
	v0 =	vmov s18;
	s0 =	sadd.f32 s0, s5  }
0x1ea: {  	v31 =	vmov s31;
	[tilespmem:$0x1FEB0] =	vst v0;
	v0 =	vmov s14;
	s31 =	smul.f32 s29, s26;
	s4 =	sadd.f32 s4, s30  }
0x1eb: {  	[tilespmem:$0x1FEC0] =	vst v0;
	v0 =	vmov s2  }
0x1ec: {  	[tilespmem:$0x1FED0] =	vst v0;
	s0 =	sadd.f32 s0, s31;
	v0 =	vmov s4  }
0x1ed: {  	[tilespmem:$0x1FEE0] =	vst v0;
	v0 =	vbroadcast v25, $0x1  }
0x1ee: {  	v51 =	vmov s0;
	s0 =	simm.s32 $0x0  }
0x1ef: {  	[tilespmem:$0x1FEF0] =	vst v0;
	v0 =	vld [tilespmem:s0+$0x10180]  }
0x1f0: {  	v45 =	vld [tilespmem:$0x1FE90]  }
0x1f1: {  	v1 =	vld [tilespmem:s0+$0x10200];
	_ =	sdelay $0x1  }
0x1f2: {  	v2 =	vld [tilespmem:s0+$0x10280]  }
0x1f3: {  	v55 =	vld [tilespmem:$0x1FE80];
	v3 =	vmul.f32 v0, v53  }
0x1f4: {  	v5 =	vld [tilespmem:s0+$0x10300]  }
0x1f5: {  	v6 =	vmul.f32 v1, v45;
	v3 =	vadd.f32 $0.0e+00, v3  }
0x1f6: {  	v7 =	vld [tilespmem:s0+$0x10380]  }
0x1f7: {  	v9 =	vmul.f32 v2, v54;
	v3 =	vadd.f32 v6, v3  }
0x1f8: {  	v0 =	vmul.f32 v0, v55;
	v6 =	vld [tilespmem:s0+$0x10400]  }
0x1f9: {  	v35 =	vbroadcast v25, $0x0;
	v8 =	vld [tilespmem:s0+$0x10900];
	v11 =	vmul.f32 v5, v43;
	v3 =	vadd.f32 v9, v3  }
0x1fa: {  	v30 =	vmov s24;
	v1 =	vmul.f32 v1, v58;
	v0 =	vadd.f32 $0.0e+00, v0;
	v9 =	vld [tilespmem:s0+$0x10480]  }
0x1fb: {  	v22 =	vmov s22;
	v10 =	vld [tilespmem:s0+$0x10800];
	v13 =	vmul.f32 v7, v59;
	v3 =	vadd.f32 v11, v3  }
0x1fc: {  	v28 =	vmov s20;
	v2 =	vmul.f32 v2, v50;
	v0 =	vadd.f32 v1, v0;
	v11 =	vld [tilespmem:s0+$0x10500]  }
0x1fd: {  	v29 =	vmov s17;
	v12 =	vld [tilespmem:s0+$0x10B00];
	v1 =	vmul.f32 v6, v34;
	v3 =	vadd.f32 v13, v3  }
0x1fe: {  	v32 =	vmov s13;
	s8 =	sld [smem:$0x7F7];
	v14 =	vld [tilespmem:s0+$0x10580];
	v5 =	vmul.f32 v5, v44;
	v0 =	vadd.f32 v2, v0  }
0x1ff: {  	v37 =	vmov s11;
	v19 =	vld [tilespmem:s0+$0x10980];
	v15 =	vmul.f32 v9, v46;
	v1 =	vadd.f32 v1, v3  }
0x200: {  	v61 =	vmov s10;
	v2 =	vld [tilespmem:s0+$0x10600];
	v5 =	vadd.f32 v5, v0;
	v3 =	vmul.f32 v7, v52  }
0x201: {  	v41 =	vmov s8;
	v16 =	vld [tilespmem:s0+$0x10A00];
	v18 =	vmul.f32 v11, v48;
	v1 =	vadd.f32 v15, v1  }
0x202: {  	v21 =	vld [tilespmem:s0+$0x10780];
	v6 =	vmul.f32 v6, v56;
	v13 =	vmul.f32 v8, v32;
	v3 =	vadd.f32 v3, v5  }
0x203: {  	[tilespmem:$0x1FD90] =	vst v37;
	s8 =	sld [smem:$0x7FB];
	v7 =	vld [tilespmem:s0+$0x10680];
	v5 =	vmul.f32 v11, v20;
	v11 =	vmul.f32 v14, v41;
	v1 =	vadd.f32 v18, v1  }
0x204: {  	s15 =	sld [smem:$0x7FC];
	v9 =	vmul.f32 v9, v57;
	[tilespmem:$0x1FDE0] =	vst v13;
	v13 =	vmul.f32 v19, v37;
	v37 =	vld [tilespmem:$0x1FED0];
	v3 =	vadd.f32 v6, v3  }
0x205: {  	v39 =	vmov s9;
	s28 =	sld [smem:$0x7FD];
	v15 =	vld [tilespmem:s0+$0x10700];
	v6 =	vmul.f32 v2, v33;
	v1 =	vadd.f32 v11, v1  }
0x206: {  	[tilespmem:$0x1FDD0] =	vst v20;
	v20 =	vmul.f32 v2, v31;
	v2 =	vadd.f32 v9, v3;
	v9 =	vmul.f32 v19, v61;
	v19 =	vld [tilespmem:s0+$0x10A80]  }
0x207: {  	v60 =	vmov s8;
	v27 =	vmov s15;
	v6 =	vadd.f32 v6, v1;
	v1 =	vld [tilespmem:$0x1FEA0]  }
0x208: {  	s2 =	simm.s32 $0x10;
	v62 =	vmov s28;
	v18 =	vld [tilespmem:s0+$0x10880];
	v3 =	vmul.f32 v7, v27;
	v7 =	vmul.f32 v7, v60  }
0x209: {  	v47 =	vmov s3;
	v49 =	vmovc v62;
	v14 =	vmul.f32 v14, v26;
	v11 =	vld [tilespmem:s2+$0x10180];
	v5 =	vadd.f32 v5, v2  }
0x20a: {  	[tilespmem:$0x1FE00] =	vst v22;
	v63 =	vmov s7;
	v42 =	vmovc v50;
	v23 =	vmul.f32 v16, v39;
	v2 =	vld [tilespmem:s2+$0x10900];
	v6 =	vadd.f32 v7, v6  }
0x20b: {  	[tilespmem:$0x1FDF0] =	vst v9;
	v9 =	vld [tilespmem:$0x1FEC0];
	v7 =	vmul.f32 v15, v62;
	v5 =	vadd.f32 v14, v5;
	v62 =	vmul.f32 v19, v47  }
0x20c: {  	v36 =	vmov s16;
	[tilespmem:$0x1FDA0] =	vst v47;
	v47 =	vmovc v49;
	v49 =	vmovc v42;
	v42 =	vld [tilespmem:$0x1FE00];
	v24 =	vmul.f32 v15, v1;
	v1 =	vmul.f32 v16, v63  }
0x20d: {  	v6 =	vadd.f32 v7, v6;
	v16 =	vld [tilespmem:s2+$0x10200];
	v15 =	vmul.f32 v21, v22;
	v21 =	vmul.f32 v21, v30  }
0x20e: {  	[tilespmem:$0x1FD80] =	vst v36;
	v17 =	vmul.f32 v10, v28;
	v5 =	vadd.f32 v20, v5;
	v22 =	vmul.f32 v18, v36;
	v36 =	vld [tilespmem:$0x1FEE0]  }
0x20f: {  	v25 =	vmul.f32 v18, v29;
	v7 =	vld [tilespmem:s2+$0x10280];
	v18 =	vmul.f32 v11, v53;
	v6 =	vadd.f32 v21, v6  }
0x210: {  	[tilespmem:$0x1FDC0] =	vst v63;
	v0 =	vmul.f32 v12, v51;
	v63 =	vld [tilespmem:s2+$0x10800];
	v11 =	vmul.f32 v11, v55;
	v5 =	vadd.f32 v3, v5  }
0x211: {  	v8 =	vmul.f32 v8, v9;
	v3 =	vld [tilespmem:s2+$0x10B00];
	v18 =	vadd.f32 $0.0e+00, v18;
	v6 =	vadd.f32 v17, v6  }
0x212: {  	v21 =	vld [tilespmem:s2+$0x10300];
	v11 =	vadd.f32 $0.0e+00, v11;
	v20 =	vmul.f32 v16, v45;
	v16 =	vmul.f32 v16, v58  }
0x213: {  	v17 =	vadd.f32 v24, v5;
	v38 =	vmul.f32 v12, v36;
	v24 =	vadd.f32 v25, v6;
	v6 =	vld [tilespmem:$0x1FEB0]  }
0x214: {  	v12 =	vmul.f32 v7, v54;
	v18 =	vadd.f32 v20, v18;
	v11 =	vadd.f32 v16, v11;
	v16 =	vld [tilespmem:s2+$0x10380]  }
0x215: {  	[tilespmem:$0x1FE10] =	vst v35;
	v7 =	vmul.f32 v7, v50;
	v8 =	vadd.f32 v8, v24;
	v24 =	vld [tilespmem:s2+$0x10580]  }
0x216: {  	[tilespmem:$0x1FE20] =	vst v30;
	v12 =	vadd.f32 v12, v18;
	v18 =	vld [tilespmem:s2+$0x10400]  }
0x217: {  	[tilespmem:$0x1FE60] =	vst v28;
	v15 =	vadd.f32 v15, v17;
	v25 =	vmul.f32 v21, v43;
	v7 =	vadd.f32 v7, v11;
	v11 =	vld [tilespmem:s2+$0x10480]  }
0x218: {  	[tilespmem:$0x1FE30] =	vst v29;
	v21 =	vmul.f32 v21, v44;
	v8 =	vadd.f32 v13, v8;
	v13 =	vld [tilespmem:s2+$0x10600];
	v10 =	vmul.f32 v10, v6  }
0x219: {  	[tilespmem:$0x1FE70] =	vst v32;
	v12 =	vadd.f32 v25, v12;
	v25 =	vld [tilespmem:s2+$0x10500];
	v17 =	vmul.f32 v16, v59  }
0x21a: {  	[tilespmem:$0x1FDB0] =	vst v61;
	v14 =	vmul.f32 v19, v37;
	v7 =	vadd.f32 v21, v7;
	v15 =	vadd.f32 v10, v15;
	v10 =	vld [tilespmem:s2+$0x10A00]  }
0x21b: {  	v40 =	vmovc v48;
	v16 =	vmul.f32 v16, v52;
	v21 =	vmul.f32 v18, v34;
	v12 =	vadd.f32 v17, v12;
	v17 =	vld [tilespmem:s2+$0x10680]  }
0x21c: {  	v55 =	vmovc v34;
	v8 =	vadd.f32 v23, v8;
	v18 =	vmul.f32 v18, v56;
	v9 =	vmul.f32 v11, v46;
	v34 =	vld [tilespmem:$0x1FDD0]  }
0x21d: {  	[tilespmem:$0x1FE40] =	vst v31;
	v19 =	vmul.f32 v11, v57;
	v11 =	vadd.f32 v16, v7;
	v15 =	vadd.f32 v22, v15;
	v22 =	vld [tilespmem:$0x1FDE0]  }
0x21e: {  	[tilespmem:$0x1FE50] =	vst v27;
	v61 =	vmul.f32 v2, v32;
	v5 =	vmul.f32 v63, v28;
	v7 =	vld [tilespmem:s2+$0x10A80];
	v14 =	vadd.f32 v14, v8  }
0x21f: {  	v50 =	vmovc v59;
	v6 =	vmul.f32 v3, v51;
	v8 =	vld [tilespmem:$0x1FDF0];
	v16 =	vadd.f32 v21, v12;
	v18 =	vadd.f32 v18, v11  }
0x220: {  	v45 =	vmovc v52;
	v52 =	vmovc v56;
	v56 =	vmov v36;
	v36 =	vld [tilespmem:$0x1FEF0];
	v20 =	vmul.f32 v25, v48;
	v21 =	vmul.f32 v24, v41  }
0x221: {  	v59 =	vmovc v58;
	v11 =	vmul.f32 v24, v26;
	v24 =	vld [tilespmem:s2+$0x10780];
	v9 =	vadd.f32 v9, v16;
	v18 =	vadd.f32 v19, v18  }
0x222: {  	v48 =	vmovc v33;
	v16 =	vld [tilespmem:s2+$0x10700];
	v12 =	vmul.f32 v25, v34;
	v23 =	vadd.f32 v22, v15;
	v22 =	vmul.f32 v13, v33  }
0x223: {  	s11 =	simm.s32 $0x10B80;
	s10 =	simm.s32 $0x1;
	v19 =	vld [tilespmem:s2+$0x10880];
	v58 =	vmovc v34;
	v13 =	vmul.f32 v13, v31;
	v25 =	vadd.f32 v20, v9;
	v20 =	vadd.f32 v38, v14  }
0x224: {  	s9 =	simm.s32 $0x3;
	s3 =	simm.s32 $0x80;
	s12 =	simm.s32 $0x2;
	v15 =	vld [tilespmem:s2+$0x10980];
	v14 =	vmul.f32 v17, v27;
	v38 =	vmovc v26;
	v23 =	vadd.f32 v8, v23;
	v8 =	vmul.f32 v10, v39  }
.LBB2_6:
0x225: {  	v9 =	vld [tilespmem:$0x1FD90];
	_ =	sdelay $0x4  }
0x226: {  	v26 =	vmul.f32 v15, v9;
	v9 =	vld [tilespmem:$0x1FDB0];
	_ =	sdelay $0x3  }
0x227: {  	v21 =	vadd.f32 v21, v25  }
0x228: {  	v9 =	vmul.f32 v15, v9;
	v15 =	vadd.f32 v1, v23;
	v1 =	vld [tilespmem:$0x1FEA0]  }
0x229: {  	v21 =	vadd.f32 v22, v21;
	v22 =	vmul.f32 v24, v42;
	v24 =	vmul.f32 v24, v30;
	v30 =	vld [tilespmem:$0x1FD80]  }
0x22a: {  	v15 =	vadd.f32 v62, v15  }
0x22b: {  	s4 =	sshra.s32 s3, $0x2;
	v17 =	vmul.f32 v17, v60;
	v33 =	vmul.f32 v3, v56;
	v3 =	vld [tilespmem:$0x1FE60]  }
0x22c: {  	v27 =	vld [tilespmem:s4+$0x10800];
	v28 =	vmul.f32 v19, v29;
	v15 =	vadd.f32 v0, v15  }
0x22d: {  	v29 =	vld [tilespmem:s4+$0x10B00];
	v0 =	vmovc v6;
	v6 =	vadd.f32 v17, v21;
	v25 =	vmul.f32 v16, v1;
	v16 =	vmul.f32 v16, v47  }
0x22e: {  	v19 =	vmul.f32 v19, v30;
	v30 =	vld [tilespmem:s4+$0x10200]  }
0x22f: {  	v23 =	vld [tilespmem:s4+$0x10900];
	v16 =	vadd.f32 v16, v6  }
0x230: {  	v17 =	vld [tilespmem:$0x1FDA0]  }
0x231: {  	v16 =	vadd.f32 v24, v16;
	v24 =	vld [tilespmem:$0x1FEC0]  }
0x232: {  	v21 =	vld [tilespmem:s4+$0x10300]  }
0x233: {  	v20 =	vmul.f32 $4.999999890e-03, v20;
	v1 =	vld [tilespmem:$0x1FDC0]  }
0x234: {  	v6 =	vld [tilespmem:$0x1FEB0]  }
0x235: {  	v20 =	vadd.f32 v20, v35;
	v35 =	vadd.f32 v12, v18;
	v62 =	vmul.f32 v7, v17;
	v17 =	vld [tilespmem:s4+$0x10180]  }
0x236: {  	v31 =	vmul.f32 v23, v32;
	v24 =	vmul.f32 v2, v24;
	v2 =	vld [tilespmem:$0x1FE80]  }
0x237: {  	v11 =	vadd.f32 v11, v35;
	v32 =	vmul.f32 v7, v37;
	v15 =	vmul.f32 $4.999999890e-03, v15;
	v7 =	vld [tilespmem:s4+$0x10A80]  }
0x238: {  	v1 =	vmul.f32 v10, v1;
	v10 =	vld [tilespmem:s4+$0x10280];
	[tilespmem:s0+$0x10B80] =	vst v20  }
0x239: {  	v11 =	vadd.f32 v13, v11;
	v15 =	vadd.f32 v15, v36;
	v20 =	vld [tilespmem:s4+$0x10380]  }
0x23a: {  	v35 =	vld [tilespmem:s4+$0x10400]  }
0x23b: {  	v11 =	vadd.f32 v14, v11;
	[tilespmem:s0+$0x10C00] =	vst v15;
	v15 =	vmul.f32 v17, v2;
	v2 =	vmov v23;
	v23 =	vld [tilespmem:$0x1FE90];
	_ =	sdelay $0x1  }
0x23c: {  	v34 =	vmul.f32 v27, v3;
	v11 =	vadd.f32 v25, v11;
	v12 =	vmul.f32 v63, v6  }
0x23d: {  	v3 =	vmovc v29;
	v16 =	vadd.f32 v5, v16;
	v6 =	vmul.f32 v29, v51;
	v29 =	vmul.f32 v17, v53  }
0x23e: {  	v11 =	vadd.f32 v22, v11;
	s0 =	smov.u32 s2;
	s2 =	smov.u32 s4  }
0x23f: {  	v16 =	vadd.f32 v28, v16;
	v13 =	vadd.f32 $0.0e+00, v29;
	v29 =	vld [tilespmem:s2+$0x10480];
	v23 =	vmul.f32 v30, v23  }
0x240: {  	v63 =	vmovc v27;
	v27 =	vmul.f32 v30, v59;
	v11 =	vadd.f32 v12, v11;
	v15 =	vadd.f32 $0.0e+00, v15  }
0x241: {  	v18 =	vmul.f32 v10, v54;
	v10 =	vmul.f32 v10, v49;
	v13 =	vadd.f32 v23, v13  }
0x242: {  	v25 =	vld [tilespmem:s2+$0x10580];
	v14 =	vmul.f32 v20, v45;
	v17 =	vmul.f32 v21, v43;
	v15 =	vadd.f32 v27, v15  }
0x243: {  	v21 =	vmul.f32 v21, v44;
	v30 =	vmul.f32 v20, v50;
	v20 =	vld [tilespmem:s2+$0x10500];
	v13 =	vadd.f32 v18, v13  }
0x244: {  	v28 =	vmul.f32 v29, v57;
	v27 =	vmul.f32 v29, v46;
	v29 =	vld [tilespmem:s2+$0x10600];
	v10 =	vadd.f32 v10, v15  }
0x245: {  	v15 =	vadd.f32 v24, v16;
	v24 =	vld [tilespmem:s2+$0x10780];
	v13 =	vadd.f32 v17, v13  }
0x246: {  	v19 =	vadd.f32 v19, v11;
	v16 =	vadd.f32 v21, v10;
	v10 =	vld [tilespmem:s2+$0x10A00]  }
0x247: {  	v23 =	vmul.f32 v35, v55;
	v18 =	vmul.f32 v35, v52;
	v35 =	vld [tilespmem:$0x1FE10];
	v13 =	vadd.f32 v30, v13  }
0x248: {  	v5 =	vmovc v34;
	v34 =	vmul.f32 v20, v40;
	v12 =	vmul.f32 v20, v58;
	v20 =	vadd.f32 v26, v15;
	v15 =	vld [tilespmem:s2+$0x10980]  }
0x249: {  	v14 =	vadd.f32 v14, v16;
	v17 =	vld [tilespmem:s2+$0x10680];
	v13 =	vadd.f32 v23, v13  }
0x24a: {  	v8 =	vadd.f32 v8, v20;
	v20 =	vadd.f32 v61, v19;
	v61 =	vmov v31;
	v31 =	vld [tilespmem:$0x1FE40]  }
0x24b: {  	p0 =	sne.s32 s3, $0x1C0;
	v11 =	vmul.f32 v25, v38;
	v21 =	vmul.f32 v25, v41;
	v25 =	vadd.f32 v27, v13;
	v27 =	vld [tilespmem:$0x1FE50]  }
.Ltmp2:
0x24c: {  	v16 =	vld [tilespmem:s2+$0x10700];
	v14 =	vadd.f32 v18, v14;
	(pc) =	sbr.rel @p0 .LBB2_6-.Ltmp2, $4  }
0x24d: {  	v19 =	vld [tilespmem:s2+$0x10880];
	v26 =	vadd.f32 v32, v8  }
0x24e: {  	v22 =	vmul.f32 v29, v48;
	v30 =	vld [tilespmem:$0x1FE20];
	v18 =	vadd.f32 v28, v14  }
0x24f: {  	v32 =	vld [tilespmem:$0x1FE70];
	v8 =	vmul.f32 v10, v39;
	v23 =	vadd.f32 v9, v20;
	v20 =	vadd.f32 v33, v26  }
0x250: {  	s3 =	sadd.s32 $0x40, s3;
	v13 =	vmul.f32 v29, v31;
	v29 =	vld [tilespmem:$0x1FE30];
	v25 =	vadd.f32 v34, v25;
	v14 =	vmul.f32 v17, v27  }
0x251: {  	_ = 	snop  }
0x252: {  	[tilespmem:$0x1FCA0] =	vst v46;
	v46 =	vadd.f32 v21, v25  }
0x253: {  	[tilespmem:$0x1FC70] =	vst v41;
	v9 =	vadd.f32 v12, v18  }
0x254: {  	[tilespmem:$0x1FD60] =	vst v48;
	v48 =	vmul.f32 v17, v60;
	v41 =	vld [tilespmem:$0x1FEA0];
	v12 =	vadd.f32 v22, v46  }
0x255: {  	v9 =	vadd.f32 v11, v9  }
0x256: {  	[tilespmem:$0x1FD10] =	vst v49;
	v49 =	vmul.f32 v16, v47;
	v11 =	vadd.f32 v48, v12  }
0x257: {  	[tilespmem:$0x1FD00] =	vst v53;
	v9 =	vadd.f32 v13, v9  }
0x258: {  	[tilespmem:$0x1FD40] =	vst v51;
	v53 =	vld [tilespmem:$0x1FEB0];
	v51 =	vmul.f32 v24, v30;
	v11 =	vadd.f32 v49, v11  }
0x259: {  	[tilespmem:$0x1FCF0] =	vst v50;
	v50 =	vmul.f32 v16, v41;
	v9 =	vadd.f32 v14, v9  }
0x25a: {  	[tilespmem:$0x1FC90] =	vst v57;
	v11 =	vadd.f32 v51, v11;
	v51 =	vld [tilespmem:$0x1FD80]  }
0x25b: {  	[tilespmem:$0x1FCC0] =	vst v52;
	v52 =	vmul.f32 v24, v42;
	v57 =	vld [tilespmem:$0x1FEC0];
	v9 =	vadd.f32 v50, v9;
	_ =	sdelay $0x1  }
0x25c: {  	[tilespmem:$0x1FD20] =	vst v54;
	v13 =	vmul.f32 v63, v53;
	v53 =	vld [tilespmem:$0x1FD90];
	v9 =	vadd.f32 v52, v9  }
0x25d: {  	[tilespmem:$0x1FD30] =	vst v59;
	v59 =	vld [tilespmem:$0x1FDB0];
	v54 =	vmul.f32 v19, v29;
	v5 =	vadd.f32 v5, v11  }
0x25e: {  	[tilespmem:$0x1FCD0] =	vst v55;
	v9 =	vadd.f32 v13, v9;
	v55 =	vmul.f32 v19, v51  }
0x25f: {  	v2 =	vmul.f32 v2, v57;
	v63 =	vld [tilespmem:$0x1FDC0];
	v5 =	vadd.f32 v54, v5  }
0x260: {  	v9 =	vadd.f32 v55, v9  }
0x261: {  	[tilespmem:$0x1FCE0] =	vst v45;
	v45 =	vld [tilespmem:$0x1FDA0];
	v58 =	vmul.f32 v15, v53;
	v2 =	vadd.f32 v2, v5  }
0x262: {  	v5 =	vmul.f32 v15, v59;
	v9 =	vadd.f32 v61, v9  }
0x263: {  	v1 =	vadd.f32 v1, v23;
	v2 =	vadd.f32 v58, v2  }
0x264: {  	v10 =	vmul.f32 v10, v63;
	v5 =	vadd.f32 v5, v9  }
0x265: {  	v1 =	vadd.f32 v62, v1;
	v61 =	vmul.f32 v7, v37;
	v2 =	vadd.f32 v8, v2  }
0x266: {  	v7 =	vmul.f32 v7, v45;
	v5 =	vadd.f32 v10, v5  }
0x267: {  	v3 =	vmul.f32 v3, v56;
	v0 =	vadd.f32 v0, v1;
	v2 =	vadd.f32 v61, v2  }
0x268: {  	[tilespmem:$0x1FC60] =	vst v38;
	v1 =	vadd.f32 v7, v5  }
0x269: {  	[tilespmem:$0x1FC80] =	vst v40;
	v0 =	vmul.f32 $4.999999890e-03, v0;
	v2 =	vadd.f32 v3, v2  }
0x26a: {  	[tilespmem:$0x1FCB0] =	vst v44;
	v5 =	vmul.f32 $4.999999890e-03, v20;
	v1 =	vadd.f32 v6, v1  }
0x26b: {  	[tilespmem:$0x1FD50] =	vst v39;
	v0 =	vadd.f32 v0, v36;
	v2 =	vmul.f32 $4.999999890e-03, v2  }
0x26c: {  	[tilespmem:$0x1FD70] =	vst v43;
	v3 =	vadd.f32 v5, v35;
	v1 =	vmul.f32 $4.999999890e-03, v1  }
0x26d: {  	[tilespmem:s0+$0x10C00] =	vst v0;
	v2 =	vadd.f32 v2, v35  }
0x26e: {  	[tilespmem:s0+$0x10B80] =	vst v3;
	v0 =	vadd.f32 v1, v36  }
0x26f: {  	[tilespmem:s2+$0x10B80] =	vst v2  }
0x270: {  	s30 =	rddreg [dreg:$0x8];
	s0 =	simm.s32 $0x0;
	[tilespmem:s2+$0x10C00] =	vst v0  }
0x271: {  	[hbm4b:s30+s0] =	stream.linear.scatter [tilespmem:s11], [sflag:$0x3], $0x100, $0x38;
	[tilespmem:$0x10C80] =	vst v63  }
0x272: {  	_ =	swait.ge [sflag:s9], $0x100  }
0x273: {  	[sflag:s9] =	ssyncset.done $0x0  }
0x274: {  	s31 =	rddreg [dreg:$0x9];
	[sflag:s9] =	ssyncadd.s32 $0xFFFFFF00  }
0x275: {  	[tilespmem:s0], [sflag:$0x1] =	stream.linear.gather [hbm4b:s31+s0], $0x8000, $0x38;
	[tilespmem:$0x10C80] =	vst v63  }
0x276: {  	_ =	swait.ge [sflag:s12], $0x8000  }
0x277: {  	[sflag:s12] =	ssyncset.done $0x0  }
0x278: {  	v38 =	vmovc v42;
	s3 =	simm.s32 $0x40;
	v39 =	vmovc v60;
	v40 =	vmov v47;
	v60 =	vmov v59;
	v2 =	vimm.f32 $0.0e+00;
	s2 =	simm.s32 $0x0;
	[sflag:s12] =	ssyncadd.s32 $0xFFFF8000  }
.LBB2_8:
0x279: {  	p0 =	sne.s32 s3, $0x27C0;
	[tilespmem:s2+$0x10180] =	vst v2;
	s2 =	smov.u32 s3;
	s3 =	sadd.s32 $0x40, s3  }
.Ltmp3:
0x27a: {  	(pc) =	sbr.rel @p0 .LBB2_8-.Ltmp3, $2  }
0x27b: {  	_ =	sdelay $0x2  }
0x27c: {  	s2 =	sshra.s32 s2, $0x2  }
0x27d: {  	v22 =	vld [tilespmem:$0x1FF30];
	_ =	sdelay $0x2  }
0x27e: {  	v21 =	vlaneseq.u32  }
0x27f: {  	v0 =	vadd.s32 s0, v21  }
0x280: {  	v23 =	vld [tilespmem:$0x1FF40];
	vm0 =	vgt.u32 v0, $0xC7;
	v1 =	vadd.s32 s0, v22  }
0x281: {  	v0 =	vsel vm0, v1, v0  }
0x282: {  	v1 =	vshll.u32 v0, $0x3  }
0x283: {  	v0 =	vand.u32 $0x7F, v0;
	v1 =	vand.u32 $0xFFFFFC00, v1  }
0x284: {  	v5 =	vor.u32 v0, v1  }
0x285: {  	v0 =	vadd.s32 v23, v5;
	_ =	sdelay $0x2  }
0x286: {  	s24 =	simm.s32 $0x1  }
0x287: {  	[tilespmem:s2+$0x10180] =	vst v2;
	v1 =	vadd.s32 s24, v21  }
0x288: {  	v2 =	vadd.s32 s24, v22;
	vm9 =	vgt.u32 v1, $0xC7;
	v0 =	vld.idx.msk [tilespmem:v0+s19+$0x0], $0xffff  }
0x289: {  	v1 =	vsel vm9, v2, v1  }
0x28a: {  	v24 =	vld [tilespmem:$0x1FF50];
	v2 =	vshll.u32 v1, $0x3  }
0x28b: {  	v1 =	vand.u32 $0x7F, v1;
	v2 =	vand.u32 $0xFFFFFC00, v2  }
0x28c: {  	v3 =	vor.u32 v1, v2  }
0x28d: {  	v1 =	vadd.s32 v23, v3;
	v0 =	vshll.u32 v0, $0x7  }
0x28e: {  	v0 =	vor.u32 v21, v0  }
0x28f: {  	v6 =	vadd.s32 v24, v5;
	_ =	sdelay $0x2  }
0x290: {  	v1 =	vld.idx.msk [tilespmem:v1+s19+$0x0], $0xffff  }
0x291: {  	[tilespmem:v0+s21+$0x0] =	vst.idx.add.f32.msk $0xffff, v4  }
0x292: {  	v0 =	vld.idx.msk [tilespmem:v6+s19+$0x0], $0xffff  }
0x293: {  	v25 =	vld [tilespmem:$0x1FF60]  }
0x294: {  	v26 =	vld [tilespmem:$0x1FF70];
	_ =	sdelay $0x1  }
0x295: {  	v1 =	vshll.u32 v1, $0x7  }
0x296: {  	s25 =	simm.s32 $0x2;
	v1 =	vor.u32 v21, v1;
	v0 =	vshll.u32 v0, $0x7  }
0x297: {  	v6 =	vadd.s32 s25, v21;
	v0 =	vor.u32 v25, v0  }
0x298: {  	v7 =	vadd.s32 s25, v22;
	vm10 =	vgt.u32 v6, $0xC7;
	v2 =	vadd.s32 v26, v5  }
0x299: {  	v6 =	vsel vm10, v7, v6  }
0x29a: {  	v7 =	vshll.u32 v6, $0x3  }
0x29b: {  	v8 =	vadd.s32 v24, v3;
	v6 =	vand.u32 $0x7F, v6;
	v7 =	vand.u32 $0xFFFFFC00, v7;
	[tilespmem:v1+s21+$0x0] =	vst.idx.add.f32.msk $0xffff, v4  }
0x29c: {  	v61 =	vor.u32 v6, v7;
	[tilespmem:v0+s21+$0x0] =	vst.idx.add.f32.msk $0xffff, v4  }
0x29d: {  	v0 =	vld.idx.msk [tilespmem:v2+s19+$0x0], $0xffff;
	v2 =	vadd.s32 v23, v61  }
0x29e: {  	v27 =	vld [tilespmem:$0x1FF00]  }
0x29f: {  	v28 =	vld [tilespmem:$0x1FF10]  }
0x2a0: {  	v1 =	vld.idx.msk [tilespmem:v8+s19+$0x0], $0xffff;
	_ =	sdelay $0x1  }
0x2a1: {  	v0 =	vshll.u32 v0, $0x7;
	v2 =	vld.idx.msk [tilespmem:v2+s19+$0x0], $0xffff  }
0x2a2: {  	v0 =	vor.u32 v27, v0  }
0x2a3: {  	v6 =	vadd.s32 v28, v5  }
0x2a4: {  	v1 =	vshll.u32 v1, $0x7  }
0x2a5: {  	s26 =	simm.s32 $0x3;
	v1 =	vor.u32 v25, v1  }
0x2a6: {  	v7 =	vadd.s32 s26, v21;
	v8 =	vadd.s32 v26, v3;
	v2 =	vshll.u32 v2, $0x7  }
0x2a7: {  	v9 =	vadd.s32 s26, v22;
	vm11 =	vgt.u32 v7, $0xC7;
	[tilespmem:v0+s21+$0x0] =	vst.idx.add.f32.msk $0xffff, v4;
	v2 =	vor.u32 v21, v2  }
0x2a8: {  	v0 =	vsel vm11, v9, v7;
	v9 =	vadd.s32 v24, v61;
	v6 =	vld.idx.msk [tilespmem:v6+s19+$0x0], $0xffff  }
0x2a9: {  	v7 =	vshll.u32 v0, $0x3  }
0x2aa: {  	[tilespmem:v1+s21+$0x0] =	vst.idx.add.f32.msk $0xffff, v4;
	v0 =	vand.u32 $0x7F, v0;
	v7 =	vand.u32 $0xFFFFFC00, v7  }
0x2ab: {  	v62 =	vor.u32 v0, v7;
	v0 =	vld.idx.msk [tilespmem:v8+s19+$0x0], $0xffff  }
0x2ac: {  	[tilespmem:v2+s21+$0x0] =	vst.idx.add.f32.msk $0xffff, v4  }
0x2ad: {  	v1 =	vadd.s32 v23, v62;
	v2 =	vshll.u32 v6, $0x7;
	v6 =	vld.idx.msk [tilespmem:v9+s19+$0x0], $0xffff  }
0x2ae: {  	v29 =	vld [tilespmem:$0x1FF80]  }
0x2af: {  	v30 =	vld [tilespmem:$0x1FF90];
	_ =	sdelay $0x1  }
0x2b0: {  	v0 =	vshll.u32 v0, $0x7  }
0x2b1: {  	v1 =	vld.idx.msk [tilespmem:v1+s19+$0x0], $0xffff;
	v0 =	vor.u32 v27, v0  }
0x2b2: {  	v2 =	vor.u32 v29, v2  }
0x2b3: {  	v7 =	vadd.s32 v30, v5;
	v6 =	vshll.u32 v6, $0x7  }
0x2b4: {  	v6 =	vor.u32 v25, v6;
	_ =	sdelay $0x1  }
0x2b5: {  	v8 =	vadd.s32 v28, v3;
	v1 =	vshll.u32 v1, $0x7;
	[tilespmem:v0+s21+$0x0] =	vst.idx.add.f32.msk $0xffff, v4  }
0x2b6: {  	s28 =	simm.s32 $0x4;
	v1 =	vor.u32 v21, v1;
	[tilespmem:v2+s21+$0x0] =	vst.idx.add.f32.msk $0xffff, v4  }
0x2b7: {  	v2 =	vadd.s32 s28, v21;
	v7 =	vld.idx.msk [tilespmem:v7+s19+$0x0], $0xffff  }
0x2b8: {  	v10 =	vadd.s32 v26, v61;
	v9 =	vadd.s32 s28, v22;
	vm12 =	vgt.u32 v2, $0xC7;
	[tilespmem:v6+s21+$0x0] =	vst.idx.add.f32.msk $0xffff, v4  }
0x2b9: {  	v2 =	vsel vm12, v9, v2;
	v31 =	vld [tilespmem:$0x1FFA0]  }
0x2ba: {  	v8 =	vld.idx.msk [tilespmem:v8+s19+$0x0], $0xffff;
	v9 =	vadd.s32 v24, v62;
	v0 =	vshll.u32 v2, $0x3  }
0x2bb: {  	v2 =	vand.u32 $0x7F, v2;
	v0 =	vand.u32 $0xFFFFFC00, v0;
	[tilespmem:v1+s21+$0x0] =	vst.idx.add.f32.msk $0xffff, v4  }
0x2bc: {  	v0 =	vor.u32 v2, v0;
	v32 =	vld [tilespmem:$0x1FFB0]  }
0x2bd: {  	v2 =	vadd.s32 v23, v0;
	v6 =	vshll.u32 v7, $0x7;
	v7 =	vld.idx.msk [tilespmem:v10+s19+$0x0], $0xffff  }
0x2be: {  	v6 =	vor.u32 v31, v6  }
0x2bf: {  	v8 =	vshll.u32 v8, $0x7;
	v9 =	vld.idx.msk [tilespmem:v9+s19+$0x0], $0xffff  }
0x2c0: {  	v8 =	vor.u32 v29, v8  }
0x2c1: {  	v10 =	vadd.s32 v30, v3  }
0x2c2: {  	v1 =	vadd.s32 v32, v5;
	v2 =	vld.idx.msk [tilespmem:v2+s19+$0x0], $0xffff;
	v7 =	vshll.u32 v7, $0x7  }
0x2c3: {  	[tilespmem:v6+s21+$0x0] =	vst.idx.add.f32.msk $0xffff, v4;
	v6 =	vor.u32 v27, v7  }
0x2c4: {  	v9 =	vshll.u32 v9, $0x7  }
0x2c5: {  	[tilespmem:v8+s21+$0x0] =	vst.idx.add.f32.msk $0xffff, v4;
	v8 =	vor.u32 v25, v9  }
0x2c6: {  	v10 =	vld.idx.msk [tilespmem:v10+s19+$0x0], $0xffff  }
0x2c7: {  	v7 =	vadd.s32 v28, v61;
	v1 =	vld.idx.msk [tilespmem:v1+s19+$0x0], $0xffff;
	v2 =	vshll.u32 v2, $0x7  }
0x2c8: {  	v2 =	vor.u32 v21, v2;
	[tilespmem:v6+s21+$0x0] =	vst.idx.add.f32.msk $0xffff, v4  }
0x2c9: {  	s29 =	simm.s32 $0x5;
	v33 =	vld [tilespmem:$0x1FFC0]  }
0x2ca: {  	v11 =	vadd.s32 v26, v62;
	v9 =	vadd.s32 s29, v21;
	[tilespmem:v8+s21+$0x0] =	vst.idx.add.f32.msk $0xffff, v4  }
0x2cb: {  	v12 =	vadd.s32 s29, v22;
	vm13 =	vgt.u32 v9, $0xC7;
	v34 =	vld [tilespmem:$0x1FFD0]  }
0x2cc: {  	v9 =	vsel vm13, v12, v9;
	v12 =	vadd.s32 v24, v0;
	v10 =	vshll.u32 v10, $0x7;
	v7 =	vld.idx.msk [tilespmem:v7+s19+$0x0], $0xffff  }
0x2cd: {  	v1 =	vshll.u32 v1, $0x7;
	[tilespmem:v2+s21+$0x0] =	vst.idx.add.f32.msk $0xffff, v4;
	v2 =	vor.u32 v31, v10  }
0x2ce: {  	v6 =	vshll.u32 v9, $0x3;
	v13 =	vor.u32 v33, v1  }
0x2cf: {  	v9 =	vand.u32 $0x7F, v9;
	v6 =	vand.u32 $0xFFFFFC00, v6;
	v8 =	vld.idx.msk [tilespmem:v11+s19+$0x0], $0xffff;
	v11 =	vadd.s32 v32, v3  }
0x2d0: {  	v1 =	vor.u32 v9, v6;
	v6 =	vadd.s32 v34, v5  }
0x2d1: {  	v10 =	vld.idx.msk [tilespmem:v12+s19+$0x0], $0xffff;
	v7 =	vshll.u32 v7, $0x7;
	v9 =	vadd.s32 v23, v1  }
0x2d2: {  	v7 =	vor.u32 v29, v7;
	[tilespmem:v2+s21+$0x0] =	vst.idx.add.f32.msk $0xffff, v4  }
0x2d3: {  	[tilespmem:v13+s21+$0x0] =	vst.idx.add.f32.msk $0xffff, v4  }
0x2d4: {  	v11 =	vld.idx.msk [tilespmem:v11+s19+$0x0], $0xffff  }
0x2d5: {  	v6 =	vld.idx.msk [tilespmem:v6+s19+$0x0], $0xffff  }
0x2d6: {  	v12 =	vadd.s32 v30, v61;
	v10 =	vshll.u32 v10, $0x7;
	v9 =	vld.idx.msk [tilespmem:v9+s19+$0x0], $0xffff  }
0x2d7: {  	v8 =	vshll.u32 v8, $0x7;
	v10 =	vor.u32 v25, v10;
	[tilespmem:v7+s21+$0x0] =	vst.idx.add.f32.msk $0xffff, v4  }
0x2d8: {  	v8 =	vor.u32 v27, v8;
	v35 =	vld [tilespmem:$0x1FFE0]  }
0x2d9: {  	s30 =	simm.s32 $0x6;
	v2 =	vadd.s32 v28, v62  }
0x2da: {  	v14 =	vadd.s32 s30, v22  }
0x2db: {  	v13 =	vadd.s32 v26, v0;
	v7 =	vadd.s32 s30, v21;
	v12 =	vld.idx.msk [tilespmem:v12+s19+$0x0], $0xffff;
	v11 =	vshll.u32 v11, $0x7  }
0x2dc: {  	vm14 =	vgt.u32 v7, $0xC7;
	v6 =	vshll.u32 v6, $0x7;
	[tilespmem:v10+s21+$0x0] =	vst.idx.add.f32.msk $0xffff, v4;
	v10 =	vor.u32 v33, v11  }
0x2dd: {  	[tilespmem:v8+s21+$0x0] =	vst.idx.add.f32.msk $0xffff, v4;
	v7 =	vsel vm14, v14, v7;
	v9 =	vshll.u32 v9, $0x7;
	v6 =	vor.u32 v35, v6  }
0x2de: {  	v8 =	vor.u32 v21, v9;
	v9 =	vld.idx.msk [tilespmem:v2+s19+$0x0], $0xffff;
	v2 =	vshll.u32 v7, $0x3  }
0x2df: {  	v14 =	vadd.s32 v24, v1;
	v7 =	vand.u32 $0x7F, v7;
	v2 =	vand.u32 $0xFFFFFC00, v2  }
0x2e0: {  	v11 =	vadd.s32 v34, v3;
	v2 =	vor.u32 v7, v2;
	v7 =	vld.idx.msk [tilespmem:v13+s19+$0x0], $0xffff  }
0x2e1: {  	v12 =	vshll.u32 v12, $0x7;
	v13 =	vadd.s32 v23, v2;
	[tilespmem:v10+s21+$0x0] =	vst.idx.add.f32.msk $0xffff, v4  }
0x2e2: {  	[tilespmem:v6+s21+$0x0] =	vst.idx.add.f32.msk $0xffff, v4;
	v6 =	vor.u32 v31, v12  }
0x2e3: {  	[tilespmem:v8+s21+$0x0] =	vst.idx.add.f32.msk $0xffff, v4;
	v12 =	vadd.s32 v32, v61  }
0x2e4: {  	v9 =	vshll.u32 v9, $0x7;
	v8 =	vld.idx.msk [tilespmem:v14+s19+$0x0], $0xffff  }
0x2e5: {  	v11 =	vld.idx.msk [tilespmem:v11+s19+$0x0], $0xffff;
	v9 =	vor.u32 v29, v9  }
0x2e6: {  	v10 =	vadd.s32 v30, v62;
	v7 =	vshll.u32 v7, $0x7;
	v13 =	vld.idx.msk [tilespmem:v13+s19+$0x0], $0xffff  }
0x2e7: {  	v7 =	vor.u32 v27, v7;
	[tilespmem:v6+s21+$0x0] =	vst.idx.add.f32.msk $0xffff, v4  }
0x2e8: {  	v12 =	vld.idx.msk [tilespmem:v12+s19+$0x0], $0xffff  }
0x2e9: {  	v6 =	vadd.s32 v28, v0;
	v8 =	vshll.u32 v8, $0x7;
	v37 =	vld [tilespmem:$0x1FF20]  }
0x2ea: {  	[tilespmem:v9+s21+$0x0] =	vst.idx.add.f32.msk $0xffff, v4;
	v8 =	vor.u32 v25, v8  }
0x2eb: {  	s31 =	simm.s32 $0x7;
	v14 =	vadd.s32 v26, v1;
	v11 =	vshll.u32 v11, $0x7;
	v9 =	vld.idx.msk [tilespmem:v10+s19+$0x0], $0xffff;
	v13 =	vshll.u32 v13, $0x7  }
0x2ec: {  	v10 =	vadd.s32 s31, v21;
	[tilespmem:v7+s21+$0x0] =	vst.idx.add.f32.msk $0xffff, v4;
	v7 =	vor.u32 v35, v11;
	v11 =	vor.u32 v21, v13  }
0x2ed: {  	v15 =	vadd.s32 s31, v22;
	vm15 =	vgt.u32 v10, $0xC7  }
0x2ee: {  	v10 =	vsel vm15, v15, v10;
	v15 =	vadd.s32 v24, v2;
	v6 =	vld.idx.msk [tilespmem:v6+s19+$0x0], $0xffff  }
0x2ef: {  	v5 =	vadd.s32 v37, v5;
	v12 =	vshll.u32 v12, $0x7;
	[tilespmem:v8+s21+$0x0] =	vst.idx.add.f32.msk $0xffff, v4  }
0x2f0: {  	v8 =	vor.u32 v33, v12;
	v9 =	vshll.u32 v9, $0x7;
	v12 =	vld.idx.msk [tilespmem:v14+s19+$0x0], $0xffff  }
0x2f1: {  	[tilespmem:v11+s21+$0x0] =	vst.idx.add.f32.msk $0xffff, v4;
	v11 =	vor.u32 v31, v9  }
0x2f2: {  	v17 =	vadd.s32 v32, v62;
	[tilespmem:v7+s21+$0x0] =	vst.idx.add.f32.msk $0xffff, v4  }
0x2f3: {  	v13 =	vshll.u32 v10, $0x3;
	v15 =	vld.idx.msk [tilespmem:v15+s19+$0x0], $0xffff;
	v6 =	vshll.u32 v6, $0x7  }
0x2f4: {  	v16 =	vld.idx.msk [tilespmem:v5+s19+$0x0], $0xffff;
	v5 =	vand.u32 $0x7F, v10;
	v10 =	vand.u32 $0xFFFFFC00, v13;
	v18 =	vor.u32 v29, v6  }
0x2f5: {  	v5 =	vor.u32 v5, v10;
	v10 =	vadd.s32 v34, v61;
	[tilespmem:v8+s21+$0x0] =	vst.idx.add.f32.msk $0xffff, v4  }
0x2f6: {  	v19 =	vadd.s32 v30, v0;
	[tilespmem:v11+s21+$0x0] =	vst.idx.add.f32.msk $0xffff, v4  }
0x2f7: {  	v8 =	vld.idx.msk [tilespmem:v17+s19+$0x0], $0xffff  }
0x2f8: {  	v36 =	vld [tilespmem:$0x1FFF0]  }
0x2f9: {  	v11 =	vshll.u32 v12, $0x7;
	[tilespmem:v18+s21+$0x0] =	vst.idx.add.f32.msk $0xffff, v4  }
0x2fa: {  	v12 =	vor.u32 v27, v11;
	v11 =	vshll.u32 v15, $0x7;
	v7 =	vld.idx.msk [tilespmem:v10+s19+$0x0], $0xffff  }
0x2fb: {  	v15 =	vor.u32 v25, v11;
	v11 =	vld.idx.msk [tilespmem:v19+s19+$0x0], $0xffff  }
0x2fc: {  	v42 =	vld [tilespmem:$0x1FE90]  }
0x2fd: {  	v13 =	vadd.s32 v23, v5;
	v47 =	vld [tilespmem:$0x1FD20]  }
0x2fe: {  	v43 =	vld [tilespmem:$0x1FD10]  }
0x2ff: {  	v56 =	vld [tilespmem:$0x1FD00]  }
0x300: {  	v6 =	vshll.u32 v16, $0x7;
	v44 =	vld [tilespmem:$0x1FCB0]  }
0x301: {  	v54 =	vld [tilespmem:$0x1FC90];
	v6 =	vor.u32 v36, v6  }
0x302: {  	v14 =	vld.idx.msk [tilespmem:v13+s19+$0x0], $0xffff  }
0x303: {  	v58 =	vld [tilespmem:$0x1FDD0];
	v13 =	vadd.s32 v28, v1  }
0x304: {  	v3 =	vadd.s32 v37, v3;
	v59 =	vld [tilespmem:$0x1FC70]  }
0x305: {  	s0 =	simm.s32 $0x8;
	v9 =	vadd.s32 v26, v2;
	v10 =	vadd.s32 v26, v5;
	v46 =	vld [tilespmem:$0x1FC60]  }
.LBB2_10:
0x306: {  	v16 =	vadd.s32 s0, v21;
	v17 =	vadd.s32 s0, v22;
	p0 =	sne.s32 s0, $0xC7;
	s0 =	sadd.s32 $0x1, s0;
	v7 =	vshll.u32 v7, $0x7;
	[tilespmem:v6+s21+$0x0] =	vst.idx.add.f32.msk $0xffff, v4  }
0x307: {  	v6 =	vshll.u32 v14, $0x7;
	vm0 =	vgt.u32 v16, $0xC7;
	[tilespmem:v12+s21+$0x0] =	vst.idx.add.f32.msk $0xffff, v4;
	v7 =	vor.u32 v35, v7  }
0x308: {  	v6 =	vor.u32 v21, v6;
	v12 =	vsel vm0, v17, v16;
	v13 =	vld.idx.msk [tilespmem:v13+s19+$0x0], $0xffff  }
0x309: {  	v16 =	vadd.s32 v24, v5;
	v8 =	vshll.u32 v8, $0x7;
	v14 =	vshll.u32 v12, $0x3;
	v3 =	vld.idx.msk [tilespmem:v3+s19+$0x0], $0xffff  }
0x30a: {  	v12 =	vand.u32 $0x7F, v12;
	v8 =	vor.u32 v33, v8;
	v14 =	vand.u32 $0xFFFFFC00, v14;
	[tilespmem:v15+s21+$0x0] =	vst.idx.add.f32.msk $0xffff, v4  }
0x30b: {  	v17 =	vor.u32 v12, v14;
	v12 =	vld.idx.msk [tilespmem:v9+s19+$0x0], $0xffff;
	v14 =	vadd.s32 v34, v62;
	v9 =	vmov v10  }
0x30c: {  	v11 =	vshll.u32 v11, $0x7;
	v15 =	vadd.s32 v23, v17;
	v10 =	vadd.s32 v26, v17;
	[tilespmem:v7+s21+$0x0] =	vst.idx.add.f32.msk $0xffff, v4  }
0x30d: {  	v11 =	vor.u32 v31, v11;
	[tilespmem:v6+s21+$0x0] =	vst.idx.add.f32.msk $0xffff, v4  }
0x30e: {  	v18 =	vadd.s32 v32, v0;
	v6 =	vshll.u32 v13, $0x7;
	v16 =	vld.idx.msk [tilespmem:v16+s19+$0x0], $0xffff  }
0x30f: {  	v19 =	vor.u32 v29, v6;
	v3 =	vshll.u32 v3, $0x7;
	[tilespmem:v8+s21+$0x0] =	vst.idx.add.f32.msk $0xffff, v4  }
0x310: {  	v20 =	vadd.s32 v30, v1;
	v7 =	vld.idx.msk [tilespmem:v14+s19+$0x0], $0xffff  }
.Ltmp4:
0x311: {  	v6 =	vor.u32 v36, v3;
	v8 =	vshll.u32 v12, $0x7;
	v14 =	vld.idx.msk [tilespmem:v15+s19+$0x0], $0xffff;
	(pc) =	sbr.rel @p0 .LBB2_10-.Ltmp4, $4  }
0x312: {  	v12 =	vor.u32 v27, v8;
	[tilespmem:v11+s21+$0x0] =	vst.idx.add.f32.msk $0xffff, v4  }
0x313: {  	v13 =	vadd.s32 v28, v2;
	v8 =	vld.idx.msk [tilespmem:v18+s19+$0x0], $0xffff  }
0x314: {  	v3 =	vadd.s32 v37, v61;
	v61 =	vmovc v62;
	v62 =	vmov v0;
	v11 =	vshll.u32 v16, $0x7;
	[tilespmem:v19+s21+$0x0] =	vst.idx.add.f32.msk $0xffff, v4  }
0x315: {  	v0 =	vmovc v1;
	v1 =	vmovc v2;
	v2 =	vmov v5;
	v5 =	vmov v17;
	v15 =	vor.u32 v25, v11;
	v11 =	vld.idx.msk [tilespmem:v20+s19+$0x0], $0xffff  }
0x316: {  	v14 =	vshll.u32 v14, $0x7  }
0x317: {  	v14 =	vor.u32 v21, v14  }
0x318: {  	v16 =	vadd.s32 v24, v5;
	_ =	sdelay $0x3  }
0x319: {  	[tilespmem:v14+s21+$0x0] =	vst.idx.add.f32.msk $0xffff, v4  }
0x31a: {  	v14 =	vld.idx.msk [tilespmem:v16+s19+$0x0], $0xffff;
	_ =	sdelay $0x4  }
0x31b: {  	v14 =	vshll.u32 v14, $0x7  }
0x31c: {  	v14 =	vor.u32 v25, v14;
	_ =	sdelay $0x2  }
0x31d: {  	[tilespmem:v15+s21+$0x0] =	vst.idx.add.f32.msk $0xffff, v4  }
0x31e: {  	v9 =	vld.idx.msk [tilespmem:v9+s19+$0x0], $0xffff  }
0x31f: {  	[tilespmem:v14+s21+$0x0] =	vst.idx.add.f32.msk $0xffff, v4  }
0x320: {  	v10 =	vld.idx.msk [tilespmem:v10+s19+$0x0], $0xffff;
	_ =	sdelay $0x2  }
0x321: {  	v9 =	vshll.u32 v9, $0x7  }
0x322: {  	v9 =	vor.u32 v27, v9  }
0x323: {  	v14 =	vadd.s32 v28, v2;
	v10 =	vshll.u32 v10, $0x7  }
0x324: {  	v10 =	vor.u32 v27, v10  }
0x325: {  	[tilespmem:v12+s21+$0x0] =	vst.idx.add.f32.msk $0xffff, v4;
	v12 =	vadd.s32 v28, v5  }
0x326: {  	v13 =	vld.idx.msk [tilespmem:v13+s19+$0x0], $0xffff  }
0x327: {  	[tilespmem:v9+s21+$0x0] =	vst.idx.add.f32.msk $0xffff, v4  }
0x328: {  	v9 =	vld.idx.msk [tilespmem:v14+s19+$0x0], $0xffff  }
0x329: {  	[tilespmem:v10+s21+$0x0] =	vst.idx.add.f32.msk $0xffff, v4  }
0x32a: {  	v10 =	vld.idx.msk [tilespmem:v12+s19+$0x0], $0xffff  }
0x32b: {  	v12 =	vshll.u32 v13, $0x7  }
0x32c: {  	v12 =	vor.u32 v29, v12  }
0x32d: {  	v9 =	vshll.u32 v9, $0x7;
	v13 =	vadd.s32 v30, v1  }
0x32e: {  	v9 =	vor.u32 v29, v9  }
0x32f: {  	v14 =	vadd.s32 v30, v2;
	v10 =	vshll.u32 v10, $0x7  }
0x330: {  	v10 =	vor.u32 v29, v10  }
0x331: {  	[tilespmem:v12+s21+$0x0] =	vst.idx.add.f32.msk $0xffff, v4;
	v12 =	vadd.s32 v30, v5  }
0x332: {  	v13 =	vld.idx.msk [tilespmem:v13+s19+$0x0], $0xffff  }
0x333: {  	[tilespmem:v9+s21+$0x0] =	vst.idx.add.f32.msk $0xffff, v4  }
0x334: {  	v9 =	vld.idx.msk [tilespmem:v14+s19+$0x0], $0xffff  }
0x335: {  	v11 =	vshll.u32 v11, $0x7;
	[tilespmem:v10+s21+$0x0] =	vst.idx.add.f32.msk $0xffff, v4  }
0x336: {  	v10 =	vor.u32 v31, v11;
	v11 =	vld.idx.msk [tilespmem:v12+s19+$0x0], $0xffff  }
0x337: {  	v12 =	vadd.s32 v32, v0;
	v13 =	vshll.u32 v13, $0x7  }
0x338: {  	v13 =	vor.u32 v31, v13  }
0x339: {  	v14 =	vadd.s32 v32, v1;
	v9 =	vshll.u32 v9, $0x7  }
0x33a: {  	v9 =	vor.u32 v31, v9  }
0x33b: {  	[tilespmem:v10+s21+$0x0] =	vst.idx.add.f32.msk $0xffff, v4;
	v10 =	vadd.s32 v32, v2;
	v11 =	vshll.u32 v11, $0x7  }
0x33c: {  	v12 =	vld.idx.msk [tilespmem:v12+s19+$0x0], $0xffff;
	v11 =	vor.u32 v31, v11  }
0x33d: {  	[tilespmem:v13+s21+$0x0] =	vst.idx.add.f32.msk $0xffff, v4;
	v13 =	vadd.s32 v32, v5  }
0x33e: {  	v14 =	vld.idx.msk [tilespmem:v14+s19+$0x0], $0xffff  }
0x33f: {  	v8 =	vshll.u32 v8, $0x7;
	[tilespmem:v9+s21+$0x0] =	vst.idx.add.f32.msk $0xffff, v4  }
0x340: {  	v8 =	vor.u32 v33, v8;
	v9 =	vld.idx.msk [tilespmem:v10+s19+$0x0], $0xffff  }
0x341: {  	v10 =	vadd.s32 v34, v62;
	v12 =	vshll.u32 v12, $0x7;
	[tilespmem:v11+s21+$0x0] =	vst.idx.add.f32.msk $0xffff, v4  }
0x342: {  	v11 =	vor.u32 v33, v12;
	v12 =	vld.idx.msk [tilespmem:v13+s19+$0x0], $0xffff  }
0x343: {  	v13 =	vadd.s32 v34, v0;
	v14 =	vshll.u32 v14, $0x7  }
0x344: {  	v3 =	vld.idx.msk [tilespmem:v3+s19+$0x0], $0xffff;
	v14 =	vor.u32 v33, v14  }
0x345: {  	[tilespmem:v8+s21+$0x0] =	vst.idx.add.f32.msk $0xffff, v4;
	v8 =	vadd.s32 v34, v1;
	v9 =	vshll.u32 v9, $0x7  }
0x346: {  	v10 =	vld.idx.msk [tilespmem:v10+s19+$0x0], $0xffff;
	v9 =	vor.u32 v33, v9  }
0x347: {  	[tilespmem:v11+s21+$0x0] =	vst.idx.add.f32.msk $0xffff, v4;
	v11 =	vadd.s32 v34, v2;
	v12 =	vshll.u32 v12, $0x7  }
0x348: {  	v13 =	vld.idx.msk [tilespmem:v13+s19+$0x0], $0xffff;
	v12 =	vor.u32 v33, v12  }
0x349: {  	v7 =	vshll.u32 v7, $0x7;
	[tilespmem:v14+s21+$0x0] =	vst.idx.add.f32.msk $0xffff, v4;
	v14 =	vadd.s32 v34, v5  }
0x34a: {  	v7 =	vor.u32 v35, v7;
	v8 =	vld.idx.msk [tilespmem:v8+s19+$0x0], $0xffff  }
0x34b: {  	v15 =	vadd.s32 v37, v61;
	v10 =	vshll.u32 v10, $0x7;
	[tilespmem:v9+s21+$0x0] =	vst.idx.add.f32.msk $0xffff, v4  }
0x34c: {  	v9 =	vor.u32 v35, v10;
	v10 =	vld.idx.msk [tilespmem:v11+s19+$0x0], $0xffff  }
0x34d: {  	v11 =	vadd.s32 v37, v62;
	v13 =	vshll.u32 v13, $0x7;
	[tilespmem:v12+s21+$0x0] =	vst.idx.add.f32.msk $0xffff, v4  }
0x34e: {  	v12 =	vor.u32 v35, v13;
	v13 =	vld.idx.msk [tilespmem:v14+s19+$0x0], $0xffff  }
0x34f: {  	[tilespmem:v7+s21+$0x0] =	vst.idx.add.f32.msk $0xffff, v4;
	v0 =	vadd.s32 v37, v0;
	v7 =	vshll.u32 v8, $0x7  }
0x350: {  	v8 =	vld.idx.msk [tilespmem:v15+s19+$0x0], $0xffff;
	v7 =	vor.u32 v35, v7  }
0x351: {  	v1 =	vadd.s32 v37, v1;
	[tilespmem:v9+s21+$0x0] =	vst.idx.add.f32.msk $0xffff, v4;
	v9 =	vshll.u32 v10, $0x7  }
0x352: {  	v10 =	vld.idx.msk [tilespmem:v11+s19+$0x0], $0xffff;
	v9 =	vor.u32 v35, v9  }
0x353: {  	v2 =	vadd.s32 v37, v2;
	[tilespmem:v12+s21+$0x0] =	vst.idx.add.f32.msk $0xffff, v4;
	v11 =	vshll.u32 v13, $0x7  }
0x354: {  	v0 =	vld.idx.msk [tilespmem:v0+s19+$0x0], $0xffff;
	v11 =	vor.u32 v35, v11  }
0x355: {  	v5 =	vadd.s32 v37, v5;
	[tilespmem:v7+s21+$0x0] =	vst.idx.add.f32.msk $0xffff, v4  }
0x356: {  	v1 =	vld.idx.msk [tilespmem:v1+s19+$0x0], $0xffff  }
0x357: {  	[tilespmem:v9+s21+$0x0] =	vst.idx.add.f32.msk $0xffff, v4  }
0x358: {  	v2 =	vld.idx.msk [tilespmem:v2+s19+$0x0], $0xffff  }
0x359: {  	v3 =	vshll.u32 v3, $0x7;
	[tilespmem:v11+s21+$0x0] =	vst.idx.add.f32.msk $0xffff, v4  }
0x35a: {  	v3 =	vor.u32 v36, v3;
	v7 =	vshll.u32 v8, $0x7;
	v5 =	vld.idx.msk [tilespmem:v5+s19+$0x0], $0xffff  }
0x35b: {  	v7 =	vor.u32 v36, v7;
	v8 =	vshll.u32 v10, $0x7  }
0x35c: {  	v8 =	vor.u32 v36, v8;
	v0 =	vshll.u32 v0, $0x7  }
0x35d: {  	v0 =	vor.u32 v36, v0;
	v1 =	vshll.u32 v1, $0x7  }
0x35e: {  	[tilespmem:v6+s21+$0x0] =	vst.idx.add.f32.msk $0xffff, v4;
	v1 =	vor.u32 v36, v1;
	v2 =	vshll.u32 v2, $0x7  }
0x35f: {  	[tilespmem:v3+s21+$0x0] =	vst.idx.add.f32.msk $0xffff, v4;
	v2 =	vor.u32 v36, v2;
	v3 =	vshll.u32 v5, $0x7  }
0x360: {  	[tilespmem:v7+s21+$0x0] =	vst.idx.add.f32.msk $0xffff, v4;
	v3 =	vor.u32 v36, v3  }
0x361: {  	[tilespmem:v8+s21+$0x0] =	vst.idx.add.f32.msk $0xffff, v4  }
0x362: {  	[tilespmem:v0+s21+$0x0] =	vst.idx.add.f32.msk $0xffff, v4  }
0x363: {  	[tilespmem:v1+s21+$0x0] =	vst.idx.add.f32.msk $0xffff, v4  }
0x364: {  	[tilespmem:v2+s21+$0x0] =	vst.idx.add.f32.msk $0xffff, v4  }
0x365: {  	s0 =	simm.s32 $0x0;
	[tilespmem:v3+s21+$0x0] =	vst.idx.add.f32.msk $0xffff, v4  }
0x366: {  	v0 =	vld [tilespmem:s0+$0x10180]  }
0x367: {  	v1 =	vld [tilespmem:s0+$0x10200]  }
0x368: {  	v2 =	vld [tilespmem:s0+$0x10280]  }
0x369: {  	v5 =	vld [tilespmem:s0+$0x10300]  }
0x36a: {  	v7 =	vld [tilespmem:s0+$0x10380]  }
0x36b: {  	v8 =	vld [tilespmem:s0+$0x10900]  }
0x36c: {  	v27 =	vld [tilespmem:$0x1FE80]  }
0x36d: {  	v10 =	vld [tilespmem:s0+$0x10800]  }
0x36e: {  	v28 =	vld [tilespmem:$0x1FD70]  }
0x36f: {  	v35 =	vld [tilespmem:$0x1FD30]  }
0x370: {  	v12 =	vld [tilespmem:s0+$0x10B00]  }
0x371: {  	v34 =	vld [tilespmem:$0x1FCF0]  }
0x372: {  	v49 =	vld [tilespmem:$0x1FCD0]  }
0x373: {  	v14 =	vld [tilespmem:s0+$0x10580]  }
0x374: {  	v32 =	vld [tilespmem:$0x1FE70]  }
0x375: {  	v52 =	vld [tilespmem:$0x1FCA0]  }
0x376: {  	v16 =	vld [tilespmem:s0+$0x10A00]  }
0x377: {  	v26 =	vld [tilespmem:$0x1FE60];
	v3 =	vmul.f32 v0, v56  }
0x378: {  	v48 =	vld [tilespmem:$0x1FCE0]  }
0x379: {  	v55 =	vld [tilespmem:$0x1FC80];
	v6 =	vmul.f32 v1, v42;
	v3 =	vadd.f32 $0.0e+00, v3  }
0x37a: {  	v19 =	vld [tilespmem:s0+$0x10980]  }
0x37b: {  	v50 =	vld [tilespmem:$0x1FCC0];
	v9 =	vmul.f32 v2, v47;
	v3 =	vadd.f32 v6, v3  }
0x37c: {  	v0 =	vmul.f32 v0, v27;
	v6 =	vld [tilespmem:s0+$0x10400]  }
0x37d: {  	v57 =	vld [tilespmem:$0x1FD60];
	v11 =	vmul.f32 v5, v28;
	v3 =	vadd.f32 v9, v3  }
0x37e: {  	v1 =	vmul.f32 v1, v35;
	v0 =	vadd.f32 $0.0e+00, v0;
	v9 =	vld [tilespmem:s0+$0x10480]  }
0x37f: {  	v36 =	vld [tilespmem:$0x1FE40];
	v13 =	vmul.f32 v7, v34;
	v3 =	vadd.f32 v11, v3  }
0x380: {  	v2 =	vmul.f32 v2, v43;
	v0 =	vadd.f32 v1, v0;
	v11 =	vld [tilespmem:s0+$0x10500]  }
0x381: {  	v21 =	vld [tilespmem:s0+$0x10780];
	v1 =	vmul.f32 v6, v49;
	v3 =	vadd.f32 v13, v3  }
0x382: {  	v30 =	vld [tilespmem:$0x1FD50];
	v5 =	vmul.f32 v5, v44;
	v0 =	vadd.f32 v2, v0  }
0x383: {  	v33 =	vld [tilespmem:$0x1FE50];
	v15 =	vmul.f32 v9, v52;
	v1 =	vadd.f32 v1, v3  }
0x384: {  	v2 =	vld [tilespmem:s0+$0x10600];
	v5 =	vadd.f32 v5, v0;
	v3 =	vmul.f32 v7, v48  }
0x385: {  	v7 =	vld [tilespmem:s0+$0x10680];
	v18 =	vmul.f32 v11, v55;
	v1 =	vadd.f32 v15, v1  }
0x386: {  	v29 =	vld [tilespmem:$0x1FE30];
	v17 =	vmul.f32 v10, v26;
	v6 =	vmul.f32 v6, v50;
	v3 =	vadd.f32 v3, v5  }
0x387: {  	v4 =	vld [tilespmem:$0x1FE20];
	v5 =	vmul.f32 v11, v58;
	v11 =	vmul.f32 v14, v59;
	v1 =	vadd.f32 v18, v1  }
0x388: {  	v22 =	vmul.f32 v16, v30;
	v9 =	vmul.f32 v9, v54;
	v15 =	vld [tilespmem:s0+$0x10700];
	v3 =	vadd.f32 v6, v3  }
0x389: {  	v23 =	vmul.f32 v19, v60;
	v6 =	vmul.f32 v2, v57;
	v18 =	vld [tilespmem:s0+$0x10880];
	v1 =	vadd.f32 v11, v1  }
0x38a: {  	s2 =	simm.s32 $0x10;
	v37 =	vmovc v43;
	v43 =	vld [tilespmem:$0x1FD40];
	v20 =	vmul.f32 v2, v36;
	v2 =	vadd.f32 v9, v3;
	v3 =	vmul.f32 v7, v33  }
0x38b: {  	v7 =	vmul.f32 v7, v39;
	v6 =	vadd.f32 v6, v1;
	v1 =	vmul.f32 v16, v63;
	v16 =	vld [tilespmem:s2+$0x10200]  }
0x38c: {  	v14 =	vmul.f32 v14, v46;
	v9 =	vmul.f32 v19, v53;
	v11 =	vld [tilespmem:s2+$0x10180];
	v5 =	vadd.f32 v5, v2  }
0x38d: {  	v19 =	vld [tilespmem:s0+$0x10A80];
	v24 =	vmul.f32 v15, v41;
	v6 =	vadd.f32 v7, v6;
	v7 =	vmul.f32 v15, v40  }
0x38e: {  	v2 =	vld [tilespmem:s2+$0x10900];
	v25 =	vmul.f32 v18, v29;
	v15 =	vmul.f32 v21, v38;
	v5 =	vadd.f32 v14, v5  }
0x38f: {  	v31 =	vmovc v42;
	v63 =	vld [tilespmem:s2+$0x10800];
	v21 =	vmul.f32 v21, v4;
	v14 =	vmul.f32 v18, v51;
	v6 =	vadd.f32 v7, v6  }
0x390: {  	v5 =	vadd.f32 v20, v5;
	v20 =	vmul.f32 v16, v31;
	v16 =	vmul.f32 v16, v35;
	v35 =	vld [tilespmem:$0x1FEE0]  }
0x391: {  	v42 =	vmov v38;
	v18 =	vmul.f32 v11, v56;
	v11 =	vmul.f32 v11, v27;
	v7 =	vld [tilespmem:s2+$0x10280]  }
0x392: {  	v0 =	vmul.f32 v12, v43;
	v38 =	vmovc v51;
	v51 =	vld [tilespmem:$0x1FED0];
	v6 =	vadd.f32 v21, v6;
	v5 =	vadd.f32 v3, v5  }
0x393: {  	v13 =	vmul.f32 v8, v32;
	v18 =	vadd.f32 $0.0e+00, v18;
	v11 =	vadd.f32 $0.0e+00, v11;
	v21 =	vld [tilespmem:s2+$0x10300]  }
0x394: {  	v62 =	vmul.f32 v19, v45;
	v6 =	vadd.f32 v17, v6;
	v17 =	vadd.f32 v24, v5;
	v24 =	vld [tilespmem:$0x1FEC0]  }
0x395: {  	v18 =	vadd.f32 v20, v18;
	v11 =	vadd.f32 v16, v11;
	v16 =	vld [tilespmem:s2+$0x10380];
	v20 =	vmul.f32 v12, v35  }
0x396: {  	v12 =	vmul.f32 v7, v47;
	v7 =	vmul.f32 v7, v37;
	v35 =	vld [tilespmem:$0x1FEB0]  }
0x397: {  	v61 =	vmul.f32 v2, v32;
	v3 =	vld [tilespmem:s2+$0x10B00];
	v19 =	vmul.f32 v19, v51  }
0x398: {  	v5 =	vmul.f32 v63, v26;
	v12 =	vadd.f32 v12, v18;
	v18 =	vld [tilespmem:s2+$0x10400];
	v7 =	vadd.f32 v7, v11  }
0x399: {  	v11 =	vld [tilespmem:s2+$0x10480];
	v8 =	vmul.f32 v8, v24;
	v24 =	vadd.f32 v25, v6;
	v25 =	vmul.f32 v21, v28  }
0x39a: {  	v15 =	vadd.f32 v15, v17;
	v17 =	vmul.f32 v16, v34;
	v21 =	vmul.f32 v21, v44  }
0x39b: {  	v10 =	vmul.f32 v10, v35;
	v12 =	vadd.f32 v25, v12;
	v25 =	vld [tilespmem:s2+$0x10500];
	v8 =	vadd.f32 v8, v24  }
0x39c: {  	v16 =	vmul.f32 v16, v48;
	v6 =	vmul.f32 v3, v43;
	v7 =	vadd.f32 v21, v7;
	v24 =	vld [tilespmem:s2+$0x10580]  }
0x39d: {  	v15 =	vadd.f32 v10, v15;
	v21 =	vmul.f32 v18, v49;
	v8 =	vadd.f32 v9, v8;
	v9 =	vld [tilespmem:s2+$0x10600]  }
0x39e: {  	v18 =	vmul.f32 v18, v50;
	v12 =	vadd.f32 v17, v12;
	v26 =	vmul.f32 v11, v52;
	v10 =	vld [tilespmem:s2+$0x10A00]  }
0x39f: {  	v45 =	vmovc v37;
	v27 =	vmul.f32 v11, v54;
	v11 =	vadd.f32 v16, v7;
	v17 =	vld [tilespmem:s2+$0x10680];
	v14 =	vadd.f32 v14, v15  }
0x3a0: {  	v37 =	vmovc v57;
	v7 =	vld [tilespmem:s2+$0x10A80];
	v16 =	vadd.f32 v21, v12;
	v8 =	vadd.f32 v22, v8;
	v28 =	vmul.f32 v25, v55  }
0x3a1: {  	v43 =	vmovc v45;
	v18 =	vadd.f32 v18, v11;
	v15 =	vld [tilespmem:s2+$0x10980];
	v12 =	vmul.f32 v25, v58;
	v21 =	vmul.f32 v24, v59  }
0x3a2: {  	v45 =	vmovc v47;
	v11 =	vmul.f32 v24, v46;
	v14 =	vadd.f32 v13, v14;
	v24 =	vadd.f32 v26, v16;
	v16 =	vld [tilespmem:s2+$0x10700]  }
0x3a3: {  	v47 =	vmovc v34;
	v26 =	vadd.f32 v19, v8;
	v18 =	vadd.f32 v27, v18;
	v19 =	vld [tilespmem:s2+$0x10880];
	v22 =	vmul.f32 v9, v57  }
0x3a4: {  	v13 =	vmul.f32 v9, v36;
	v36 =	vmovc v30;
	v8 =	vmul.f32 v10, v30;
	v25 =	vadd.f32 v28, v24;
	v24 =	vld [tilespmem:s2+$0x10780]  }
0x3a5: {  	s3 =	simm.s32 $0x80;
	v57 =	vmovc v56;
	v56 =	vld [tilespmem:$0x1FDA0];
	v23 =	vadd.f32 v23, v14;
	v20 =	vadd.f32 v20, v26;
	v14 =	vmul.f32 v17, v33  }
.LBB2_12:
0x3a6: {  	_ = 	snop  }
0x3a7: {  	v21 =	vadd.f32 v21, v25;
	_ =	sdelay $0x1  }
0x3a8: {  	v21 =	vadd.f32 v22, v21;
	v22 =	vmul.f32 v24, v42;
	v24 =	vmul.f32 v24, v4;
	v4 =	vld [tilespmem:$0x1FE10];
	_ =	sdelay $0x2  }
0x3a9: {  	v20 =	vmul.f32 $4.999999890e-03, v20;
	_ =	sdelay $0x1  }
0x3aa: {  	v20 =	vadd.f32 v20, v4;
	v4 =	vld [tilespmem:$0x1FEE0];
	_ =	sdelay $0x2  }
0x3ab: {  	s4 =	sshra.s32 s3, $0x2;
	v26 =	vmul.f32 v15, v53  }
0x3ac: {  	v9 =	vmul.f32 v15, v60;
	v15 =	vadd.f32 v1, v23;
	v28 =	vmul.f32 v19, v29;
	v29 =	vld [tilespmem:s4+$0x10B00]  }
0x3ad: {  	v33 =	vmul.f32 v3, v4;
	v4 =	vld [tilespmem:$0x1FD40]  }
0x3ae: {  	v17 =	vmul.f32 v17, v39;
	v15 =	vadd.f32 v62, v15  }
0x3af: {  	v25 =	vmul.f32 v16, v41  }
0x3b0: {  	v16 =	vmul.f32 v16, v40;
	v15 =	vadd.f32 v0, v15;
	v0 =	vmovc v6;
	v6 =	vadd.f32 v17, v21;
	_ =	sdelay $0x1  }
0x3b1: {  	v16 =	vadd.f32 v16, v6;
	v6 =	vmul.f32 v29, v4;
	v4 =	vld [tilespmem:$0x1FEF0];
	_ =	sdelay $0x1  }
0x3b2: {  	v27 =	vld [tilespmem:s4+$0x10800]  }
0x3b3: {  	v30 =	vld [tilespmem:s4+$0x10200];
	v15 =	vmul.f32 $4.999999890e-03, v15  }
0x3b4: {  	v3 =	vld [tilespmem:$0x1FE60]  }
0x3b5: {  	v15 =	vadd.f32 v15, v4;
	v4 =	vld [tilespmem:$0x1FD30];
	_ =	sdelay $0x3  }
0x3b6: {  	v1 =	vld [tilespmem:$0x1FDC0];
	v34 =	vmul.f32 v27, v3  }
0x3b7: {  	v3 =	vadd.f32 v12, v18;
	v12 =	vmul.f32 v63, v35;
	v63 =	vmovc v27;
	v27 =	vmul.f32 v30, v4;
	v4 =	vld [tilespmem:$0x1FEC0]  }
0x3b8: {  	v23 =	vld [tilespmem:s4+$0x10900]  }
0x3b9: {  	v17 =	vld [tilespmem:s4+$0x10180]  }
0x3ba: {  	v21 =	vld [tilespmem:s4+$0x10300]  }
0x3bb: {  	v1 =	vmul.f32 v10, v1;
	v10 =	vld [tilespmem:s4+$0x10280]  }
0x3bc: {  	v62 =	vmul.f32 v7, v56;
	v16 =	vadd.f32 v24, v16;
	v24 =	vmul.f32 v2, v4;
	v2 =	vld [tilespmem:$0x1FE80]  }
0x3bd: {  	v31 =	vmul.f32 v23, v32;
	v32 =	vmul.f32 v7, v51;
	v7 =	vld [tilespmem:s4+$0x10A80];
	[tilespmem:s0+$0x10B80] =	vst v20  }
0x3be: {  	v20 =	vld [tilespmem:s4+$0x10380]  }
0x3bf: {  	v35 =	vld [tilespmem:s4+$0x10400]  }
0x3c0: {  	v11 =	vadd.f32 v11, v3;
	v4 =	vld [tilespmem:$0x1FE90]  }
0x3c1: {  	[tilespmem:s0+$0x10C00] =	vst v15;
	v15 =	vmul.f32 v17, v2;
	v2 =	vld [tilespmem:$0x1FD70]  }
0x3c2: {  	v11 =	vadd.f32 v13, v11  }
0x3c3: {  	v3 =	vmov v29;
	v29 =	vmul.f32 v17, v57  }
0x3c4: {  	v11 =	vadd.f32 v14, v11;
	s0 =	smov.u32 s2;
	s2 =	smov.u32 s4  }
0x3c5: {  	v19 =	vmul.f32 v19, v38;
	v16 =	vadd.f32 v5, v16;
	v13 =	vadd.f32 $0.0e+00, v29;
	v29 =	vld [tilespmem:s2+$0x10480]  }
0x3c6: {  	v11 =	vadd.f32 v25, v11;
	v17 =	vmul.f32 v21, v2;
	v2 =	vmovc v23;
	v23 =	vmul.f32 v30, v4  }
0x3c7: {  	v18 =	vmul.f32 v10, v45;
	v14 =	vmul.f32 v20, v48;
	v15 =	vadd.f32 $0.0e+00, v15  }
0x3c8: {  	v11 =	vadd.f32 v22, v11;
	v30 =	vmul.f32 v20, v47;
	v20 =	vld [tilespmem:s2+$0x10500];
	v13 =	vadd.f32 v23, v13  }
0x3c9: {  	v16 =	vadd.f32 v28, v16;
	v10 =	vmul.f32 v10, v43;
	v15 =	vadd.f32 v27, v15  }
0x3ca: {  	v25 =	vld [tilespmem:s2+$0x10580];
	v11 =	vadd.f32 v12, v11;
	v28 =	vmul.f32 v29, v54;
	v13 =	vadd.f32 v18, v13  }
0x3cb: {  	v27 =	vmul.f32 v29, v52;
	v29 =	vld [tilespmem:s2+$0x10600];
	v10 =	vadd.f32 v10, v15;
	v15 =	vadd.f32 v24, v16  }
0x3cc: {  	v19 =	vadd.f32 v19, v11;
	v21 =	vmul.f32 v21, v44;
	v4 =	vld [tilespmem:$0x1FE20];
	v13 =	vadd.f32 v17, v13  }
0x3cd: {  	v5 =	vmovc v34;
	v24 =	vld [tilespmem:s2+$0x10780];
	v34 =	vmul.f32 v20, v55;
	v12 =	vmul.f32 v20, v58;
	v20 =	vadd.f32 v26, v15  }
0x3ce: {  	v23 =	vmul.f32 v35, v49;
	v16 =	vadd.f32 v21, v10;
	v10 =	vld [tilespmem:s2+$0x10A00];
	v13 =	vadd.f32 v30, v13  }
0x3cf: {  	v18 =	vmul.f32 v35, v50;
	v35 =	vld [tilespmem:$0x1FEB0];
	v8 =	vadd.f32 v8, v20;
	v20 =	vadd.f32 v61, v19  }
0x3d0: {  	v17 =	vld [tilespmem:s2+$0x10680];
	v13 =	vadd.f32 v23, v13  }
0x3d1: {  	v11 =	vmul.f32 v25, v46;
	v23 =	vadd.f32 v9, v20;
	v9 =	vld [tilespmem:$0x1FE50]  }
0x3d2: {  	p0 =	sne.s32 s3, $0x1C0;
	v21 =	vmul.f32 v25, v59;
	v14 =	vadd.f32 v14, v16;
	v25 =	vadd.f32 v27, v13;
	v13 =	vld [tilespmem:$0x1FE40]  }
.Ltmp5:
0x3d3: {  	v15 =	vld [tilespmem:s2+$0x10980];
	(pc) =	sbr.rel @p0 .LBB2_12-.Ltmp5, $4  }
0x3d4: {  	v16 =	vld [tilespmem:s2+$0x10700];
	v14 =	vadd.f32 v18, v14;
	v26 =	vadd.f32 v32, v8  }
0x3d5: {  	v22 =	vmul.f32 v29, v37;
	v19 =	vld [tilespmem:s2+$0x10880]  }
0x3d6: {  	v32 =	vld [tilespmem:$0x1FE70];
	v18 =	vadd.f32 v28, v14;
	v8 =	vmul.f32 v10, v36;
	v20 =	vadd.f32 v33, v26  }
0x3d7: {  	s3 =	sadd.s32 $0x40, s3;
	v61 =	vmovc v31;
	v25 =	vadd.f32 v34, v25;
	v14 =	vmul.f32 v17, v9;
	v13 =	vmul.f32 v29, v13;
	v29 =	vld [tilespmem:$0x1FE30]  }
0x3d8: {  	_ = 	snop  }
0x3d9: {  	v9 =	vadd.f32 v12, v18;
	v36 =	vadd.f32 v21, v25;
	_ =	sdelay $0x1  }
0x3da: {  	v37 =	vmul.f32 v17, v39;
	v9 =	vadd.f32 v11, v9;
	v12 =	vadd.f32 v22, v36;
	_ =	sdelay $0x1  }
0x3db: {  	[tilespmem:$0x1FC40] =	vst v39;
	v39 =	vmul.f32 v16, v40;
	v9 =	vadd.f32 v13, v9;
	v11 =	vadd.f32 v37, v12  }
0x3dc: {  	[tilespmem:$0x1FC50] =	vst v40;
	v40 =	vmul.f32 v16, v41  }
0x3dd: {  	v41 =	vmul.f32 v24, v4;
	v9 =	vadd.f32 v14, v9;
	v11 =	vadd.f32 v39, v11;
	_ =	sdelay $0x1  }
0x3de: {  	v42 =	vmul.f32 v24, v42;
	v9 =	vadd.f32 v40, v9;
	v11 =	vadd.f32 v41, v11;
	v41 =	vld [tilespmem:$0x1FEC0];
	_ =	sdelay $0x1  }
0x3df: {  	v43 =	vmul.f32 v63, v35;
	v9 =	vadd.f32 v42, v9  }
0x3e0: {  	v44 =	vmul.f32 v19, v29;
	v5 =	vadd.f32 v5, v11  }
0x3e1: {  	v45 =	vmul.f32 v19, v38;
	v9 =	vadd.f32 v43, v9  }
0x3e2: {  	v54 =	vld [tilespmem:$0x1FDC0];
	v5 =	vadd.f32 v44, v5;
	v2 =	vmul.f32 v2, v41  }
0x3e3: {  	v9 =	vadd.f32 v45, v9  }
0x3e4: {  	v52 =	vmul.f32 v15, v53;
	v2 =	vadd.f32 v2, v5  }
0x3e5: {  	v46 =	vmov v53;
	v53 =	vmul.f32 v15, v60;
	v58 =	vld [tilespmem:$0x1FEE0];
	v9 =	vadd.f32 v61, v9  }
0x3e6: {  	v1 =	vadd.f32 v1, v23;
	v2 =	vadd.f32 v52, v2  }
0x3e7: {  	v10 =	vmul.f32 v10, v54;
	v5 =	vadd.f32 v53, v9  }
0x3e8: {  	v55 =	vmul.f32 v7, v51;
	v1 =	vadd.f32 v62, v1;
	v2 =	vadd.f32 v8, v2  }
0x3e9: {  	v57 =	vmul.f32 v7, v56;
	v37 =	vld [tilespmem:$0x1FEF0];
	v5 =	vadd.f32 v10, v5  }
0x3ea: {  	v0 =	vadd.f32 v0, v1;
	v3 =	vmul.f32 v3, v58;
	v61 =	vld [tilespmem:$0x1FE10];
	v2 =	vadd.f32 v55, v2  }
0x3eb: {  	v59 =	vadd.f32 v57, v5  }
0x3ec: {  	v0 =	vmul.f32 $4.999999890e-03, v0;
	v2 =	vadd.f32 v3, v2  }
0x3ed: {  	v60 =	vmul.f32 $4.999999890e-03, v20;
	v1 =	vadd.f32 v6, v59  }
0x3ee: {  	v0 =	vadd.f32 v0, v37;
	v2 =	vmul.f32 $4.999999890e-03, v2  }
0x3ef: {  	v62 =	vadd.f32 v60, v61;
	v1 =	vmul.f32 $4.999999890e-03, v1  }
0x3f0: {  	[tilespmem:s0+$0x10C00] =	vst v0;
	v2 =	vadd.f32 v2, v61  }
0x3f1: {  	[tilespmem:s0+$0x10B80] =	vst v62;
	v63 =	vadd.f32 v1, v37  }
0x3f2: {  	[tilespmem:s2+$0x10B80] =	vst v2  }
0x3f3: {  	s30 =	rddreg [dreg:$0xa];
	s0 =	simm.s32 $0x0;
	[tilespmem:s2+$0x10C00] =	vst v63  }
0x3f4: {  	[hbm4b:s30+s0] =	stream.linear.scatter [tilespmem:s11], [sflag:$0x3], $0x100, $0x38;
	[tilespmem:$0x10C80] =	vst v63  }
0x3f5: {  	_ =	swait.ge [sflag:s9], $0x100  }
0x3f6: {  	[sflag:s9] =	ssyncset.done $0x0  }
0x3f7: {  	s31 =	rddreg [dreg:$0xb];
	[sflag:s9] =	ssyncadd.s32 $0xFFFFFF00  }
0x3f8: {  	[tilespmem:s19], [sflag:$0x2] =	stream.linear.gather [hbm4b:s31+s0], $0x8000, $0x38;
	[tilespmem:$0x10C80] =	vst v63  }
0x3f9: {  	_ =	swait.ge [sflag:s10], $0x8000  }
0x3fa: {  	[sflag:s10] =	ssyncset.done $0x0  }
0x3fb: {  	s3 =	simm.s32 $0x40;
	v26 =	vimm.f32 $0.0e+00;
	v50 =	vmovc v56;
	v56 =	vmov v46;
	v53 =	vmov v51;
	s2 =	simm.s32 $0x0;
	[sflag:s10] =	ssyncadd.s32 $0xFFFF8000  }
.LBB2_14:
0x3fc: {  	p0 =	sne.s32 s3, $0x27C0;
	[tilespmem:s2+$0x10180] =	vst v26;
	s2 =	smov.u32 s3;
	s3 =	sadd.s32 $0x40, s3  }
.Ltmp6:
0x3fd: {  	(pc) =	sbr.rel @p0 .LBB2_14-.Ltmp6, $2  }
0x3fe: {  	_ =	sdelay $0x2  }
0x3ff: {  	s2 =	sshra.s32 s2, $0x2  }
0x400: {  	v28 =	vld [tilespmem:$0x1FF30];
	_ =	sdelay $0x2  }
0x401: {  	v27 =	vlaneseq.u32  }
0x402: {  	v0 =	vadd.s32 s0, v27  }
0x403: {  	v29 =	vld [tilespmem:$0x1FF40];
	vm0 =	vgt.u32 v0, $0xC7;
	v1 =	vadd.s32 s0, v28  }
0x404: {  	v0 =	vsel vm0, v1, v0  }
0x405: {  	v1 =	vshll.u32 v0, $0x3  }
0x406: {  	v0 =	vand.u32 $0x7F, v0;
	v1 =	vand.u32 $0xFFFFFC00, v1  }
0x407: {  	v3 =	vor.u32 v0, v1  }
0x408: {  	v0 =	vadd.s32 v29, v3;
	_ =	sdelay $0x2  }
0x409: {  	s23 =	simm.s32 $0x1  }
0x40a: {  	[tilespmem:s2+$0x10180] =	vst v26;
	s25 =	simm.s32 $0x0;
	v1 =	vadd.s32 s23, v27  }
0x40b: {  	v2 =	vadd.s32 s23, v28;
	vm9 =	vgt.u32 v1, $0xC7;
	v0 =	vld.idx.msk [tilespmem:v0+s25+$0x0], $0xffff  }
0x40c: {  	v1 =	vsel vm9, v2, v1  }
0x40d: {  	v30 =	vld [tilespmem:$0x1FF50];
	v2 =	vshll.u32 v1, $0x3  }
0x40e: {  	v1 =	vand.u32 $0x7F, v1;
	v2 =	vand.u32 $0xFFFFFC00, v2  }
0x40f: {  	v62 =	vor.u32 v1, v2  }
0x410: {  	v1 =	vadd.s32 v29, v62;
	v0 =	vshll.u32 v0, $0x7  }
0x411: {  	v0 =	vor.u32 v27, v0  }
0x412: {  	v5 =	vadd.s32 v30, v3;
	_ =	sdelay $0x2  }
0x413: {  	v4 =	vimm.f32 $1.000000000e+00;
	v1 =	vld.idx.msk [tilespmem:v1+s25+$0x0], $0xffff  }
0x414: {  	[tilespmem:v0+s21+$0x0] =	vst.idx.add.f32.msk $0xffff, v4  }
0x415: {  	v0 =	vld.idx.msk [tilespmem:v5+s25+$0x0], $0xffff  }
0x416: {  	v31 =	vld [tilespmem:$0x1FF60]  }
0x417: {  	v32 =	vld [tilespmem:$0x1FF70];
	_ =	sdelay $0x1  }
0x418: {  	v1 =	vshll.u32 v1, $0x7  }
0x419: {  	s24 =	simm.s32 $0x2;
	v1 =	vor.u32 v27, v1;
	v0 =	vshll.u32 v0, $0x7  }
0x41a: {  	v5 =	vadd.s32 s24, v27;
	v0 =	vor.u32 v31, v0  }
0x41b: {  	v6 =	vadd.s32 s24, v28;
	vm10 =	vgt.u32 v5, $0xC7;
	v2 =	vadd.s32 v32, v3  }
0x41c: {  	v5 =	vsel vm10, v6, v5  }
0x41d: {  	v6 =	vadd.s32 v30, v62;
	v7 =	vshll.u32 v5, $0x3  }
0x41e: {  	v5 =	vand.u32 $0x7F, v5;
	v7 =	vand.u32 $0xFFFFFC00, v7;
	[tilespmem:v1+s21+$0x0] =	vst.idx.add.f32.msk $0xffff, v4  }
0x41f: {  	v61 =	vor.u32 v5, v7;
	[tilespmem:v0+s21+$0x0] =	vst.idx.add.f32.msk $0xffff, v4  }
0x420: {  	v0 =	vld.idx.msk [tilespmem:v2+s25+$0x0], $0xffff;
	v2 =	vadd.s32 v29, v61  }
0x421: {  	v33 =	vld [tilespmem:$0x1FF00]  }
0x422: {  	v1 =	vld.idx.msk [tilespmem:v6+s25+$0x0], $0xffff;
	_ =	sdelay $0x1  }
0x423: {  	v34 =	vld [tilespmem:$0x1FF10]  }
0x424: {  	v2 =	vld.idx.msk [tilespmem:v2+s25+$0x0], $0xffff;
	v0 =	vshll.u32 v0, $0x7  }
0x425: {  	v0 =	vor.u32 v33, v0  }
0x426: {  	v1 =	vshll.u32 v1, $0x7  }
0x427: {  	s26 =	simm.s32 $0x3;
	v1 =	vor.u32 v31, v1  }
0x428: {  	v8 =	vadd.s32 s26, v28;
	v7 =	vadd.s32 v32, v62;
	v6 =	vadd.s32 s26, v27  }
0x429: {  	vm11 =	vgt.u32 v6, $0xC7;
	v5 =	vadd.s32 v34, v3;
	v2 =	vshll.u32 v2, $0x7  }
0x42a: {  	v6 =	vsel vm11, v8, v6;
	[tilespmem:v0+s21+$0x0] =	vst.idx.add.f32.msk $0xffff, v4;
	v0 =	vor.u32 v27, v2  }
0x42b: {  	v8 =	vadd.s32 v30, v61;
	v2 =	vshll.u32 v6, $0x3  }
0x42c: {  	[tilespmem:v1+s21+$0x0] =	vst.idx.add.f32.msk $0xffff, v4;
	v6 =	vand.u32 $0x7F, v6;
	v2 =	vand.u32 $0xFFFFFC00, v2  }
0x42d: {  	v1 =	vld.idx.msk [tilespmem:v7+s25+$0x0], $0xffff;
	v63 =	vor.u32 v6, v2  }
0x42e: {  	v5 =	vld.idx.msk [tilespmem:v5+s25+$0x0], $0xffff;
	v2 =	vadd.s32 v29, v63  }
0x42f: {  	[tilespmem:v0+s21+$0x0] =	vst.idx.add.f32.msk $0xffff, v4  }
0x430: {  	v0 =	vld.idx.msk [tilespmem:v8+s25+$0x0], $0xffff  }
0x431: {  	v21 =	vld [tilespmem:$0x1FF80]  }
0x432: {  	v22 =	vld [tilespmem:$0x1FF90]  }
0x433: {  	v1 =	vshll.u32 v1, $0x7;
	v2 =	vld.idx.msk [tilespmem:v2+s25+$0x0], $0xffff  }
0x434: {  	v1 =	vor.u32 v33, v1  }
0x435: {  	v7 =	vadd.s32 v34, v62;
	v5 =	vshll.u32 v5, $0x7  }
0x436: {  	v5 =	vor.u32 v21, v5  }
0x437: {  	v6 =	vadd.s32 v22, v3;
	v0 =	vshll.u32 v0, $0x7  }
0x438: {  	v0 =	vor.u32 v31, v0;
	v2 =	vshll.u32 v2, $0x7  }
0x439: {  	[tilespmem:v1+s21+$0x0] =	vst.idx.add.f32.msk $0xffff, v4;
	v2 =	vor.u32 v27, v2  }
0x43a: {  	s28 =	simm.s32 $0x4;
	v7 =	vld.idx.msk [tilespmem:v7+s25+$0x0], $0xffff  }
0x43b: {  	[tilespmem:v5+s21+$0x0] =	vst.idx.add.f32.msk $0xffff, v4;
	v5 =	vadd.s32 s28, v27  }
0x43c: {  	v9 =	vadd.s32 s28, v28;
	v8 =	vadd.s32 v32, v61;
	v6 =	vld.idx.msk [tilespmem:v6+s25+$0x0], $0xffff;
	vm12 =	vgt.u32 v5, $0xC7  }
0x43d: {  	[tilespmem:v0+s21+$0x0] =	vst.idx.add.f32.msk $0xffff, v4;
	v1 =	vsel vm12, v9, v5  }
0x43e: {  	v5 =	vadd.s32 v30, v63;
	v9 =	vshll.u32 v1, $0x3;
	[tilespmem:v2+s21+$0x0] =	vst.idx.add.f32.msk $0xffff, v4  }
0x43f: {  	v1 =	vand.u32 $0x7F, v1;
	v9 =	vand.u32 $0xFFFFFC00, v9;
	v23 =	vld [tilespmem:$0x1FFA0]  }
0x440: {  	v0 =	vor.u32 v1, v9  }
0x441: {  	v1 =	vld.idx.msk [tilespmem:v8+s25+$0x0], $0xffff;
	v8 =	vadd.s32 v29, v0  }
0x442: {  	v24 =	vld [tilespmem:$0x1FFB0]  }
0x443: {  	v6 =	vshll.u32 v6, $0x7;
	v5 =	vld.idx.msk [tilespmem:v5+s25+$0x0], $0xffff  }
0x444: {  	v2 =	vor.u32 v23, v6;
	v6 =	vshll.u32 v7, $0x7  }
0x445: {  	v6 =	vor.u32 v21, v6  }
0x446: {  	v7 =	vadd.s32 v22, v62;
	v8 =	vld.idx.msk [tilespmem:v8+s25+$0x0], $0xffff  }
0x447: {  	v9 =	vadd.s32 v24, v3;
	v1 =	vshll.u32 v1, $0x7  }
0x448: {  	v1 =	vor.u32 v33, v1;
	v5 =	vshll.u32 v5, $0x7  }
0x449: {  	s29 =	simm.s32 $0x5;
	v5 =	vor.u32 v31, v5;
	[tilespmem:v2+s21+$0x0] =	vst.idx.add.f32.msk $0xffff, v4  }
0x44a: {  	v11 =	vadd.s32 s29, v28;
	v2 =	vadd.s32 v34, v61;
	[tilespmem:v6+s21+$0x0] =	vst.idx.add.f32.msk $0xffff, v4;
	v6 =	vadd.s32 s29, v27  }
0x44b: {  	v10 =	vadd.s32 v32, v63;
	v7 =	vld.idx.msk [tilespmem:v7+s25+$0x0], $0xffff;
	vm13 =	vgt.u32 v6, $0xC7;
	v8 =	vshll.u32 v8, $0x7  }
0x44c: {  	v9 =	vld.idx.msk [tilespmem:v9+s25+$0x0], $0xffff;
	v6 =	vsel vm13, v11, v6;
	v8 =	vor.u32 v27, v8  }
0x44d: {  	[tilespmem:v1+s21+$0x0] =	vst.idx.add.f32.msk $0xffff, v4;
	v1 =	vshll.u32 v6, $0x3  }
0x44e: {  	v6 =	vand.u32 $0x7F, v6;
	[tilespmem:v5+s21+$0x0] =	vst.idx.add.f32.msk $0xffff, v4;
	v1 =	vand.u32 $0xFFFFFC00, v1  }
0x44f: {  	v11 =	vadd.s32 v30, v0;
	v2 =	vld.idx.msk [tilespmem:v2+s25+$0x0], $0xffff;
	v1 =	vor.u32 v6, v1  }
0x450: {  	v5 =	vld.idx.msk [tilespmem:v10+s25+$0x0], $0xffff;
	v6 =	vadd.s32 v29, v1;
	v7 =	vshll.u32 v7, $0x7  }
0x451: {  	v7 =	vor.u32 v23, v7;
	[tilespmem:v8+s21+$0x0] =	vst.idx.add.f32.msk $0xffff, v4  }
0x452: {  	v25 =	vld [tilespmem:$0x1FFC0]  }
0x453: {  	v8 =	vadd.s32 v24, v62  }
0x454: {  	v10 =	vld.idx.msk [tilespmem:v11+s25+$0x0], $0xffff  }
0x455: {  	v2 =	vshll.u32 v2, $0x7;
	v6 =	vld.idx.msk [tilespmem:v6+s25+$0x0], $0xffff  }
0x456: {  	v9 =	vshll.u32 v9, $0x7;
	v2 =	vor.u32 v21, v2;
	[tilespmem:v7+s21+$0x0] =	vst.idx.add.f32.msk $0xffff, v4  }
0x457: {  	v5 =	vshll.u32 v5, $0x7;
	v9 =	vor.u32 v25, v9;
	v35 =	vld [tilespmem:$0x1FFD0]  }
0x458: {  	v5 =	vor.u32 v33, v5;
	v8 =	vld.idx.msk [tilespmem:v8+s25+$0x0], $0xffff  }
0x459: {  	v11 =	vadd.s32 v22, v61  }
0x45a: {  	v7 =	vadd.s32 v34, v63;
	v6 =	vshll.u32 v6, $0x7  }
0x45b: {  	[tilespmem:v2+s21+$0x0] =	vst.idx.add.f32.msk $0xffff, v4;
	v6 =	vor.u32 v27, v6  }
0x45c: {  	v12 =	vadd.s32 v35, v3;
	[tilespmem:v9+s21+$0x0] =	vst.idx.add.f32.msk $0xffff, v4;
	v9 =	vshll.u32 v10, $0x7  }
0x45d: {  	[tilespmem:v5+s21+$0x0] =	vst.idx.add.f32.msk $0xffff, v4;
	v8 =	vshll.u32 v8, $0x7;
	v2 =	vor.u32 v31, v9  }
0x45e: {  	v11 =	vld.idx.msk [tilespmem:v11+s25+$0x0], $0xffff;
	v8 =	vor.u32 v25, v8  }
0x45f: {  	v7 =	vld.idx.msk [tilespmem:v7+s25+$0x0], $0xffff  }
0x460: {  	s30 =	simm.s32 $0x6;
	[tilespmem:v6+s21+$0x0] =	vst.idx.add.f32.msk $0xffff, v4  }
0x461: {  	v10 =	vadd.s32 v32, v0;
	v9 =	vadd.s32 s30, v27;
	v12 =	vld.idx.msk [tilespmem:v12+s25+$0x0], $0xffff  }
0x462: {  	v13 =	vadd.s32 s30, v28;
	vm14 =	vgt.u32 v9, $0xC7;
	[tilespmem:v2+s21+$0x0] =	vst.idx.add.f32.msk $0xffff, v4  }
0x463: {  	v5 =	vsel vm14, v13, v9;
	v9 =	vadd.s32 v30, v1;
	[tilespmem:v8+s21+$0x0] =	vst.idx.add.f32.msk $0xffff, v4  }
0x464: {  	v11 =	vshll.u32 v11, $0x7;
	v36 =	vld [tilespmem:$0x1FFE0]  }
0x465: {  	v13 =	vshll.u32 v5, $0x3;
	v5 =	vand.u32 $0x7F, v5;
	v6 =	vor.u32 v23, v11  }
0x466: {  	v7 =	vshll.u32 v7, $0x7;
	v11 =	vadd.s32 v24, v61;
	v13 =	vand.u32 $0xFFFFFC00, v13;
	v10 =	vld.idx.msk [tilespmem:v10+s25+$0x0], $0xffff  }
0x467: {  	v7 =	vor.u32 v21, v7;
	v2 =	vor.u32 v5, v13  }
0x468: {  	v13 =	vadd.s32 v29, v2;
	v9 =	vld.idx.msk [tilespmem:v9+s25+$0x0], $0xffff;
	v12 =	vshll.u32 v12, $0x7  }
0x469: {  	v8 =	vor.u32 v36, v12  }
0x46a: {  	[tilespmem:v6+s21+$0x0] =	vst.idx.add.f32.msk $0xffff, v4  }
0x46b: {  	v11 =	vld.idx.msk [tilespmem:v11+s25+$0x0], $0xffff;
	v10 =	vshll.u32 v10, $0x7  }
0x46c: {  	[tilespmem:v7+s21+$0x0] =	vst.idx.add.f32.msk $0xffff, v4;
	v10 =	vor.u32 v33, v10  }
0x46d: {  	v6 =	vadd.s32 v34, v0;
	v12 =	vld.idx.msk [tilespmem:v13+s25+$0x0], $0xffff;
	v9 =	vshll.u32 v9, $0x7  }
0x46e: {  	v7 =	vor.u32 v31, v9;
	[tilespmem:v8+s21+$0x0] =	vst.idx.add.f32.msk $0xffff, v4  }
0x46f: {  	v13 =	vadd.s32 v22, v63;
	v37 =	vld [tilespmem:$0x1FF20];
	_ =	sdelay $0x1  }
0x470: {  	s31 =	simm.s32 $0x7;
	v5 =	vadd.s32 v35, v62;
	[tilespmem:v10+s21+$0x0] =	vst.idx.add.f32.msk $0xffff, v4  }
0x471: {  	v9 =	vadd.s32 v32, v1;
	v11 =	vshll.u32 v11, $0x7;
	v8 =	vadd.s32 s31, v27;
	v6 =	vld.idx.msk [tilespmem:v6+s25+$0x0], $0xffff  }
0x472: {  	v12 =	vshll.u32 v12, $0x7;
	vm15 =	vgt.u32 v8, $0xC7;
	[tilespmem:v7+s21+$0x0] =	vst.idx.add.f32.msk $0xffff, v4;
	v7 =	vor.u32 v25, v11  }
0x473: {  	v13 =	vld.idx.msk [tilespmem:v13+s25+$0x0], $0xffff;
	v11 =	vadd.s32 v35, v61;
	v14 =	vadd.s32 v37, v3;
	v3 =	vadd.s32 s31, v28  }
0x474: {  	v3 =	vsel vm15, v3, v8;
	v8 =	vor.u32 v27, v12  }
0x475: {  	v5 =	vld.idx.msk [tilespmem:v5+s25+$0x0], $0xffff;
	v10 =	vadd.s32 v30, v2;
	v12 =	vshll.u32 v3, $0x3  }
0x476: {  	v9 =	vld.idx.msk [tilespmem:v9+s25+$0x0], $0xffff;
	v6 =	vshll.u32 v6, $0x7;
	v3 =	vand.u32 $0x7F, v3;
	v12 =	vand.u32 $0xFFFFFC00, v12  }
0x477: {  	[tilespmem:v7+s21+$0x0] =	vst.idx.add.f32.msk $0xffff, v4;
	v17 =	vor.u32 v21, v6;
	v3 =	vor.u32 v3, v12  }
0x478: {  	v13 =	vshll.u32 v13, $0x7;
	v6 =	vld.idx.msk [tilespmem:v11+s25+$0x0], $0xffff;
	v12 =	vadd.s32 v29, v3  }
0x479: {  	[tilespmem:v8+s21+$0x0] =	vst.idx.add.f32.msk $0xffff, v4;
	v8 =	vor.u32 v23, v13  }
0x47a: {  	v16 =	vadd.s32 v24, v63;
	v14 =	vld.idx.msk [tilespmem:v14+s25+$0x0], $0xffff  }
0x47b: {  	v5 =	vshll.u32 v5, $0x7;
	v15 =	vld.idx.msk [tilespmem:v10+s25+$0x0], $0xffff  }
0x47c: {  	v18 =	vor.u32 v36, v5;
	[tilespmem:v17+s21+$0x0] =	vst.idx.add.f32.msk $0xffff, v4  }
0x47d: {  	v13 =	vld.idx.msk [tilespmem:v12+s25+$0x0], $0xffff  }
0x47e: {  	[tilespmem:v8+s21+$0x0] =	vst.idx.add.f32.msk $0xffff, v4  }
0x47f: {  	v5 =	vshll.u32 v9, $0x7;
	v9 =	vld.idx.msk [tilespmem:v16+s25+$0x0], $0xffff  }
0x480: {  	v38 =	vld [tilespmem:$0x1FFF0]  }
0x481: {  	[tilespmem:v18+s21+$0x0] =	vst.idx.add.f32.msk $0xffff, v4  }
0x482: {  	v44 =	vld [tilespmem:$0x1FCB0]  }
0x483: {  	v48 =	vld [tilespmem:$0x1FCE0]  }
0x484: {  	v49 =	vld [tilespmem:$0x1FCD0]  }
0x485: {  	v45 =	vld [tilespmem:$0x1FCC0]  }
0x486: {  	v51 =	vld [tilespmem:$0x1FCA0]  }
0x487: {  	v52 =	vmov v47;
	v10 =	vadd.s32 v22, v0;
	v47 =	vld [tilespmem:$0x1FC90]  }
0x488: {  	v12 =	vor.u32 v33, v5;
	v54 =	vld [tilespmem:$0x1FC80]  }
0x489: {  	s7 =	simm.s32 $0x8;
	v11 =	vadd.s32 v34, v1;
	v5 =	vshll.u32 v14, $0x7;
	v55 =	vld [tilespmem:$0x1FDD0]  }
0x48a: {  	s3 =	simm.s32 $0x0;
	s2 =	simm.s32 $0x0;
	s6 =	simm.s32 $0x0;
	v14 =	vshll.u32 v15, $0x7;
	v58 =	vld [tilespmem:$0x1FC70];
	v5 =	vor.u32 v38, v5  }
0x48b: {  	s5 =	simm.s32 $0x0;
	s4 =	simm.s32 $0x0;
	s0 =	simm.s32 $0x0;
	v7 =	vadd.s32 v32, v2;
	v8 =	vadd.s32 v32, v3;
	v14 =	vor.u32 v31, v14;
	v59 =	vld [tilespmem:$0x1FC60]  }
.LBB2_16:
0x48c: {  	v15 =	vadd.s32 s7, v27;
	p0 =	sne.s32 s7, $0xC7;
	v10 =	vld.idx.msk [tilespmem:v10+s3+$0x0], $0xffff;
	v6 =	vshll.u32 v6, $0x7;
	v16 =	vadd.s32 v37, v62;
	v62 =	vmovc v61;
	v61 =	vmovc v63;
	s8 =	smov.u32 s7;
	s7 =	sadd.s32 $0x1, s7  }
0x48d: {  	v13 =	vshll.u32 v13, $0x7;
	v63 =	vmovc v0;
	v0 =	vmovc v1;
	vm0 =	vgt.u32 v15, $0xC7;
	v17 =	vadd.s32 s8, v28;
	[tilespmem:v12+s21+$0x0] =	vst.idx.add.f32.msk $0xffff, v4  }
0x48e: {  	v12 =	vor.u32 v27, v13;
	v13 =	vadd.s32 v30, v3;
	v18 =	vsel vm0, v17, v15;
	v11 =	vld.idx.msk [tilespmem:v11+s2+$0x0], $0xffff  }
0x48f: {  	v1 =	vmovc v2;
	v2 =	vmovc v3;
	v9 =	vshll.u32 v9, $0x7;
	v15 =	vand.u32 $0x7F, v18;
	v17 =	vshll.u32 v18, $0x3;
	[tilespmem:v5+s21+$0x0] =	vst.idx.add.f32.msk $0xffff, v4  }
0x490: {  	v5 =	vor.u32 v25, v9;
	v3 =	vand.u32 $0xFFFFFC00, v17;
	[tilespmem:v14+s21+$0x0] =	vst.idx.add.f32.msk $0xffff, v4;
	v17 =	vor.u32 v36, v6  }
0x491: {  	v6 =	vadd.s32 v35, v61;
	v3 =	vor.u32 v15, v3;
	v9 =	vld.idx.msk [tilespmem:v7+s0+$0x0], $0xffff;
	v7 =	vmov v8  }
0x492: {  	v10 =	vshll.u32 v10, $0x7;
	v14 =	vadd.s32 v29, v3;
	v8 =	vadd.s32 v32, v3;
	v15 =	vld.idx.msk [tilespmem:v16+s6+$0x0], $0xffff;
	s6 =	smov.u32 s5;
	s5 =	smov.u32 s4;
	s4 =	smov.u32 s3  }
0x493: {  	v16 =	vor.u32 v23, v10;
	s3 =	smov.u32 s2;
	s2 =	smov.u32 s0;
	s0 =	smov.u32 s25;
	[tilespmem:v12+s21+$0x0] =	vst.idx.add.f32.msk $0xffff, v4  }
0x494: {  	v19 =	vadd.s32 v24, v63;
	v10 =	vshll.u32 v11, $0x7;
	v18 =	vld.idx.msk [tilespmem:v13+s0+$0x0], $0xffff  }
0x495: {  	v20 =	vor.u32 v21, v10;
	[tilespmem:v5+s21+$0x0] =	vst.idx.add.f32.msk $0xffff, v4  }
0x496: {  	v6 =	vld.idx.msk [tilespmem:v6+s5+$0x0], $0xffff  }
.Ltmp7:
0x497: {  	v10 =	vadd.s32 v22, v0;
	v5 =	vshll.u32 v9, $0x7;
	v13 =	vld.idx.msk [tilespmem:v14+s25+$0x0], $0xffff;
	(pc) =	sbr.rel @p0 .LBB2_16-.Ltmp7, $4  }
0x498: {  	v12 =	vor.u32 v33, v5;
	v5 =	vshll.u32 v15, $0x7;
	[tilespmem:v16+s21+$0x0] =	vst.idx.add.f32.msk $0xffff, v4  }
0x499: {  	v11 =	vadd.s32 v34, v1;
	v5 =	vor.u32 v38, v5;
	v9 =	vld.idx.msk [tilespmem:v19+s4+$0x0], $0xffff  }
0x49a: {  	v14 =	vshll.u32 v18, $0x7;
	[tilespmem:v20+s21+$0x0] =	vst.idx.add.f32.msk $0xffff, v4  }
0x49b: {  	v14 =	vor.u32 v31, v14;
	[tilespmem:v17+s21+$0x0] =	vst.idx.add.f32.msk $0xffff, v4  }
0x49c: {  	v13 =	vshll.u32 v13, $0x7  }
0x49d: {  	v13 =	vor.u32 v27, v13  }
0x49e: {  	v15 =	vadd.s32 v30, v3;
	_ =	sdelay $0x3  }
0x49f: {  	[tilespmem:v13+s21+$0x0] =	vst.idx.add.f32.msk $0xffff, v4  }
0x4a0: {  	v13 =	vld.idx.msk [tilespmem:v15+s25+$0x0], $0xffff;
	_ =	sdelay $0x4  }
0x4a1: {  	v13 =	vshll.u32 v13, $0x7  }
0x4a2: {  	v13 =	vor.u32 v31, v13;
	_ =	sdelay $0x2  }
0x4a3: {  	[tilespmem:v14+s21+$0x0] =	vst.idx.add.f32.msk $0xffff, v4  }
0x4a4: {  	v7 =	vld.idx.msk [tilespmem:v7+s0+$0x0], $0xffff  }
0x4a5: {  	[tilespmem:v13+s21+$0x0] =	vst.idx.add.f32.msk $0xffff, v4  }
0x4a6: {  	v8 =	vld.idx.msk [tilespmem:v8+s25+$0x0], $0xffff;
	_ =	sdelay $0x2  }
0x4a7: {  	v7 =	vshll.u32 v7, $0x7  }
0x4a8: {  	v7 =	vor.u32 v33, v7  }
0x4a9: {  	[tilespmem:v12+s21+$0x0] =	vst.idx.add.f32.msk $0xffff, v4;
	v13 =	vadd.s32 v34, v2;
	v8 =	vshll.u32 v8, $0x7  }
0x4aa: {  	v11 =	vld.idx.msk [tilespmem:v11+s2+$0x0], $0xffff;
	v8 =	vor.u32 v33, v8  }
0x4ab: {  	v12 =	vadd.s32 v34, v3;
	_ =	sdelay $0x1  }
0x4ac: {  	[tilespmem:v7+s21+$0x0] =	vst.idx.add.f32.msk $0xffff, v4  }
0x4ad: {  	v7 =	vld.idx.msk [tilespmem:v13+s0+$0x0], $0xffff  }
0x4ae: {  	v11 =	vshll.u32 v11, $0x7;
	[tilespmem:v8+s21+$0x0] =	vst.idx.add.f32.msk $0xffff, v4  }
0x4af: {  	v11 =	vor.u32 v21, v11;
	v8 =	vld.idx.msk [tilespmem:v12+s25+$0x0], $0xffff  }
0x4b0: {  	v12 =	vadd.s32 v22, v1;
	_ =	sdelay $0x1  }
0x4b1: {  	v7 =	vshll.u32 v7, $0x7  }
0x4b2: {  	v10 =	vld.idx.msk [tilespmem:v10+s3+$0x0], $0xffff;
	v7 =	vor.u32 v21, v7  }
0x4b3: {  	[tilespmem:v11+s21+$0x0] =	vst.idx.add.f32.msk $0xffff, v4;
	v13 =	vadd.s32 v22, v2;
	v8 =	vshll.u32 v8, $0x7  }
0x4b4: {  	v12 =	vld.idx.msk [tilespmem:v12+s2+$0x0], $0xffff;
	v8 =	vor.u32 v21, v8;
	_ =	sdelay $0x1  }
0x4b5: {  	v11 =	vadd.s32 v22, v3  }
0x4b6: {  	[tilespmem:v7+s21+$0x0] =	vst.idx.add.f32.msk $0xffff, v4  }
0x4b7: {  	v10 =	vshll.u32 v10, $0x7;
	v7 =	vld.idx.msk [tilespmem:v13+s0+$0x0], $0xffff  }
0x4b8: {  	v12 =	vshll.u32 v12, $0x7;
	[tilespmem:v8+s21+$0x0] =	vst.idx.add.f32.msk $0xffff, v4;
	v8 =	vor.u32 v23, v10  }
0x4b9: {  	v12 =	vor.u32 v23, v12  }
0x4ba: {  	v10 =	vld.idx.msk [tilespmem:v11+s25+$0x0], $0xffff;
	v11 =	vadd.s32 v24, v0  }
0x4bb: {  	v13 =	vadd.s32 v24, v1;
	_ =	sdelay $0x1  }
0x4bc: {  	v7 =	vshll.u32 v7, $0x7;
	[tilespmem:v8+s21+$0x0] =	vst.idx.add.f32.msk $0xffff, v4  }
0x4bd: {  	v7 =	vor.u32 v23, v7;
	[tilespmem:v12+s21+$0x0] =	vst.idx.add.f32.msk $0xffff, v4  }
0x4be: {  	v8 =	vadd.s32 v24, v2;
	v10 =	vshll.u32 v10, $0x7;
	v11 =	vld.idx.msk [tilespmem:v11+s3+$0x0], $0xffff  }
0x4bf: {  	v13 =	vld.idx.msk [tilespmem:v13+s2+$0x0], $0xffff;
	v10 =	vor.u32 v23, v10  }
0x4c0: {  	v12 =	vadd.s32 v24, v3  }
0x4c1: {  	v9 =	vshll.u32 v9, $0x7  }
0x4c2: {  	[tilespmem:v7+s21+$0x0] =	vst.idx.add.f32.msk $0xffff, v4;
	v7 =	vor.u32 v25, v9  }
0x4c3: {  	v9 =	vadd.s32 v35, v63;
	v8 =	vld.idx.msk [tilespmem:v8+s0+$0x0], $0xffff;
	v11 =	vshll.u32 v11, $0x7  }
0x4c4: {  	v13 =	vshll.u32 v13, $0x7;
	[tilespmem:v10+s21+$0x0] =	vst.idx.add.f32.msk $0xffff, v4;
	v10 =	vor.u32 v25, v11  }
0x4c5: {  	v13 =	vor.u32 v25, v13;
	v11 =	vld.idx.msk [tilespmem:v12+s25+$0x0], $0xffff  }
0x4c6: {  	v12 =	vadd.s32 v35, v0  }
0x4c7: {  	v6 =	vshll.u32 v6, $0x7;
	[tilespmem:v7+s21+$0x0] =	vst.idx.add.f32.msk $0xffff, v4;
	v7 =	vadd.s32 v35, v1  }
0x4c8: {  	v6 =	vor.u32 v36, v6;
	v9 =	vld.idx.msk [tilespmem:v9+s4+$0x0], $0xffff;
	v8 =	vshll.u32 v8, $0x7  }
0x4c9: {  	v8 =	vor.u32 v25, v8;
	[tilespmem:v10+s21+$0x0] =	vst.idx.add.f32.msk $0xffff, v4  }
0x4ca: {  	v10 =	vadd.s32 v35, v2;
	[tilespmem:v13+s21+$0x0] =	vst.idx.add.f32.msk $0xffff, v4;
	v11 =	vshll.u32 v11, $0x7  }
0x4cb: {  	v12 =	vld.idx.msk [tilespmem:v12+s3+$0x0], $0xffff;
	v11 =	vor.u32 v25, v11  }
0x4cc: {  	v13 =	vadd.s32 v35, v3;
	v7 =	vld.idx.msk [tilespmem:v7+s2+$0x0], $0xffff  }
0x4cd: {  	v14 =	vadd.s32 v37, v62;
	[tilespmem:v6+s21+$0x0] =	vst.idx.add.f32.msk $0xffff, v4  }
0x4ce: {  	v15 =	vadd.s32 v37, v61;
	v9 =	vshll.u32 v9, $0x7;
	[tilespmem:v8+s21+$0x0] =	vst.idx.add.f32.msk $0xffff, v4  }
0x4cf: {  	v8 =	vor.u32 v36, v9;
	v9 =	vld.idx.msk [tilespmem:v10+s0+$0x0], $0xffff  }
0x4d0: {  	v10 =	vshll.u32 v12, $0x7;
	v12 =	vadd.s32 v37, v63;
	[tilespmem:v11+s21+$0x0] =	vst.idx.add.f32.msk $0xffff, v4  }
0x4d1: {  	v6 =	vshll.u32 v7, $0x7;
	v10 =	vor.u32 v36, v10;
	v11 =	vld.idx.msk [tilespmem:v13+s25+$0x0], $0xffff  }
0x4d2: {  	v14 =	vld.idx.msk [tilespmem:v14+s6+$0x0], $0xffff;
	v6 =	vor.u32 v36, v6  }
0x4d3: {  	v0 =	vadd.s32 v37, v0;
	v7 =	vld.idx.msk [tilespmem:v15+s5+$0x0], $0xffff  }
0x4d4: {  	v1 =	vadd.s32 v37, v1;
	[tilespmem:v8+s21+$0x0] =	vst.idx.add.f32.msk $0xffff, v4;
	v8 =	vshll.u32 v9, $0x7  }
0x4d5: {  	v9 =	vld.idx.msk [tilespmem:v12+s4+$0x0], $0xffff;
	v8 =	vor.u32 v36, v8  }
0x4d6: {  	v2 =	vadd.s32 v37, v2;
	[tilespmem:v10+s21+$0x0] =	vst.idx.add.f32.msk $0xffff, v4;
	v10 =	vshll.u32 v11, $0x7  }
0x4d7: {  	[tilespmem:v6+s21+$0x0] =	vst.idx.add.f32.msk $0xffff, v4;
	v10 =	vor.u32 v36, v10  }
0x4d8: {  	v3 =	vadd.s32 v37, v3;
	v0 =	vld.idx.msk [tilespmem:v0+s3+$0x0], $0xffff  }
0x4d9: {  	v1 =	vld.idx.msk [tilespmem:v1+s2+$0x0], $0xffff  }
0x4da: {  	[tilespmem:v8+s21+$0x0] =	vst.idx.add.f32.msk $0xffff, v4  }
0x4db: {  	v2 =	vld.idx.msk [tilespmem:v2+s0+$0x0], $0xffff  }
0x4dc: {  	v7 =	vshll.u32 v7, $0x7;
	[tilespmem:v10+s21+$0x0] =	vst.idx.add.f32.msk $0xffff, v4  }
0x4dd: {  	v6 =	vshll.u32 v14, $0x7;
	v7 =	vor.u32 v38, v7;
	v3 =	vld.idx.msk [tilespmem:v3+s25+$0x0], $0xffff  }
0x4de: {  	v6 =	vor.u32 v38, v6;
	v8 =	vshll.u32 v9, $0x7  }
0x4df: {  	v8 =	vor.u32 v38, v8;
	v0 =	vshll.u32 v0, $0x7  }
0x4e0: {  	v1 =	vshll.u32 v1, $0x7;
	v0 =	vor.u32 v38, v0  }
0x4e1: {  	[tilespmem:v5+s21+$0x0] =	vst.idx.add.f32.msk $0xffff, v4;
	v1 =	vor.u32 v38, v1;
	v2 =	vshll.u32 v2, $0x7  }
0x4e2: {  	[tilespmem:v7+s21+$0x0] =	vst.idx.add.f32.msk $0xffff, v4;
	v2 =	vor.u32 v38, v2;
	v3 =	vshll.u32 v3, $0x7  }
0x4e3: {  	[tilespmem:v6+s21+$0x0] =	vst.idx.add.f32.msk $0xffff, v4;
	v3 =	vor.u32 v38, v3  }
0x4e4: {  	[tilespmem:v8+s21+$0x0] =	vst.idx.add.f32.msk $0xffff, v4  }
0x4e5: {  	[tilespmem:v0+s21+$0x0] =	vst.idx.add.f32.msk $0xffff, v4  }
0x4e6: {  	[tilespmem:v1+s21+$0x0] =	vst.idx.add.f32.msk $0xffff, v4  }
0x4e7: {  	[tilespmem:v2+s21+$0x0] =	vst.idx.add.f32.msk $0xffff, v4  }
0x4e8: {  	s0 =	simm.s32 $0x0;
	[tilespmem:v3+s21+$0x0] =	vst.idx.add.f32.msk $0xffff, v4  }
0x4e9: {  	v1 =	vld [tilespmem:s0+$0x10200]  }
0x4ea: {  	v4 =	vld [tilespmem:$0x1FE90];
	_ =	sdelay $0x3  }
0x4eb: {  	v0 =	vld [tilespmem:s0+$0x10180]  }
0x4ec: {  	v6 =	vmul.f32 v1, v4;
	v4 =	vld [tilespmem:$0x1FD30]  }
0x4ed: {  	v35 =	vld [tilespmem:$0x1FD00];
	_ =	sdelay $0x1  }
0x4ee: {  	v37 =	vld [tilespmem:$0x1FE80]  }
0x4ef: {  	v2 =	vld [tilespmem:s0+$0x10280]  }
0x4f0: {  	v1 =	vmul.f32 v1, v4;
	v4 =	vld [tilespmem:$0x1FD20]  }
0x4f1: {  	v5 =	vld [tilespmem:s0+$0x10300];
	v3 =	vmul.f32 v0, v35  }
0x4f2: {  	v43 =	vld [tilespmem:$0x1FD70]  }
0x4f3: {  	v0 =	vmul.f32 v0, v37;
	v3 =	vadd.f32 $0.0e+00, v3;
	_ =	sdelay $0x1  }
0x4f4: {  	v0 =	vadd.f32 $0.0e+00, v0;
	v3 =	vadd.f32 v6, v3;
	v8 =	vmul.f32 v2, v4;
	v4 =	vld [tilespmem:$0x1FD10]  }
0x4f5: {  	v42 =	vld [tilespmem:s0+$0x10900]  }
0x4f6: {  	v61 =	vld [tilespmem:s0+$0x10800];
	v0 =	vadd.f32 v1, v0;
	v1 =	vmul.f32 v5, v43;
	v3 =	vadd.f32 v8, v3  }
0x4f7: {  	v7 =	vld [tilespmem:s0+$0x10380]  }
0x4f8: {  	v1 =	vadd.f32 v1, v3;
	v3 =	vld [tilespmem:$0x1FE70]  }
0x4f9: {  	v10 =	vld [tilespmem:s0+$0x10400];
	v2 =	vmul.f32 v2, v4  }
0x4fa: {  	v24 =	vld [tilespmem:s0+$0x10B00]  }
0x4fb: {  	v11 =	vld [tilespmem:s0+$0x10480];
	v5 =	vmul.f32 v5, v44;
	v0 =	vadd.f32 v2, v0  }
0x4fc: {  	v12 =	vld [tilespmem:s0+$0x10500];
	v2 =	vmul.f32 v7, v52  }
0x4fd: {  	v13 =	vld [tilespmem:s0+$0x10580];
	v60 =	vmul.f32 v42, v3;
	v3 =	vmul.f32 v7, v48;
	v0 =	vadd.f32 v5, v0  }
0x4fe: {  	v9 =	vld [tilespmem:s0+$0x10A00];
	v5 =	vmul.f32 v10, v49;
	v2 =	vadd.f32 v2, v1  }
0x4ff: {  	v40 =	vld [tilespmem:$0x1FD40];
	v10 =	vmul.f32 v10, v45;
	v0 =	vadd.f32 v3, v0  }
0x500: {  	v15 =	vld [tilespmem:s0+$0x10680];
	v3 =	vmul.f32 v11, v51;
	v2 =	vadd.f32 v5, v2  }
0x501: {  	v14 =	vmul.f32 v11, v47;
	v7 =	vld [tilespmem:s0+$0x10600];
	v0 =	vadd.f32 v10, v0  }
0x502: {  	v2 =	vadd.f32 v3, v2;
	v3 =	vld [tilespmem:$0x1FD60]  }
0x503: {  	v19 =	vadd.f32 v14, v0;
	v0 =	vld [tilespmem:$0x1FD50]  }
0x504: {  	v18 =	vld [tilespmem:s0+$0x10980]  }
0x505: {  	v16 =	vld [tilespmem:s0+$0x10700]  }
0x506: {  	v4 =	vld [tilespmem:$0x1FE60]  }
0x507: {  	v21 =	vmul.f32 v7, v3;
	v3 =	vld [tilespmem:$0x1FE40]  }
0x508: {  	p1 =	por $0x1, $0x1;
	v62 =	vmul.f32 v9, v0;
	v0 =	vld [tilespmem:$0x1FE50]  }
.Ltmp8:
0x509: {  	v17 =	vld [tilespmem:s0+$0x10880];
	(pc) =	sbr.rel @!p1 .LBB2_18-.Ltmp8, $4  }
0x50a: {  	v22 =	vld [tilespmem:s0+$0x10780];
	v20 =	vmul.f32 v13, v58;
	v8 =	vmul.f32 v24, v40  }
0x50b: {  	v57 =	vld [tilespmem:$0x1FDC0];
	v6 =	vmul.f32 v61, v4;
	v5 =	vmul.f32 v12, v54  }
0x50c: {  	v46 =	vld [tilespmem:$0x1FDB0];
	v11 =	vmul.f32 v12, v55;
	v10 =	vmul.f32 v13, v59  }
0x50d: {  	p0 =	por $0x0, $0x0;
	v1 =	vld [tilespmem:s0+$0x10A80];
	v25 =	vadd.f32 v5, v2;
	v12 =	vmul.f32 v7, v3;
	v13 =	vmul.f32 v15, v0  }
0x50e: {  	v2 =	vld [tilespmem:$0x1FC40];
	_ =	sdelay $0x2  }
0x50f: {  	v0 =	vadd.f32 v20, v25;
	_ =	sdelay $0x1  }
0x510: {  	v3 =	vadd.f32 v21, v0;
	v2 =	vmul.f32 v15, v2;
	_ =	sdelay $0x1  }
0x511: {  	v2 =	vadd.f32 v2, v3;
	v3 =	vld [tilespmem:$0x1FC50]  }
0x512: {  	v0 =	vld [tilespmem:$0x1FEA0]  }
0x513: {  	v14 =	vmul.f32 v18, v56;
	v23 =	vmul.f32 v18, v46;
	v18 =	vld [tilespmem:$0x1FE20];
	_ =	sdelay $0x1  }
0x514: {  	s2 =	simm.s32 $0x10;
	v5 =	vadd.f32 v11, v19;
	v11 =	vld [tilespmem:$0x1FE00]  }
0x515: {  	v7 =	vld [tilespmem:s2+$0x10180];
	v3 =	vmul.f32 v16, v3  }
0x516: {  	v15 =	vmul.f32 v16, v0;
	v16 =	vld [tilespmem:$0x1FE30]  }
0x517: {  	v39 =	vmov v18;
	v18 =	vmul.f32 v22, v18;
	v3 =	vadd.f32 v3, v2;
	v2 =	vld [tilespmem:$0x1FD80]  }
0x518: {  	v0 =	vmul.f32 v9, v57;
	v9 =	vld [tilespmem:s2+$0x10200]  }
0x519: {  	v18 =	vadd.f32 v18, v3;
	v3 =	vld [tilespmem:$0x1FE90]  }
0x51a: {  	v5 =	vadd.f32 v10, v5;
	v10 =	vld [tilespmem:s2+$0x10280];
	v11 =	vmul.f32 v22, v11;
	v19 =	vmul.f32 v7, v35  }
0x51b: {  	v22 =	vmul.f32 v1, v53;
	v4 =	vmovc v16;
	v16 =	vmul.f32 v17, v16;
	v18 =	vadd.f32 v6, v18;
	v6 =	vld [tilespmem:$0x1FD20]  }
0x51c: {  	v17 =	vmul.f32 v17, v2;
	v2 =	vmul.f32 v1, v50;
	v1 =	vld [tilespmem:$0x1FD30];
	_ =	sdelay $0x1  }
0x51d: {  	v19 =	vadd.f32 $0.0e+00, v19;
	v20 =	vmul.f32 v9, v3  }
0x51e: {  	v12 =	vadd.f32 v12, v5;
	v7 =	vmul.f32 v7, v37  }
0x51f: {  	v19 =	vadd.f32 v20, v19;
	v20 =	vmul.f32 v10, v6;
	v6 =	vld [tilespmem:$0x1FD10]  }
0x520: {  	v12 =	vadd.f32 v13, v12;
	v13 =	vld [tilespmem:s2+$0x10300];
	v1 =	vmul.f32 v9, v1;
	v9 =	vadd.f32 $0.0e+00, v7;
	_ =	sdelay $0x1  }
0x521: {  	v1 =	vadd.f32 v1, v9;
	v9 =	vld [tilespmem:s2+$0x10380];
	_ =	sdelay $0x1  }
0x522: {  	v12 =	vadd.f32 v15, v12;
	v15 =	vadd.f32 v20, v19;
	v19 =	vld [tilespmem:s2+$0x10400];
	v10 =	vmul.f32 v10, v6  }
0x523: {  	v16 =	vadd.f32 v16, v18;
	v18 =	vmul.f32 v13, v43;
	v20 =	vmul.f32 v42, v41  }
0x524: {  	v11 =	vadd.f32 v11, v12;
	v1 =	vadd.f32 v10, v1;
	v10 =	vld [tilespmem:s2+$0x10480]  }
0x525: {  	v29 =	vld [tilespmem:$0x1FEE0];
	v12 =	vadd.f32 v18, v15;
	v15 =	vadd.f32 v20, v16;
	v16 =	vmul.f32 v9, v52;
	_ =	sdelay $0x1  }
0x526: {  	v20 =	vmul.f32 v19, v49;
	v12 =	vadd.f32 v16, v12  }
0x527: {  	v41 =	vld [tilespmem:$0x1FEB0]  }
0x528: {  	v16 =	vmul.f32 v10, v51;
	v12 =	vadd.f32 v20, v12  }
0x529: {  	v26 =	vmul.f32 v24, v29;
	v24 =	vld [tilespmem:s2+$0x10600]  }
0x52a: {  	v28 =	vadd.f32 v16, v12;
	v12 =	vld [tilespmem:$0x1FD60]  }
0x52b: {  	v13 =	vmul.f32 v13, v44  }
0x52c: {  	v36 =	vld [tilespmem:$0x1FEF0];
	v21 =	vmul.f32 v61, v41  }
0x52d: {  	v9 =	vmul.f32 v9, v48;
	v1 =	vadd.f32 v13, v1;
	v13 =	vld [tilespmem:s2+$0x10580]  }
0x52e: {  	v63 =	vld [tilespmem:s2+$0x10900];
	v19 =	vmul.f32 v19, v45;
	v11 =	vadd.f32 v21, v11  }
0x52f: {  	v25 =	vmul.f32 v10, v47;
	v10 =	vadd.f32 v9, v1;
	v21 =	vmul.f32 v24, v12;
	v12 =	vld [tilespmem:$0x1FE40]  }
0x530: {  	v5 =	vld [tilespmem:s2+$0x10800];
	v17 =	vadd.f32 v17, v11  }
0x531: {  	v3 =	vld [tilespmem:$0x1FE70];
	v19 =	vadd.f32 v19, v10  }
0x532: {  	v7 =	vld [tilespmem:s2+$0x10B00];
	v20 =	vmul.f32 v13, v58;
	v10 =	vmul.f32 v13, v59;
	v13 =	vadd.f32 v60, v17  }
0x533: {  	v9 =	vld [tilespmem:s2+$0x10A00]  }
0x534: {  	v14 =	vadd.f32 v14, v15;
	v12 =	vmul.f32 v24, v12;
	v24 =	vadd.f32 v23, v13;
	v13 =	vld [tilespmem:$0x1FD50]  }
0x535: {  	v18 =	vld [tilespmem:s2+$0x10500]  }
0x536: {  	v6 =	vld [tilespmem:$0x1FE60];
	v14 =	vadd.f32 v62, v14  }
0x537: {  	v15 =	vld [tilespmem:s2+$0x10680]  }
0x538: {  	v14 =	vadd.f32 v22, v14;
	v22 =	vld [tilespmem:s2+$0x10780]  }
0x539: {  	p1 =	por $0x1, $0x1;
	v3 =	vmul.f32 v63, v3;
	v62 =	vmul.f32 v9, v13;
	v13 =	vld [tilespmem:$0x1FE50]  }
.Ltmp9:
0x53a: {  	v27 =	vmul.f32 v18, v54;
	v11 =	vmul.f32 v18, v55;
	v18 =	vld [tilespmem:s2+$0x10980];
	(pc) =	sbr.rel @!p1 .LBB2_20-.Ltmp9, $4  }
0x53b: {  	v38 =	vmovc v59;
	v61 =	vmul.f32 v7, v40;
	v6 =	vmul.f32 v5, v6;
	v1 =	vld [tilespmem:s2+$0x10A80];
	v60 =	vmovc v56;
	v59 =	vmov v58  }
0x53c: {  	v16 =	vld [tilespmem:s2+$0x10700];
	v58 =	vmovc v55;
	v56 =	vmovc v53;
	v55 =	vmov v54;
	v54 =	vmov v47;
	v47 =	vmov v52  }
0x53d: {  	v17 =	vld [tilespmem:s2+$0x10880];
	v53 =	vmovc v50;
	v52 =	vmovc v51;
	v51 =	vmov v29;
	v50 =	vmov v45;
	v19 =	vadd.f32 v25, v19  }
0x53e: {  	s3 =	simm.s32 $0x80;
	p0 =	por $0x1, $0x1;
	s5 =	rddreg [dreg:$0xf];
	v45 =	vmovc v44;
	v44 =	vld [tilespmem:$0x1FE10];
	v25 =	vadd.f32 v27, v28;
	v23 =	vadd.f32 v26, v14;
	v13 =	vmul.f32 v15, v13  }
.LBB2_21:
0x53f: {  	v27 =	vld [tilespmem:$0x1FC40]  }
0x540: {  	v29 =	vld [tilespmem:$0x1FD80]  }
0x541: {  	v31 =	vld [tilespmem:$0x1FE70]  }
0x542: {  	s4 =	sshra.s32 s3, $0x2;
	v42 =	vld [tilespmem:$0x1FD10];
	v26 =	vmul.f32 v18, v60;
	v14 =	vmul.f32 v18, v46;
	v18 =	vadd.f32 v0, v24  }
0x543: {  	v28 =	vld [tilespmem:s4+$0x10B00]  }
0x544: {  	v0 =	vld [tilespmem:$0x1FEA0];
	v2 =	vadd.f32 v2, v18  }
0x545: {  	v30 =	vld [tilespmem:s4+$0x10200]  }
0x546: {  	v20 =	vadd.f32 v20, v25;
	v34 =	vadd.f32 v8, v2;
	v2 =	vld [tilespmem:$0x1FC50]  }
0x547: {  	v33 =	vmul.f32 v1, v56;
	v32 =	vld [tilespmem:s4+$0x10300];
	v15 =	vmul.f32 v15, v27  }
0x548: {  	v20 =	vadd.f32 v21, v20;
	v21 =	vld [tilespmem:$0x1FE00];
	v27 =	vmul.f32 v17, v4;
	v17 =	vmul.f32 v17, v29  }
0x549: {  	v18 =	vmul.f32 $4.999999890e-03, v23;
	v23 =	vld [tilespmem:s4+$0x10800];
	v25 =	vmul.f32 v16, v0  }
0x54a: {  	v0 =	vmul.f32 v9, v57;
	v9 =	vld [tilespmem:s4+$0x10280];
	v29 =	vmul.f32 $4.999999890e-03, v34  }
0x54b: {  	v15 =	vadd.f32 v15, v20;
	v16 =	vmul.f32 v16, v2;
	v2 =	vmul.f32 v1, v53;
	v1 =	vld [tilespmem:$0x1FE60]  }
0x54c: {  	v34 =	vmul.f32 v7, v51;
	v7 =	vadd.f32 v11, v19;
	v11 =	vmul.f32 v5, v41;
	v5 =	vld [tilespmem:$0x1FD20]  }
0x54d: {  	v24 =	vld [tilespmem:s4+$0x10900];
	v21 =	vmul.f32 v22, v21;
	v22 =	vmul.f32 v22, v39;
	v15 =	vadd.f32 v16, v15  }
0x54e: {  	v20 =	vld [tilespmem:s4+$0x10180]  }
0x54f: {  	v18 =	vadd.f32 v18, v44;
	v15 =	vadd.f32 v22, v15;
	v22 =	vld [tilespmem:$0x1FEC0]  }
0x550: {  	v16 =	vmul.f32 v23, v1;
	v1 =	vld [tilespmem:s4+$0x10A80]  }
0x551: {  	v10 =	vadd.f32 v10, v7;
	[tilespmem:s0+$0x10B80] =	vst v18;
	v18 =	vmul.f32 v9, v5;
	v5 =	vmov v23;
	v23 =	vld [tilespmem:$0x1FD30]  }
0x552: {  	v8 =	vmovc v61;
	v61 =	vmul.f32 v28, v40;
	v31 =	vmul.f32 v24, v31;
	v29 =	vadd.f32 v29, v36  }
0x553: {  	v7 =	vmovc v28;
	v10 =	vadd.f32 v12, v10;
	v28 =	vmul.f32 v32, v45;
	v9 =	vmul.f32 v9, v42;
	v19 =	vld [tilespmem:s4+$0x10380]  }
0x554: {  	v42 =	vmul.f32 v20, v35;
	v20 =	vmul.f32 v20, v37;
	v35 =	vld [tilespmem:s4+$0x10400]  }
0x555: {  	v10 =	vadd.f32 v13, v10;
	[tilespmem:s0+$0x10C00] =	vst v29;
	s0 =	smov.u32 s2;
	s2 =	smov.u32 s4;
	v22 =	vmul.f32 v63, v22;
	v63 =	vmov v24;
	v24 =	vld [tilespmem:$0x1FE90]  }
0x556: {  	v12 =	vadd.f32 $0.0e+00, v42;
	v42 =	vld [tilespmem:s2+$0x10480];
	v20 =	vadd.f32 $0.0e+00, v20;
	v23 =	vmul.f32 v30, v23  }
0x557: {  	v10 =	vadd.f32 v25, v10;
	v29 =	vmul.f32 v32, v43;
	v15 =	vadd.f32 v6, v15  }
0x558: {  	v6 =	vmovc v16;
	v32 =	vmul.f32 v19, v47;
	v13 =	vmul.f32 v19, v48;
	v19 =	vld [tilespmem:s2+$0x10500];
	v16 =	vadd.f32 v23, v20  }
0x559: {  	v10 =	vadd.f32 v21, v10;
	v15 =	vadd.f32 v27, v15  }
0x55a: {  	v24 =	vmul.f32 v30, v24;
	v9 =	vadd.f32 v9, v16  }
0x55b: {  	v10 =	vadd.f32 v11, v10;
	v15 =	vadd.f32 v22, v15;
	v25 =	vmul.f32 v42, v52  }
0x55c: {  	v27 =	vmul.f32 v42, v54;
	v12 =	vadd.f32 v24, v12;
	v16 =	vadd.f32 v28, v9  }
0x55d: {  	v42 =	vmul.f32 v19, v55;
	v11 =	vmul.f32 v19, v58;
	v19 =	vadd.f32 v26, v15  }
0x55e: {  	v24 =	vmul.f32 v35, v50;
	v12 =	vadd.f32 v18, v12;
	v13 =	vadd.f32 v13, v16  }
0x55f: {  	v19 =	vadd.f32 v62, v19  }
0x560: {  	v9 =	vld [tilespmem:s2+$0x10A00];
	v12 =	vadd.f32 v29, v12;
	v13 =	vadd.f32 v24, v13  }
0x561: {  	v15 =	vld [tilespmem:s2+$0x10680];
	v26 =	vadd.f32 v33, v19  }
0x562: {  	v23 =	vmul.f32 v35, v49;
	v12 =	vadd.f32 v32, v12;
	v19 =	vadd.f32 v27, v13;
	v13 =	vld [tilespmem:$0x1FD50]  }
0x563: {  	v18 =	vld [tilespmem:s2+$0x10580]  }
0x564: {  	v16 =	vld [tilespmem:$0x1FD60];
	v12 =	vadd.f32 v23, v12  }
0x565: {  	v29 =	vld [tilespmem:s2+$0x10600]  }
0x566: {  	v25 =	vadd.f32 v25, v12;
	v12 =	vld [tilespmem:$0x1FE40]  }
0x567: {  	p1 =	sne.s32 s3, $0x1C0;
	v17 =	vadd.f32 v17, v10;
	v62 =	vmul.f32 v9, v13;
	v13 =	vld [tilespmem:$0x1FE50]  }
.Ltmp10:
0x568: {  	v22 =	vld [tilespmem:s2+$0x10780];
	(pc) =	sbr.rel @p1 .LBB2_21-.Ltmp10, $4  }
0x569: {  	v35 =	vld [tilespmem:$0x1FD00];
	v23 =	vadd.f32 v3, v17  }
0x56a: {  	v20 =	vmul.f32 v18, v59;
	v10 =	vmul.f32 v18, v38;
	v18 =	vld [tilespmem:s2+$0x10980]  }
0x56b: {  	v17 =	vld [tilespmem:s2+$0x10880];
	v21 =	vmul.f32 v29, v16;
	v24 =	vadd.f32 v14, v23;
	v23 =	vadd.f32 v34, v26  }
0x56c: {  	s3 =	sadd.s32 $0x40, s3;
	v3 =	vmovc v31;
	v16 =	vld [tilespmem:s2+$0x10700];
	v25 =	vadd.f32 v42, v25;
	v12 =	vmul.f32 v29, v12;
	v13 =	vmul.f32 v15, v13  }
0x56d: {  	v28 =	vld [tilespmem:$0x1FF30]  }
0x56e: {  	v29 =	vld [tilespmem:$0x1FF40]  }
0x56f: {  	v30 =	vld [tilespmem:$0x1FF50]  }
0x570: {  	v31 =	vld [tilespmem:$0x1FF60]  }
0x571: {  	v32 =	vld [tilespmem:$0x1FF70]  }
0x572: {  	v33 =	vld [tilespmem:$0x1FF00]  }
0x573: {  	v34 =	vld [tilespmem:$0x1FF10]  }
0x574: {  	v42 =	vmov v63;
	v63 =	vld [tilespmem:$0x1FFE0]  }
0x575: {  	v39 =	vld [tilespmem:$0x1FF20]  }
0x576: {  	v14 =	vmov v8;
	v8 =	vmov v61;
	v35 =	vld [tilespmem:$0x1FD80]  }
0x577: {  	v40 =	vmovc v7;
	v61 =	vmovc v5;
	v37 =	vmov v3;
	v26 =	vimm.f32 $0.0e+00;
	v27 =	vlaneseq.u32;
	v41 =	vld [tilespmem:$0x1FEC0]  }
0x578: {  	s3 =	smov.u32 s0;
	s0 =	smov.u32 s2;
	v45 =	vmovc v50;
	v51 =	vmovc v52;
	v50 =	vmov v53;
	v53 =	vmov v56;
	v56 =	vmov v60;
	v36 =	vld [tilespmem:$0x1FFF0]  }
.LBB2_23:
0x579: {  	v7 =	vld [tilespmem:$0x1FC40];
	_ =	sdelay $0x1  }
0x57a: {  	v3 =	vadd.f32 v11, v19;
	v19 =	vld [tilespmem:$0x1FC50]  }
0x57b: {  	v5 =	vadd.f32 v20, v25;
	v43 =	vld [tilespmem:$0x1FEA0]  }
0x57c: {  	v4 =	vld [tilespmem:$0x1FE20];
	v3 =	vadd.f32 v10, v3  }
0x57d: {  	v5 =	vadd.f32 v21, v5;
	v7 =	vmul.f32 v15, v7  }
0x57e: {  	v60 =	vld [tilespmem:$0x1FE00];
	v3 =	vadd.f32 v12, v3  }
0x57f: {  	v11 =	vld [tilespmem:$0x1FEB0];
	v5 =	vadd.f32 v7, v5;
	v7 =	vmul.f32 v16, v19  }
0x580: {  	v3 =	vadd.f32 v13, v3;
	v13 =	vld [tilespmem:$0x1FE30]  }
0x581: {  	v10 =	vmul.f32 v16, v43;
	v52 =	vmul.f32 v22, v4;
	v5 =	vadd.f32 v7, v5;
	_ =	sdelay $0x1  }
0x582: {  	v3 =	vadd.f32 v10, v3;
	v7 =	vmul.f32 v22, v60;
	v5 =	vadd.f32 v52, v5  }
0x583: {  	v12 =	vmul.f32 v61, v11  }
0x584: {  	v3 =	vadd.f32 v7, v3;
	v15 =	vmul.f32 v17, v13;
	v5 =	vadd.f32 v6, v5  }
0x585: {  	v16 =	vmul.f32 v17, v35  }
0x586: {  	v17 =	vmul.f32 v42, v41;
	v3 =	vadd.f32 v12, v3;
	v5 =	vadd.f32 v15, v5;
	_ =	sdelay $0x1  }
0x587: {  	v19 =	vmul.f32 v18, v56;
	v3 =	vadd.f32 v16, v3;
	v5 =	vadd.f32 v17, v5  }
0x588: {  	v60 =	vmov v56;
	v56 =	vmov v53;
	v42 =	vmul.f32 v1, v53;
	v53 =	vld [tilespmem:$0x1FEE0]  }
0x589: {  	v35 =	vmul.f32 v18, v46;
	v3 =	vadd.f32 v37, v3;
	v5 =	vadd.f32 v19, v5;
	_ =	sdelay $0x1  }
0x58a: {  	v37 =	vmul.f32 v9, v57;
	v3 =	vadd.f32 v35, v3;
	v5 =	vadd.f32 v62, v5  }
0x58b: {  	v0 =	vadd.f32 @p0 v0, v24  }
0x58c: {  	v52 =	vadd.f32 v37, v3;
	v3 =	vmul.f32 v40, v53;
	v5 =	vadd.f32 v42, v5  }
0x58d: {  	v0 =	vadd.f32 @p0 v2, v0;
	v43 =	vmul.f32 v1, v50  }
0x58e: {  	v3 =	vadd.f32 v3, v5;
	v5 =	vld [tilespmem:$0x1FEF0]  }
0x58f: {  	v0 =	vadd.f32 @p0 v14, v0;
	v1 =	vadd.f32 v43, v52  }
0x590: {  	v2 =	vmul.f32 @p0 $4.999999890e-03, v23  }
0x591: {  	v0 =	vmul.f32 @p0 $4.999999890e-03, v0;
	v1 =	vadd.f32 v8, v1  }
0x592: {  	v2 =	vadd.f32 @p0 v2, v44;
	v3 =	vmul.f32 $4.999999890e-03, v3  }
0x593: {  	v1 =	vmul.f32 $4.999999890e-03, v1;
	v0 =	vadd.f32 @p0 v0, v5  }
0x594: {  	[tilespmem:s3+$0x10B80] =	vst @p0 v2;
	v61 =	vadd.f32 v3, v44  }
0x595: {  	v62 =	vadd.f32 v1, v5;
	[tilespmem:s3+$0x10C00] =	vst @p0 v0  }
0x596: {  	[tilespmem:s0+$0x10B80] =	vst v61  }
0x597: {  	s2 =	rddreg [dreg:$0xc];
	[tilespmem:s0+$0x10C00] =	vst v62;
	s0 =	simm.s32 $0x0  }
0x598: {  	[hbm4b:s2+s0] =	stream.linear.scatter [tilespmem:s11], [sflag:$0x3], $0x100, $0x38;
	[tilespmem:$0x10C80] =	vst v63  }
0x599: {  	_ =	swait.ge [sflag:s9], $0x100  }
0x59a: {  	[sflag:s9] =	ssyncset.done $0x0  }
0x59b: {  	[sflag:s9] =	ssyncadd.s32 $0xFFFFFF00  }
0x59c: {  	_ =	swait.ge [sflag:s12], $0x8000  }
0x59d: {  	v21 =	vld [tilespmem:$0x1FF80]  }
0x59e: {  	v22 =	vld [tilespmem:$0x1FF90]  }
0x59f: {  	v23 =	vld [tilespmem:$0x1FFA0]  }
0x5a0: {  	v24 =	vld [tilespmem:$0x1FFB0]  }
0x5a1: {  	v25 =	vld [tilespmem:$0x1FFC0]  }
0x5a2: {  	v35 =	vld [tilespmem:$0x1FFD0]  }
0x5a3: {  	[sflag:s12] =	ssyncset.done $0x0;
	v37 =	vld [tilespmem:$0x1FE90]  }
0x5a4: {  	s3 =	simm.s32 $0x40;
	s2 =	simm.s32 $0x0;
	v40 =	vld [tilespmem:$0x1FD20];
	[sflag:s12] =	ssyncadd.s32 $0xFFFF8000  }
.LBB2_24:
0x5a5: {  	p0 =	sne.s32 s3, $0x27C0;
	[tilespmem:s2+$0x10180] =	vst v26;
	s2 =	smov.u32 s3;
	s3 =	sadd.s32 $0x40, s3  }
.Ltmp11:
0x5a6: {  	(pc) =	sbr.rel @p0 .LBB2_24-.Ltmp11, $2  }
0x5a7: {  	_ =	sdelay $0x2  }
0x5a8: {  	s2 =	sshra.s32 s2, $0x2  }
0x5a9: {  	v0 =	vadd.s32 s0, v27  }
0x5aa: {  	v1 =	vadd.s32 s0, v28;
	vm0 =	vgt.u32 v0, $0xC7  }
0x5ab: {  	v0 =	vsel vm0, v1, v0  }
0x5ac: {  	v1 =	vshll.u32 v0, $0x3  }
0x5ad: {  	v0 =	vand.u32 $0x7F, v0;
	v1 =	vand.u32 $0xFFFFFC00, v1  }
0x5ae: {  	v5 =	vor.u32 v0, v1  }
0x5af: {  	v0 =	vadd.s32 v29, v5;
	_ =	sdelay $0x3  }
0x5b0: {  	[tilespmem:s2+$0x10180] =	vst v26  }
0x5b1: {  	v0 =	vld.idx.msk [tilespmem:v0+s19+$0x0], $0xffff;
	_ =	sdelay $0x2  }
0x5b2: {  	s24 =	simm.s32 $0x1  }
0x5b3: {  	v1 =	vadd.s32 s24, v27  }
0x5b4: {  	v2 =	vadd.s32 s24, v28;
	vm9 =	vgt.u32 v1, $0xC7;
	v0 =	vshll.u32 v0, $0x7  }
0x5b5: {  	v1 =	vsel vm9, v2, v1;
	v0 =	vor.u32 v27, v0  }
0x5b6: {  	v6 =	vadd.s32 v30, v5;
	v2 =	vshll.u32 v1, $0x3  }
0x5b7: {  	v1 =	vand.u32 $0x7F, v1;
	v2 =	vand.u32 $0xFFFFFC00, v2  }
0x5b8: {  	v3 =	vor.u32 v1, v2  }
0x5b9: {  	v4 =	vimm.f32 $1.000000000e+00;
	v1 =	vadd.s32 v29, v3  }
0x5ba: {  	[tilespmem:v0+s21+$0x0] =	vst.idx.add.f32.msk $0xffff, v4  }
0x5bb: {  	v0 =	vld.idx.msk [tilespmem:v6+s19+$0x0], $0xffff;
	_ =	sdelay $0x2  }
0x5bc: {  	v1 =	vld.idx.msk [tilespmem:v1+s19+$0x0], $0xffff;
	_ =	sdelay $0x1  }
0x5bd: {  	v0 =	vshll.u32 v0, $0x7  }
0x5be: {  	s25 =	simm.s32 $0x2;
	v0 =	vor.u32 v31, v0  }
0x5bf: {  	v2 =	vadd.s32 v32, v5;
	v6 =	vadd.s32 s25, v27  }
0x5c0: {  	v7 =	vadd.s32 s25, v28;
	v1 =	vshll.u32 v1, $0x7;
	vm10 =	vgt.u32 v6, $0xC7  }
0x5c1: {  	v1 =	vor.u32 v27, v1;
	v6 =	vsel vm10, v7, v6  }
0x5c2: {  	v8 =	vadd.s32 v30, v3;
	v7 =	vshll.u32 v6, $0x3  }
0x5c3: {  	v6 =	vand.u32 $0x7F, v6;
	v7 =	vand.u32 $0xFFFFFC00, v7;
	[tilespmem:v0+s21+$0x0] =	vst.idx.add.f32.msk $0xffff, v4  }
0x5c4: {  	v61 =	vor.u32 v6, v7;
	v0 =	vld.idx.msk [tilespmem:v2+s19+$0x0], $0xffff  }
0x5c5: {  	v2 =	vadd.s32 v29, v61  }
0x5c6: {  	[tilespmem:v1+s21+$0x0] =	vst.idx.add.f32.msk $0xffff, v4  }
0x5c7: {  	v1 =	vld.idx.msk [tilespmem:v8+s19+$0x0], $0xffff;
	_ =	sdelay $0x1  }
0x5c8: {  	v0 =	vshll.u32 v0, $0x7  }
0x5c9: {  	v2 =	vld.idx.msk [tilespmem:v2+s19+$0x0], $0xffff;
	v0 =	vor.u32 v33, v0  }
0x5ca: {  	v6 =	vadd.s32 v34, v5  }
0x5cb: {  	s26 =	simm.s32 $0x3;
	v1 =	vshll.u32 v1, $0x7  }
0x5cc: {  	v7 =	vadd.s32 s26, v27;
	v1 =	vor.u32 v31, v1  }
0x5cd: {  	v9 =	vadd.s32 s26, v28;
	v8 =	vadd.s32 v32, v3;
	vm11 =	vgt.u32 v7, $0xC7  }
0x5ce: {  	v2 =	vshll.u32 v2, $0x7;
	[tilespmem:v0+s21+$0x0] =	vst.idx.add.f32.msk $0xffff, v4;
	v0 =	vsel vm11, v9, v7  }
0x5cf: {  	v2 =	vor.u32 v27, v2;
	v6 =	vld.idx.msk [tilespmem:v6+s19+$0x0], $0xffff;
	v7 =	vshll.u32 v0, $0x3  }
0x5d0: {  	v9 =	vadd.s32 v30, v61;
	v0 =	vand.u32 $0x7F, v0;
	v7 =	vand.u32 $0xFFFFFC00, v7  }
0x5d1: {  	[tilespmem:v1+s21+$0x0] =	vst.idx.add.f32.msk $0xffff, v4;
	v62 =	vor.u32 v0, v7  }
0x5d2: {  	v0 =	vld.idx.msk [tilespmem:v8+s19+$0x0], $0xffff;
	v1 =	vadd.s32 v29, v62;
	_ =	sdelay $0x1  }
0x5d3: {  	[tilespmem:v2+s21+$0x0] =	vst.idx.add.f32.msk $0xffff, v4;
	v2 =	vshll.u32 v6, $0x7  }
0x5d4: {  	v6 =	vld.idx.msk [tilespmem:v9+s19+$0x0], $0xffff;
	v2 =	vor.u32 v21, v2  }
0x5d5: {  	v7 =	vadd.s32 v22, v5  }
0x5d6: {  	v0 =	vshll.u32 v0, $0x7;
	v1 =	vld.idx.msk [tilespmem:v1+s19+$0x0], $0xffff  }
0x5d7: {  	v0 =	vor.u32 v33, v0  }
0x5d8: {  	s28 =	simm.s32 $0x4;
	v8 =	vadd.s32 v34, v3  }
0x5d9: {  	v6 =	vshll.u32 v6, $0x7;
	[tilespmem:v2+s21+$0x0] =	vst.idx.add.f32.msk $0xffff, v4;
	v2 =	vadd.s32 s28, v27  }
0x5da: {  	v9 =	vadd.s32 s28, v28;
	v6 =	vor.u32 v31, v6;
	v7 =	vld.idx.msk [tilespmem:v7+s19+$0x0], $0xffff;
	vm12 =	vgt.u32 v2, $0xC7  }
0x5db: {  	v10 =	vadd.s32 v32, v61;
	v1 =	vshll.u32 v1, $0x7;
	v2 =	vsel vm12, v9, v2  }
0x5dc: {  	[tilespmem:v0+s21+$0x0] =	vst.idx.add.f32.msk $0xffff, v4;
	v1 =	vor.u32 v27, v1;
	v0 =	vshll.u32 v2, $0x3  }
0x5dd: {  	v9 =	vadd.s32 v30, v62;
	v8 =	vld.idx.msk [tilespmem:v8+s19+$0x0], $0xffff;
	v2 =	vand.u32 $0x7F, v2;
	v0 =	vand.u32 $0xFFFFFC00, v0  }
0x5de: {  	v0 =	vor.u32 v2, v0  }
0x5df: {  	[tilespmem:v6+s21+$0x0] =	vst.idx.add.f32.msk $0xffff, v4;
	v2 =	vadd.s32 v29, v0;
	v6 =	vshll.u32 v7, $0x7  }
0x5e0: {  	v7 =	vld.idx.msk [tilespmem:v10+s19+$0x0], $0xffff;
	v6 =	vor.u32 v23, v6  }
0x5e1: {  	[tilespmem:v1+s21+$0x0] =	vst.idx.add.f32.msk $0xffff, v4;
	v1 =	vadd.s32 v24, v5  }
0x5e2: {  	v8 =	vshll.u32 v8, $0x7;
	v9 =	vld.idx.msk [tilespmem:v9+s19+$0x0], $0xffff  }
0x5e3: {  	v8 =	vor.u32 v21, v8  }
0x5e4: {  	v10 =	vadd.s32 v22, v3;
	v2 =	vld.idx.msk [tilespmem:v2+s19+$0x0], $0xffff  }
0x5e5: {  	v7 =	vshll.u32 v7, $0x7;
	[tilespmem:v6+s21+$0x0] =	vst.idx.add.f32.msk $0xffff, v4  }
0x5e6: {  	v6 =	vor.u32 v33, v7;
	v1 =	vld.idx.msk [tilespmem:v1+s19+$0x0], $0xffff  }
0x5e7: {  	s29 =	simm.s32 $0x5;
	v7 =	vadd.s32 v34, v61;
	v9 =	vshll.u32 v9, $0x7  }
0x5e8: {  	v12 =	vadd.s32 s29, v28;
	[tilespmem:v8+s21+$0x0] =	vst.idx.add.f32.msk $0xffff, v4;
	v8 =	vor.u32 v31, v9;
	v9 =	vadd.s32 s29, v27  }
0x5e9: {  	v11 =	vadd.s32 v32, v62;
	v10 =	vld.idx.msk [tilespmem:v10+s19+$0x0], $0xffff;
	vm13 =	vgt.u32 v9, $0xC7;
	v2 =	vshll.u32 v2, $0x7  }
0x5ea: {  	v9 =	vsel vm13, v12, v9;
	v2 =	vor.u32 v27, v2  }
0x5eb: {  	[tilespmem:v6+s21+$0x0] =	vst.idx.add.f32.msk $0xffff, v4;
	v12 =	vadd.s32 v30, v0;
	v6 =	vshll.u32 v9, $0x3;
	v1 =	vshll.u32 v1, $0x7  }
0x5ec: {  	v7 =	vld.idx.msk [tilespmem:v7+s19+$0x0], $0xffff;
	v9 =	vand.u32 $0x7F, v9;
	v6 =	vand.u32 $0xFFFFFC00, v6;
	v13 =	vor.u32 v25, v1  }
0x5ed: {  	[tilespmem:v8+s21+$0x0] =	vst.idx.add.f32.msk $0xffff, v4;
	v1 =	vor.u32 v9, v6;
	v6 =	vadd.s32 v35, v5  }
0x5ee: {  	v10 =	vshll.u32 v10, $0x7;
	v8 =	vld.idx.msk [tilespmem:v11+s19+$0x0], $0xffff;
	v9 =	vadd.s32 v29, v1  }
0x5ef: {  	[tilespmem:v2+s21+$0x0] =	vst.idx.add.f32.msk $0xffff, v4;
	v2 =	vor.u32 v23, v10  }
0x5f0: {  	v11 =	vadd.s32 v24, v3;
	v10 =	vld.idx.msk [tilespmem:v12+s19+$0x0], $0xffff  }
0x5f1: {  	v7 =	vshll.u32 v7, $0x7;
	[tilespmem:v13+s21+$0x0] =	vst.idx.add.f32.msk $0xffff, v4  }
0x5f2: {  	v7 =	vor.u32 v21, v7;
	v6 =	vld.idx.msk [tilespmem:v6+s19+$0x0], $0xffff  }
0x5f3: {  	v12 =	vadd.s32 v22, v61;
	v9 =	vld.idx.msk [tilespmem:v9+s19+$0x0], $0xffff;
	v8 =	vshll.u32 v8, $0x7  }
0x5f4: {  	v8 =	vor.u32 v33, v8;
	[tilespmem:v2+s21+$0x0] =	vst.idx.add.f32.msk $0xffff, v4  }
0x5f5: {  	s30 =	simm.s32 $0x6;
	v2 =	vadd.s32 v34, v62;
	v11 =	vld.idx.msk [tilespmem:v11+s19+$0x0], $0xffff;
	v10 =	vshll.u32 v10, $0x7  }
0x5f6: {  	v14 =	vadd.s32 s30, v28;
	v10 =	vor.u32 v31, v10  }
0x5f7: {  	v13 =	vadd.s32 v32, v0;
	[tilespmem:v7+s21+$0x0] =	vst.idx.add.f32.msk $0xffff, v4;
	v7 =	vadd.s32 s30, v27;
	v6 =	vshll.u32 v6, $0x7  }
0x5f8: {  	v12 =	vld.idx.msk [tilespmem:v12+s19+$0x0], $0xffff;
	vm14 =	vgt.u32 v7, $0xC7;
	v9 =	vshll.u32 v9, $0x7;
	v6 =	vor.u32 v63, v6  }
0x5f9: {  	v7 =	vsel vm14, v14, v7;
	[tilespmem:v8+s21+$0x0] =	vst.idx.add.f32.msk $0xffff, v4;
	v8 =	vor.u32 v27, v9  }
0x5fa: {  	v14 =	vadd.s32 v30, v1;
	v9 =	vld.idx.msk [tilespmem:v2+s19+$0x0], $0xffff;
	v2 =	vshll.u32 v7, $0x3;
	v11 =	vshll.u32 v11, $0x7  }
0x5fb: {  	v7 =	vand.u32 $0x7F, v7;
	v2 =	vand.u32 $0xFFFFFC00, v2;
	[tilespmem:v10+s21+$0x0] =	vst.idx.add.f32.msk $0xffff, v4;
	v10 =	vor.u32 v25, v11  }
0x5fc: {  	v11 =	vadd.s32 v35, v3;
	v2 =	vor.u32 v7, v2;
	v7 =	vld.idx.msk [tilespmem:v13+s19+$0x0], $0xffff  }
0x5fd: {  	v12 =	vshll.u32 v12, $0x7;
	v13 =	vadd.s32 v29, v2;
	[tilespmem:v6+s21+$0x0] =	vst.idx.add.f32.msk $0xffff, v4  }
0x5fe: {  	v6 =	vor.u32 v23, v12;
	[tilespmem:v8+s21+$0x0] =	vst.idx.add.f32.msk $0xffff, v4  }
0x5ff: {  	v12 =	vadd.s32 v24, v61;
	v8 =	vld.idx.msk [tilespmem:v14+s19+$0x0], $0xffff;
	v9 =	vshll.u32 v9, $0x7  }
0x600: {  	v9 =	vor.u32 v21, v9;
	[tilespmem:v10+s21+$0x0] =	vst.idx.add.f32.msk $0xffff, v4  }
0x601: {  	v10 =	vadd.s32 v22, v62;
	v11 =	vld.idx.msk [tilespmem:v11+s19+$0x0], $0xffff;
	v7 =	vshll.u32 v7, $0x7  }
0x602: {  	v13 =	vld.idx.msk [tilespmem:v13+s19+$0x0], $0xffff;
	v7 =	vor.u32 v33, v7  }
0x603: {  	v5 =	vadd.s32 v39, v5;
	[tilespmem:v6+s21+$0x0] =	vst.idx.add.f32.msk $0xffff, v4  }
0x604: {  	s31 =	simm.s32 $0x7;
	v6 =	vadd.s32 v34, v0;
	v12 =	vld.idx.msk [tilespmem:v12+s19+$0x0], $0xffff;
	v8 =	vshll.u32 v8, $0x7  }
0x605: {  	v15 =	vadd.s32 s31, v28;
	[tilespmem:v9+s21+$0x0] =	vst.idx.add.f32.msk $0xffff, v4;
	v8 =	vor.u32 v31, v8  }
0x606: {  	v14 =	vadd.s32 v32, v1;
	v9 =	vld.idx.msk [tilespmem:v10+s19+$0x0], $0xffff;
	v10 =	vadd.s32 s31, v27;
	v11 =	vshll.u32 v11, $0x7  }
0x607: {  	vm15 =	vgt.u32 v10, $0xC7;
	v13 =	vshll.u32 v13, $0x7;
	[tilespmem:v7+s21+$0x0] =	vst.idx.add.f32.msk $0xffff, v4;
	v7 =	vor.u32 v63, v11  }
0x608: {  	v16 =	vld.idx.msk [tilespmem:v5+s19+$0x0], $0xffff;
	v10 =	vsel vm15, v15, v10;
	v11 =	vor.u32 v27, v13  }
0x609: {  	v6 =	vld.idx.msk [tilespmem:v6+s19+$0x0], $0xffff;
	v15 =	vadd.s32 v30, v2;
	v12 =	vshll.u32 v12, $0x7;
	v13 =	vshll.u32 v10, $0x3  }
0x60a: {  	v5 =	vand.u32 $0x7F, v10;
	v10 =	vand.u32 $0xFFFFFC00, v13;
	[tilespmem:v8+s21+$0x0] =	vst.idx.add.f32.msk $0xffff, v4;
	v8 =	vor.u32 v25, v12  }
0x60b: {  	v5 =	vor.u32 v5, v10;
	v12 =	vld.idx.msk [tilespmem:v14+s19+$0x0], $0xffff;
	v10 =	vadd.s32 v35, v61  }
0x60c: {  	v9 =	vshll.u32 v9, $0x7;
	v13 =	vadd.s32 v29, v5;
	[tilespmem:v7+s21+$0x0] =	vst.idx.add.f32.msk $0xffff, v4  }
0x60d: {  	[tilespmem:v11+s21+$0x0] =	vst.idx.add.f32.msk $0xffff, v4;
	v11 =	vor.u32 v23, v9  }
0x60e: {  	v17 =	vadd.s32 v24, v62;
	v6 =	vshll.u32 v6, $0x7;
	v15 =	vld.idx.msk [tilespmem:v15+s19+$0x0], $0xffff  }
0x60f: {  	v18 =	vor.u32 v21, v6;
	[tilespmem:v8+s21+$0x0] =	vst.idx.add.f32.msk $0xffff, v4  }
0x610: {  	v19 =	vadd.s32 v22, v0;
	v7 =	vld.idx.msk [tilespmem:v10+s19+$0x0], $0xffff  }
0x611: {  	v6 =	vshll.u32 v16, $0x7;
	v14 =	vld.idx.msk [tilespmem:v13+s19+$0x0], $0xffff  }
0x612: {  	v6 =	vor.u32 v36, v6;
	[tilespmem:v11+s21+$0x0] =	vst.idx.add.f32.msk $0xffff, v4;
	v11 =	vshll.u32 v12, $0x7  }
0x613: {  	v8 =	vld.idx.msk [tilespmem:v17+s19+$0x0], $0xffff;
	v12 =	vor.u32 v33, v11  }
0x614: {  	v13 =	vadd.s32 v34, v1;
	v11 =	vshll.u32 v15, $0x7;
	[tilespmem:v18+s21+$0x0] =	vst.idx.add.f32.msk $0xffff, v4  }
0x615: {  	v3 =	vadd.s32 v39, v3;
	v15 =	vor.u32 v31, v11;
	v11 =	vld.idx.msk [tilespmem:v19+s19+$0x0], $0xffff  }
0x616: {  	v53 =	vmovc v50;
	v43 =	vmov v41;
	s0 =	simm.s32 $0x8;
	v9 =	vadd.s32 v32, v2;
	v10 =	vadd.s32 v32, v5;
	v41 =	vld [tilespmem:$0x1FCB0]  }
.LBB2_26:
0x617: {  	v16 =	vadd.s32 s0, v27;
	v17 =	vadd.s32 s0, v28;
	p0 =	sne.s32 s0, $0xC7;
	s0 =	sadd.s32 $0x1, s0;
	v7 =	vshll.u32 v7, $0x7;
	[tilespmem:v6+s21+$0x0] =	vst.idx.add.f32.msk $0xffff, v4  }
0x618: {  	v6 =	vshll.u32 v14, $0x7;
	vm0 =	vgt.u32 v16, $0xC7;
	[tilespmem:v12+s21+$0x0] =	vst.idx.add.f32.msk $0xffff, v4;
	v7 =	vor.u32 v63, v7  }
0x619: {  	v6 =	vor.u32 v27, v6;
	v12 =	vsel vm0, v17, v16;
	v13 =	vld.idx.msk [tilespmem:v13+s19+$0x0], $0xffff  }
0x61a: {  	v16 =	vadd.s32 v30, v5;
	v8 =	vshll.u32 v8, $0x7;
	v14 =	vshll.u32 v12, $0x3;
	v3 =	vld.idx.msk [tilespmem:v3+s19+$0x0], $0xffff  }
0x61b: {  	v12 =	vand.u32 $0x7F, v12;
	v8 =	vor.u32 v25, v8;
	v14 =	vand.u32 $0xFFFFFC00, v14;
	[tilespmem:v15+s21+$0x0] =	vst.idx.add.f32.msk $0xffff, v4  }
0x61c: {  	v17 =	vor.u32 v12, v14;
	v12 =	vld.idx.msk [tilespmem:v9+s19+$0x0], $0xffff;
	v14 =	vadd.s32 v35, v62;
	v9 =	vmov v10  }
0x61d: {  	v11 =	vshll.u32 v11, $0x7;
	v15 =	vadd.s32 v29, v17;
	v10 =	vadd.s32 v32, v17;
	[tilespmem:v7+s21+$0x0] =	vst.idx.add.f32.msk $0xffff, v4  }
0x61e: {  	v11 =	vor.u32 v23, v11;
	[tilespmem:v6+s21+$0x0] =	vst.idx.add.f32.msk $0xffff, v4  }
0x61f: {  	v18 =	vadd.s32 v24, v0;
	v6 =	vshll.u32 v13, $0x7;
	v16 =	vld.idx.msk [tilespmem:v16+s19+$0x0], $0xffff  }
0x620: {  	v19 =	vor.u32 v21, v6;
	v3 =	vshll.u32 v3, $0x7;
	[tilespmem:v8+s21+$0x0] =	vst.idx.add.f32.msk $0xffff, v4  }
0x621: {  	v20 =	vadd.s32 v22, v1;
	v7 =	vld.idx.msk [tilespmem:v14+s19+$0x0], $0xffff  }
.Ltmp12:
0x622: {  	v6 =	vor.u32 v36, v3;
	v8 =	vshll.u32 v12, $0x7;
	v14 =	vld.idx.msk [tilespmem:v15+s19+$0x0], $0xffff;
	(pc) =	sbr.rel @p0 .LBB2_26-.Ltmp12, $4  }
0x623: {  	v12 =	vor.u32 v33, v8;
	[tilespmem:v11+s21+$0x0] =	vst.idx.add.f32.msk $0xffff, v4  }
0x624: {  	v13 =	vadd.s32 v34, v2;
	v8 =	vld.idx.msk [tilespmem:v18+s19+$0x0], $0xffff  }
0x625: {  	v3 =	vadd.s32 v39, v61;
	v61 =	vmovc v62;
	v62 =	vmov v0;
	v11 =	vshll.u32 v16, $0x7;
	[tilespmem:v19+s21+$0x0] =	vst.idx.add.f32.msk $0xffff, v4  }
0x626: {  	v0 =	vmovc v1;
	v1 =	vmovc v2;
	v2 =	vmov v5;
	v5 =	vmov v17;
	v15 =	vor.u32 v31, v11;
	v11 =	vld.idx.msk [tilespmem:v20+s19+$0x0], $0xffff  }
0x627: {  	v14 =	vshll.u32 v14, $0x7  }
0x628: {  	v14 =	vor.u32 v27, v14  }
0x629: {  	v16 =	vadd.s32 v30, v5;
	_ =	sdelay $0x3  }
0x62a: {  	[tilespmem:v14+s21+$0x0] =	vst.idx.add.f32.msk $0xffff, v4  }
0x62b: {  	v14 =	vld.idx.msk [tilespmem:v16+s19+$0x0], $0xffff;
	_ =	sdelay $0x4  }
0x62c: {  	v14 =	vshll.u32 v14, $0x7  }
0x62d: {  	v14 =	vor.u32 v31, v14;
	_ =	sdelay $0x2  }
0x62e: {  	[tilespmem:v15+s21+$0x0] =	vst.idx.add.f32.msk $0xffff, v4  }
0x62f: {  	v9 =	vld.idx.msk [tilespmem:v9+s19+$0x0], $0xffff  }
0x630: {  	[tilespmem:v14+s21+$0x0] =	vst.idx.add.f32.msk $0xffff, v4  }
0x631: {  	v10 =	vld.idx.msk [tilespmem:v10+s19+$0x0], $0xffff;
	_ =	sdelay $0x2  }
0x632: {  	v9 =	vshll.u32 v9, $0x7  }
0x633: {  	v9 =	vor.u32 v33, v9  }
0x634: {  	v14 =	vadd.s32 v34, v2;
	v10 =	vshll.u32 v10, $0x7  }
0x635: {  	v10 =	vor.u32 v33, v10  }
0x636: {  	[tilespmem:v12+s21+$0x0] =	vst.idx.add.f32.msk $0xffff, v4;
	v12 =	vadd.s32 v34, v5  }
0x637: {  	v13 =	vld.idx.msk [tilespmem:v13+s19+$0x0], $0xffff  }
0x638: {  	[tilespmem:v9+s21+$0x0] =	vst.idx.add.f32.msk $0xffff, v4  }
0x639: {  	v9 =	vld.idx.msk [tilespmem:v14+s19+$0x0], $0xffff  }
0x63a: {  	[tilespmem:v10+s21+$0x0] =	vst.idx.add.f32.msk $0xffff, v4  }
0x63b: {  	v10 =	vld.idx.msk [tilespmem:v12+s19+$0x0], $0xffff  }
0x63c: {  	v12 =	vshll.u32 v13, $0x7  }
0x63d: {  	v12 =	vor.u32 v21, v12  }
0x63e: {  	v9 =	vshll.u32 v9, $0x7;
	v13 =	vadd.s32 v22, v1  }
0x63f: {  	v9 =	vor.u32 v21, v9  }
0x640: {  	v14 =	vadd.s32 v22, v2;
	v10 =	vshll.u32 v10, $0x7  }
0x641: {  	v10 =	vor.u32 v21, v10  }
0x642: {  	[tilespmem:v12+s21+$0x0] =	vst.idx.add.f32.msk $0xffff, v4;
	v12 =	vadd.s32 v22, v5  }
0x643: {  	v13 =	vld.idx.msk [tilespmem:v13+s19+$0x0], $0xffff  }
0x644: {  	[tilespmem:v9+s21+$0x0] =	vst.idx.add.f32.msk $0xffff, v4  }
0x645: {  	v9 =	vld.idx.msk [tilespmem:v14+s19+$0x0], $0xffff  }
0x646: {  	v11 =	vshll.u32 v11, $0x7;
	[tilespmem:v10+s21+$0x0] =	vst.idx.add.f32.msk $0xffff, v4  }
0x647: {  	v10 =	vor.u32 v23, v11;
	v11 =	vld.idx.msk [tilespmem:v12+s19+$0x0], $0xffff  }
0x648: {  	v12 =	vadd.s32 v24, v0;
	v13 =	vshll.u32 v13, $0x7  }
0x649: {  	v13 =	vor.u32 v23, v13  }
0x64a: {  	v14 =	vadd.s32 v24, v1;
	v9 =	vshll.u32 v9, $0x7  }
0x64b: {  	v9 =	vor.u32 v23, v9  }
0x64c: {  	[tilespmem:v10+s21+$0x0] =	vst.idx.add.f32.msk $0xffff, v4;
	v10 =	vadd.s32 v24, v2;
	v11 =	vshll.u32 v11, $0x7  }
0x64d: {  	v12 =	vld.idx.msk [tilespmem:v12+s19+$0x0], $0xffff;
	v11 =	vor.u32 v23, v11  }
0x64e: {  	[tilespmem:v13+s21+$0x0] =	vst.idx.add.f32.msk $0xffff, v4;
	v13 =	vadd.s32 v24, v5  }
0x64f: {  	v14 =	vld.idx.msk [tilespmem:v14+s19+$0x0], $0xffff  }
0x650: {  	v8 =	vshll.u32 v8, $0x7;
	[tilespmem:v9+s21+$0x0] =	vst.idx.add.f32.msk $0xffff, v4  }
0x651: {  	v8 =	vor.u32 v25, v8;
	v9 =	vld.idx.msk [tilespmem:v10+s19+$0x0], $0xffff  }
0x652: {  	v10 =	vadd.s32 v35, v62;
	v12 =	vshll.u32 v12, $0x7;
	[tilespmem:v11+s21+$0x0] =	vst.idx.add.f32.msk $0xffff, v4  }
0x653: {  	v11 =	vor.u32 v25, v12;
	v12 =	vld.idx.msk [tilespmem:v13+s19+$0x0], $0xffff  }
0x654: {  	v13 =	vadd.s32 v35, v0;
	v14 =	vshll.u32 v14, $0x7  }
0x655: {  	v3 =	vld.idx.msk [tilespmem:v3+s19+$0x0], $0xffff;
	v14 =	vor.u32 v25, v14  }
0x656: {  	[tilespmem:v8+s21+$0x0] =	vst.idx.add.f32.msk $0xffff, v4;
	v8 =	vadd.s32 v35, v1;
	v9 =	vshll.u32 v9, $0x7  }
0x657: {  	v10 =	vld.idx.msk [tilespmem:v10+s19+$0x0], $0xffff;
	v9 =	vor.u32 v25, v9  }
0x658: {  	[tilespmem:v11+s21+$0x0] =	vst.idx.add.f32.msk $0xffff, v4;
	v11 =	vadd.s32 v35, v2;
	v12 =	vshll.u32 v12, $0x7  }
0x659: {  	v13 =	vld.idx.msk [tilespmem:v13+s19+$0x0], $0xffff;
	v12 =	vor.u32 v25, v12  }
0x65a: {  	v7 =	vshll.u32 v7, $0x7;
	[tilespmem:v14+s21+$0x0] =	vst.idx.add.f32.msk $0xffff, v4;
	v14 =	vadd.s32 v35, v5  }
0x65b: {  	v7 =	vor.u32 v63, v7;
	v8 =	vld.idx.msk [tilespmem:v8+s19+$0x0], $0xffff  }
0x65c: {  	v15 =	vadd.s32 v39, v61;
	v10 =	vshll.u32 v10, $0x7;
	[tilespmem:v9+s21+$0x0] =	vst.idx.add.f32.msk $0xffff, v4  }
0x65d: {  	v9 =	vor.u32 v63, v10;
	v10 =	vld.idx.msk [tilespmem:v11+s19+$0x0], $0xffff  }
0x65e: {  	v11 =	vadd.s32 v39, v62;
	v13 =	vshll.u32 v13, $0x7;
	[tilespmem:v12+s21+$0x0] =	vst.idx.add.f32.msk $0xffff, v4  }
0x65f: {  	v12 =	vor.u32 v63, v13;
	v13 =	vld.idx.msk [tilespmem:v14+s19+$0x0], $0xffff  }
0x660: {  	[tilespmem:v7+s21+$0x0] =	vst.idx.add.f32.msk $0xffff, v4;
	v0 =	vadd.s32 v39, v0;
	v7 =	vshll.u32 v8, $0x7  }
0x661: {  	v8 =	vld.idx.msk [tilespmem:v15+s19+$0x0], $0xffff;
	v7 =	vor.u32 v63, v7  }
0x662: {  	v1 =	vadd.s32 v39, v1;
	[tilespmem:v9+s21+$0x0] =	vst.idx.add.f32.msk $0xffff, v4;
	v9 =	vshll.u32 v10, $0x7  }
0x663: {  	v10 =	vld.idx.msk [tilespmem:v11+s19+$0x0], $0xffff;
	v9 =	vor.u32 v63, v9  }
0x664: {  	v2 =	vadd.s32 v39, v2;
	[tilespmem:v12+s21+$0x0] =	vst.idx.add.f32.msk $0xffff, v4;
	v11 =	vshll.u32 v13, $0x7  }
0x665: {  	v0 =	vld.idx.msk [tilespmem:v0+s19+$0x0], $0xffff;
	v11 =	vor.u32 v63, v11  }
0x666: {  	v5 =	vadd.s32 v39, v5;
	[tilespmem:v7+s21+$0x0] =	vst.idx.add.f32.msk $0xffff, v4  }
0x667: {  	v1 =	vld.idx.msk [tilespmem:v1+s19+$0x0], $0xffff  }
0x668: {  	[tilespmem:v9+s21+$0x0] =	vst.idx.add.f32.msk $0xffff, v4  }
0x669: {  	v2 =	vld.idx.msk [tilespmem:v2+s19+$0x0], $0xffff  }
0x66a: {  	v3 =	vshll.u32 v3, $0x7;
	[tilespmem:v11+s21+$0x0] =	vst.idx.add.f32.msk $0xffff, v4  }
0x66b: {  	v3 =	vor.u32 v36, v3;
	v7 =	vshll.u32 v8, $0x7;
	v5 =	vld.idx.msk [tilespmem:v5+s19+$0x0], $0xffff  }
0x66c: {  	v7 =	vor.u32 v36, v7;
	v8 =	vshll.u32 v10, $0x7  }
0x66d: {  	v8 =	vor.u32 v36, v8;
	v0 =	vshll.u32 v0, $0x7  }
0x66e: {  	v0 =	vor.u32 v36, v0;
	v1 =	vshll.u32 v1, $0x7  }
0x66f: {  	[tilespmem:v6+s21+$0x0] =	vst.idx.add.f32.msk $0xffff, v4;
	v1 =	vor.u32 v36, v1;
	v2 =	vshll.u32 v2, $0x7  }
0x670: {  	[tilespmem:v3+s21+$0x0] =	vst.idx.add.f32.msk $0xffff, v4;
	v2 =	vor.u32 v36, v2;
	v3 =	vshll.u32 v5, $0x7  }
0x671: {  	[tilespmem:v7+s21+$0x0] =	vst.idx.add.f32.msk $0xffff, v4;
	v3 =	vor.u32 v36, v3  }
0x672: {  	[tilespmem:v8+s21+$0x0] =	vst.idx.add.f32.msk $0xffff, v4  }
0x673: {  	[tilespmem:v0+s21+$0x0] =	vst.idx.add.f32.msk $0xffff, v4  }
0x674: {  	[tilespmem:v1+s21+$0x0] =	vst.idx.add.f32.msk $0xffff, v4  }
0x675: {  	[tilespmem:v2+s21+$0x0] =	vst.idx.add.f32.msk $0xffff, v4  }
0x676: {  	s0 =	simm.s32 $0x0;
	[tilespmem:v3+s21+$0x0] =	vst.idx.add.f32.msk $0xffff, v4  }
0x677: {  	v0 =	vld [tilespmem:s0+$0x10180]  }
0x678: {  	v1 =	vld [tilespmem:s0+$0x10200]  }
0x679: {  	v2 =	vld [tilespmem:s0+$0x10280]  }
0x67a: {  	v27 =	vld [tilespmem:$0x1FD00]  }
0x67b: {  	v5 =	vld [tilespmem:s0+$0x10300]  }
0x67c: {  	v7 =	vld [tilespmem:s0+$0x10380]  }
0x67d: {  	v8 =	vld [tilespmem:s0+$0x10900]  }
0x67e: {  	v33 =	vld [tilespmem:$0x1FE80]  }
0x67f: {  	v10 =	vld [tilespmem:s0+$0x10800]  }
0x680: {  	v34 =	vld [tilespmem:$0x1FD70]  }
0x681: {  	v35 =	vld [tilespmem:$0x1FD30]  }
0x682: {  	v12 =	vld [tilespmem:s0+$0x10B00]  }
0x683: {  	v42 =	vld [tilespmem:$0x1FD10]  }
0x684: {  	v14 =	vld [tilespmem:s0+$0x10580];
	v3 =	vmul.f32 v0, v27  }
0x685: {  	v32 =	vld [tilespmem:$0x1FE70]  }
0x686: {  	v16 =	vld [tilespmem:s0+$0x10A00];
	v6 =	vmul.f32 v1, v37;
	v3 =	vadd.f32 $0.0e+00, v3  }
0x687: {  	v26 =	vld [tilespmem:$0x1FE60]  }
0x688: {  	v50 =	vld [tilespmem:$0x1FD40];
	v9 =	vmul.f32 v2, v40;
	v0 =	vmul.f32 v0, v33;
	v3 =	vadd.f32 v6, v3  }
0x689: {  	v11 =	vmul.f32 v5, v34;
	v6 =	vld [tilespmem:s0+$0x10400]  }
0x68a: {  	v52 =	vld [tilespmem:$0x1FD60];
	v1 =	vmul.f32 v1, v35;
	v0 =	vadd.f32 $0.0e+00, v0;
	v3 =	vadd.f32 v9, v3  }
0x68b: {  	v4 =	vld [tilespmem:$0x1FC40];
	v13 =	vmul.f32 v7, v47  }
0x68c: {  	v2 =	vmul.f32 v2, v42;
	v0 =	vadd.f32 v1, v0;
	v9 =	vld [tilespmem:s0+$0x10480];
	v3 =	vadd.f32 v11, v3  }
0x68d: {  	v44 =	vmov v47;
	v5 =	vmul.f32 v5, v41;
	v47 =	vld [tilespmem:$0x1FE50]  }
0x68e: {  	v0 =	vadd.f32 v2, v0;
	v11 =	vld [tilespmem:s0+$0x10500];
	v1 =	vmul.f32 v6, v49;
	v3 =	vadd.f32 v13, v3  }
0x68f: {  	v2 =	vld [tilespmem:s0+$0x10600]  }
0x690: {  	v5 =	vadd.f32 v5, v0;
	v13 =	vld [tilespmem:$0x1FE40];
	v1 =	vadd.f32 v1, v3;
	v3 =	vmul.f32 v7, v48  }
0x691: {  	v15 =	vmul.f32 v9, v51;
	v7 =	vld [tilespmem:s0+$0x10680]  }
0x692: {  	v19 =	vld [tilespmem:s0+$0x10980];
	v6 =	vmul.f32 v6, v45;
	v3 =	vadd.f32 v3, v5  }
0x693: {  	v21 =	vld [tilespmem:s0+$0x10780];
	v9 =	vmul.f32 v9, v54;
	v18 =	vmul.f32 v11, v55;
	v1 =	vadd.f32 v15, v1  }
0x694: {  	v30 =	vld [tilespmem:$0x1FD50];
	v5 =	vmul.f32 v11, v58;
	v11 =	vmul.f32 v14, v59;
	v3 =	vadd.f32 v6, v3  }
0x695: {  	v15 =	vld [tilespmem:s0+$0x10700];
	v20 =	vmul.f32 v2, v13;
	v1 =	vadd.f32 v18, v1;
	v6 =	vmul.f32 v2, v52  }
0x696: {  	v2 =	vadd.f32 v9, v3;
	v3 =	vmul.f32 v7, v47;
	v7 =	vmul.f32 v7, v4;
	v4 =	vld [tilespmem:$0x1FC50]  }
0x697: {  	v29 =	vld [tilespmem:$0x1FE30];
	v1 =	vadd.f32 v11, v1  }
0x698: {  	v31 =	vld [tilespmem:$0x1FD80]  }
0x699: {  	v18 =	vld [tilespmem:s0+$0x10880];
	v6 =	vadd.f32 v6, v1  }
0x69a: {  	v1 =	vld [tilespmem:$0x1FEA0]  }
0x69b: {  	s2 =	simm.s32 $0x10;
	v6 =	vadd.f32 v7, v6;
	v7 =	vmul.f32 v15, v4;
	v4 =	vld [tilespmem:$0x1FE00]  }
0x69c: {  	v39 =	vmul.f32 v8, v32;
	v22 =	vmul.f32 v16, v30;
	v11 =	vld [tilespmem:s2+$0x10180]  }
0x69d: {  	v63 =	vld [tilespmem:s2+$0x10800];
	v23 =	vmul.f32 v19, v46;
	v14 =	vmul.f32 v14, v38  }
0x69e: {  	v9 =	vmul.f32 v19, v60;
	v19 =	vld [tilespmem:s0+$0x10A80];
	v5 =	vadd.f32 v5, v2;
	v25 =	vmul.f32 v18, v29  }
0x69f: {  	v24 =	vmul.f32 v15, v1;
	v1 =	vmul.f32 v16, v57;
	v16 =	vld [tilespmem:s2+$0x10200]  }
0x6a0: {  	v5 =	vadd.f32 v14, v5;
	v14 =	vmul.f32 v18, v31;
	v15 =	vmul.f32 v21, v4;
	v4 =	vld [tilespmem:$0x1FE20]  }
0x6a1: {  	v18 =	vmul.f32 v11, v27;
	v11 =	vmul.f32 v11, v33;
	v33 =	vld [tilespmem:$0x1FEE0]  }
0x6a2: {  	v17 =	vmul.f32 v10, v26;
	v5 =	vadd.f32 v20, v5;
	v6 =	vadd.f32 v7, v6;
	v7 =	vld [tilespmem:s2+$0x10280]  }
0x6a3: {  	v8 =	vmul.f32 v8, v43;
	v2 =	vld [tilespmem:s2+$0x10900];
	v18 =	vadd.f32 $0.0e+00, v18;
	v11 =	vadd.f32 $0.0e+00, v11  }
0x6a4: {  	v5 =	vadd.f32 v3, v5;
	v3 =	vld [tilespmem:s2+$0x10B00];
	v20 =	vmul.f32 v16, v37;
	v16 =	vmul.f32 v16, v35  }
0x6a5: {  	v0 =	vmul.f32 v12, v50;
	v35 =	vld [tilespmem:$0x1FEB0];
	v21 =	vmul.f32 v21, v4  }
0x6a6: {  	v18 =	vadd.f32 v20, v18;
	v20 =	vmul.f32 v12, v33;
	v11 =	vadd.f32 v16, v11;
	v16 =	vld [tilespmem:s2+$0x10380]  }
0x6a7: {  	v12 =	vmul.f32 v7, v40;
	v7 =	vmul.f32 v7, v42;
	v6 =	vadd.f32 v21, v6;
	v21 =	vld [tilespmem:s2+$0x10300]  }
0x6a8: {  	v62 =	vmul.f32 v19, v53;
	v19 =	vmul.f32 v19, v56  }
0x6a9: {  	v61 =	vmul.f32 v2, v32;
	v7 =	vadd.f32 v7, v11;
	v11 =	vld [tilespmem:s2+$0x10480];
	v6 =	vadd.f32 v17, v6  }
0x6aa: {  	v12 =	vadd.f32 v12, v18;
	v10 =	vmul.f32 v10, v35;
	v17 =	vadd.f32 v24, v5  }
0x6ab: {  	v18 =	vld [tilespmem:s2+$0x10400];
	v5 =	vmul.f32 v63, v26;
	v24 =	vadd.f32 v25, v6;
	v6 =	vmul.f32 v3, v50  }
0x6ac: {  	v36 =	vld [tilespmem:$0x1FEF0];
	v15 =	vadd.f32 v15, v17;
	v17 =	vmul.f32 v16, v44;
	v25 =	vmul.f32 v21, v34  }
0x6ad: {  	v16 =	vmul.f32 v16, v48;
	v21 =	vmul.f32 v21, v41;
	v8 =	vadd.f32 v8, v24;
	v24 =	vld [tilespmem:s2+$0x10580]  }
0x6ae: {  	v37 =	vmovc v41;
	v26 =	vmul.f32 v11, v51;
	v15 =	vadd.f32 v10, v15;
	v12 =	vadd.f32 v25, v12;
	v25 =	vld [tilespmem:s2+$0x10500]  }
0x6af: {  	v40 =	vmovc v43;
	v27 =	vmul.f32 v11, v54;
	v10 =	vld [tilespmem:s2+$0x10A00];
	v7 =	vadd.f32 v21, v7;
	v8 =	vadd.f32 v9, v8  }
0x6b0: {  	v42 =	vmovc v50;
	v21 =	vmul.f32 v18, v49;
	v9 =	vld [tilespmem:s2+$0x10600];
	v14 =	vadd.f32 v14, v15;
	v12 =	vadd.f32 v17, v12  }
0x6b1: {  	v50 =	vmovc v45;
	v18 =	vmul.f32 v18, v45;
	v45 =	vld [tilespmem:$0x1FE10];
	v11 =	vadd.f32 v16, v7;
	v8 =	vadd.f32 v22, v8  }
0x6b2: {  	v43 =	vmovc v34;
	v17 =	vld [tilespmem:s2+$0x10680];
	v14 =	vadd.f32 v39, v14;
	v16 =	vadd.f32 v21, v12;
	v21 =	vmul.f32 v24, v59  }
0x6b3: {  	v34 =	vmovc v44;
	v15 =	vld [tilespmem:s2+$0x10980];
	v18 =	vadd.f32 v18, v11;
	v11 =	vmul.f32 v24, v38;
	v28 =	vmul.f32 v25, v55  }
0x6b4: {  	v44 =	vmovc v30;
	v7 =	vld [tilespmem:s2+$0x10A80];
	v12 =	vmul.f32 v25, v58;
	v23 =	vadd.f32 v23, v14;
	v24 =	vadd.f32 v26, v16  }
0x6b5: {  	v41 =	vmovc v31;
	v22 =	vmul.f32 v9, v52;
	v26 =	vadd.f32 v19, v8;
	v16 =	vld [tilespmem:s2+$0x10700];
	v18 =	vadd.f32 v27, v18  }
0x6b6: {  	v39 =	vmovc v52;
	v13 =	vmul.f32 v9, v13;
	v19 =	vld [tilespmem:s2+$0x10880];
	v8 =	vmul.f32 v10, v30;
	v52 =	vmovc v51;
	v51 =	vmov v33  }
0x6b7: {  	s3 =	simm.s32 $0x80;
	v14 =	vmul.f32 v17, v47;
	v47 =	vmovc v34;
	v25 =	vadd.f32 v28, v24;
	v24 =	vld [tilespmem:s2+$0x10780];
	v20 =	vadd.f32 v20, v26  }
.LBB2_28:
0x6b8: {  	_ = 	snop  }
0x6b9: {  	v21 =	vadd.f32 v21, v25;
	_ =	sdelay $0x1  }
0x6ba: {  	v21 =	vadd.f32 v22, v21;
	v22 =	vld [tilespmem:$0x1FE00];
	_ =	sdelay $0x2  }
0x6bb: {  	v27 =	vld [tilespmem:$0x1FC40]  }
0x6bc: {  	v26 =	vmul.f32 v15, v60;
	v9 =	vmul.f32 v15, v46;
	v15 =	vadd.f32 v1, v23;
	v1 =	vld [tilespmem:$0x1FEA0]  }
0x6bd: {  	v22 =	vmul.f32 v24, v22;
	v24 =	vmul.f32 v24, v4;
	v4 =	vld [tilespmem:$0x1FC50];
	_ =	sdelay $0x1  }
0x6be: {  	s4 =	sshra.s32 s3, $0x2;
	v33 =	vmul.f32 v3, v51;
	v3 =	vld [tilespmem:$0x1FE60]  }
0x6bf: {  	v17 =	vmul.f32 v17, v27;
	v27 =	vld [tilespmem:s4+$0x10800]  }
0x6c0: {  	v25 =	vmul.f32 v16, v1;
	v1 =	vmul.f32 v10, v57;
	v10 =	vld [tilespmem:s4+$0x10280]  }
0x6c1: {  	v16 =	vmul.f32 v16, v4;
	v4 =	vld [tilespmem:$0x1FD20];
	_ =	sdelay $0x3  }
0x6c2: {  	v30 =	vld [tilespmem:s4+$0x10200]  }
0x6c3: {  	v34 =	vmul.f32 v27, v3;
	v3 =	vadd.f32 v12, v18;
	v18 =	vmul.f32 v10, v4;
	v4 =	vld [tilespmem:$0x1FD30];
	_ =	sdelay $0x1  }
0x6c4: {  	v15 =	vadd.f32 v62, v15;
	_ =	sdelay $0x1  }
0x6c5: {  	v15 =	vadd.f32 v0, v15;
	v0 =	vmov v6  }
0x6c6: {  	v6 =	vadd.f32 v17, v21;
	v12 =	vmul.f32 v63, v35;
	v63 =	vmovc v27;
	v27 =	vmul.f32 v30, v4;
	v4 =	vld [tilespmem:$0x1FD10]  }
0x6c7: {  	v23 =	vld [tilespmem:s4+$0x10900]  }
0x6c8: {  	v28 =	vmul.f32 v19, v29;
	v29 =	vld [tilespmem:s4+$0x10B00];
	v16 =	vadd.f32 v16, v6  }
0x6c9: {  	v20 =	vmul.f32 $4.999999890e-03, v20;
	v17 =	vld [tilespmem:s4+$0x10180]  }
0x6ca: {  	v16 =	vadd.f32 v24, v16;
	v24 =	vmul.f32 v2, v40;
	v2 =	vld [tilespmem:$0x1FE80]  }
0x6cb: {  	v20 =	vadd.f32 v20, v45;
	v10 =	vmul.f32 v10, v4;
	v4 =	vld [tilespmem:$0x1FD00]  }
0x6cc: {  	v62 =	vmul.f32 v7, v53;
	v21 =	vld [tilespmem:s4+$0x10300];
	v15 =	vmul.f32 $4.999999890e-03, v15  }
0x6cd: {  	v31 =	vmul.f32 v23, v32;
	v32 =	vmul.f32 v7, v56;
	v7 =	vld [tilespmem:s4+$0x10A80];
	[tilespmem:s0+$0x10B80] =	vst v20;
	v11 =	vadd.f32 v11, v3  }
0x6ce: {  	v20 =	vld [tilespmem:s4+$0x10380];
	v15 =	vadd.f32 v15, v36  }
0x6cf: {  	v35 =	vld [tilespmem:s4+$0x10400];
	v11 =	vadd.f32 v13, v11;
	v6 =	vmul.f32 v29, v42  }
0x6d0: {  	v3 =	vmov v29;
	[tilespmem:s0+$0x10C00] =	vst v15;
	v15 =	vmul.f32 v17, v2;
	v29 =	vmul.f32 v17, v4;
	v4 =	vld [tilespmem:$0x1FE90]  }
0x6d1: {  	v11 =	vadd.f32 v14, v11  }
0x6d2: {  	v15 =	vadd.f32 $0.0e+00, v15  }
0x6d3: {  	v11 =	vadd.f32 v25, v11  }
0x6d4: {  	v14 =	vmul.f32 v20, v48;
	v16 =	vadd.f32 v5, v16;
	v15 =	vadd.f32 v27, v15  }
0x6d5: {  	v11 =	vadd.f32 v22, v11;
	v2 =	vmovc v23;
	v13 =	vadd.f32 $0.0e+00, v29;
	v23 =	vmul.f32 v30, v4  }
0x6d6: {  	s0 =	smov.u32 s2;
	s2 =	smov.u32 s4;
	v16 =	vadd.f32 v28, v16;
	v10 =	vadd.f32 v10, v15;
	v17 =	vmul.f32 v21, v43  }
0x6d7: {  	v21 =	vmul.f32 v21, v37;
	v30 =	vmul.f32 v20, v47;
	v20 =	vld [tilespmem:s2+$0x10500];
	v13 =	vadd.f32 v23, v13  }
0x6d8: {  	v19 =	vmul.f32 v19, v41;
	v11 =	vadd.f32 v12, v11;
	v15 =	vadd.f32 v24, v16;
	v29 =	vld [tilespmem:s2+$0x10480]  }
0x6d9: {  	v25 =	vld [tilespmem:s2+$0x10580];
	v16 =	vadd.f32 v21, v10;
	v13 =	vadd.f32 v18, v13  }
0x6da: {  	v19 =	vadd.f32 v19, v11;
	v24 =	vld [tilespmem:s2+$0x10780]  }
0x6db: {  	v10 =	vld [tilespmem:s2+$0x10A00];
	v14 =	vadd.f32 v14, v16;
	v13 =	vadd.f32 v17, v13  }
0x6dc: {  	v5 =	vmovc v34;
	v16 =	vld [tilespmem:s2+$0x10700];
	v34 =	vmul.f32 v20, v55;
	v12 =	vmul.f32 v20, v58;
	v20 =	vadd.f32 v26, v15  }
0x6dd: {  	v4 =	vld [tilespmem:$0x1FE20];
	v23 =	vmul.f32 v35, v49;
	v27 =	vmul.f32 v29, v52;
	v13 =	vadd.f32 v30, v13  }
0x6de: {  	v28 =	vmul.f32 v29, v54;
	v29 =	vld [tilespmem:s2+$0x10600];
	v8 =	vadd.f32 v8, v20;
	v20 =	vadd.f32 v61, v19  }
0x6df: {  	v17 =	vld [tilespmem:s2+$0x10680];
	v13 =	vadd.f32 v23, v13  }
0x6e0: {  	v11 =	vmul.f32 v25, v38;
	v23 =	vadd.f32 v9, v20;
	v9 =	vld [tilespmem:$0x1FE50]  }
0x6e1: {  	p0 =	sne.s32 s3, $0x1C0;
	v21 =	vmul.f32 v25, v59;
	v18 =	vmul.f32 v35, v50;
	v25 =	vadd.f32 v27, v13;
	v13 =	vld [tilespmem:$0x1FE40]  }
.Ltmp13:
0x6e2: {  	v35 =	vld [tilespmem:$0x1FEB0];
	(pc) =	sbr.rel @p0 .LBB2_28-.Ltmp13, $4  }
0x6e3: {  	v15 =	vld [tilespmem:s2+$0x10980];
	v14 =	vadd.f32 v18, v14;
	v26 =	vadd.f32 v32, v8  }
0x6e4: {  	v22 =	vmul.f32 v29, v39;
	v19 =	vld [tilespmem:s2+$0x10880]  }
0x6e5: {  	v18 =	vadd.f32 v28, v14;
	v32 =	vld [tilespmem:$0x1FE70];
	v8 =	vmul.f32 v10, v44;
	v20 =	vadd.f32 v33, v26  }
0x6e6: {  	s3 =	sadd.s32 $0x40, s3;
	v61 =	vmovc v31;
	v25 =	vadd.f32 v34, v25;
	v14 =	vmul.f32 v17, v9;
	v13 =	vmul.f32 v29, v13;
	v29 =	vld [tilespmem:$0x1FE30]  }
0x6e7: {  	v48 =	vld [tilespmem:$0x1FC40];
	_ =	sdelay $0x1  }
0x6e8: {  	v9 =	vadd.f32 v12, v18;
	v49 =	vld [tilespmem:$0x1FC50]  }
0x6e9: {  	v50 =	vld [tilespmem:$0x1FEA0];
	v47 =	vadd.f32 v21, v25  }
0x6ea: {  	v9 =	vadd.f32 v11, v9  }
0x6eb: {  	v52 =	vmul.f32 v24, v4;
	v4 =	vld [tilespmem:$0x1FE00];
	v12 =	vadd.f32 v22, v47;
	v11 =	vmul.f32 v17, v48  }
0x6ec: {  	v9 =	vadd.f32 v13, v9  }
0x6ed: {  	v11 =	vadd.f32 v11, v12;
	v12 =	vmul.f32 v16, v49  }
0x6ee: {  	v13 =	vmul.f32 v16, v50;
	v9 =	vadd.f32 v14, v9  }
0x6ef: {  	v11 =	vadd.f32 v12, v11  }
0x6f0: {  	v54 =	vmul.f32 v24, v4;
	v9 =	vadd.f32 v13, v9  }
0x6f1: {  	v11 =	vadd.f32 v52, v11  }
0x6f2: {  	v55 =	vmul.f32 v63, v35;
	v9 =	vadd.f32 v54, v9  }
0x6f3: {  	v58 =	vmul.f32 v19, v29;
	v5 =	vadd.f32 v5, v11  }
0x6f4: {  	v59 =	vmul.f32 v19, v41;
	v9 =	vadd.f32 v55, v9  }
0x6f5: {  	v2 =	vmul.f32 v2, v40;
	v5 =	vadd.f32 v58, v5  }
0x6f6: {  	v9 =	vadd.f32 v59, v9  }
0x6f7: {  	v60 =	vmul.f32 v15, v60;
	v2 =	vadd.f32 v2, v5  }
0x6f8: {  	v9 =	vadd.f32 v61, v9;
	v5 =	vmul.f32 v15, v46  }
0x6f9: {  	v1 =	vadd.f32 v1, v23;
	v2 =	vadd.f32 v60, v2  }
0x6fa: {  	v10 =	vmul.f32 v10, v57;
	v5 =	vadd.f32 v5, v9  }
0x6fb: {  	v63 =	vmul.f32 v7, v56;
	v1 =	vadd.f32 v62, v1;
	v2 =	vadd.f32 v8, v2  }
0x6fc: {  	v7 =	vmul.f32 v7, v53;
	v5 =	vadd.f32 v10, v5  }
0x6fd: {  	v3 =	vmul.f32 v3, v51;
	v0 =	vadd.f32 v0, v1;
	v2 =	vadd.f32 v63, v2  }
0x6fe: {  	v1 =	vadd.f32 v7, v5  }
0x6ff: {  	v0 =	vmul.f32 $4.999999890e-03, v0;
	v2 =	vadd.f32 v3, v2  }
0x700: {  	v5 =	vmul.f32 $4.999999890e-03, v20;
	v1 =	vadd.f32 v6, v1  }
0x701: {  	v0 =	vadd.f32 v0, v36;
	v2 =	vmul.f32 $4.999999890e-03, v2  }
0x702: {  	v3 =	vadd.f32 v5, v45;
	v1 =	vmul.f32 $4.999999890e-03, v1  }
0x703: {  	[tilespmem:s0+$0x10C00] =	vst v0;
	v2 =	vadd.f32 v2, v45  }
0x704: {  	[tilespmem:s0+$0x10B80] =	vst v3;
	v0 =	vadd.f32 v1, v36  }
0x705: {  	[tilespmem:s2+$0x10B80] =	vst v2  }
0x706: {  	s30 =	rddreg [dreg:$0xd];
	[tilespmem:s2+$0x10C00] =	vst v0  }
0x707: {  	[hbm4b:s30+s1] =	stream.linear.scatter [tilespmem:s11], [sflag:$0x3], $0x100, $0x38;
	[tilespmem:$0x10C80] =	vst v63  }
0x708: {  	_ =	swait.ge [sflag:s9], $0x100  }
0x709: {  	v31 =	vld [tilespmem:$0x1FF30]  }
0x70a: {  	v32 =	vld [tilespmem:$0x1FF40]  }
0x70b: {  	v33 =	vld [tilespmem:$0x1FF50]  }
0x70c: {  	v34 =	vld [tilespmem:$0x1FF60]  }
0x70d: {  	v35 =	vld [tilespmem:$0x1FF70]  }
0x70e: {  	s5 =	sadd.s32 $0x1, s5;
	s31 =	rddreg [dreg:$0xe];
	v38 =	vld [tilespmem:$0x1FF80]  }
0x70f: {  	v39 =	vld [tilespmem:$0x1FF90];
	p0 =	sne.s32 s5, s31  }
.Ltmp14:
0x710: {  	v40 =	vld [tilespmem:$0x1FFA0];
	(pc) =	sbr.rel @p0 .LBB2_1-.Ltmp14, $4  }
.Ltmp15:
0x711: {  	v41 =	vld [tilespmem:$0x1FFB0];
	(pc) =	sbr.rel @!p0 .LBB2_30-.Ltmp15, $4  }
0x712: {  	v44 =	vld [tilespmem:$0x1FFE0]  }
0x713: {  	[sflag:s9] =	ssyncset.done $0x0;
	v42 =	vld [tilespmem:$0x1FFC0]  }
0x714: {  	v30 =	vlaneseq.u32;
	v4 =	vimm.f32 $1.000000000e+00;
	v3 =	vimm.f32 $0.0e+00;
	v43 =	vld [tilespmem:$0x1FFD0];
	[sflag:s9] =	ssyncadd.s32 $0xFFFFFF00  }
0x715: {  	_ = 	snop  }
.LBB2_18:
.Ltmp16:
0x716: {  	(pc) =	sbr.rel .LBB2_23-.Ltmp16, $4  }
0x717: {  	_ = 	snop  }
0x718: {  	v39 =	vld [tilespmem:$0x1FF20]  }
0x719: {  	v63 =	vmovc v36;
	v36 =	vmovc v38;
	v38 =	vmov v59;
	v59 =	vmov v58;
	v58 =	vmov v55;
	v44 =	vld [tilespmem:$0x1FE10]  }
0x71a: {  	v55 =	vmovc v54;
	v54 =	vmovc v47;
	v47 =	vmov v52;
	v40 =	vmov v24;
	s5 =	rddreg [dreg:$0xf];
	v35 =	vld [tilespmem:$0x1FD80];
	v37 =	vmov v60  }
.LBB2_20:
0x71b: {  	v28 =	vld [tilespmem:$0x1FF30]  }
0x71c: {  	v29 =	vld [tilespmem:$0x1FF40]  }
0x71d: {  	v30 =	vld [tilespmem:$0x1FF50]  }
0x71e: {  	v31 =	vld [tilespmem:$0x1FF60]  }
0x71f: {  	v32 =	vld [tilespmem:$0x1FF70]  }
0x720: {  	v33 =	vld [tilespmem:$0x1FF00]  }
0x721: {  	v34 =	vld [tilespmem:$0x1FF10]  }
.Ltmp17:
0x722: {  	v42 =	vmov v63;
	v63 =	vld [tilespmem:$0x1FFE0];
	(pc) =	sbr.rel .LBB2_23-.Ltmp17, $4  }
0x723: {  	v39 =	vld [tilespmem:$0x1FF20]  }
0x724: {  	v14 =	vmov v8;
	v8 =	vmov v61;
	v35 =	vld [tilespmem:$0x1FD80]  }
0x725: {  	v40 =	vmovc v7;
	v61 =	vmovc v5;
	v37 =	vmov v3;
	v26 =	vimm.f32 $0.0e+00;
	v27 =	vlaneseq.u32;
	v41 =	vld [tilespmem:$0x1FEC0]  }
0x726: {  	s3 =	simm.s32 $0x0;
	s0 =	simm.s32 $0x10;
	v45 =	vmovc v50;
	v51 =	vmovc v52;
	v50 =	vmov v53;
	v53 =	vmov v56;
	v56 =	vmov v60;
	v36 =	vld [tilespmem:$0x1FFF0]  }
.LBB2_30:
0x727: {  	_ =	sfence.sel $0x180000  }
0x728: {  	[bflag:$0x0] =	sbarrier.arrive $0xFFFF  }
0x729: {  	_ =	strace $0x90000047  }
0x72a: {  	s0 =	stileid.u32;
	[bflag:$0x2] =	sbarrier.arrive $0xFFFF  }
0x72b: {  	p0 =	sne.s32 s0, $0x0;
	s0 =	rddreg [dreg:$0x2]  }
0x72c: {  	s0 =	sadd.s32 @!p0 $0x100000, s0  }
0x72d: {  	[sflag:s0] =	ssyncadd.tile.s32 @!p0 $0x1;
	_ =	shalt  }
.Lfunc_end2:
_tile_overlayer_lowered:
.L_overlay_start_2:
0x72e: {  	(tag) =	ssettag $0x2  }
0x72f: {  	s0 =	rddreg [dreg:$0x0];
	s2 =	stileid.u32  }
0x730: {  	s1 =	rddreg [dreg:$0x1];
	p0 =	sne.s32 s2, $0x0  }
0x731: {  	s3 =	rddreg [dreg:$0x2];
	[bflag:$0x3] =	sbarrier.arrive $0xFFFF;
	s2 =	simm.s32 @!p0 $0x1C03  }
0x732: {  	[timem:s3], [sflag:s2] =	dma.local @!p0 [hbm:s0], s1  }
0x733: {  	s0 =	simm.s32 @!p0 $0x3  }
0x734: {  	_ =	swait.ge @!p0 [sflag:s0], s1  }
0x735: {  	s1 =	ssub.s32 @!p0 $0x0, s1;
	[sflag:s0] =	ssyncset.done @!p0 $0x0  }
0x736: {  	[sflag:s0] =	ssyncadd.s32 @!p0 s1  }
0x737: {  	[bflag:$0x3] =	sbarrier.arrive $0xFFFF  }
0x738: {  	_ =	shalt  }

</sc_bundles>
